<compile_context>
chip_gen: v7x
topology: tpu7x:2x2x1
jax: 0.10.2.dev20260603
libtpu: 0.0.44.dev20260713+nightly
codegen_flags: <defaults>
</compile_context>

<pallas_src>
import functools
import jax
import jax.numpy as jnp
from jax import lax
from jax.experimental import pallas as pl
from jax.experimental.pallas import tpu as pltpu
from jax.experimental.pallas import tpu_sc as plsc

C = 768
H = 12
DH = 64
NTOK = 676
SELN = 540
NLOW = NTOK - SELN
B = 32
LLANG = 17
NT_X = (NTOK + 1) * B
NT_XT = NTOK * B
SEQ = SELN + 4
ND2 = SEQ * B
DUMMY = ND2
NSC = 24576
ROWS_W = NSC // 32
CH = 64
NCH = ROWS_W // CH

_NC = 2
_NS = 16


def _score_body(x_ref, lang_ref, o_ref):
    ls = jnp.sum(lang_ref[...], axis=0)
    s_full = lax.dot_general(x_ref[...], ls, (((1,), (1,)), ((), ())),
                             preferred_element_type=jnp.float32)
    s3 = s_full.reshape(s_full.shape[0] // B, B, B) * (1.0 / LLANG)
    r = lax.broadcasted_iota(jnp.int32, (B, B), 0)
    c = lax.broadcasted_iota(jnp.int32, (B, B), 1)
    eye = (r == c).astype(jnp.float32)
    d = jnp.sum(s3 * eye[None], axis=2)
    o_ref[...] = d.reshape(1, *d.shape)


def _score(xt_flat, lang):
    blk = 1664
    grid = NT_XT // blk
    return pl.pallas_call(
        _score_body,
        grid=(grid,),
        in_specs=[
            pl.BlockSpec((blk, C), lambda i: (i, 0)),
            pl.BlockSpec((LLANG, B, C), lambda i: (0, 0, 0)),
        ],
        out_specs=pl.BlockSpec((1, blk // B, B), lambda i: (i, 0, 0)),
        out_shape=jax.ShapeDtypeStruct((grid, blk // B, B), jnp.float32),
    )(xt_flat, lang).reshape(NTOK, B)


def _select_body(s_ref, dst_ref, src_ref, w_ref):
    s = s_ref[...].T + 0.0
    nio = lax.broadcasted_iota(jnp.int32, (B, NTOK), 1)
    valid = (nio < NTOK).astype(jnp.int32)

    u = lax.bitcast_convert_type(s, jnp.int32)
    ki = jnp.where(u >= 0, u, u ^ jnp.int32(0x7FFFFFFF))
    ku = ki ^ jnp.int32(-2147483648)

    def step(k, carry):
        gt, eq, need = carry
        bit = 31 - k
        bv = lax.shift_right_logical(ku, bit) & 1
        cnt = jnp.sum(eq * bv, axis=1, keepdims=True)
        cond = cnt >= need
        gt = gt | jnp.where(cond, 0, eq * bv)
        eq = jnp.where(cond, eq * bv, eq * (1 - bv))
        need = need - jnp.where(cond, 0, cnt)
        return gt, eq, need

    gt0 = jnp.zeros((B, NTOK), jnp.int32)
    need0 = jnp.full((B, 1), SELN, jnp.int32)
    gt, eq, need = lax.fori_loop(0, 32, step, (gt0, valid, need0))

    rr = lax.broadcasted_iota(jnp.int32, (NTOK, NTOK), 0)
    cc = lax.broadcasted_iota(jnp.int32, (NTOK, NTOK), 1)
    tmat = (rr < cc).astype(jnp.float32)
    eqf = eq.astype(jnp.float32)
    eqrank = lax.dot_general(eqf, tmat, (((1,), (0,)), ((), ())),
                             preferred_element_type=jnp.float32)
    high = gt | (eq * (eqrank.astype(jnp.int32) < need).astype(jnp.int32))
    low = valid * (1 - high)

    def flat_prefix(mask_i32):
        mf = mask_i32.astype(jnp.float32)
        rowcnt = jnp.sum(mf, axis=0, keepdims=True)
        rowpref = lax.dot_general(rowcnt, tmat, (((1,), (0,)), ((), ())),
                                  preferred_element_type=jnp.float32)
        bb1 = lax.broadcasted_iota(jnp.int32, (B, B), 0)
        bb2 = lax.broadcasted_iota(jnp.int32, (B, B), 1)
        tb = (bb1 < bb2).astype(jnp.float32)
        colcnt = lax.dot_general(tb, mf, (((0,), (0,)), ((), ())),
                                 preferred_element_type=jnp.float32)
        return (rowpref + colcnt).astype(jnp.int32)

    pos_hi = flat_prefix(high)
    pos_lo = flat_prefix(low)

    c_lo = pos_lo & (B - 1)
    lowb = low == 1
    mfull = jnp.zeros((B, NTOK), jnp.float32)
    for j in range(B):
        sel = lowb & (c_lo == j)
        mj = jnp.max(jnp.where(sel, s, -jnp.inf))
        mfull = jnp.where(c_lo == j, mj, mfull)
    e = jnp.where(lowb, jnp.exp(s - mfull), 0.0)
    dfull = jnp.ones((B, NTOK), jnp.float32)
    for j in range(B):
        dj = jnp.sum(jnp.where(c_lo == j, e, 0.0))
        dfull = jnp.where(c_lo == j, dj, dfull)
    w = e / dfull

    hi_row = (pos_hi & (B - 1)) * SEQ + 1 + lax.shift_right_logical(pos_hi, 5)
    biota = lax.broadcasted_iota(jnp.int32, (1, B), 1)
    wk = lax.shift_right_logical((nio + 1) * 2731, 16)
    dstx = jnp.where(high == 1, hi_row, DUMMY + wk).T
    dst_ref[...] = jnp.concatenate([biota * SEQ, dstx], axis=0)
    lo_div = lax.shift_right_logical(pos_lo * 7711, 20)
    srcx = jnp.where(high == 1, hi_row, lo_div * SEQ + SELN + 1).T
    src_ref[...] = jnp.concatenate([biota * SEQ, srcx], axis=0)

    jio = lax.broadcasted_iota(jnp.int32, (NTOK, B, B), 2)
    w_ref[...] = w.T[:, :, None] * (c_lo.T[:, :, None] == jio).astype(jnp.float32)


def _select(score):
    return pl.pallas_call(
        _select_body,
        out_shape=(
            jax.ShapeDtypeStruct((NTOK + 1, B), jnp.int32),
            jax.ShapeDtypeStruct((NTOK + 1, B), jnp.int32),
            jax.ShapeDtypeStruct((NTOK, B, B), jnp.float32),
        ),
    )(score)


def _lowagg_body(w_ref, x_ref, o_ref):
    part = lax.dot_general(w_ref[...], x_ref[...], (((0,), (0,)), ((), ())),
                           preferred_element_type=jnp.float32)

    @pl.when(pl.program_id(0) == 0)
    def _():
        o_ref[...] = jnp.zeros_like(o_ref)

    o_ref[...] += part


def _lowagg(w_flat, xt_flat):
    blk = 1664
    grid = NT_XT // blk
    return pl.pallas_call(
        _lowagg_body,
        grid=(grid,),
        in_specs=[
            pl.BlockSpec((blk, B), lambda i: (i, 0)),
            pl.BlockSpec((blk, C), lambda i: (i, 0)),
        ],
        out_specs=pl.BlockSpec((B, C), lambda i: (0, 0)),
        out_shape=jax.ShapeDtypeStruct((B, C), jnp.float32),
    )(w_flat, xt_flat)


def _sc_scatter_rows(x_sc, dst3):
    mesh = plsc.VectorSubcoreMesh(core_axis_name="c", subcore_axis_name="s")

    @functools.partial(
        pl.kernel,
        out_type=jax.ShapeDtypeStruct((ND2 + 40, C), jnp.float32),
        mesh=mesh,
        scratch_types=[
            pltpu.VMEM((NCH, CH), jnp.int32),
            pltpu.VMEM((CH, C), jnp.float32),
            pltpu.VMEM((CH, C), jnp.float32),
            pltpu.SemaphoreType.DMA,
            pltpu.SemaphoreType.DMA,
            pltpu.SemaphoreType.DMA,
            pltpu.SemaphoreType.DMA,
        ],
    )
    def k(x_hbm, dst_hbm, out_hbm, idx_v, row0, row1, ss0, ss1, cs0, cs1):
        wid = lax.axis_index("s") * _NC + lax.axis_index("c")
        base = wid * ROWS_W
        pltpu.sync_copy(dst_hbm.at[wid], idx_v)
        rows, ssem, csem = (row0, row1), (ss0, ss1), (cs0, cs1)

        def stage(ch, p):
            return pltpu.async_copy(
                x_hbm.at[pl.ds(base + ch * CH, CH)], rows[p], ssem[p])

        st = {0: stage(0, 0)}
        scat = {}
        for ch in range(NCH):
            p = ch & 1
            st[ch].wait()
            if ch + 1 < NCH:
                if ch - 1 in scat:
                    scat[ch - 1].wait()
                st[ch + 1] = stage(ch + 1, 1 - p)
            scat[ch] = pltpu.async_copy(rows[p], out_hbm.at[idx_v.at[ch]], csem[p])
        scat[NCH - 2].wait()
        scat[NCH - 1].wait()

    return k(x_sc, dst3)


def _sc_gather_rows(delta_out, src3):
    mesh = plsc.VectorSubcoreMesh(core_axis_name="c", subcore_axis_name="s")

    @functools.partial(
        pl.kernel,
        out_type=jax.ShapeDtypeStruct((NSC, C), jnp.float32),
        mesh=mesh,
        scratch_types=[
            pltpu.VMEM((NCH, CH), jnp.int32),
            pltpu.VMEM((CH, C), jnp.float32),
            pltpu.VMEM((CH, C), jnp.float32),
            pltpu.SemaphoreType.DMA,
            pltpu.SemaphoreType.DMA,
            pltpu.SemaphoreType.DMA,
            pltpu.SemaphoreType.DMA,
        ],
    )
    def k(d_hbm, src_hbm, out_hbm, idx_v, row0, row1, gs0, gs1, ws0, ws1):
        wid = lax.axis_index("s") * _NC + lax.axis_index("c")
        base = wid * ROWS_W
        pltpu.sync_copy(src_hbm.at[wid], idx_v)
        rows, gsem, wsem = (row0, row1), (gs0, gs1), (ws0, ws1)

        def gath(ch, p):
            return pltpu.async_copy(d_hbm.at[idx_v.at[ch]], rows[p], gsem[p])

        g = {0: gath(0, 0)}
        wr = {}
        for ch in range(NCH):
            p = ch & 1
            g[ch].wait()
            if ch + 1 < NCH:
                if ch - 1 in wr:
                    wr[ch - 1].wait()
                g[ch + 1] = gath(ch + 1, 1 - p)
            wr[ch] = pltpu.async_copy(
                rows[p], out_hbm.at[pl.ds(base + ch * CH, CH)], wsem[p])
        wr[NCH - 2].wait()
        wr[NCH - 1].wait()

    return k(delta_out, src3)


def _mmln_body(x_ref, w_ref, b_ref, lw_ref, lb_ref, o_ref):
    xb = x_ref[...]
    m = jnp.mean(xb, axis=1, keepdims=True)
    xc = xb - m
    v = jnp.mean(xc * xc, axis=1, keepdims=True)
    ln = xc * lax.rsqrt(v + 1e-5) * lw_ref[...] + lb_ref[...]
    r = lax.dot_general(ln, w_ref[...], (((1,), (1,)), ((), ())),
                        preferred_element_type=jnp.float32) + b_ref[...]
    o_ref[...] = r.astype(o_ref.dtype)


def _mm_body(x_ref, w_ref, b_ref, o_ref):
    r = lax.dot_general(x_ref[...], w_ref[...], (((1,), (1,)), ((), ())),
                        preferred_element_type=jnp.float32) + b_ref[...]
    o_ref[...] = r.astype(o_ref.dtype)


def _matmul(x, w, bias, ln_wb=None, blk=512, out_dtype=jnp.float32):
    n, kdim = x.shape
    nout = w.shape[0]
    grid = n // blk
    if ln_wb is None:
        body, extra = _mm_body, []
    else:
        body, extra = _mmln_body, [ln_wb[0].reshape(1, kdim), ln_wb[1].reshape(1, kdim)]
    in_specs = [pl.BlockSpec((blk, kdim), lambda i: (i, 0)),
                pl.BlockSpec((nout, kdim), lambda i: (0, 0)),
                pl.BlockSpec((1, nout), lambda i: (0, 0))]
    in_specs += [pl.BlockSpec((1, kdim), lambda i: (0, 0))] * len(extra)
    return pl.pallas_call(
        body,
        grid=(grid,),
        in_specs=in_specs,
        out_specs=pl.BlockSpec((blk, nout), lambda i: (i, 0)),
        out_shape=jax.ShapeDtypeStruct((n, nout), out_dtype),
    )(x, w, bias.reshape(1, nout), *extra)


def _attn_body(qkv_ref, o_ref):
    blk = qkv_ref[...]
    kmask = lax.broadcasted_iota(jnp.int32, (SEQ, SEQ), 1) < SELN + 2
    parts = []
    for h in range(H):
        qh = blk[:, h * DH:(h + 1) * DH]
        kh = blk[:, C + h * DH:C + (h + 1) * DH]
        vh = blk[:, 2 * C + h * DH:2 * C + (h + 1) * DH]
        sc = lax.dot_general(qh, kh, (((1,), (1,)), ((), ())),
                             preferred_element_type=jnp.float32) * 0.125
        sc = jnp.where(kmask, sc, -1e30)
        m = jnp.max(sc, axis=1, keepdims=True)
        p = jnp.exp(sc - m)
        p = p / jnp.sum(p, axis=1, keepdims=True)
        parts.append(lax.dot_general(p, vh, (((1,), (0,)), ((), ())),
                                     preferred_element_type=jnp.float32))
    o_ref[...] = jnp.concatenate(parts, axis=1)


def _attention(qkv):
    return pl.pallas_call(
        _attn_body,
        grid=(B,),
        in_specs=[pl.BlockSpec((SEQ, 3 * C), lambda b: (b, 0))],
        out_specs=pl.BlockSpec((SEQ, C), lambda b: (b, 0)),
        out_shape=jax.ShapeDtypeStruct((ND2, C), jnp.float32),
    )(qkv)


def _mlp_body(x_ref, t_ref, fw_ref, fb_ref, pw_ref, pb_ref, lw_ref, lb_ref, o_ref):
    x2 = x_ref[...] + t_ref[...]
    m = jnp.mean(x2, axis=1, keepdims=True)
    xc = x2 - m
    v = jnp.mean(xc * xc, axis=1, keepdims=True)
    ln = xc * lax.rsqrt(v + 1e-5) * lw_ref[...] + lb_ref[...]
    h1 = lax.dot_general(ln, fw_ref[...], (((1,), (1,)), ((), ())),
                         preferred_element_type=jnp.float32) + fb_ref[...]
    g = h1 / (1.0 + jnp.exp(-1.702 * h1))
    h2 = lax.dot_general(g, pw_ref[...], (((1,), (1,)), ((), ())),
                         preferred_element_type=jnp.float32) + pb_ref[...]
    o_ref[...] = x2 + h2


def _mlp(x_pad, temple, fc_w, fc_b, proj_w, proj_b, ln_w, ln_b):
    blk = 512
    grid = NSC // blk
    return pl.pallas_call(
        _mlp_body,
        grid=(grid,),
        in_specs=[
            pl.BlockSpec((blk, C), lambda i: (i, 0)),
            pl.BlockSpec((blk, C), lambda i: (i, 0)),
            pl.BlockSpec((4 * C, C), lambda i: (0, 0)),
            pl.BlockSpec((1, 4 * C), lambda i: (0, 0)),
            pl.BlockSpec((C, 4 * C), lambda i: (0, 0)),
            pl.BlockSpec((1, C), lambda i: (0, 0)),
            pl.BlockSpec((1, C), lambda i: (0, 0)),
            pl.BlockSpec((1, C), lambda i: (0, 0)),
        ],
        out_specs=pl.BlockSpec((blk, C), lambda i: (i, 0)),
        out_shape=jax.ShapeDtypeStruct((NSC, C), jnp.float32),
    )(x_pad, temple, fc_w, fc_b.reshape(1, 4 * C), proj_w,
      proj_b.reshape(1, C), ln_w.reshape(1, C), ln_b.reshape(1, C))


def kernel(x, lang_tokens, ln1_w, ln1_b, in_proj_w, in_proj_b, out_proj_w,
           out_proj_b, ln2_w, ln2_b, fc_w, fc_b, proj_w, proj_b):
    x_flat = x.reshape(NT_X, C)
    xt_flat = x_flat[B:]

    score = _score(xt_flat, lang_tokens)
    dst, src, w3 = _select(score)
    low_x = _lowagg(w3.reshape(NT_XT, B), xt_flat)

    x_sc = jnp.concatenate(
        [x_flat, low_x, jnp.zeros((NSC - NT_X - B, C), jnp.float32)], axis=0)
    jcol = jnp.arange(B, dtype=jnp.int32) * SEQ
    dst_full = jnp.concatenate([
        dst.reshape(NT_X),
        jcol + (SELN + 1),
        jcol + (SELN + 2),
        jcol + (SELN + 3),
        DUMMY + jnp.arange(NT_X + 3 * B, NSC, dtype=jnp.int32) // ROWS_W,
    ])
    src_full = jnp.concatenate(
        [src.reshape(NT_X), jnp.zeros((NSC - NT_X,), jnp.int32)])

    sc_out = _sc_scatter_rows(x_sc, dst_full.reshape(B, NCH, CH))
    delta = sc_out[:ND2]

    qkv = _matmul(delta, in_proj_w, in_proj_b, ln_wb=(ln1_w, ln1_b))
    o_flat = _attention(qkv)
    delta_out = _matmul(o_flat, out_proj_w, out_proj_b)

    temple = _sc_gather_rows(delta_out, src_full.reshape(B, NCH, CH))
    out = _mlp(x_sc, temple, fc_w, fc_b, proj_w, proj_b, ln2_w, ln2_b)
    return out[:NT_X].reshape(NTOK + 1, B, C)

# --- scband reference (transcript-rebuilt; emitter-appended) ---
"""Pipeline reference for scband-model-52321291599987 (READ-ONLY COPY).

The authoritative reference and input builder live on the scoring server;
editing this copy changes nothing except your own understanding.
"""

import jax, jax.numpy as jnp
import numpy as np

C = 768
H = 12
NTOK = 676
SEL = int(676 * 0.8)
B = 32
L = 17


def layer_norm(x, w, b):
    m = x.mean(axis=-1, keepdims=True)
    v = x.var(axis=-1, keepdims=True)
    return (x - m) / jnp.sqrt(v + 1e-5) * w + b


def quick_gelu(x):
    return x * jax.nn.sigmoid(1.702 * x)


def mha(x, in_w, in_b, out_w, out_b, n_heads):
    S, Bb, Cc = x.shape
    dh = Cc // n_heads
    qkv = x @ in_w.T + in_b
    q, k, v = jnp.split(qkv, 3, axis=-1)

    def rh(t):
        return t.reshape(S, Bb, n_heads, dh).transpose(1, 2, 0, 3)

    q, k, v = rh(q), rh(k), rh(v)
    attn = jax.nn.softmax((q @ k.transpose(0, 1, 3, 2)) / jnp.sqrt(float(dh)), axis=-1)
    o = (attn @ v).transpose(2, 0, 1, 3).reshape(S, Bb, Cc)
    return o @ out_w.T + out_b


def setup_inputs(seed: int = 0) -> dict:
    key = jax.random.key(seed)
    ks = jax.random.split(key, 8)
    return {
        "x": jax.random.normal(ks[0], (NTOK + 1, B, C), dtype=jnp.float32),
        "lang_tokens": jax.random.normal(ks[1], (L, B, C), dtype=jnp.float32),
        "ln1_w": jnp.ones((C,), jnp.float32),
        "ln1_b": jnp.zeros((C,), jnp.float32),
        "in_proj_w": jax.random.normal(ks[2], (3 * C, C), dtype=jnp.float32) * 0.02,
        "in_proj_b": jnp.zeros((3 * C,), jnp.float32),
        "out_proj_w": jax.random.normal(ks[3], (C, C), dtype=jnp.float32) * 0.02,
        "out_proj_b": jnp.zeros((C,), jnp.float32),
        "ln2_w": jnp.ones((C,), jnp.float32),
        "ln2_b": jnp.zeros((C,), jnp.float32),
        "fc_w": jax.random.normal(ks[4], (4 * C, C), dtype=jnp.float32) * 0.02,
        "fc_b": jnp.zeros((4 * C,), jnp.float32),
        "proj_w": jax.random.normal(ks[5], (C, 4 * C), dtype=jnp.float32) * 0.02,
        "proj_b": jnp.zeros((C,), jnp.float32),
    }


def _forward(x, lang_tokens, ln1_w, ln1_b, in_proj_w, in_proj_b, out_proj_w, out_proj_b, ln2_w, ln2_b, fc_w, fc_b, proj_w, proj_b):
    N, Bb, Cc = x.shape
    cls_x = x[:1]
    xt = x[1:]
    # score = bmm(x^T [B,676,C], lang [B,C,L]).mean(-1).T -> [676,B]
    score = jnp.einsum('nbc,lbc->nb', xt, lang_tokens) / lang_tokens.shape[0]
    order = jnp.argsort(-score, axis=0)  # descending sort indices per column
    cols = jnp.broadcast_to(jnp.arange(Bb)[None, :], (NTOK - SEL, Bb))
    mask = jnp.ones((NTOK, Bb), jnp.float32).at[order[SEL:], cols].set(0.0)
    high = mask > 0.5
    flat_high = high.reshape(-1)
    hi_idx = jnp.nonzero(flat_high, size=SEL * Bb)[0]
    lo_idx = jnp.nonzero(~flat_high, size=(NTOK - SEL) * Bb)[0]
    xf = xt.reshape(-1, Cc)
    delta_x = xf[hi_idx].reshape(SEL, Bb, Cc)
    low_x = xf[lo_idx].reshape(NTOK - SEL, Bb, Cc)
    low_score = score.reshape(-1)[lo_idx].reshape(NTOK - SEL, Bb, 1)
    low_x = (low_x * jax.nn.softmax(low_score, axis=0)).sum(axis=0, keepdims=True)
    delta = jnp.concatenate([cls_x, delta_x, low_x], axis=0)  # [SEL+2, B, C]
    delta = mha(layer_norm(delta, ln1_w, ln1_b), in_proj_w, in_proj_b, out_proj_w, out_proj_b, H)
    temple = jnp.zeros_like(xf)
    temple = temple.at[hi_idx].set(delta[1:-1].reshape(-1, Cc))
    low_fill = jnp.broadcast_to(delta[-1][:, None, :], (Bb, NTOK - SEL, Cc)).reshape(-1, Cc)
    temple = temple.at[lo_idx].set(low_fill)
    xt = xt + temple.reshape(NTOK, Bb, Cc)
    cls_x = cls_x + delta[:1]
    x = jnp.concatenate([cls_x, xt], axis=0)
    h = layer_norm(x, ln2_w, ln2_b)
    h = quick_gelu(h @ fc_w.T + fc_b) @ proj_w.T + proj_b
    return x + h


def reference(x, lang_tokens, ln1_w, ln1_b, in_proj_w, in_proj_b, out_proj_w, out_proj_b, ln2_w, ln2_b, fc_w, fc_b, proj_w, proj_b):
    return _forward(x, lang_tokens, ln1_w, ln1_b, in_proj_w, in_proj_b, out_proj_w, out_proj_b, ln2_w, ln2_b, fc_w, fc_b, proj_w, proj_b)

if __name__ == "__main__":
    import jax
    _d = setup_inputs()
    print(jax.jit(kernel)(*tuple(_d.values())))

</pallas_src>

<mosaic_0001>
#map = affine_map<(d0, d1) -> (0, 0)>
#map1 = affine_map<(d0, d1) -> (0, 0, 0)>
module attributes {stable_mosaic.version = 14 : i64} {
  func.func @k(%arg0: i32, %arg1: i32, %arg2: memref<17408x768xf32, #tpu.memory_space<hbm>>, %arg3: memref<32x12x64xi32, #tpu.memory_space<hbm>>, %arg4: memref<24576x768xf32, #tpu.memory_space<hbm>>, %arg5: memref<12x64xi32, #tpu.memory_space<vmem>>, %arg6: memref<64x768xf32, #tpu.memory_space<vmem>>, %arg7: memref<64x768xf32, #tpu.memory_space<vmem>>, %arg8: memref<!tpu.dma_semaphore, #tpu.memory_space<semaphore_mem>>, %arg9: memref<!tpu.dma_semaphore, #tpu.memory_space<semaphore_mem>>, %arg10: memref<!tpu.dma_semaphore, #tpu.memory_space<semaphore_mem>>, %arg11: memref<!tpu.dma_semaphore, #tpu.memory_space<semaphore_mem>>) attributes {dimension_semantics = [#tpu.dimension_semantics<core_parallel>, #tpu.dimension_semantics<subcore_parallel>], iteration_bounds = array<i64: 2, 16>, scalar_prefetch = 0 : i64, scratch_operands = 7 : i64, tpu.core_type = #tpu.core_type<sc_vector_subcore>, window_params = [{transform_indices = #map}, {transform_indices = #map1}, {transform_indices = #map}]} {
    %mul3A = arith.constant 2 : i32
    %mul3A_0 = arith.muli %arg1, %mul3A : i32
    %add3A = arith.addi %mul3A_0, %arg0 : i32
    %mul3A_1 = arith.constant 768 : i32
    %mul3A_2 = arith.muli %add3A, %mul3A_1 : i32
    "tpu.region"() ({
      %run_scoped3A = tpu.sem_alloc : memref<!tpu.dma_semaphore, #tpu.memory_space<semaphore_mem>>
      %dma_start3A_289 = arith.constant 0 : i32
      %dma_start3A_290 = arith.constant 0 : i32
      %dma_start3A_291 = tpu.memref_slice %arg3[%add3A, %dma_start3A_289, %dma_start3A_290] : memref<32x12x64xi32, #tpu.memory_space<hbm>> -> memref<1x12x64xi32, #tpu.memory_space<hbm>>
      %dma_start3A_292 = tpu.memref_squeeze %dma_start3A_291 : memref<1x12x64xi32, #tpu.memory_space<hbm>> -> memref<12x64xi32, #tpu.memory_space<hbm>>
      %dma_start3A_293 = arith.constant 0 : i32
      %dma_start3A_294 = arith.constant 0 : i32
      %dma_start3A_295 = tpu.memref_slice %arg3[%add3A, %dma_start3A_293, %dma_start3A_294] : memref<32x12x64xi32, #tpu.memory_space<hbm>> -> memref<1x12x64xi32, #tpu.memory_space<hbm>>
      %dma_start3A_296 = tpu.memref_squeeze %dma_start3A_295 : memref<1x12x64xi32, #tpu.memory_space<hbm>> -> memref<12x64xi32, #tpu.memory_space<hbm>>
      tpu.enqueue_dma source(%dma_start3A_296 : memref<12x64xi32, #tpu.memory_space<hbm>>) target(%arg5 : memref<12x64xi32, #tpu.memory_space<vmem>>) target_semaphore(%run_scoped3A : memref<!tpu.dma_semaphore, #tpu.memory_space<semaphore_mem>>)
      %dma_wait3A_297 = arith.constant 0 : i32
      %dma_wait3A_298 = arith.constant 0 : i32
      %dma_wait3A_299 = tpu.memref_slice %arg3[%add3A, %dma_wait3A_297, %dma_wait3A_298] : memref<32x12x64xi32, #tpu.memory_space<hbm>> -> memref<1x12x64xi32, #tpu.memory_space<hbm>>
      %dma_wait3A_300 = tpu.memref_squeeze %dma_wait3A_299 : memref<1x12x64xi32, #tpu.memory_space<hbm>> -> memref<12x64xi32, #tpu.memory_space<hbm>>
      %dma_wait3A_301 = arith.constant 0 : i32
      %dma_wait3A_302 = arith.constant 0 : i32
      %dma_wait3A_303 = tpu.memref_slice %arg3[%add3A, %dma_wait3A_301, %dma_wait3A_302] : memref<32x12x64xi32, #tpu.memory_space<hbm>> -> memref<1x12x64xi32, #tpu.memory_space<hbm>>
      %dma_wait3A_304 = tpu.memref_squeeze %dma_wait3A_303 : memref<1x12x64xi32, #tpu.memory_space<hbm>> -> memref<12x64xi32, #tpu.memory_space<hbm>>
      tpu.wait_dma2 semaphore(%run_scoped3A : memref<!tpu.dma_semaphore, #tpu.memory_space<semaphore_mem>>) src(%dma_wait3A_304 : memref<12x64xi32, #tpu.memory_space<hbm>>) dst(%arg5 : memref<12x64xi32, #tpu.memory_space<vmem>>)
      tpu.yield
    }) : () -> ()
    %dma_start3A = arith.constant 0 : i32
    %dma_start3A_3 = arith.constant 0 : i32
    %dma_start3A_4 = tpu.memref_slice %arg5[%dma_start3A, %dma_start3A_3] : memref<12x64xi32, #tpu.memory_space<vmem>> -> memref<1x64xi32, #tpu.memory_space<vmem>>
    %dma_start3A_5 = tpu.memref_squeeze %dma_start3A_4 : memref<1x64xi32, #tpu.memory_space<vmem>> -> memref<64xi32, #tpu.memory_space<vmem>>
    %dma_start3A_6 = arith.constant 0 : i32
    %dma_start3A_7 = arith.constant 0 : i32
    %dma_start3A_8 = tpu.memref_slice %arg2[%dma_start3A_6, %dma_start3A_7] : memref<17408x768xf32, #tpu.memory_space<hbm>> -> memref<17408x768xf32, #tpu.memory_space<hbm>>
    tpu.enqueue_indirect_dma source(%dma_start3A_8 : memref<17408x768xf32, #tpu.memory_space<hbm>>) target(%arg6 : memref<64x768xf32, #tpu.memory_space<vmem>>) offsets(%dma_start3A_5 : memref<64xi32, #tpu.memory_space<vmem>>) semaphore(%arg8 : memref<!tpu.dma_semaphore, #tpu.memory_space<semaphore_mem>>)
    %dma_wait3A = arith.constant 0 : i32
    %dma_wait3A_9 = arith.constant 0 : i32
    %dma_wait3A_10 = tpu.memref_slice %arg5[%dma_wait3A, %dma_wait3A_9] : memref<12x64xi32, #tpu.memory_space<vmem>> -> memref<1x64xi32, #tpu.memory_space<vmem>>
    %dma_wait3A_11 = tpu.memref_squeeze %dma_wait3A_10 : memref<1x64xi32, #tpu.memory_space<vmem>> -> memref<64xi32, #tpu.memory_space<vmem>>
    %dma_wait3A_12 = arith.constant 0 : i32
    %dma_wait3A_13 = arith.constant 0 : i32
    %dma_wait3A_14 = tpu.memref_slice %arg2[%dma_wait3A_12, %dma_wait3A_13] : memref<17408x768xf32, #tpu.memory_space<hbm>> -> memref<17408x768xf32, #tpu.memory_space<hbm>>
    tpu.wait_indirect_dma semaphore(%arg8 : memref<!tpu.dma_semaphore, #tpu.memory_space<semaphore_mem>>) src(%dma_wait3A_14 : memref<17408x768xf32, #tpu.memory_space<hbm>>) dst(%arg6 : memref<64x768xf32, #tpu.memory_space<vmem>>)
    %dma_start3A_15 = arith.constant 1 : i32
    %dma_start3A_16 = arith.constant 0 : i32
    %dma_start3A_17 = tpu.memref_slice %arg5[%dma_start3A_15, %dma_start3A_16] : memref<12x64xi32, #tpu.memory_space<vmem>> -> memref<1x64xi32, #tpu.memory_space<vmem>>
    %dma_start3A_18 = tpu.memref_squeeze %dma_start3A_17 : memref<1x64xi32, #tpu.memory_space<vmem>> -> memref<64xi32, #tpu.memory_space<vmem>>
    %dma_start3A_19 = arith.constant 0 : i32
    %dma_start3A_20 = arith.constant 0 : i32
    %dma_start3A_21 = tpu.memref_slice %arg2[%dma_start3A_19, %dma_start3A_20] : memref<17408x768xf32, #tpu.memory_space<hbm>> -> memref<17408x768xf32, #tpu.memory_space<hbm>>
    tpu.enqueue_indirect_dma source(%dma_start3A_21 : memref<17408x768xf32, #tpu.memory_space<hbm>>) target(%arg7 : memref<64x768xf32, #tpu.memory_space<vmem>>) offsets(%dma_start3A_18 : memref<64xi32, #tpu.memory_space<vmem>>) semaphore(%arg9 : memref<!tpu.dma_semaphore, #tpu.memory_space<semaphore_mem>>)
    %add3A_22 = arith.constant 0 : i32
    %add3A_23 = arith.addi %mul3A_2, %add3A_22 : i32
    %dma_start3A_24 = arith.constant 0 : i32
    %dma_start3A_25 = tpu.memref_slice %arg4[%add3A_23, %dma_start3A_24] : memref<24576x768xf32, #tpu.memory_space<hbm>> -> memref<64x768xf32, #tpu.memory_space<hbm>>
    %dma_start3A_26 = arith.constant 0 : i32
    %dma_start3A_27 = tpu.memref_slice %arg4[%add3A_23, %dma_start3A_26] : memref<24576x768xf32, #tpu.memory_space<hbm>> -> memref<64x768xf32, #tpu.memory_space<hbm>>
    tpu.enqueue_dma source(%arg6 : memref<64x768xf32, #tpu.memory_space<vmem>>) target(%dma_start3A_27 : memref<64x768xf32, #tpu.memory_space<hbm>>) target_semaphore(%arg10 : memref<!tpu.dma_semaphore, #tpu.memory_space<semaphore_mem>>)
    %dma_wait3A_28 = arith.constant 1 : i32
    %dma_wait3A_29 = arith.constant 0 : i32
    %dma_wait3A_30 = tpu.memref_slice %arg5[%dma_wait3A_28, %dma_wait3A_29] : memref<12x64xi32, #tpu.memory_space<vmem>> -> memref<1x64xi32, #tpu.memory_space<vmem>>
    %dma_wait3A_31 = tpu.memref_squeeze %dma_wait3A_30 : memref<1x64xi32, #tpu.memory_space<vmem>> -> memref<64xi32, #tpu.memory_space<vmem>>
    %dma_wait3A_32 = arith.constant 0 : i32
    %dma_wait3A_33 = arith.constant 0 : i32
    %dma_wait3A_34 = tpu.memref_slice %arg2[%dma_wait3A_32, %dma_wait3A_33] : memref<17408x768xf32, #tpu.memory_space<hbm>> -> memref<17408x768xf32, #tpu.memory_space<hbm>>
    tpu.wait_indirect_dma semaphore(%arg9 : memref<!tpu.dma_semaphore, #tpu.memory_space<semaphore_mem>>) src(%dma_wait3A_34 : memref<17408x768xf32, #tpu.memory_space<hbm>>) dst(%arg7 : memref<64x768xf32, #tpu.memory_space<vmem>>)
    %dma_wait3A_35 = arith.constant 0 : i32
    %dma_wait3A_36 = tpu.memref_slice %arg4[%add3A_23, %dma_wait3A_35] : memref<24576x768xf32, #tpu.memory_space<hbm>> -> memref<64x768xf32, #tpu.memory_space<hbm>>
    %dma_wait3A_37 = arith.constant 0 : i32
    %dma_wait3A_38 = tpu.memref_slice %arg4[%add3A_23, %dma_wait3A_37] : memref<24576x768xf32, #tpu.memory_space<hbm>> -> memref<64x768xf32, #tpu.memory_space<hbm>>
    tpu.wait_dma2 semaphore(%arg10 : memref<!tpu.dma_semaphore, #tpu.memory_space<semaphore_mem>>) src(%arg6 : memref<64x768xf32, #tpu.memory_space<vmem>>) dst(%dma_wait3A_38 : memref<64x768xf32, #tpu.memory_space<hbm>>)
    %dma_start3A_39 = arith.constant 2 : i32
    %dma_start3A_40 = arith.constant 0 : i32
    %dma_start3A_41 = tpu.memref_slice %arg5[%dma_start3A_39, %dma_start3A_40] : memref<12x64xi32, #tpu.memory_space<vmem>> -> memref<1x64xi32, #tpu.memory_space<vmem>>
    %dma_start3A_42 = tpu.memref_squeeze %dma_start3A_41 : memref<1x64xi32, #tpu.memory_space<vmem>> -> memref<64xi32, #tpu.memory_space<vmem>>
    %dma_start3A_43 = arith.constant 0 : i32
    %dma_start3A_44 = arith.constant 0 : i32
    %dma_start3A_45 = tpu.memref_slice %arg2[%dma_start3A_43, %dma_start3A_44] : memref<17408x768xf32, #tpu.memory_space<hbm>> -> memref<17408x768xf32, #tpu.memory_space<hbm>>
    tpu.enqueue_indirect_dma source(%dma_start3A_45 : memref<17408x768xf32, #tpu.memory_space<hbm>>) target(%arg6 : memref<64x768xf32, #tpu.memory_space<vmem>>) offsets(%dma_start3A_42 : memref<64xi32, #tpu.memory_space<vmem>>) semaphore(%arg8 : memref<!tpu.dma_semaphore, #tpu.memory_space<semaphore_mem>>)
    %add3A_46 = arith.constant 64 : i32
    %add3A_47 = arith.addi %mul3A_2, %add3A_46 : i32
    %dma_start3A_48 = arith.constant 0 : i32
    %dma_start3A_49 = tpu.memref_slice %arg4[%add3A_47, %dma_start3A_48] : memref<24576x768xf32, #tpu.memory_space<hbm>> -> memref<64x768xf32, #tpu.memory_space<hbm>>
    %dma_start3A_50 = arith.constant 0 : i32
    %dma_start3A_51 = tpu.memref_slice %arg4[%add3A_47, %dma_start3A_50] : memref<24576x768xf32, #tpu.memory_space<hbm>> -> memref<64x768xf32, #tpu.memory_space<hbm>>
    tpu.enqueue_dma source(%arg7 : memref<64x768xf32, #tpu.memory_space<vmem>>) target(%dma_start3A_51 : memref<64x768xf32, #tpu.memory_space<hbm>>) target_semaphore(%arg11 : memref<!tpu.dma_semaphore, #tpu.memory_space<semaphore_mem>>)
    %dma_wait3A_52 = arith.constant 2 : i32
    %dma_wait3A_53 = arith.constant 0 : i32
    %dma_wait3A_54 = tpu.memref_slice %arg5[%dma_wait3A_52, %dma_wait3A_53] : memref<12x64xi32, #tpu.memory_space<vmem>> -> memref<1x64xi32, #tpu.memory_space<vmem>>
    %dma_wait3A_55 = tpu.memref_squeeze %dma_wait3A_54 : memref<1x64xi32, #tpu.memory_space<vmem>> -> memref<64xi32, #tpu.memory_space<vmem>>
    %dma_wait3A_56 = arith.constant 0 : i32
    %dma_wait3A_57 = arith.constant 0 : i32
    %dma_wait3A_58 = tpu.memref_slice %arg2[%dma_wait3A_56, %dma_wait3A_57] : memref<17408x768xf32, #tpu.memory_space<hbm>> -> memref<17408x768xf32, #tpu.memory_space<hbm>>
    tpu.wait_indirect_dma semaphore(%arg8 : memref<!tpu.dma_semaphore, #tpu.memory_space<semaphore_mem>>) src(%dma_wait3A_58 : memref<17408x768xf32, #tpu.memory_space<hbm>>) dst(%arg6 : memref<64x768xf32, #tpu.memory_space<vmem>>)
    %dma_wait3A_59 = arith.constant 0 : i32
    %dma_wait3A_60 = tpu.memref_slice %arg4[%add3A_47, %dma_wait3A_59] : memref<24576x768xf32, #tpu.memory_space<hbm>> -> memref<64x768xf32, #tpu.memory_space<hbm>>
    %dma_wait3A_61 = arith.constant 0 : i32
    %dma_wait3A_62 = tpu.memref_slice %arg4[%add3A_47, %dma_wait3A_61] : memref<24576x768xf32, #tpu.memory_space<hbm>> -> memref<64x768xf32, #tpu.memory_space<hbm>>
    tpu.wait_dma2 semaphore(%arg11 : memref<!tpu.dma_semaphore, #tpu.memory_space<semaphore_mem>>) src(%arg7 : memref<64x768xf32, #tpu.memory_space<vmem>>) dst(%dma_wait3A_62 : memref<64x768xf32, #tpu.memory_space<hbm>>)
    %dma_start3A_63 = arith.constant 3 : i32
    %dma_start3A_64 = arith.constant 0 : i32
    %dma_start3A_65 = tpu.memref_slice %arg5[%dma_start3A_63, %dma_start3A_64] : memref<12x64xi32, #tpu.memory_space<vmem>> -> memref<1x64xi32, #tpu.memory_space<vmem>>
    %dma_start3A_66 = tpu.memref_squeeze %dma_start3A_65 : memref<1x64xi32, #tpu.memory_space<vmem>> -> memref<64xi32, #tpu.memory_space<vmem>>
    %dma_start3A_67 = arith.constant 0 : i32
    %dma_start3A_68 = arith.constant 0 : i32
    %dma_start3A_69 = tpu.memref_slice %arg2[%dma_start3A_67, %dma_start3A_68] : memref<17408x768xf32, #tpu.memory_space<hbm>> -> memref<17408x768xf32, #tpu.memory_space<hbm>>
    tpu.enqueue_indirect_dma source(%dma_start3A_69 : memref<17408x768xf32, #tpu.memory_space<hbm>>) target(%arg7 : memref<64x768xf32, #tpu.memory_space<vmem>>) offsets(%dma_start3A_66 : memref<64xi32, #tpu.memory_space<vmem>>) semaphore(%arg9 : memref<!tpu.dma_semaphore, #tpu.memory_space<semaphore_mem>>)
    %add3A_70 = arith.constant 128 : i32
    %add3A_71 = arith.addi %mul3A_2, %add3A_70 : i32
    %dma_start3A_72 = arith.constant 0 : i32
    %dma_start3A_73 = tpu.memref_slice %arg4[%add3A_71, %dma_start3A_72] : memref<24576x768xf32, #tpu.memory_space<hbm>> -> memref<64x768xf32, #tpu.memory_space<hbm>>
    %dma_start3A_74 = arith.constant 0 : i32
    %dma_start3A_75 = tpu.memref_slice %arg4[%add3A_71, %dma_start3A_74] : memref<24576x768xf32, #tpu.memory_space<hbm>> -> memref<64x768xf32, #tpu.memory_space<hbm>>
    tpu.enqueue_dma source(%arg6 : memref<64x768xf32, #tpu.memory_space<vmem>>) target(%dma_start3A_75 : memref<64x768xf32, #tpu.memory_space<hbm>>) target_semaphore(%arg10 : memref<!tpu.dma_semaphore, #tpu.memory_space<semaphore_mem>>)
    %dma_wait3A_76 = arith.constant 3 : i32
    %dma_wait3A_77 = arith.constant 0 : i32
    %dma_wait3A_78 = tpu.memref_slice %arg5[%dma_wait3A_76, %dma_wait3A_77] : memref<12x64xi32, #tpu.memory_space<vmem>> -> memref<1x64xi32, #tpu.memory_space<vmem>>
    %dma_wait3A_79 = tpu.memref_squeeze %dma_wait3A_78 : memref<1x64xi32, #tpu.memory_space<vmem>> -> memref<64xi32, #tpu.memory_space<vmem>>
    %dma_wait3A_80 = arith.constant 0 : i32
    %dma_wait3A_81 = arith.constant 0 : i32
    %dma_wait3A_82 = tpu.memref_slice %arg2[%dma_wait3A_80, %dma_wait3A_81] : memref<17408x768xf32, #tpu.memory_space<hbm>> -> memref<17408x768xf32, #tpu.memory_space<hbm>>
    tpu.wait_indirect_dma semaphore(%arg9 : memref<!tpu.dma_semaphore, #tpu.memory_space<semaphore_mem>>) src(%dma_wait3A_82 : memref<17408x768xf32, #tpu.memory_space<hbm>>) dst(%arg7 : memref<64x768xf32, #tpu.memory_space<vmem>>)
    %dma_wait3A_83 = arith.constant 0 : i32
    %dma_wait3A_84 = tpu.memref_slice %arg4[%add3A_71, %dma_wait3A_83] : memref<24576x768xf32, #tpu.memory_space<hbm>> -> memref<64x768xf32, #tpu.memory_space<hbm>>
    %dma_wait3A_85 = arith.constant 0 : i32
    %dma_wait3A_86 = tpu.memref_slice %arg4[%add3A_71, %dma_wait3A_85] : memref<24576x768xf32, #tpu.memory_space<hbm>> -> memref<64x768xf32, #tpu.memory_space<hbm>>
    tpu.wait_dma2 semaphore(%arg10 : memref<!tpu.dma_semaphore, #tpu.memory_space<semaphore_mem>>) src(%arg6 : memref<64x768xf32, #tpu.memory_space<vmem>>) dst(%dma_wait3A_86 : memref<64x768xf32, #tpu.memory_space<hbm>>)
    %dma_start3A_87 = arith.constant 4 : i32
    %dma_start3A_88 = arith.constant 0 : i32
    %dma_start3A_89 = tpu.memref_slice %arg5[%dma_start3A_87, %dma_start3A_88] : memref<12x64xi32, #tpu.memory_space<vmem>> -> memref<1x64xi32, #tpu.memory_space<vmem>>
    %dma_start3A_90 = tpu.memref_squeeze %dma_start3A_89 : memref<1x64xi32, #tpu.memory_space<vmem>> -> memref<64xi32, #tpu.memory_space<vmem>>
    %dma_start3A_91 = arith.constant 0 : i32
    %dma_start3A_92 = arith.constant 0 : i32
    %dma_start3A_93 = tpu.memref_slice %arg2[%dma_start3A_91, %dma_start3A_92] : memref<17408x768xf32, #tpu.memory_space<hbm>> -> memref<17408x768xf32, #tpu.memory_space<hbm>>
    tpu.enqueue_indirect_dma source(%dma_start3A_93 : memref<17408x768xf32, #tpu.memory_space<hbm>>) target(%arg6 : memref<64x768xf32, #tpu.memory_space<vmem>>) offsets(%dma_start3A_90 : memref<64xi32, #tpu.memory_space<vmem>>) semaphore(%arg8 : memref<!tpu.dma_semaphore, #tpu.memory_space<semaphore_mem>>)
    %add3A_94 = arith.constant 192 : i32
    %add3A_95 = arith.addi %mul3A_2, %add3A_94 : i32
    %dma_start3A_96 = arith.constant 0 : i32
    %dma_start3A_97 = tpu.memref_slice %arg4[%add3A_95, %dma_start3A_96] : memref<24576x768xf32, #tpu.memory_space<hbm>> -> memref<64x768xf32, #tpu.memory_space<hbm>>
    %dma_start3A_98 = arith.constant 0 : i32
    %dma_start3A_99 = tpu.memref_slice %arg4[%add3A_95, %dma_start3A_98] : memref<24576x768xf32, #tpu.memory_space<hbm>> -> memref<64x768xf32, #tpu.memory_space<hbm>>
    tpu.enqueue_dma source(%arg7 : memref<64x768xf32, #tpu.memory_space<vmem>>) target(%dma_start3A_99 : memref<64x768xf32, #tpu.memory_space<hbm>>) target_semaphore(%arg11 : memref<!tpu.dma_semaphore, #tpu.memory_space<semaphore_mem>>)
    %dma_wait3A_100 = arith.constant 4 : i32
    %dma_wait3A_101 = arith.constant 0 : i32
    %dma_wait3A_102 = tpu.memref_slice %arg5[%dma_wait3A_100, %dma_wait3A_101] : memref<12x64xi32, #tpu.memory_space<vmem>> -> memref<1x64xi32, #tpu.memory_space<vmem>>
    %dma_wait3A_103 = tpu.memref_squeeze %dma_wait3A_102 : memref<1x64xi32, #tpu.memory_space<vmem>> -> memref<64xi32, #tpu.memory_space<vmem>>
    %dma_wait3A_104 = arith.constant 0 : i32
    %dma_wait3A_105 = arith.constant 0 : i32
    %dma_wait3A_106 = tpu.memref_slice %arg2[%dma_wait3A_104, %dma_wait3A_105] : memref<17408x768xf32, #tpu.memory_space<hbm>> -> memref<17408x768xf32, #tpu.memory_space<hbm>>
    tpu.wait_indirect_dma semaphore(%arg8 : memref<!tpu.dma_semaphore, #tpu.memory_space<semaphore_mem>>) src(%dma_wait3A_106 : memref<17408x768xf32, #tpu.memory_space<hbm>>) dst(%arg6 : memref<64x768xf32, #tpu.memory_space<vmem>>)
    %dma_wait3A_107 = arith.constant 0 : i32
    %dma_wait3A_108 = tpu.memref_slice %arg4[%add3A_95, %dma_wait3A_107] : memref<24576x768xf32, #tpu.memory_space<hbm>> -> memref<64x768xf32, #tpu.memory_space<hbm>>
    %dma_wait3A_109 = arith.constant 0 : i32
    %dma_wait3A_110 = tpu.memref_slice %arg4[%add3A_95, %dma_wait3A_109] : memref<24576x768xf32, #tpu.memory_space<hbm>> -> memref<64x768xf32, #tpu.memory_space<hbm>>
    tpu.wait_dma2 semaphore(%arg11 : memref<!tpu.dma_semaphore, #tpu.memory_space<semaphore_mem>>) src(%arg7 : memref<64x768xf32, #tpu.memory_space<vmem>>) dst(%dma_wait3A_110 : memref<64x768xf32, #tpu.memory_space<hbm>>)
    %dma_start3A_111 = arith.constant 5 : i32
    %dma_start3A_112 = arith.constant 0 : i32
    %dma_start3A_113 = tpu.memref_slice %arg5[%dma_start3A_111, %dma_start3A_112] : memref<12x64xi32, #tpu.memory_space<vmem>> -> memref<1x64xi32, #tpu.memory_space<vmem>>
    %dma_start3A_114 = tpu.memref_squeeze %dma_start3A_113 : memref<1x64xi32, #tpu.memory_space<vmem>> -> memref<64xi32, #tpu.memory_space<vmem>>
    %dma_start3A_115 = arith.constant 0 : i32
    %dma_start3A_116 = arith.constant 0 : i32
    %dma_start3A_117 = tpu.memref_slice %arg2[%dma_start3A_115, %dma_start3A_116] : memref<17408x768xf32, #tpu.memory_space<hbm>> -> memref<17408x768xf32, #tpu.memory_space<hbm>>
    tpu.enqueue_indirect_dma source(%dma_start3A_117 : memref<17408x768xf32, #tpu.memory_space<hbm>>) target(%arg7 : memref<64x768xf32, #tpu.memory_space<vmem>>) offsets(%dma_start3A_114 : memref<64xi32, #tpu.memory_space<vmem>>) semaphore(%arg9 : memref<!tpu.dma_semaphore, #tpu.memory_space<semaphore_mem>>)
    %add3A_118 = arith.constant 256 : i32
    %add3A_119 = arith.addi %mul3A_2, %add3A_118 : i32
    %dma_start3A_120 = arith.constant 0 : i32
    %dma_start3A_121 = tpu.memref_slice %arg4[%add3A_119, %dma_start3A_120] : memref<24576x768xf32, #tpu.memory_space<hbm>> -> memref<64x768xf32, #tpu.memory_space<hbm>>
    %dma_start3A_122 = arith.constant 0 : i32
    %dma_start3A_123 = tpu.memref_slice %arg4[%add3A_119, %dma_start3A_122] : memref<24576x768xf32, #tpu.memory_space<hbm>> -> memref<64x768xf32, #tpu.memory_space<hbm>>
    tpu.enqueue_dma source(%arg6 : memref<64x768xf32, #tpu.memory_space<vmem>>) target(%dma_start3A_123 : memref<64x768xf32, #tpu.memory_space<hbm>>) target_semaphore(%arg10 : memref<!tpu.dma_semaphore, #tpu.memory_space<semaphore_mem>>)
    %dma_wait3A_124 = arith.constant 5 : i32
    %dma_wait3A_125 = arith.constant 0 : i32
    %dma_wait3A_126 = tpu.memref_slice %arg5[%dma_wait3A_124, %dma_wait3A_125] : memref<12x64xi32, #tpu.memory_space<vmem>> -> memref<1x64xi32, #tpu.memory_space<vmem>>
    %dma_wait3A_127 = tpu.memref_squeeze %dma_wait3A_126 : memref<1x64xi32, #tpu.memory_space<vmem>> -> memref<64xi32, #tpu.memory_space<vmem>>
    %dma_wait3A_128 = arith.constant 0 : i32
    %dma_wait3A_129 = arith.constant 0 : i32
    %dma_wait3A_130 = tpu.memref_slice %arg2[%dma_wait3A_128, %dma_wait3A_129] : memref<17408x768xf32, #tpu.memory_space<hbm>> -> memref<17408x768xf32, #tpu.memory_space<hbm>>
    tpu.wait_indirect_dma semaphore(%arg9 : memref<!tpu.dma_semaphore, #tpu.memory_space<semaphore_mem>>) src(%dma_wait3A_130 : memref<17408x768xf32, #tpu.memory_space<hbm>>) dst(%arg7 : memref<64x768xf32, #tpu.memory_space<vmem>>)
    %dma_wait3A_131 = arith.constant 0 : i32
    %dma_wait3A_132 = tpu.memref_slice %arg4[%add3A_119, %dma_wait3A_131] : memref<24576x768xf32, #tpu.memory_space<hbm>> -> memref<64x768xf32, #tpu.memory_space<hbm>>
    %dma_wait3A_133 = arith.constant 0 : i32
    %dma_wait3A_134 = tpu.memref_slice %arg4[%add3A_119, %dma_wait3A_133] : memref<24576x768xf32, #tpu.memory_space<hbm>> -> memref<64x768xf32, #tpu.memory_space<hbm>>
    tpu.wait_dma2 semaphore(%arg10 : memref<!tpu.dma_semaphore, #tpu.memory_space<semaphore_mem>>) src(%arg6 : memref<64x768xf32, #tpu.memory_space<vmem>>) dst(%dma_wait3A_134 : memref<64x768xf32, #tpu.memory_space<hbm>>)
    %dma_start3A_135 = arith.constant 6 : i32
    %dma_start3A_136 = arith.constant 0 : i32
    %dma_start3A_137 = tpu.memref_slice %arg5[%dma_start3A_135, %dma_start3A_136] : memref<12x64xi32, #tpu.memory_space<vmem>> -> memref<1x64xi32, #tpu.memory_space<vmem>>
    %dma_start3A_138 = tpu.memref_squeeze %dma_start3A_137 : memref<1x64xi32, #tpu.memory_space<vmem>> -> memref<64xi32, #tpu.memory_space<vmem>>
    %dma_start3A_139 = arith.constant 0 : i32
    %dma_start3A_140 = arith.constant 0 : i32
    %dma_start3A_141 = tpu.memref_slice %arg2[%dma_start3A_139, %dma_start3A_140] : memref<17408x768xf32, #tpu.memory_space<hbm>> -> memref<17408x768xf32, #tpu.memory_space<hbm>>
    tpu.enqueue_indirect_dma source(%dma_start3A_141 : memref<17408x768xf32, #tpu.memory_space<hbm>>) target(%arg6 : memref<64x768xf32, #tpu.memory_space<vmem>>) offsets(%dma_start3A_138 : memref<64xi32, #tpu.memory_space<vmem>>) semaphore(%arg8 : memref<!tpu.dma_semaphore, #tpu.memory_space<semaphore_mem>>)
    %add3A_142 = arith.constant 320 : i32
    %add3A_143 = arith.addi %mul3A_2, %add3A_142 : i32
    %dma_start3A_144 = arith.constant 0 : i32
    %dma_start3A_145 = tpu.memref_slice %arg4[%add3A_143, %dma_start3A_144] : memref<24576x768xf32, #tpu.memory_space<hbm>> -> memref<64x768xf32, #tpu.memory_space<hbm>>
    %dma_start3A_146 = arith.constant 0 : i32
    %dma_start3A_147 = tpu.memref_slice %arg4[%add3A_143, %dma_start3A_146] : memref<24576x768xf32, #tpu.memory_space<hbm>> -> memref<64x768xf32, #tpu.memory_space<hbm>>
    tpu.enqueue_dma source(%arg7 : memref<64x768xf32, #tpu.memory_space<vmem>>) target(%dma_start3A_147 : memref<64x768xf32, #tpu.memory_space<hbm>>) target_semaphore(%arg11 : memref<!tpu.dma_semaphore, #tpu.memory_space<semaphore_mem>>)
    %dma_wait3A_148 = arith.constant 6 : i32
    %dma_wait3A_149 = arith.constant 0 : i32
    %dma_wait3A_150 = tpu.memref_slice %arg5[%dma_wait3A_148, %dma_wait3A_149] : memref<12x64xi32, #tpu.memory_space<vmem>> -> memref<1x64xi32, #tpu.memory_space<vmem>>
    %dma_wait3A_151 = tpu.memref_squeeze %dma_wait3A_150 : memref<1x64xi32, #tpu.memory_space<vmem>> -> memref<64xi32, #tpu.memory_space<vmem>>
    %dma_wait3A_152 = arith.constant 0 : i32
    %dma_wait3A_153 = arith.constant 0 : i32
    %dma_wait3A_154 = tpu.memref_slice %arg2[%dma_wait3A_152, %dma_wait3A_153] : memref<17408x768xf32, #tpu.memory_space<hbm>> -> memref<17408x768xf32, #tpu.memory_space<hbm>>
    tpu.wait_indirect_dma semaphore(%arg8 : memref<!tpu.dma_semaphore, #tpu.memory_space<semaphore_mem>>) src(%dma_wait3A_154 : memref<17408x768xf32, #tpu.memory_space<hbm>>) dst(%arg6 : memref<64x768xf32, #tpu.memory_space<vmem>>)
    %dma_wait3A_155 = arith.constant 0 : i32
    %dma_wait3A_156 = tpu.memref_slice %arg4[%add3A_143, %dma_wait3A_155] : memref<24576x768xf32, #tpu.memory_space<hbm>> -> memref<64x768xf32, #tpu.memory_space<hbm>>
    %dma_wait3A_157 = arith.constant 0 : i32
    %dma_wait3A_158 = tpu.memref_slice %arg4[%add3A_143, %dma_wait3A_157] : memref<24576x768xf32, #tpu.memory_space<hbm>> -> memref<64x768xf32, #tpu.memory_space<hbm>>
    tpu.wait_dma2 semaphore(%arg11 : memref<!tpu.dma_semaphore, #tpu.memory_space<semaphore_mem>>) src(%arg7 : memref<64x768xf32, #tpu.memory_space<vmem>>) dst(%dma_wait3A_158 : memref<64x768xf32, #tpu.memory_space<hbm>>)
    %dma_start3A_159 = arith.constant 7 : i32
    %dma_start3A_160 = arith.constant 0 : i32
    %dma_start3A_161 = tpu.memref_slice %arg5[%dma_start3A_159, %dma_start3A_160] : memref<12x64xi32, #tpu.memory_space<vmem>> -> memref<1x64xi32, #tpu.memory_space<vmem>>
    %dma_start3A_162 = tpu.memref_squeeze %dma_start3A_161 : memref<1x64xi32, #tpu.memory_space<vmem>> -> memref<64xi32, #tpu.memory_space<vmem>>
    %dma_start3A_163 = arith.constant 0 : i32
    %dma_start3A_164 = arith.constant 0 : i32
    %dma_start3A_165 = tpu.memref_slice %arg2[%dma_start3A_163, %dma_start3A_164] : memref<17408x768xf32, #tpu.memory_space<hbm>> -> memref<17408x768xf32, #tpu.memory_space<hbm>>
    tpu.enqueue_indirect_dma source(%dma_start3A_165 : memref<17408x768xf32, #tpu.memory_space<hbm>>) target(%arg7 : memref<64x768xf32, #tpu.memory_space<vmem>>) offsets(%dma_start3A_162 : memref<64xi32, #tpu.memory_space<vmem>>) semaphore(%arg9 : memref<!tpu.dma_semaphore, #tpu.memory_space<semaphore_mem>>)
    %add3A_166 = arith.constant 384 : i32
    %add3A_167 = arith.addi %mul3A_2, %add3A_166 : i32
    %dma_start3A_168 = arith.constant 0 : i32
    %dma_start3A_169 = tpu.memref_slice %arg4[%add3A_167, %dma_start3A_168] : memref<24576x768xf32, #tpu.memory_space<hbm>> -> memref<64x768xf32, #tpu.memory_space<hbm>>
    %dma_start3A_170 = arith.constant 0 : i32
    %dma_start3A_171 = tpu.memref_slice %arg4[%add3A_167, %dma_start3A_170] : memref<24576x768xf32, #tpu.memory_space<hbm>> -> memref<64x768xf32, #tpu.memory_space<hbm>>
    tpu.enqueue_dma source(%arg6 : memref<64x768xf32, #tpu.memory_space<vmem>>) target(%dma_start3A_171 : memref<64x768xf32, #tpu.memory_space<hbm>>) target_semaphore(%arg10 : memref<!tpu.dma_semaphore, #tpu.memory_space<semaphore_mem>>)
    %dma_wait3A_172 = arith.constant 7 : i32
    %dma_wait3A_173 = arith.constant 0 : i32
    %dma_wait3A_174 = tpu.memref_slice %arg5[%dma_wait3A_172, %dma_wait3A_173] : memref<12x64xi32, #tpu.memory_space<vmem>> -> memref<1x64xi32, #tpu.memory_space<vmem>>
    %dma_wait3A_175 = tpu.memref_squeeze %dma_wait3A_174 : memref<1x64xi32, #tpu.memory_space<vmem>> -> memref<64xi32, #tpu.memory_space<vmem>>
    %dma_wait3A_176 = arith.constant 0 : i32
    %dma_wait3A_177 = arith.constant 0 : i32
    %dma_wait3A_178 = tpu.memref_slice %arg2[%dma_wait3A_176, %dma_wait3A_177] : memref<17408x768xf32, #tpu.memory_space<hbm>> -> memref<17408x768xf32, #tpu.memory_space<hbm>>
    tpu.wait_indirect_dma semaphore(%arg9 : memref<!tpu.dma_semaphore, #tpu.memory_space<semaphore_mem>>) src(%dma_wait3A_178 : memref<17408x768xf32, #tpu.memory_space<hbm>>) dst(%arg7 : memref<64x768xf32, #tpu.memory_space<vmem>>)
    %dma_wait3A_179 = arith.constant 0 : i32
    %dma_wait3A_180 = tpu.memref_slice %arg4[%add3A_167, %dma_wait3A_179] : memref<24576x768xf32, #tpu.memory_space<hbm>> -> memref<64x768xf32, #tpu.memory_space<hbm>>
    %dma_wait3A_181 = arith.constant 0 : i32
    %dma_wait3A_182 = tpu.memref_slice %arg4[%add3A_167, %dma_wait3A_181] : memref<24576x768xf32, #tpu.memory_space<hbm>> -> memref<64x768xf32, #tpu.memory_space<hbm>>
    tpu.wait_dma2 semaphore(%arg10 : memref<!tpu.dma_semaphore, #tpu.memory_space<semaphore_mem>>) src(%arg6 : memref<64x768xf32, #tpu.memory_space<vmem>>) dst(%dma_wait3A_182 : memref<64x768xf32, #tpu.memory_space<hbm>>)
    %dma_start3A_183 = arith.constant 8 : i32
    %dma_start3A_184 = arith.constant 0 : i32
    %dma_start3A_185 = tpu.memref_slice %arg5[%dma_start3A_183, %dma_start3A_184] : memref<12x64xi32, #tpu.memory_space<vmem>> -> memref<1x64xi32, #tpu.memory_space<vmem>>
    %dma_start3A_186 = tpu.memref_squeeze %dma_start3A_185 : memref<1x64xi32, #tpu.memory_space<vmem>> -> memref<64xi32, #tpu.memory_space<vmem>>
    %dma_start3A_187 = arith.constant 0 : i32
    %dma_start3A_188 = arith.constant 0 : i32
    %dma_start3A_189 = tpu.memref_slice %arg2[%dma_start3A_187, %dma_start3A_188] : memref<17408x768xf32, #tpu.memory_space<hbm>> -> memref<17408x768xf32, #tpu.memory_space<hbm>>
    tpu.enqueue_indirect_dma source(%dma_start3A_189 : memref<17408x768xf32, #tpu.memory_space<hbm>>) target(%arg6 : memref<64x768xf32, #tpu.memory_space<vmem>>) offsets(%dma_start3A_186 : memref<64xi32, #tpu.memory_space<vmem>>) semaphore(%arg8 : memref<!tpu.dma_semaphore, #tpu.memory_space<semaphore_mem>>)
    %add3A_190 = arith.constant 448 : i32
    %add3A_191 = arith.addi %mul3A_2, %add3A_190 : i32
    %dma_start3A_192 = arith.constant 0 : i32
    %dma_start3A_193 = tpu.memref_slice %arg4[%add3A_191, %dma_start3A_192] : memref<24576x768xf32, #tpu.memory_space<hbm>> -> memref<64x768xf32, #tpu.memory_space<hbm>>
    %dma_start3A_194 = arith.constant 0 : i32
    %dma_start3A_195 = tpu.memref_slice %arg4[%add3A_191, %dma_start3A_194] : memref<24576x768xf32, #tpu.memory_space<hbm>> -> memref<64x768xf32, #tpu.memory_space<hbm>>
    tpu.enqueue_dma source(%arg7 : memref<64x768xf32, #tpu.memory_space<vmem>>) target(%dma_start3A_195 : memref<64x768xf32, #tpu.memory_space<hbm>>) target_semaphore(%arg11 : memref<!tpu.dma_semaphore, #tpu.memory_space<semaphore_mem>>)
    %dma_wait3A_196 = arith.constant 8 : i32
    %dma_wait3A_197 = arith.constant 0 : i32
    %dma_wait3A_198 = tpu.memref_slice %arg5[%dma_wait3A_196, %dma_wait3A_197] : memref<12x64xi32, #tpu.memory_space<vmem>> -> memref<1x64xi32, #tpu.memory_space<vmem>>
    %dma_wait3A_199 = tpu.memref_squeeze %dma_wait3A_198 : memref<1x64xi32, #tpu.memory_space<vmem>> -> memref<64xi32, #tpu.memory_space<vmem>>
    %dma_wait3A_200 = arith.constant 0 : i32
    %dma_wait3A_201 = arith.constant 0 : i32
    %dma_wait3A_202 = tpu.memref_slice %arg2[%dma_wait3A_200, %dma_wait3A_201] : memref<17408x768xf32, #tpu.memory_space<hbm>> -> memref<17408x768xf32, #tpu.memory_space<hbm>>
    tpu.wait_indirect_dma semaphore(%arg8 : memref<!tpu.dma_semaphore, #tpu.memory_space<semaphore_mem>>) src(%dma_wait3A_202 : memref<17408x768xf32, #tpu.memory_space<hbm>>) dst(%arg6 : memref<64x768xf32, #tpu.memory_space<vmem>>)
    %dma_wait3A_203 = arith.constant 0 : i32
    %dma_wait3A_204 = tpu.memref_slice %arg4[%add3A_191, %dma_wait3A_203] : memref<24576x768xf32, #tpu.memory_space<hbm>> -> memref<64x768xf32, #tpu.memory_space<hbm>>
    %dma_wait3A_205 = arith.constant 0 : i32
    %dma_wait3A_206 = tpu.memref_slice %arg4[%add3A_191, %dma_wait3A_205] : memref<24576x768xf32, #tpu.memory_space<hbm>> -> memref<64x768xf32, #tpu.memory_space<hbm>>
    tpu.wait_dma2 semaphore(%arg11 : memref<!tpu.dma_semaphore, #tpu.memory_space<semaphore_mem>>) src(%arg7 : memref<64x768xf32, #tpu.memory_space<vmem>>) dst(%dma_wait3A_206 : memref<64x768xf32, #tpu.memory_space<hbm>>)
    %dma_start3A_207 = arith.constant 9 : i32
    %dma_start3A_208 = arith.constant 0 : i32
    %dma_start3A_209 = tpu.memref_slice %arg5[%dma_start3A_207, %dma_start3A_208] : memref<12x64xi32, #tpu.memory_space<vmem>> -> memref<1x64xi32, #tpu.memory_space<vmem>>
    %dma_start3A_210 = tpu.memref_squeeze %dma_start3A_209 : memref<1x64xi32, #tpu.memory_space<vmem>> -> memref<64xi32, #tpu.memory_space<vmem>>
    %dma_start3A_211 = arith.constant 0 : i32
    %dma_start3A_212 = arith.constant 0 : i32
    %dma_start3A_213 = tpu.memref_slice %arg2[%dma_start3A_211, %dma_start3A_212] : memref<17408x768xf32, #tpu.memory_space<hbm>> -> memref<17408x768xf32, #tpu.memory_space<hbm>>
    tpu.enqueue_indirect_dma source(%dma_start3A_213 : memref<17408x768xf32, #tpu.memory_space<hbm>>) target(%arg7 : memref<64x768xf32, #tpu.memory_space<vmem>>) offsets(%dma_start3A_210 : memref<64xi32, #tpu.memory_space<vmem>>) semaphore(%arg9 : memref<!tpu.dma_semaphore, #tpu.memory_space<semaphore_mem>>)
    %add3A_214 = arith.constant 512 : i32
    %add3A_215 = arith.addi %mul3A_2, %add3A_214 : i32
    %dma_start3A_216 = arith.constant 0 : i32
    %dma_start3A_217 = tpu.memref_slice %arg4[%add3A_215, %dma_start3A_216] : memref<24576x768xf32, #tpu.memory_space<hbm>> -> memref<64x768xf32, #tpu.memory_space<hbm>>
    %dma_start3A_218 = arith.constant 0 : i32
    %dma_start3A_219 = tpu.memref_slice %arg4[%add3A_215, %dma_start3A_218] : memref<24576x768xf32, #tpu.memory_space<hbm>> -> memref<64x768xf32, #tpu.memory_space<hbm>>
    tpu.enqueue_dma source(%arg6 : memref<64x768xf32, #tpu.memory_space<vmem>>) target(%dma_start3A_219 : memref<64x768xf32, #tpu.memory_space<hbm>>) target_semaphore(%arg10 : memref<!tpu.dma_semaphore, #tpu.memory_space<semaphore_mem>>)
    %dma_wait3A_220 = arith.constant 9 : i32
    %dma_wait3A_221 = arith.constant 0 : i32
    %dma_wait3A_222 = tpu.memref_slice %arg5[%dma_wait3A_220, %dma_wait3A_221] : memref<12x64xi32, #tpu.memory_space<vmem>> -> memref<1x64xi32, #tpu.memory_space<vmem>>
    %dma_wait3A_223 = tpu.memref_squeeze %dma_wait3A_222 : memref<1x64xi32, #tpu.memory_space<vmem>> -> memref<64xi32, #tpu.memory_space<vmem>>
    %dma_wait3A_224 = arith.constant 0 : i32
    %dma_wait3A_225 = arith.constant 0 : i32
    %dma_wait3A_226 = tpu.memref_slice %arg2[%dma_wait3A_224, %dma_wait3A_225] : memref<17408x768xf32, #tpu.memory_space<hbm>> -> memref<17408x768xf32, #tpu.memory_space<hbm>>
    tpu.wait_indirect_dma semaphore(%arg9 : memref<!tpu.dma_semaphore, #tpu.memory_space<semaphore_mem>>) src(%dma_wait3A_226 : memref<17408x768xf32, #tpu.memory_space<hbm>>) dst(%arg7 : memref<64x768xf32, #tpu.memory_space<vmem>>)
    %dma_wait3A_227 = arith.constant 0 : i32
    %dma_wait3A_228 = tpu.memref_slice %arg4[%add3A_215, %dma_wait3A_227] : memref<24576x768xf32, #tpu.memory_space<hbm>> -> memref<64x768xf32, #tpu.memory_space<hbm>>
    %dma_wait3A_229 = arith.constant 0 : i32
    %dma_wait3A_230 = tpu.memref_slice %arg4[%add3A_215, %dma_wait3A_229] : memref<24576x768xf32, #tpu.memory_space<hbm>> -> memref<64x768xf32, #tpu.memory_space<hbm>>
    tpu.wait_dma2 semaphore(%arg10 : memref<!tpu.dma_semaphore, #tpu.memory_space<semaphore_mem>>) src(%arg6 : memref<64x768xf32, #tpu.memory_space<vmem>>) dst(%dma_wait3A_230 : memref<64x768xf32, #tpu.memory_space<hbm>>)
    %dma_start3A_231 = arith.constant 10 : i32
    %dma_start3A_232 = arith.constant 0 : i32
    %dma_start3A_233 = tpu.memref_slice %arg5[%dma_start3A_231, %dma_start3A_232] : memref<12x64xi32, #tpu.memory_space<vmem>> -> memref<1x64xi32, #tpu.memory_space<vmem>>
    %dma_start3A_234 = tpu.memref_squeeze %dma_start3A_233 : memref<1x64xi32, #tpu.memory_space<vmem>> -> memref<64xi32, #tpu.memory_space<vmem>>
    %dma_start3A_235 = arith.constant 0 : i32
    %dma_start3A_236 = arith.constant 0 : i32
    %dma_start3A_237 = tpu.memref_slice %arg2[%dma_start3A_235, %dma_start3A_236] : memref<17408x768xf32, #tpu.memory_space<hbm>> -> memref<17408x768xf32, #tpu.memory_space<hbm>>
    tpu.enqueue_indirect_dma source(%dma_start3A_237 : memref<17408x768xf32, #tpu.memory_space<hbm>>) target(%arg6 : memref<64x768xf32, #tpu.memory_space<vmem>>) offsets(%dma_start3A_234 : memref<64xi32, #tpu.memory_space<vmem>>) semaphore(%arg8 : memref<!tpu.dma_semaphore, #tpu.memory_space<semaphore_mem>>)
    %add3A_238 = arith.constant 576 : i32
    %add3A_239 = arith.addi %mul3A_2, %add3A_238 : i32
    %dma_start3A_240 = arith.constant 0 : i32
    %dma_start3A_241 = tpu.memref_slice %arg4[%add3A_239, %dma_start3A_240] : memref<24576x768xf32, #tpu.memory_space<hbm>> -> memref<64x768xf32, #tpu.memory_space<hbm>>
    %dma_start3A_242 = arith.constant 0 : i32
    %dma_start3A_243 = tpu.memref_slice %arg4[%add3A_239, %dma_start3A_242] : memref<24576x768xf32, #tpu.memory_space<hbm>> -> memref<64x768xf32, #tpu.memory_space<hbm>>
    tpu.enqueue_dma source(%arg7 : memref<64x768xf32, #tpu.memory_space<vmem>>) target(%dma_start3A_243 : memref<64x768xf32, #tpu.memory_space<hbm>>) target_semaphore(%arg11 : memref<!tpu.dma_semaphore, #tpu.memory_space<semaphore_mem>>)
    %dma_wait3A_244 = arith.constant 10 : i32
    %dma_wait3A_245 = arith.constant 0 : i32
    %dma_wait3A_246 = tpu.memref_slice %arg5[%dma_wait3A_244, %dma_wait3A_245] : memref<12x64xi32, #tpu.memory_space<vmem>> -> memref<1x64xi32, #tpu.memory_space<vmem>>
    %dma_wait3A_247 = tpu.memref_squeeze %dma_wait3A_246 : memref<1x64xi32, #tpu.memory_space<vmem>> -> memref<64xi32, #tpu.memory_space<vmem>>
    %dma_wait3A_248 = arith.constant 0 : i32
    %dma_wait3A_249 = arith.constant 0 : i32
    %dma_wait3A_250 = tpu.memref_slice %arg2[%dma_wait3A_248, %dma_wait3A_249] : memref<17408x768xf32, #tpu.memory_space<hbm>> -> memref<17408x768xf32, #tpu.memory_space<hbm>>
    tpu.wait_indirect_dma semaphore(%arg8 : memref<!tpu.dma_semaphore, #tpu.memory_space<semaphore_mem>>) src(%dma_wait3A_250 : memref<17408x768xf32, #tpu.memory_space<hbm>>) dst(%arg6 : memref<64x768xf32, #tpu.memory_space<vmem>>)
    %dma_wait3A_251 = arith.constant 0 : i32
    %dma_wait3A_252 = tpu.memref_slice %arg4[%add3A_239, %dma_wait3A_251] : memref<24576x768xf32, #tpu.memory_space<hbm>> -> memref<64x768xf32, #tpu.memory_space<hbm>>
    %dma_wait3A_253 = arith.constant 0 : i32
    %dma_wait3A_254 = tpu.memref_slice %arg4[%add3A_239, %dma_wait3A_253] : memref<24576x768xf32, #tpu.memory_space<hbm>> -> memref<64x768xf32, #tpu.memory_space<hbm>>
    tpu.wait_dma2 semaphore(%arg11 : memref<!tpu.dma_semaphore, #tpu.memory_space<semaphore_mem>>) src(%arg7 : memref<64x768xf32, #tpu.memory_space<vmem>>) dst(%dma_wait3A_254 : memref<64x768xf32, #tpu.memory_space<hbm>>)
    %dma_start3A_255 = arith.constant 11 : i32
    %dma_start3A_256 = arith.constant 0 : i32
    %dma_start3A_257 = tpu.memref_slice %arg5[%dma_start3A_255, %dma_start3A_256] : memref<12x64xi32, #tpu.memory_space<vmem>> -> memref<1x64xi32, #tpu.memory_space<vmem>>
    %dma_start3A_258 = tpu.memref_squeeze %dma_start3A_257 : memref<1x64xi32, #tpu.memory_space<vmem>> -> memref<64xi32, #tpu.memory_space<vmem>>
    %dma_start3A_259 = arith.constant 0 : i32
    %dma_start3A_260 = arith.constant 0 : i32
    %dma_start3A_261 = tpu.memref_slice %arg2[%dma_start3A_259, %dma_start3A_260] : memref<17408x768xf32, #tpu.memory_space<hbm>> -> memref<17408x768xf32, #tpu.memory_space<hbm>>
    tpu.enqueue_indirect_dma source(%dma_start3A_261 : memref<17408x768xf32, #tpu.memory_space<hbm>>) target(%arg7 : memref<64x768xf32, #tpu.memory_space<vmem>>) offsets(%dma_start3A_258 : memref<64xi32, #tpu.memory_space<vmem>>) semaphore(%arg9 : memref<!tpu.dma_semaphore, #tpu.memory_space<semaphore_mem>>)
    %add3A_262 = arith.constant 640 : i32
    %add3A_263 = arith.addi %mul3A_2, %add3A_262 : i32
    %dma_start3A_264 = arith.constant 0 : i32
    %dma_start3A_265 = tpu.memref_slice %arg4[%add3A_263, %dma_start3A_264] : memref<24576x768xf32, #tpu.memory_space<hbm>> -> memref<64x768xf32, #tpu.memory_space<hbm>>
    %dma_start3A_266 = arith.constant 0 : i32
    %dma_start3A_267 = tpu.memref_slice %arg4[%add3A_263, %dma_start3A_266] : memref<24576x768xf32, #tpu.memory_space<hbm>> -> memref<64x768xf32, #tpu.memory_space<hbm>>
    tpu.enqueue_dma source(%arg6 : memref<64x768xf32, #tpu.memory_space<vmem>>) target(%dma_start3A_267 : memref<64x768xf32, #tpu.memory_space<hbm>>) target_semaphore(%arg10 : memref<!tpu.dma_semaphore, #tpu.memory_space<semaphore_mem>>)
    %dma_wait3A_268 = arith.constant 11 : i32
    %dma_wait3A_269 = arith.constant 0 : i32
    %dma_wait3A_270 = tpu.memref_slice %arg5[%dma_wait3A_268, %dma_wait3A_269] : memref<12x64xi32, #tpu.memory_space<vmem>> -> memref<1x64xi32, #tpu.memory_space<vmem>>
    %dma_wait3A_271 = tpu.memref_squeeze %dma_wait3A_270 : memref<1x64xi32, #tpu.memory_space<vmem>> -> memref<64xi32, #tpu.memory_space<vmem>>
    %dma_wait3A_272 = arith.constant 0 : i32
    %dma_wait3A_273 = arith.constant 0 : i32
    %dma_wait3A_274 = tpu.memref_slice %arg2[%dma_wait3A_272, %dma_wait3A_273] : memref<17408x768xf32, #tpu.memory_space<hbm>> -> memref<17408x768xf32, #tpu.memory_space<hbm>>
    tpu.wait_indirect_dma semaphore(%arg9 : memref<!tpu.dma_semaphore, #tpu.memory_space<semaphore_mem>>) src(%dma_wait3A_274 : memref<17408x768xf32, #tpu.memory_space<hbm>>) dst(%arg7 : memref<64x768xf32, #tpu.memory_space<vmem>>)
    %add3A_275 = arith.constant 704 : i32
    %add3A_276 = arith.addi %mul3A_2, %add3A_275 : i32
    %dma_start3A_277 = arith.constant 0 : i32
    %dma_start3A_278 = tpu.memref_slice %arg4[%add3A_276, %dma_start3A_277] : memref<24576x768xf32, #tpu.memory_space<hbm>> -> memref<64x768xf32, #tpu.memory_space<hbm>>
    %dma_start3A_279 = arith.constant 0 : i32
    %dma_start3A_280 = tpu.memref_slice %arg4[%add3A_276, %dma_start3A_279] : memref<24576x768xf32, #tpu.memory_space<hbm>> -> memref<64x768xf32, #tpu.memory_space<hbm>>
    tpu.enqueue_dma source(%arg7 : memref<64x768xf32, #tpu.memory_space<vmem>>) target(%dma_start3A_280 : memref<64x768xf32, #tpu.memory_space<hbm>>) target_semaphore(%arg11 : memref<!tpu.dma_semaphore, #tpu.memory_space<semaphore_mem>>)
    %dma_wait3A_281 = arith.constant 0 : i32
    %dma_wait3A_282 = tpu.memref_slice %arg4[%add3A_263, %dma_wait3A_281] : memref<24576x768xf32, #tpu.memory_space<hbm>> -> memref<64x768xf32, #tpu.memory_space<hbm>>
    %dma_wait3A_283 = arith.constant 0 : i32
    %dma_wait3A_284 = tpu.memref_slice %arg4[%add3A_263, %dma_wait3A_283] : memref<24576x768xf32, #tpu.memory_space<hbm>> -> memref<64x768xf32, #tpu.memory_space<hbm>>
    tpu.wait_dma2 semaphore(%arg10 : memref<!tpu.dma_semaphore, #tpu.memory_space<semaphore_mem>>) src(%arg6 : memref<64x768xf32, #tpu.memory_space<vmem>>) dst(%dma_wait3A_284 : memref<64x768xf32, #tpu.memory_space<hbm>>)
    %dma_wait3A_285 = arith.constant 0 : i32
    %dma_wait3A_286 = tpu.memref_slice %arg4[%add3A_276, %dma_wait3A_285] : memref<24576x768xf32, #tpu.memory_space<hbm>> -> memref<64x768xf32, #tpu.memory_space<hbm>>
    %dma_wait3A_287 = arith.constant 0 : i32
    %dma_wait3A_288 = tpu.memref_slice %arg4[%add3A_276, %dma_wait3A_287] : memref<24576x768xf32, #tpu.memory_space<hbm>> -> memref<64x768xf32, #tpu.memory_space<hbm>>
    tpu.wait_dma2 semaphore(%arg11 : memref<!tpu.dma_semaphore, #tpu.memory_space<semaphore_mem>>) src(%arg7 : memref<64x768xf32, #tpu.memory_space<vmem>>) dst(%dma_wait3A_288 : memref<64x768xf32, #tpu.memory_space<hbm>>)
    return
  }
}

#map = affine_map<(d0, d1) -> (0, 0)>
#map1 = affine_map<(d0, d1) -> (0, 0, 0)>
module attributes {stable_mosaic.version = 14 : i64} {
  func.func @k(%arg0: i32, %arg1: i32, %arg2: memref<24576x768xf32, #tpu.memory_space<hbm>>, %arg3: memref<32x12x64xi32, #tpu.memory_space<hbm>>, %arg4: memref<17448x768xf32, #tpu.memory_space<hbm>>, %arg5: memref<12x64xi32, #tpu.memory_space<vmem>>, %arg6: memref<64x768xf32, #tpu.memory_space<vmem>>, %arg7: memref<64x768xf32, #tpu.memory_space<vmem>>, %arg8: memref<!tpu.dma_semaphore, #tpu.memory_space<semaphore_mem>>, %arg9: memref<!tpu.dma_semaphore, #tpu.memory_space<semaphore_mem>>, %arg10: memref<!tpu.dma_semaphore, #tpu.memory_space<semaphore_mem>>, %arg11: memref<!tpu.dma_semaphore, #tpu.memory_space<semaphore_mem>>) attributes {dimension_semantics = [#tpu.dimension_semantics<core_parallel>, #tpu.dimension_semantics<subcore_parallel>], iteration_bounds = array<i64: 2, 16>, scalar_prefetch = 0 : i64, scratch_operands = 7 : i64, tpu.core_type = #tpu.core_type<sc_vector_subcore>, window_params = [{transform_indices = #map}, {transform_indices = #map1}, {transform_indices = #map}]} {
    %mul3A = arith.constant 2 : i32
    %mul3A_0 = arith.muli %arg1, %mul3A : i32
    %add3A = arith.addi %mul3A_0, %arg0 : i32
    %mul3A_1 = arith.constant 768 : i32
    %mul3A_2 = arith.muli %add3A, %mul3A_1 : i32
    "tpu.region"() ({
      %run_scoped3A = tpu.sem_alloc : memref<!tpu.dma_semaphore, #tpu.memory_space<semaphore_mem>>
      %dma_start3A_289 = arith.constant 0 : i32
      %dma_start3A_290 = arith.constant 0 : i32
      %dma_start3A_291 = tpu.memref_slice %arg3[%add3A, %dma_start3A_289, %dma_start3A_290] : memref<32x12x64xi32, #tpu.memory_space<hbm>> -> memref<1x12x64xi32, #tpu.memory_space<hbm>>
      %dma_start3A_292 = tpu.memref_squeeze %dma_start3A_291 : memref<1x12x64xi32, #tpu.memory_space<hbm>> -> memref<12x64xi32, #tpu.memory_space<hbm>>
      %dma_start3A_293 = arith.constant 0 : i32
      %dma_start3A_294 = arith.constant 0 : i32
      %dma_start3A_295 = tpu.memref_slice %arg3[%add3A, %dma_start3A_293, %dma_start3A_294] : memref<32x12x64xi32, #tpu.memory_space<hbm>> -> memref<1x12x64xi32, #tpu.memory_space<hbm>>
      %dma_start3A_296 = tpu.memref_squeeze %dma_start3A_295 : memref<1x12x64xi32, #tpu.memory_space<hbm>> -> memref<12x64xi32, #tpu.memory_space<hbm>>
      tpu.enqueue_dma source(%dma_start3A_296 : memref<12x64xi32, #tpu.memory_space<hbm>>) target(%arg5 : memref<12x64xi32, #tpu.memory_space<vmem>>) target_semaphore(%run_scoped3A : memref<!tpu.dma_semaphore, #tpu.memory_space<semaphore_mem>>)
      %dma_wait3A_297 = arith.constant 0 : i32
      %dma_wait3A_298 = arith.constant 0 : i32
      %dma_wait3A_299 = tpu.memref_slice %arg3[%add3A, %dma_wait3A_297, %dma_wait3A_298] : memref<32x12x64xi32, #tpu.memory_space<hbm>> -> memref<1x12x64xi32, #tpu.memory_space<hbm>>
      %dma_wait3A_300 = tpu.memref_squeeze %dma_wait3A_299 : memref<1x12x64xi32, #tpu.memory_space<hbm>> -> memref<12x64xi32, #tpu.memory_space<hbm>>
      %dma_wait3A_301 = arith.constant 0 : i32
      %dma_wait3A_302 = arith.constant 0 : i32
      %dma_wait3A_303 = tpu.memref_slice %arg3[%add3A, %dma_wait3A_301, %dma_wait3A_302] : memref<32x12x64xi32, #tpu.memory_space<hbm>> -> memref<1x12x64xi32, #tpu.memory_space<hbm>>
      %dma_wait3A_304 = tpu.memref_squeeze %dma_wait3A_303 : memref<1x12x64xi32, #tpu.memory_space<hbm>> -> memref<12x64xi32, #tpu.memory_space<hbm>>
      tpu.wait_dma2 semaphore(%run_scoped3A : memref<!tpu.dma_semaphore, #tpu.memory_space<semaphore_mem>>) src(%dma_wait3A_304 : memref<12x64xi32, #tpu.memory_space<hbm>>) dst(%arg5 : memref<12x64xi32, #tpu.memory_space<vmem>>)
      tpu.yield
    }) : () -> ()
    %add3A_3 = arith.constant 0 : i32
    %add3A_4 = arith.addi %mul3A_2, %add3A_3 : i32
    %dma_start3A = arith.constant 0 : i32
    %dma_start3A_5 = tpu.memref_slice %arg2[%add3A_4, %dma_start3A] : memref<24576x768xf32, #tpu.memory_space<hbm>> -> memref<64x768xf32, #tpu.memory_space<hbm>>
    %dma_start3A_6 = arith.constant 0 : i32
    %dma_start3A_7 = tpu.memref_slice %arg2[%add3A_4, %dma_start3A_6] : memref<24576x768xf32, #tpu.memory_space<hbm>> -> memref<64x768xf32, #tpu.memory_space<hbm>>
    tpu.enqueue_dma source(%dma_start3A_7 : memref<64x768xf32, #tpu.memory_space<hbm>>) target(%arg6 : memref<64x768xf32, #tpu.memory_space<vmem>>) target_semaphore(%arg8 : memref<!tpu.dma_semaphore, #tpu.memory_space<semaphore_mem>>)
    %dma_wait3A = arith.constant 0 : i32
    %dma_wait3A_8 = tpu.memref_slice %arg2[%add3A_4, %dma_wait3A] : memref<24576x768xf32, #tpu.memory_space<hbm>> -> memref<64x768xf32, #tpu.memory_space<hbm>>
    %dma_wait3A_9 = arith.constant 0 : i32
    %dma_wait3A_10 = tpu.memref_slice %arg2[%add3A_4, %dma_wait3A_9] : memref<24576x768xf32, #tpu.memory_space<hbm>> -> memref<64x768xf32, #tpu.memory_space<hbm>>
    tpu.wait_dma2 semaphore(%arg8 : memref<!tpu.dma_semaphore, #tpu.memory_space<semaphore_mem>>) src(%dma_wait3A_10 : memref<64x768xf32, #tpu.memory_space<hbm>>) dst(%arg6 : memref<64x768xf32, #tpu.memory_space<vmem>>)
    %add3A_11 = arith.constant 64 : i32
    %add3A_12 = arith.addi %mul3A_2, %add3A_11 : i32
    %dma_start3A_13 = arith.constant 0 : i32
    %dma_start3A_14 = tpu.memref_slice %arg2[%add3A_12, %dma_start3A_13] : memref<24576x768xf32, #tpu.memory_space<hbm>> -> memref<64x768xf32, #tpu.memory_space<hbm>>
    %dma_start3A_15 = arith.constant 0 : i32
    %dma_start3A_16 = tpu.memref_slice %arg2[%add3A_12, %dma_start3A_15] : memref<24576x768xf32, #tpu.memory_space<hbm>> -> memref<64x768xf32, #tpu.memory_space<hbm>>
    tpu.enqueue_dma source(%dma_start3A_16 : memref<64x768xf32, #tpu.memory_space<hbm>>) target(%arg7 : memref<64x768xf32, #tpu.memory_space<vmem>>) target_semaphore(%arg9 : memref<!tpu.dma_semaphore, #tpu.memory_space<semaphore_mem>>)
    %dma_start3A_17 = arith.constant 0 : i32
    %dma_start3A_18 = arith.constant 0 : i32
    %dma_start3A_19 = tpu.memref_slice %arg5[%dma_start3A_17, %dma_start3A_18] : memref<12x64xi32, #tpu.memory_space<vmem>> -> memref<1x64xi32, #tpu.memory_space<vmem>>
    %dma_start3A_20 = tpu.memref_squeeze %dma_start3A_19 : memref<1x64xi32, #tpu.memory_space<vmem>> -> memref<64xi32, #tpu.memory_space<vmem>>
    %dma_start3A_21 = arith.constant 0 : i32
    %dma_start3A_22 = arith.constant 0 : i32
    %dma_start3A_23 = tpu.memref_slice %arg4[%dma_start3A_21, %dma_start3A_22] : memref<17448x768xf32, #tpu.memory_space<hbm>> -> memref<17448x768xf32, #tpu.memory_space<hbm>>
    tpu.enqueue_indirect_dma source(%arg6 : memref<64x768xf32, #tpu.memory_space<vmem>>) target(%dma_start3A_23 : memref<17448x768xf32, #tpu.memory_space<hbm>>) offsets(%dma_start3A_20 : memref<64xi32, #tpu.memory_space<vmem>>) semaphore(%arg10 : memref<!tpu.dma_semaphore, #tpu.memory_space<semaphore_mem>>)
    %dma_wait3A_24 = arith.constant 0 : i32
    %dma_wait3A_25 = tpu.memref_slice %arg2[%add3A_12, %dma_wait3A_24] : memref<24576x768xf32, #tpu.memory_space<hbm>> -> memref<64x768xf32, #tpu.memory_space<hbm>>
    %dma_wait3A_26 = arith.constant 0 : i32
    %dma_wait3A_27 = tpu.memref_slice %arg2[%add3A_12, %dma_wait3A_26] : memref<24576x768xf32, #tpu.memory_space<hbm>> -> memref<64x768xf32, #tpu.memory_space<hbm>>
    tpu.wait_dma2 semaphore(%arg9 : memref<!tpu.dma_semaphore, #tpu.memory_space<semaphore_mem>>) src(%dma_wait3A_27 : memref<64x768xf32, #tpu.memory_space<hbm>>) dst(%arg7 : memref<64x768xf32, #tpu.memory_space<vmem>>)
    %dma_wait3A_28 = arith.constant 0 : i32
    %dma_wait3A_29 = arith.constant 0 : i32
    %dma_wait3A_30 = tpu.memref_slice %arg5[%dma_wait3A_28, %dma_wait3A_29] : memref<12x64xi32, #tpu.memory_space<vmem>> -> memref<1x64xi32, #tpu.memory_space<vmem>>
    %dma_wait3A_31 = tpu.memref_squeeze %dma_wait3A_30 : memref<1x64xi32, #tpu.memory_space<vmem>> -> memref<64xi32, #tpu.memory_space<vmem>>
    %dma_wait3A_32 = arith.constant 0 : i32
    %dma_wait3A_33 = arith.constant 0 : i32
    %dma_wait3A_34 = tpu.memref_slice %arg4[%dma_wait3A_32, %dma_wait3A_33] : memref<17448x768xf32, #tpu.memory_space<hbm>> -> memref<17448x768xf32, #tpu.memory_space<hbm>>
    tpu.wait_indirect_dma semaphore(%arg10 : memref<!tpu.dma_semaphore, #tpu.memory_space<semaphore_mem>>) src(%arg6 : memref<64x768xf32, #tpu.memory_space<vmem>>) dst(%dma_wait3A_34 : memref<17448x768xf32, #tpu.memory_space<hbm>>)
    %add3A_35 = arith.constant 128 : i32
    %add3A_36 = arith.addi %mul3A_2, %add3A_35 : i32
    %dma_start3A_37 = arith.constant 0 : i32
    %dma_start3A_38 = tpu.memref_slice %arg2[%add3A_36, %dma_start3A_37] : memref<24576x768xf32, #tpu.memory_space<hbm>> -> memref<64x768xf32, #tpu.memory_space<hbm>>
    %dma_start3A_39 = arith.constant 0 : i32
    %dma_start3A_40 = tpu.memref_slice %arg2[%add3A_36, %dma_start3A_39] : memref<24576x768xf32, #tpu.memory_space<hbm>> -> memref<64x768xf32, #tpu.memory_space<hbm>>
    tpu.enqueue_dma source(%dma_start3A_40 : memref<64x768xf32, #tpu.memory_space<hbm>>) target(%arg6 : memref<64x768xf32, #tpu.memory_space<vmem>>) target_semaphore(%arg8 : memref<!tpu.dma_semaphore, #tpu.memory_space<semaphore_mem>>)
    %dma_start3A_41 = arith.constant 1 : i32
    %dma_start3A_42 = arith.constant 0 : i32
    %dma_start3A_43 = tpu.memref_slice %arg5[%dma_start3A_41, %dma_start3A_42] : memref<12x64xi32, #tpu.memory_space<vmem>> -> memref<1x64xi32, #tpu.memory_space<vmem>>
    %dma_start3A_44 = tpu.memref_squeeze %dma_start3A_43 : memref<1x64xi32, #tpu.memory_space<vmem>> -> memref<64xi32, #tpu.memory_space<vmem>>
    %dma_start3A_45 = arith.constant 0 : i32
    %dma_start3A_46 = arith.constant 0 : i32
    %dma_start3A_47 = tpu.memref_slice %arg4[%dma_start3A_45, %dma_start3A_46] : memref<17448x768xf32, #tpu.memory_space<hbm>> -> memref<17448x768xf32, #tpu.memory_space<hbm>>
    tpu.enqueue_indirect_dma source(%arg7 : memref<64x768xf32, #tpu.memory_space<vmem>>) target(%dma_start3A_47 : memref<17448x768xf32, #tpu.memory_space<hbm>>) offsets(%dma_start3A_44 : memref<64xi32, #tpu.memory_space<vmem>>) semaphore(%arg11 : memref<!tpu.dma_semaphore, #tpu.memory_space<semaphore_mem>>)
    %dma_wait3A_48 = arith.constant 0 : i32
    %dma_wait3A_49 = tpu.memref_slice %arg2[%add3A_36, %dma_wait3A_48] : memref<24576x768xf32, #tpu.memory_space<hbm>> -> memref<64x768xf32, #tpu.memory_space<hbm>>
    %dma_wait3A_50 = arith.constant 0 : i32
    %dma_wait3A_51 = tpu.memref_slice %arg2[%add3A_36, %dma_wait3A_50] : memref<24576x768xf32, #tpu.memory_space<hbm>> -> memref<64x768xf32, #tpu.memory_space<hbm>>
    tpu.wait_dma2 semaphore(%arg8 : memref<!tpu.dma_semaphore, #tpu.memory_space<semaphore_mem>>) src(%dma_wait3A_51 : memref<64x768xf32, #tpu.memory_space<hbm>>) dst(%arg6 : memref<64x768xf32, #tpu.memory_space<vmem>>)
    %dma_wait3A_52 = arith.constant 1 : i32
    %dma_wait3A_53 = arith.constant 0 : i32
    %dma_wait3A_54 = tpu.memref_slice %arg5[%dma_wait3A_52, %dma_wait3A_53] : memref<12x64xi32, #tpu.memory_space<vmem>> -> memref<1x64xi32, #tpu.memory_space<vmem>>
    %dma_wait3A_55 = tpu.memref_squeeze %dma_wait3A_54 : memref<1x64xi32, #tpu.memory_space<vmem>> -> memref<64xi32, #tpu.memory_space<vmem>>
    %dma_wait3A_56 = arith.constant 0 : i32
    %dma_wait3A_57 = arith.constant 0 : i32
    %dma_wait3A_58 = tpu.memref_slice %arg4[%dma_wait3A_56, %dma_wait3A_57] : memref<17448x768xf32, #tpu.memory_space<hbm>> -> memref<17448x768xf32, #tpu.memory_space<hbm>>
    tpu.wait_indirect_dma semaphore(%arg11 : memref<!tpu.dma_semaphore, #tpu.memory_space<semaphore_mem>>) src(%arg7 : memref<64x768xf32, #tpu.memory_space<vmem>>) dst(%dma_wait3A_58 : memref<17448x768xf32, #tpu.memory_space<hbm>>)
    %add3A_59 = arith.constant 192 : i32
    %add3A_60 = arith.addi %mul3A_2, %add3A_59 : i32
    %dma_start3A_61 = arith.constant 0 : i32
    %dma_start3A_62 = tpu.memref_slice %arg2[%add3A_60, %dma_start3A_61] : memref<24576x768xf32, #tpu.memory_space<hbm>> -> memref<64x768xf32, #tpu.memory_space<hbm>>
    %dma_start3A_63 = arith.constant 0 : i32
    %dma_start3A_64 = tpu.memref_slice %arg2[%add3A_60, %dma_start3A_63] : memref<24576x768xf32, #tpu.memory_space<hbm>> -> memref<64x768xf32, #tpu.memory_space<hbm>>
    tpu.enqueue_dma source(%dma_start3A_64 : memref<64x768xf32, #tpu.memory_space<hbm>>) target(%arg7 : memref<64x768xf32, #tpu.memory_space<vmem>>) target_semaphore(%arg9 : memref<!tpu.dma_semaphore, #tpu.memory_space<semaphore_mem>>)
    %dma_start3A_65 = arith.constant 2 : i32
    %dma_start3A_66 = arith.constant 0 : i32
    %dma_start3A_67 = tpu.memref_slice %arg5[%dma_start3A_65, %dma_start3A_66] : memref<12x64xi32, #tpu.memory_space<vmem>> -> memref<1x64xi32, #tpu.memory_space<vmem>>
    %dma_start3A_68 = tpu.memref_squeeze %dma_start3A_67 : memref<1x64xi32, #tpu.memory_space<vmem>> -> memref<64xi32, #tpu.memory_space<vmem>>
    %dma_start3A_69 = arith.constant 0 : i32
    %dma_start3A_70 = arith.constant 0 : i32
    %dma_start3A_71 = tpu.memref_slice %arg4[%dma_start3A_69, %dma_start3A_70] : memref<17448x768xf32, #tpu.memory_space<hbm>> -> memref<17448x768xf32, #tpu.memory_space<hbm>>
    tpu.enqueue_indirect_dma source(%arg6 : memref<64x768xf32, #tpu.memory_space<vmem>>) target(%dma_start3A_71 : memref<17448x768xf32, #tpu.memory_space<hbm>>) offsets(%dma_start3A_68 : memref<64xi32, #tpu.memory_space<vmem>>) semaphore(%arg10 : memref<!tpu.dma_semaphore, #tpu.memory_space<semaphore_mem>>)
    %dma_wait3A_72 = arith.constant 0 : i32
    %dma_wait3A_73 = tpu.memref_slice %arg2[%add3A_60, %dma_wait3A_72] : memref<24576x768xf32, #tpu.memory_space<hbm>> -> memref<64x768xf32, #tpu.memory_space<hbm>>
    %dma_wait3A_74 = arith.constant 0 : i32
    %dma_wait3A_75 = tpu.memref_slice %arg2[%add3A_60, %dma_wait3A_74] : memref<24576x768xf32, #tpu.memory_space<hbm>> -> memref<64x768xf32, #tpu.memory_space<hbm>>
    tpu.wait_dma2 semaphore(%arg9 : memref<!tpu.dma_semaphore, #tpu.memory_space<semaphore_mem>>) src(%dma_wait3A_75 : memref<64x768xf32, #tpu.memory_space<hbm>>) dst(%arg7 : memref<64x768xf32, #tpu.memory_space<vmem>>)
    %dma_wait3A_76 = arith.constant 2 : i32
    %dma_wait3A_77 = arith.constant 0 : i32
    %dma_wait3A_78 = tpu.memref_slice %arg5[%dma_wait3A_76, %dma_wait3A_77] : memref<12x64xi32, #tpu.memory_space<vmem>> -> memref<1x64xi32, #tpu.memory_space<vmem>>
    %dma_wait3A_79 = tpu.memref_squeeze %dma_wait3A_78 : memref<1x64xi32, #tpu.memory_space<vmem>> -> memref<64xi32, #tpu.memory_space<vmem>>
    %dma_wait3A_80 = arith.constant 0 : i32
    %dma_wait3A_81 = arith.constant 0 : i32
    %dma_wait3A_82 = tpu.memref_slice %arg4[%dma_wait3A_80, %dma_wait3A_81] : memref<17448x768xf32, #tpu.memory_space<hbm>> -> memref<17448x768xf32, #tpu.memory_space<hbm>>
    tpu.wait_indirect_dma semaphore(%arg10 : memref<!tpu.dma_semaphore, #tpu.memory_space<semaphore_mem>>) src(%arg6 : memref<64x768xf32, #tpu.memory_space<vmem>>) dst(%dma_wait3A_82 : memref<17448x768xf32, #tpu.memory_space<hbm>>)
    %add3A_83 = arith.constant 256 : i32
    %add3A_84 = arith.addi %mul3A_2, %add3A_83 : i32
    %dma_start3A_85 = arith.constant 0 : i32
    %dma_start3A_86 = tpu.memref_slice %arg2[%add3A_84, %dma_start3A_85] : memref<24576x768xf32, #tpu.memory_space<hbm>> -> memref<64x768xf32, #tpu.memory_space<hbm>>
    %dma_start3A_87 = arith.constant 0 : i32
    %dma_start3A_88 = tpu.memref_slice %arg2[%add3A_84, %dma_start3A_87] : memref<24576x768xf32, #tpu.memory_space<hbm>> -> memref<64x768xf32, #tpu.memory_space<hbm>>
    tpu.enqueue_dma source(%dma_start3A_88 : memref<64x768xf32, #tpu.memory_space<hbm>>) target(%arg6 : memref<64x768xf32, #tpu.memory_space<vmem>>) target_semaphore(%arg8 : memref<!tpu.dma_semaphore, #tpu.memory_space<semaphore_mem>>)
    %dma_start3A_89 = arith.constant 3 : i32
    %dma_start3A_90 = arith.constant 0 : i32
    %dma_start3A_91 = tpu.memref_slice %arg5[%dma_start3A_89, %dma_start3A_90] : memref<12x64xi32, #tpu.memory_space<vmem>> -> memref<1x64xi32, #tpu.memory_space<vmem>>
    %dma_start3A_92 = tpu.memref_squeeze %dma_start3A_91 : memref<1x64xi32, #tpu.memory_space<vmem>> -> memref<64xi32, #tpu.memory_space<vmem>>
    %dma_start3A_93 = arith.constant 0 : i32
    %dma_start3A_94 = arith.constant 0 : i32
    %dma_start3A_95 = tpu.memref_slice %arg4[%dma_start3A_93, %dma_start3A_94] : memref<17448x768xf32, #tpu.memory_space<hbm>> -> memref<17448x768xf32, #tpu.memory_space<hbm>>
    tpu.enqueue_indirect_dma source(%arg7 : memref<64x768xf32, #tpu.memory_space<vmem>>) target(%dma_start3A_95 : memref<17448x768xf32, #tpu.memory_space<hbm>>) offsets(%dma_start3A_92 : memref<64xi32, #tpu.memory_space<vmem>>) semaphore(%arg11 : memref<!tpu.dma_semaphore, #tpu.memory_space<semaphore_mem>>)
    %dma_wait3A_96 = arith.constant 0 : i32
    %dma_wait3A_97 = tpu.memref_slice %arg2[%add3A_84, %dma_wait3A_96] : memref<24576x768xf32, #tpu.memory_space<hbm>> -> memref<64x768xf32, #tpu.memory_space<hbm>>
    %dma_wait3A_98 = arith.constant 0 : i32
    %dma_wait3A_99 = tpu.memref_slice %arg2[%add3A_84, %dma_wait3A_98] : memref<24576x768xf32, #tpu.memory_space<hbm>> -> memref<64x768xf32, #tpu.memory_space<hbm>>
    tpu.wait_dma2 semaphore(%arg8 : memref<!tpu.dma_semaphore, #tpu.memory_space<semaphore_mem>>) src(%dma_wait3A_99 : memref<64x768xf32, #tpu.memory_space<hbm>>) dst(%arg6 : memref<64x768xf32, #tpu.memory_space<vmem>>)
    %dma_wait3A_100 = arith.constant 3 : i32
    %dma_wait3A_101 = arith.constant 0 : i32
    %dma_wait3A_102 = tpu.memref_slice %arg5[%dma_wait3A_100, %dma_wait3A_101] : memref<12x64xi32, #tpu.memory_space<vmem>> -> memref<1x64xi32, #tpu.memory_space<vmem>>
    %dma_wait3A_103 = tpu.memref_squeeze %dma_wait3A_102 : memref<1x64xi32, #tpu.memory_space<vmem>> -> memref<64xi32, #tpu.memory_space<vmem>>
    %dma_wait3A_104 = arith.constant 0 : i32
    %dma_wait3A_105 = arith.constant 0 : i32
    %dma_wait3A_106 = tpu.memref_slice %arg4[%dma_wait3A_104, %dma_wait3A_105] : memref<17448x768xf32, #tpu.memory_space<hbm>> -> memref<17448x768xf32, #tpu.memory_space<hbm>>
    tpu.wait_indirect_dma semaphore(%arg11 : memref<!tpu.dma_semaphore, #tpu.memory_space<semaphore_mem>>) src(%arg7 : memref<64x768xf32, #tpu.memory_space<vmem>>) dst(%dma_wait3A_106 : memref<17448x768xf32, #tpu.memory_space<hbm>>)
    %add3A_107 = arith.constant 320 : i32
    %add3A_108 = arith.addi %mul3A_2, %add3A_107 : i32
    %dma_start3A_109 = arith.constant 0 : i32
    %dma_start3A_110 = tpu.memref_slice %arg2[%add3A_108, %dma_start3A_109] : memref<24576x768xf32, #tpu.memory_space<hbm>> -> memref<64x768xf32, #tpu.memory_space<hbm>>
    %dma_start3A_111 = arith.constant 0 : i32
    %dma_start3A_112 = tpu.memref_slice %arg2[%add3A_108, %dma_start3A_111] : memref<24576x768xf32, #tpu.memory_space<hbm>> -> memref<64x768xf32, #tpu.memory_space<hbm>>
    tpu.enqueue_dma source(%dma_start3A_112 : memref<64x768xf32, #tpu.memory_space<hbm>>) target(%arg7 : memref<64x768xf32, #tpu.memory_space<vmem>>) target_semaphore(%arg9 : memref<!tpu.dma_semaphore, #tpu.memory_space<semaphore_mem>>)
    %dma_start3A_113 = arith.constant 4 : i32
    %dma_start3A_114 = arith.constant 0 : i32
    %dma_start3A_115 = tpu.memref_slice %arg5[%dma_start3A_113, %dma_start3A_114] : memref<12x64xi32, #tpu.memory_space<vmem>> -> memref<1x64xi32, #tpu.memory_space<vmem>>
    %dma_start3A_116 = tpu.memref_squeeze %dma_start3A_115 : memref<1x64xi32, #tpu.memory_space<vmem>> -> memref<64xi32, #tpu.memory_space<vmem>>
    %dma_start3A_117 = arith.constant 0 : i32
    %dma_start3A_118 = arith.constant 0 : i32
    %dma_start3A_119 = tpu.memref_slice %arg4[%dma_start3A_117, %dma_start3A_118] : memref<17448x768xf32, #tpu.memory_space<hbm>> -> memref<17448x768xf32, #tpu.memory_space<hbm>>
    tpu.enqueue_indirect_dma source(%arg6 : memref<64x768xf32, #tpu.memory_space<vmem>>) target(%dma_start3A_119 : memref<17448x768xf32, #tpu.memory_space<hbm>>) offsets(%dma_start3A_116 : memref<64xi32, #tpu.memory_space<vmem>>) semaphore(%arg10 : memref<!tpu.dma_semaphore, #tpu.memory_space<semaphore_mem>>)
    %dma_wait3A_120 = arith.constant 0 : i32
    %dma_wait3A_121 = tpu.memref_slice %arg2[%add3A_108, %dma_wait3A_120] : memref<24576x768xf32, #tpu.memory_space<hbm>> -> memref<64x768xf32, #tpu.memory_space<hbm>>
    %dma_wait3A_122 = arith.constant 0 : i32
    %dma_wait3A_123 = tpu.memref_slice %arg2[%add3A_108, %dma_wait3A_122] : memref<24576x768xf32, #tpu.memory_space<hbm>> -> memref<64x768xf32, #tpu.memory_space<hbm>>
    tpu.wait_dma2 semaphore(%arg9 : memref<!tpu.dma_semaphore, #tpu.memory_space<semaphore_mem>>) src(%dma_wait3A_123 : memref<64x768xf32, #tpu.memory_space<hbm>>) dst(%arg7 : memref<64x768xf32, #tpu.memory_space<vmem>>)
    %dma_wait3A_124 = arith.constant 4 : i32
    %dma_wait3A_125 = arith.constant 0 : i32
    %dma_wait3A_126 = tpu.memref_slice %arg5[%dma_wait3A_124, %dma_wait3A_125] : memref<12x64xi32, #tpu.memory_space<vmem>> -> memref<1x64xi32, #tpu.memory_space<vmem>>
    %dma_wait3A_127 = tpu.memref_squeeze %dma_wait3A_126 : memref<1x64xi32, #tpu.memory_space<vmem>> -> memref<64xi32, #tpu.memory_space<vmem>>
    %dma_wait3A_128 = arith.constant 0 : i32
    %dma_wait3A_129 = arith.constant 0 : i32
    %dma_wait3A_130 = tpu.memref_slice %arg4[%dma_wait3A_128, %dma_wait3A_129] : memref<17448x768xf32, #tpu.memory_space<hbm>> -> memref<17448x768xf32, #tpu.memory_space<hbm>>
    tpu.wait_indirect_dma semaphore(%arg10 : memref<!tpu.dma_semaphore, #tpu.memory_space<semaphore_mem>>) src(%arg6 : memref<64x768xf32, #tpu.memory_space<vmem>>) dst(%dma_wait3A_130 : memref<17448x768xf32, #tpu.memory_space<hbm>>)
    %add3A_131 = arith.constant 384 : i32
    %add3A_132 = arith.addi %mul3A_2, %add3A_131 : i32
    %dma_start3A_133 = arith.constant 0 : i32
    %dma_start3A_134 = tpu.memref_slice %arg2[%add3A_132, %dma_start3A_133] : memref<24576x768xf32, #tpu.memory_space<hbm>> -> memref<64x768xf32, #tpu.memory_space<hbm>>
    %dma_start3A_135 = arith.constant 0 : i32
    %dma_start3A_136 = tpu.memref_slice %arg2[%add3A_132, %dma_start3A_135] : memref<24576x768xf32, #tpu.memory_space<hbm>> -> memref<64x768xf32, #tpu.memory_space<hbm>>
    tpu.enqueue_dma source(%dma_start3A_136 : memref<64x768xf32, #tpu.memory_space<hbm>>) target(%arg6 : memref<64x768xf32, #tpu.memory_space<vmem>>) target_semaphore(%arg8 : memref<!tpu.dma_semaphore, #tpu.memory_space<semaphore_mem>>)
    %dma_start3A_137 = arith.constant 5 : i32
    %dma_start3A_138 = arith.constant 0 : i32
    %dma_start3A_139 = tpu.memref_slice %arg5[%dma_start3A_137, %dma_start3A_138] : memref<12x64xi32, #tpu.memory_space<vmem>> -> memref<1x64xi32, #tpu.memory_space<vmem>>
    %dma_start3A_140 = tpu.memref_squeeze %dma_start3A_139 : memref<1x64xi32, #tpu.memory_space<vmem>> -> memref<64xi32, #tpu.memory_space<vmem>>
    %dma_start3A_141 = arith.constant 0 : i32
    %dma_start3A_142 = arith.constant 0 : i32
    %dma_start3A_143 = tpu.memref_slice %arg4[%dma_start3A_141, %dma_start3A_142] : memref<17448x768xf32, #tpu.memory_space<hbm>> -> memref<17448x768xf32, #tpu.memory_space<hbm>>
    tpu.enqueue_indirect_dma source(%arg7 : memref<64x768xf32, #tpu.memory_space<vmem>>) target(%dma_start3A_143 : memref<17448x768xf32, #tpu.memory_space<hbm>>) offsets(%dma_start3A_140 : memref<64xi32, #tpu.memory_space<vmem>>) semaphore(%arg11 : memref<!tpu.dma_semaphore, #tpu.memory_space<semaphore_mem>>)
    %dma_wait3A_144 = arith.constant 0 : i32
    %dma_wait3A_145 = tpu.memref_slice %arg2[%add3A_132, %dma_wait3A_144] : memref<24576x768xf32, #tpu.memory_space<hbm>> -> memref<64x768xf32, #tpu.memory_space<hbm>>
    %dma_wait3A_146 = arith.constant 0 : i32
    %dma_wait3A_147 = tpu.memref_slice %arg2[%add3A_132, %dma_wait3A_146] : memref<24576x768xf32, #tpu.memory_space<hbm>> -> memref<64x768xf32, #tpu.memory_space<hbm>>
    tpu.wait_dma2 semaphore(%arg8 : memref<!tpu.dma_semaphore, #tpu.memory_space<semaphore_mem>>) src(%dma_wait3A_147 : memref<64x768xf32, #tpu.memory_space<hbm>>) dst(%arg6 : memref<64x768xf32, #tpu.memory_space<vmem>>)
    %dma_wait3A_148 = arith.constant 5 : i32
    %dma_wait3A_149 = arith.constant 0 : i32
    %dma_wait3A_150 = tpu.memref_slice %arg5[%dma_wait3A_148, %dma_wait3A_149] : memref<12x64xi32, #tpu.memory_space<vmem>> -> memref<1x64xi32, #tpu.memory_space<vmem>>
    %dma_wait3A_151 = tpu.memref_squeeze %dma_wait3A_150 : memref<1x64xi32, #tpu.memory_space<vmem>> -> memref<64xi32, #tpu.memory_space<vmem>>
    %dma_wait3A_152 = arith.constant 0 : i32
    %dma_wait3A_153 = arith.constant 0 : i32
    %dma_wait3A_154 = tpu.memref_slice %arg4[%dma_wait3A_152, %dma_wait3A_153] : memref<17448x768xf32, #tpu.memory_space<hbm>> -> memref<17448x768xf32, #tpu.memory_space<hbm>>
    tpu.wait_indirect_dma semaphore(%arg11 : memref<!tpu.dma_semaphore, #tpu.memory_space<semaphore_mem>>) src(%arg7 : memref<64x768xf32, #tpu.memory_space<vmem>>) dst(%dma_wait3A_154 : memref<17448x768xf32, #tpu.memory_space<hbm>>)
    %add3A_155 = arith.constant 448 : i32
    %add3A_156 = arith.addi %mul3A_2, %add3A_155 : i32
    %dma_start3A_157 = arith.constant 0 : i32
    %dma_start3A_158 = tpu.memref_slice %arg2[%add3A_156, %dma_start3A_157] : memref<24576x768xf32, #tpu.memory_space<hbm>> -> memref<64x768xf32, #tpu.memory_space<hbm>>
    %dma_start3A_159 = arith.constant 0 : i32
    %dma_start3A_160 = tpu.memref_slice %arg2[%add3A_156, %dma_start3A_159] : memref<24576x768xf32, #tpu.memory_space<hbm>> -> memref<64x768xf32, #tpu.memory_space<hbm>>
    tpu.enqueue_dma source(%dma_start3A_160 : memref<64x768xf32, #tpu.memory_space<hbm>>) target(%arg7 : memref<64x768xf32, #tpu.memory_space<vmem>>) target_semaphore(%arg9 : memref<!tpu.dma_semaphore, #tpu.memory_space<semaphore_mem>>)
    %dma_start3A_161 = arith.constant 6 : i32
    %dma_start3A_162 = arith.constant 0 : i32
    %dma_start3A_163 = tpu.memref_slice %arg5[%dma_start3A_161, %dma_start3A_162] : memref<12x64xi32, #tpu.memory_space<vmem>> -> memref<1x64xi32, #tpu.memory_space<vmem>>
    %dma_start3A_164 = tpu.memref_squeeze %dma_start3A_163 : memref<1x64xi32, #tpu.memory_space<vmem>> -> memref<64xi32, #tpu.memory_space<vmem>>
    %dma_start3A_165 = arith.constant 0 : i32
    %dma_start3A_166 = arith.constant 0 : i32
    %dma_start3A_167 = tpu.memref_slice %arg4[%dma_start3A_165, %dma_start3A_166] : memref<17448x768xf32, #tpu.memory_space<hbm>> -> memref<17448x768xf32, #tpu.memory_space<hbm>>
    tpu.enqueue_indirect_dma source(%arg6 : memref<64x768xf32, #tpu.memory_space<vmem>>) target(%dma_start3A_167 : memref<17448x768xf32, #tpu.memory_space<hbm>>) offsets(%dma_start3A_164 : memref<64xi32, #tpu.memory_space<vmem>>) semaphore(%arg10 : memref<!tpu.dma_semaphore, #tpu.memory_space<semaphore_mem>>)
    %dma_wait3A_168 = arith.constant 0 : i32
    %dma_wait3A_169 = tpu.memref_slice %arg2[%add3A_156, %dma_wait3A_168] : memref<24576x768xf32, #tpu.memory_space<hbm>> -> memref<64x768xf32, #tpu.memory_space<hbm>>
    %dma_wait3A_170 = arith.constant 0 : i32
    %dma_wait3A_171 = tpu.memref_slice %arg2[%add3A_156, %dma_wait3A_170] : memref<24576x768xf32, #tpu.memory_space<hbm>> -> memref<64x768xf32, #tpu.memory_space<hbm>>
    tpu.wait_dma2 semaphore(%arg9 : memref<!tpu.dma_semaphore, #tpu.memory_space<semaphore_mem>>) src(%dma_wait3A_171 : memref<64x768xf32, #tpu.memory_space<hbm>>) dst(%arg7 : memref<64x768xf32, #tpu.memory_space<vmem>>)
    %dma_wait3A_172 = arith.constant 6 : i32
    %dma_wait3A_173 = arith.constant 0 : i32
    %dma_wait3A_174 = tpu.memref_slice %arg5[%dma_wait3A_172, %dma_wait3A_173] : memref<12x64xi32, #tpu.memory_space<vmem>> -> memref<1x64xi32, #tpu.memory_space<vmem>>
    %dma_wait3A_175 = tpu.memref_squeeze %dma_wait3A_174 : memref<1x64xi32, #tpu.memory_space<vmem>> -> memref<64xi32, #tpu.memory_space<vmem>>
    %dma_wait3A_176 = arith.constant 0 : i32
    %dma_wait3A_177 = arith.constant 0 : i32
    %dma_wait3A_178 = tpu.memref_slice %arg4[%dma_wait3A_176, %dma_wait3A_177] : memref<17448x768xf32, #tpu.memory_space<hbm>> -> memref<17448x768xf32, #tpu.memory_space<hbm>>
    tpu.wait_indirect_dma semaphore(%arg10 : memref<!tpu.dma_semaphore, #tpu.memory_space<semaphore_mem>>) src(%arg6 : memref<64x768xf32, #tpu.memory_space<vmem>>) dst(%dma_wait3A_178 : memref<17448x768xf32, #tpu.memory_space<hbm>>)
    %add3A_179 = arith.constant 512 : i32
    %add3A_180 = arith.addi %mul3A_2, %add3A_179 : i32
    %dma_start3A_181 = arith.constant 0 : i32
    %dma_start3A_182 = tpu.memref_slice %arg2[%add3A_180, %dma_start3A_181] : memref<24576x768xf32, #tpu.memory_space<hbm>> -> memref<64x768xf32, #tpu.memory_space<hbm>>
    %dma_start3A_183 = arith.constant 0 : i32
    %dma_start3A_184 = tpu.memref_slice %arg2[%add3A_180, %dma_start3A_183] : memref<24576x768xf32, #tpu.memory_space<hbm>> -> memref<64x768xf32, #tpu.memory_space<hbm>>
    tpu.enqueue_dma source(%dma_start3A_184 : memref<64x768xf32, #tpu.memory_space<hbm>>) target(%arg6 : memref<64x768xf32, #tpu.memory_space<vmem>>) target_semaphore(%arg8 : memref<!tpu.dma_semaphore, #tpu.memory_space<semaphore_mem>>)
    %dma_start3A_185 = arith.constant 7 : i32
    %dma_start3A_186 = arith.constant 0 : i32
    %dma_start3A_187 = tpu.memref_slice %arg5[%dma_start3A_185, %dma_start3A_186] : memref<12x64xi32, #tpu.memory_space<vmem>> -> memref<1x64xi32, #tpu.memory_space<vmem>>
    %dma_start3A_188 = tpu.memref_squeeze %dma_start3A_187 : memref<1x64xi32, #tpu.memory_space<vmem>> -> memref<64xi32, #tpu.memory_space<vmem>>
    %dma_start3A_189 = arith.constant 0 : i32
    %dma_start3A_190 = arith.constant 0 : i32
    %dma_start3A_191 = tpu.memref_slice %arg4[%dma_start3A_189, %dma_start3A_190] : memref<17448x768xf32, #tpu.memory_space<hbm>> -> memref<17448x768xf32, #tpu.memory_space<hbm>>
    tpu.enqueue_indirect_dma source(%arg7 : memref<64x768xf32, #tpu.memory_space<vmem>>) target(%dma_start3A_191 : memref<17448x768xf32, #tpu.memory_space<hbm>>) offsets(%dma_start3A_188 : memref<64xi32, #tpu.memory_space<vmem>>) semaphore(%arg11 : memref<!tpu.dma_semaphore, #tpu.memory_space<semaphore_mem>>)
    %dma_wait3A_192 = arith.constant 0 : i32
    %dma_wait3A_193 = tpu.memref_slice %arg2[%add3A_180, %dma_wait3A_192] : memref<24576x768xf32, #tpu.memory_space<hbm>> -> memref<64x768xf32, #tpu.memory_space<hbm>>
    %dma_wait3A_194 = arith.constant 0 : i32
    %dma_wait3A_195 = tpu.memref_slice %arg2[%add3A_180, %dma_wait3A_194] : memref<24576x768xf32, #tpu.memory_space<hbm>> -> memref<64x768xf32, #tpu.memory_space<hbm>>
    tpu.wait_dma2 semaphore(%arg8 : memref<!tpu.dma_semaphore, #tpu.memory_space<semaphore_mem>>) src(%dma_wait3A_195 : memref<64x768xf32, #tpu.memory_space<hbm>>) dst(%arg6 : memref<64x768xf32, #tpu.memory_space<vmem>>)
    %dma_wait3A_196 = arith.constant 7 : i32
    %dma_wait3A_197 = arith.constant 0 : i32
    %dma_wait3A_198 = tpu.memref_slice %arg5[%dma_wait3A_196, %dma_wait3A_197] : memref<12x64xi32, #tpu.memory_space<vmem>> -> memref<1x64xi32, #tpu.memory_space<vmem>>
    %dma_wait3A_199 = tpu.memref_squeeze %dma_wait3A_198 : memref<1x64xi32, #tpu.memory_space<vmem>> -> memref<64xi32, #tpu.memory_space<vmem>>
    %dma_wait3A_200 = arith.constant 0 : i32
    %dma_wait3A_201 = arith.constant 0 : i32
    %dma_wait3A_202 = tpu.memref_slice %arg4[%dma_wait3A_200, %dma_wait3A_201] : memref<17448x768xf32, #tpu.memory_space<hbm>> -> memref<17448x768xf32, #tpu.memory_space<hbm>>
    tpu.wait_indirect_dma semaphore(%arg11 : memref<!tpu.dma_semaphore, #tpu.memory_space<semaphore_mem>>) src(%arg7 : memref<64x768xf32, #tpu.memory_space<vmem>>) dst(%dma_wait3A_202 : memref<17448x768xf32, #tpu.memory_space<hbm>>)
    %add3A_203 = arith.constant 576 : i32
    %add3A_204 = arith.addi %mul3A_2, %add3A_203 : i32
    %dma_start3A_205 = arith.constant 0 : i32
    %dma_start3A_206 = tpu.memref_slice %arg2[%add3A_204, %dma_start3A_205] : memref<24576x768xf32, #tpu.memory_space<hbm>> -> memref<64x768xf32, #tpu.memory_space<hbm>>
    %dma_start3A_207 = arith.constant 0 : i32
    %dma_start3A_208 = tpu.memref_slice %arg2[%add3A_204, %dma_start3A_207] : memref<24576x768xf32, #tpu.memory_space<hbm>> -> memref<64x768xf32, #tpu.memory_space<hbm>>
    tpu.enqueue_dma source(%dma_start3A_208 : memref<64x768xf32, #tpu.memory_space<hbm>>) target(%arg7 : memref<64x768xf32, #tpu.memory_space<vmem>>) target_semaphore(%arg9 : memref<!tpu.dma_semaphore, #tpu.memory_space<semaphore_mem>>)
    %dma_start3A_209 = arith.constant 8 : i32
    %dma_start3A_210 = arith.constant 0 : i32
    %dma_start3A_211 = tpu.memref_slice %arg5[%dma_start3A_209, %dma_start3A_210] : memref<12x64xi32, #tpu.memory_space<vmem>> -> memref<1x64xi32, #tpu.memory_space<vmem>>
    %dma_start3A_212 = tpu.memref_squeeze %dma_start3A_211 : memref<1x64xi32, #tpu.memory_space<vmem>> -> memref<64xi32, #tpu.memory_space<vmem>>
    %dma_start3A_213 = arith.constant 0 : i32
    %dma_start3A_214 = arith.constant 0 : i32
    %dma_start3A_215 = tpu.memref_slice %arg4[%dma_start3A_213, %dma_start3A_214] : memref<17448x768xf32, #tpu.memory_space<hbm>> -> memref<17448x768xf32, #tpu.memory_space<hbm>>
    tpu.enqueue_indirect_dma source(%arg6 : memref<64x768xf32, #tpu.memory_space<vmem>>) target(%dma_start3A_215 : memref<17448x768xf32, #tpu.memory_space<hbm>>) offsets(%dma_start3A_212 : memref<64xi32, #tpu.memory_space<vmem>>) semaphore(%arg10 : memref<!tpu.dma_semaphore, #tpu.memory_space<semaphore_mem>>)
    %dma_wait3A_216 = arith.constant 0 : i32
    %dma_wait3A_217 = tpu.memref_slice %arg2[%add3A_204, %dma_wait3A_216] : memref<24576x768xf32, #tpu.memory_space<hbm>> -> memref<64x768xf32, #tpu.memory_space<hbm>>
    %dma_wait3A_218 = arith.constant 0 : i32
    %dma_wait3A_219 = tpu.memref_slice %arg2[%add3A_204, %dma_wait3A_218] : memref<24576x768xf32, #tpu.memory_space<hbm>> -> memref<64x768xf32, #tpu.memory_space<hbm>>
    tpu.wait_dma2 semaphore(%arg9 : memref<!tpu.dma_semaphore, #tpu.memory_space<semaphore_mem>>) src(%dma_wait3A_219 : memref<64x768xf32, #tpu.memory_space<hbm>>) dst(%arg7 : memref<64x768xf32, #tpu.memory_space<vmem>>)
    %dma_wait3A_220 = arith.constant 8 : i32
    %dma_wait3A_221 = arith.constant 0 : i32
    %dma_wait3A_222 = tpu.memref_slice %arg5[%dma_wait3A_220, %dma_wait3A_221] : memref<12x64xi32, #tpu.memory_space<vmem>> -> memref<1x64xi32, #tpu.memory_space<vmem>>
    %dma_wait3A_223 = tpu.memref_squeeze %dma_wait3A_222 : memref<1x64xi32, #tpu.memory_space<vmem>> -> memref<64xi32, #tpu.memory_space<vmem>>
    %dma_wait3A_224 = arith.constant 0 : i32
    %dma_wait3A_225 = arith.constant 0 : i32
    %dma_wait3A_226 = tpu.memref_slice %arg4[%dma_wait3A_224, %dma_wait3A_225] : memref<17448x768xf32, #tpu.memory_space<hbm>> -> memref<17448x768xf32, #tpu.memory_space<hbm>>
    tpu.wait_indirect_dma semaphore(%arg10 : memref<!tpu.dma_semaphore, #tpu.memory_space<semaphore_mem>>) src(%arg6 : memref<64x768xf32, #tpu.memory_space<vmem>>) dst(%dma_wait3A_226 : memref<17448x768xf32, #tpu.memory_space<hbm>>)
    %add3A_227 = arith.constant 640 : i32
    %add3A_228 = arith.addi %mul3A_2, %add3A_227 : i32
    %dma_start3A_229 = arith.constant 0 : i32
    %dma_start3A_230 = tpu.memref_slice %arg2[%add3A_228, %dma_start3A_229] : memref<24576x768xf32, #tpu.memory_space<hbm>> -> memref<64x768xf32, #tpu.memory_space<hbm>>
    %dma_start3A_231 = arith.constant 0 : i32
    %dma_start3A_232 = tpu.memref_slice %arg2[%add3A_228, %dma_start3A_231] : memref<24576x768xf32, #tpu.memory_space<hbm>> -> memref<64x768xf32, #tpu.memory_space<hbm>>
    tpu.enqueue_dma source(%dma_start3A_232 : memref<64x768xf32, #tpu.memory_space<hbm>>) target(%arg6 : memref<64x768xf32, #tpu.memory_space<vmem>>) target_semaphore(%arg8 : memref<!tpu.dma_semaphore, #tpu.memory_space<semaphore_mem>>)
    %dma_start3A_233 = arith.constant 9 : i32
    %dma_start3A_234 = arith.constant 0 : i32
    %dma_start3A_235 = tpu.memref_slice %arg5[%dma_start3A_233, %dma_start3A_234] : memref<12x64xi32, #tpu.memory_space<vmem>> -> memref<1x64xi32, #tpu.memory_space<vmem>>
    %dma_start3A_236 = tpu.memref_squeeze %dma_start3A_235 : memref<1x64xi32, #tpu.memory_space<vmem>> -> memref<64xi32, #tpu.memory_space<vmem>>
    %dma_start3A_237 = arith.constant 0 : i32
    %dma_start3A_238 = arith.constant 0 : i32
    %dma_start3A_239 = tpu.memref_slice %arg4[%dma_start3A_237, %dma_start3A_238] : memref<17448x768xf32, #tpu.memory_space<hbm>> -> memref<17448x768xf32, #tpu.memory_space<hbm>>
    tpu.enqueue_indirect_dma source(%arg7 : memref<64x768xf32, #tpu.memory_space<vmem>>) target(%dma_start3A_239 : memref<17448x768xf32, #tpu.memory_space<hbm>>) offsets(%dma_start3A_236 : memref<64xi32, #tpu.memory_space<vmem>>) semaphore(%arg11 : memref<!tpu.dma_semaphore, #tpu.memory_space<semaphore_mem>>)
    %dma_wait3A_240 = arith.constant 0 : i32
    %dma_wait3A_241 = tpu.memref_slice %arg2[%add3A_228, %dma_wait3A_240] : memref<24576x768xf32, #tpu.memory_space<hbm>> -> memref<64x768xf32, #tpu.memory_space<hbm>>
    %dma_wait3A_242 = arith.constant 0 : i32
    %dma_wait3A_243 = tpu.memref_slice %arg2[%add3A_228, %dma_wait3A_242] : memref<24576x768xf32, #tpu.memory_space<hbm>> -> memref<64x768xf32, #tpu.memory_space<hbm>>
    tpu.wait_dma2 semaphore(%arg8 : memref<!tpu.dma_semaphore, #tpu.memory_space<semaphore_mem>>) src(%dma_wait3A_243 : memref<64x768xf32, #tpu.memory_space<hbm>>) dst(%arg6 : memref<64x768xf32, #tpu.memory_space<vmem>>)
    %dma_wait3A_244 = arith.constant 9 : i32
    %dma_wait3A_245 = arith.constant 0 : i32
    %dma_wait3A_246 = tpu.memref_slice %arg5[%dma_wait3A_244, %dma_wait3A_245] : memref<12x64xi32, #tpu.memory_space<vmem>> -> memref<1x64xi32, #tpu.memory_space<vmem>>
    %dma_wait3A_247 = tpu.memref_squeeze %dma_wait3A_246 : memref<1x64xi32, #tpu.memory_space<vmem>> -> memref<64xi32, #tpu.memory_space<vmem>>
    %dma_wait3A_248 = arith.constant 0 : i32
    %dma_wait3A_249 = arith.constant 0 : i32
    %dma_wait3A_250 = tpu.memref_slice %arg4[%dma_wait3A_248, %dma_wait3A_249] : memref<17448x768xf32, #tpu.memory_space<hbm>> -> memref<17448x768xf32, #tpu.memory_space<hbm>>
    tpu.wait_indirect_dma semaphore(%arg11 : memref<!tpu.dma_semaphore, #tpu.memory_space<semaphore_mem>>) src(%arg7 : memref<64x768xf32, #tpu.memory_space<vmem>>) dst(%dma_wait3A_250 : memref<17448x768xf32, #tpu.memory_space<hbm>>)
    %add3A_251 = arith.constant 704 : i32
    %add3A_252 = arith.addi %mul3A_2, %add3A_251 : i32
    %dma_start3A_253 = arith.constant 0 : i32
    %dma_start3A_254 = tpu.memref_slice %arg2[%add3A_252, %dma_start3A_253] : memref<24576x768xf32, #tpu.memory_space<hbm>> -> memref<64x768xf32, #tpu.memory_space<hbm>>
    %dma_start3A_255 = arith.constant 0 : i32
    %dma_start3A_256 = tpu.memref_slice %arg2[%add3A_252, %dma_start3A_255] : memref<24576x768xf32, #tpu.memory_space<hbm>> -> memref<64x768xf32, #tpu.memory_space<hbm>>
    tpu.enqueue_dma source(%dma_start3A_256 : memref<64x768xf32, #tpu.memory_space<hbm>>) target(%arg7 : memref<64x768xf32, #tpu.memory_space<vmem>>) target_semaphore(%arg9 : memref<!tpu.dma_semaphore, #tpu.memory_space<semaphore_mem>>)
    %dma_start3A_257 = arith.constant 10 : i32
    %dma_start3A_258 = arith.constant 0 : i32
    %dma_start3A_259 = tpu.memref_slice %arg5[%dma_start3A_257, %dma_start3A_258] : memref<12x64xi32, #tpu.memory_space<vmem>> -> memref<1x64xi32, #tpu.memory_space<vmem>>
    %dma_start3A_260 = tpu.memref_squeeze %dma_start3A_259 : memref<1x64xi32, #tpu.memory_space<vmem>> -> memref<64xi32, #tpu.memory_space<vmem>>
    %dma_start3A_261 = arith.constant 0 : i32
    %dma_start3A_262 = arith.constant 0 : i32
    %dma_start3A_263 = tpu.memref_slice %arg4[%dma_start3A_261, %dma_start3A_262] : memref<17448x768xf32, #tpu.memory_space<hbm>> -> memref<17448x768xf32, #tpu.memory_space<hbm>>
    tpu.enqueue_indirect_dma source(%arg6 : memref<64x768xf32, #tpu.memory_space<vmem>>) target(%dma_start3A_263 : memref<17448x768xf32, #tpu.memory_space<hbm>>) offsets(%dma_start3A_260 : memref<64xi32, #tpu.memory_space<vmem>>) semaphore(%arg10 : memref<!tpu.dma_semaphore, #tpu.memory_space<semaphore_mem>>)
    %dma_wait3A_264 = arith.constant 0 : i32
    %dma_wait3A_265 = tpu.memref_slice %arg2[%add3A_252, %dma_wait3A_264] : memref<24576x768xf32, #tpu.memory_space<hbm>> -> memref<64x768xf32, #tpu.memory_space<hbm>>
    %dma_wait3A_266 = arith.constant 0 : i32
    %dma_wait3A_267 = tpu.memref_slice %arg2[%add3A_252, %dma_wait3A_266] : memref<24576x768xf32, #tpu.memory_space<hbm>> -> memref<64x768xf32, #tpu.memory_space<hbm>>
    tpu.wait_dma2 semaphore(%arg9 : memref<!tpu.dma_semaphore, #tpu.memory_space<semaphore_mem>>) src(%dma_wait3A_267 : memref<64x768xf32, #tpu.memory_space<hbm>>) dst(%arg7 : memref<64x768xf32, #tpu.memory_space<vmem>>)
    %dma_start3A_268 = arith.constant 11 : i32
    %dma_start3A_269 = arith.constant 0 : i32
    %dma_start3A_270 = tpu.memref_slice %arg5[%dma_start3A_268, %dma_start3A_269] : memref<12x64xi32, #tpu.memory_space<vmem>> -> memref<1x64xi32, #tpu.memory_space<vmem>>
    %dma_start3A_271 = tpu.memref_squeeze %dma_start3A_270 : memref<1x64xi32, #tpu.memory_space<vmem>> -> memref<64xi32, #tpu.memory_space<vmem>>
    %dma_start3A_272 = arith.constant 0 : i32
    %dma_start3A_273 = arith.constant 0 : i32
    %dma_start3A_274 = tpu.memref_slice %arg4[%dma_start3A_272, %dma_start3A_273] : memref<17448x768xf32, #tpu.memory_space<hbm>> -> memref<17448x768xf32, #tpu.memory_space<hbm>>
    tpu.enqueue_indirect_dma source(%arg7 : memref<64x768xf32, #tpu.memory_space<vmem>>) target(%dma_start3A_274 : memref<17448x768xf32, #tpu.memory_space<hbm>>) offsets(%dma_start3A_271 : memref<64xi32, #tpu.memory_space<vmem>>) semaphore(%arg11 : memref<!tpu.dma_semaphore, #tpu.memory_space<semaphore_mem>>)
    %dma_wait3A_275 = arith.constant 10 : i32
    %dma_wait3A_276 = arith.constant 0 : i32
    %dma_wait3A_277 = tpu.memref_slice %arg5[%dma_wait3A_275, %dma_wait3A_276] : memref<12x64xi32, #tpu.memory_space<vmem>> -> memref<1x64xi32, #tpu.memory_space<vmem>>
    %dma_wait3A_278 = tpu.memref_squeeze %dma_wait3A_277 : memref<1x64xi32, #tpu.memory_space<vmem>> -> memref<64xi32, #tpu.memory_space<vmem>>
    %dma_wait3A_279 = arith.constant 0 : i32
    %dma_wait3A_280 = arith.constant 0 : i32
    %dma_wait3A_281 = tpu.memref_slice %arg4[%dma_wait3A_279, %dma_wait3A_280] : memref<17448x768xf32, #tpu.memory_space<hbm>> -> memref<17448x768xf32, #tpu.memory_space<hbm>>
    tpu.wait_indirect_dma semaphore(%arg10 : memref<!tpu.dma_semaphore, #tpu.memory_space<semaphore_mem>>) src(%arg6 : memref<64x768xf32, #tpu.memory_space<vmem>>) dst(%dma_wait3A_281 : memref<17448x768xf32, #tpu.memory_space<hbm>>)
    %dma_wait3A_282 = arith.constant 11 : i32
    %dma_wait3A_283 = arith.constant 0 : i32
    %dma_wait3A_284 = tpu.memref_slice %arg5[%dma_wait3A_282, %dma_wait3A_283] : memref<12x64xi32, #tpu.memory_space<vmem>> -> memref<1x64xi32, #tpu.memory_space<vmem>>
    %dma_wait3A_285 = tpu.memref_squeeze %dma_wait3A_284 : memref<1x64xi32, #tpu.memory_space<vmem>> -> memref<64xi32, #tpu.memory_space<vmem>>
    %dma_wait3A_286 = arith.constant 0 : i32
    %dma_wait3A_287 = arith.constant 0 : i32
    %dma_wait3A_288 = tpu.memref_slice %arg4[%dma_wait3A_286, %dma_wait3A_287] : memref<17448x768xf32, #tpu.memory_space<hbm>> -> memref<17448x768xf32, #tpu.memory_space<hbm>>
    tpu.wait_indirect_dma semaphore(%arg11 : memref<!tpu.dma_semaphore, #tpu.memory_space<semaphore_mem>>) src(%arg7 : memref<64x768xf32, #tpu.memory_space<vmem>>) dst(%dma_wait3A_288 : memref<17448x768xf32, #tpu.memory_space<hbm>>)
    return
  }
}

module attributes {stable_mosaic.version = 14 : i64} {
  func.func @_score_body(%arg0: i32, %arg1: memref<1664x768xf32, #tpu.memory_space<vmem>>, %arg2: memref<17x32x768xf32, #tpu.memory_space<vmem>>, %arg3: memref<1x52x32xf32, #tpu.memory_space<vmem>>) attributes {dimension_semantics = [#tpu.dimension_semantics<arbitrary>], iteration_bounds = array<i64: 13>, scalar_prefetch = 0 : i64, scratch_operands = 0 : i64, tpu.core_type = #tpu.core_type<tc>, window_params = [{transform_indices = @transform_0, window_bounds = array<i64: 1664, 768>}, {pipeline_mode = #tpu.pipeline_mode<synchronous>, transform_indices = @transform_1, window_bounds = array<i64: 17, 32, 768>}, {transform_indices = @transform_2, window_bounds = array<i64: 1, 52, 32>}]} {
    %get3A = arith.constant 0 : index
    %get3A_0 = arith.constant 0 : index
    %get3A_1 = arith.constant 0 : index
    %get3A_2 = vector.load %arg2[%get3A, %get3A_0, %get3A_1] : memref<17x32x768xf32, #tpu.memory_space<vmem>>, vector<17x32x768xf32>
    %reduce_sum3A = arith.constant dense<0.000000e+00> : vector<32x768xf32>
    %reduce_sum3A_3 = vector.multi_reduction <add>, %get3A_2, %reduce_sum3A [0] : vector<17x32x768xf32> to vector<32x768xf32>
    %get3A_4 = arith.constant 0 : index
    %get3A_5 = arith.constant 0 : index
    %get3A_6 = vector.load %arg1[%get3A_4, %get3A_5] : memref<1664x768xf32, #tpu.memory_space<vmem>>, vector<1664x768xf32>
    %dot_general3A = arith.constant dense<0.000000e+00> : vector<1664x32xf32>
    %dot_general3A_7 = tpu.matmul %get3A_6, %reduce_sum3A_3, %dot_general3A {dimension_numbers = #tpu.dot_dimension_numbers<[1], [1], [0], [0], [0, 0, 1, 0], [], []>, transpose_lhs_hint = false} : vector<1664x768xf32>, vector<32x768xf32>, vector<1664x32xf32> -> vector<1664x32xf32>
    %reshape3A = vector.shape_cast %dot_general3A_7 : vector<1664x32xf32> to vector<52x32x32xf32>
    %mul3A = arith.constant 0.0588235296 : f32
    %mul3A_8 = vector.broadcast %mul3A : f32 to vector<52x32x32xf32>
    %mul3A_9 = arith.mulf %reshape3A, %mul3A_8 : vector<52x32x32xf32>
    %iota3A = tpu.iota {dimensions = array<i32: 0>} : vector<32x32xi32>
    %iota3A_10 = tpu.iota {dimensions = array<i32: 1>} : vector<32x32xi32>
    %eq3A = arith.cmpi eq, %iota3A, %iota3A_10 : vector<32x32xi32>
    %convert_element_type3A = arith.extui %eq3A : vector<32x32xi1> to vector<32x32xi32>
    %convert_element_type3A_11 = arith.sitofp %convert_element_type3A : vector<32x32xi32> to vector<32x32xf32>
    %broadcast_in_dim3A = vector.shape_cast %convert_element_type3A_11 : vector<32x32xf32> to vector<1x32x32xf32>
    %mul3A_12 = vector.broadcast %broadcast_in_dim3A : vector<1x32x32xf32> to vector<52x32x32xf32>
    %mul3A_13 = arith.mulf %mul3A_9, %mul3A_12 : vector<52x32x32xf32>
    %reduce_sum3A_14 = arith.constant dense<0.000000e+00> : vector<52x32xf32>
    %reduce_sum3A_15 = vector.multi_reduction <add>, %mul3A_13, %reduce_sum3A_14 [2] : vector<52x32x32xf32> to vector<52x32xf32>
    %reshape3A_16 = vector.shape_cast %reduce_sum3A_15 : vector<52x32xf32> to vector<1x52x32xf32>
    %swap3A = arith.constant 0 : index
    %swap3A_17 = arith.constant 0 : index
    %swap3A_18 = arith.constant 0 : index
    %swap3A_19 = vector.load %arg3[%swap3A, %swap3A_17, %swap3A_18] : memref<1x52x32xf32, #tpu.memory_space<vmem>>, vector<1x52x32xf32>
    tpu.vector_store %arg3[%swap3A, %swap3A_17, %swap3A_18], %reshape3A_16 {strides = array<i32>} : memref<1x52x32xf32, #tpu.memory_space<vmem>>, vector<1x52x32xf32>,
    return
  }
  func.func @transform_0(%arg0: i32) -> (i32, i32) {
    %c0_i32 = arith.constant 0 : i32
    %c0_i32_0 = arith.constant 0 : i32
    return %arg0, %c0_i32 : i32, i32
  }
  func.func @transform_1(%arg0: i32) -> (i32, i32, i32) {
    %c0_i32 = arith.constant 0 : i32
    %c0_i32_0 = arith.constant 0 : i32
    %c0_i32_1 = arith.constant 0 : i32
    %c0_i32_2 = arith.constant 0 : i32
    return %c0_i32, %c0_i32_0, %c0_i32_1 : i32, i32, i32
  }
  func.func @transform_2(%arg0: i32) -> (i32, i32, i32) {
    %c0_i32 = arith.constant 0 : i32
    %c0_i32_0 = arith.constant 0 : i32
    %c0_i32_1 = arith.constant 0 : i32
    return %arg0, %c0_i32, %c0_i32_0 : i32, i32, i32
  }
}

module attributes {stable_mosaic.version = 14 : i64} {
  func.func @_select_body(%arg0: memref<676x32xf32, #tpu.memory_space<vmem>>, %arg1: memref<677x32xi32, #tpu.memory_space<vmem>>, %arg2: memref<677x32xi32, #tpu.memory_space<vmem>>, %arg3: memref<676x32x32xf32, #tpu.memory_space<vmem>>) attributes {dimension_semantics = [], scalar_prefetch = 0 : i64, scratch_operands = 0 : i64, tpu.core_type = #tpu.core_type<tc>} {
    %get3A = arith.constant 0 : index
    %get3A_0 = arith.constant 0 : index
    %get3A_1 = vector.load %arg0[%get3A, %get3A_0] : memref<676x32xf32, #tpu.memory_space<vmem>>, vector<676x32xf32>
    %transpose3A = tpu.transpose %get3A_1, [1, 0] : vector<676x32xf32> -> vector<32x676xf32>
    %add3A = arith.constant 0.000000e+00 : f32
    %add3A_2 = vector.broadcast %add3A : f32 to vector<32x676xf32>
    %add3A_3 = arith.addf %transpose3A, %add3A_2 : vector<32x676xf32>
    %iota3A = tpu.iota {dimensions = array<i32: 1>} : vector<32x676xi32>
    %lt3A = arith.constant 676 : i32
    %lt3A_4 = vector.broadcast %lt3A : i32 to vector<32x676xi32>
    %lt3A_5 = arith.cmpi slt, %iota3A, %lt3A_4 : vector<32x676xi32>
    %convert_element_type3A = arith.extui %lt3A_5 : vector<32x676xi1> to vector<32x676xi32>
    %bitcast_convert_type3A = tpu.bitcast %add3A_3 : vector<32x676xf32> -> vector<32x676xi32>
    %ge3A = arith.constant 0 : i32
    %ge3A_6 = vector.broadcast %ge3A : i32 to vector<32x676xi32>
    %ge3A_7 = arith.cmpi sge, %bitcast_convert_type3A, %ge3A_6 : vector<32x676xi32>
    %xor3A = arith.constant 2147483647 : i32
    %xor3A_8 = vector.broadcast %xor3A : i32 to vector<32x676xi32>
    %xor3A_9 = arith.xori %bitcast_convert_type3A, %xor3A_8 : vector<32x676xi32>
    %select_n3A = arith.select %ge3A_7, %bitcast_convert_type3A, %xor3A_9 : vector<32x676xi1>, vector<32x676xi32>
    %xor3A_10 = arith.constant -2147483648 : i32
    %xor3A_11 = vector.broadcast %xor3A_10 : i32 to vector<32x676xi32>
    %xor3A_12 = arith.xori %select_n3A, %xor3A_11 : vector<32x676xi32>
    %broadcast_in_dim3A = arith.constant 0 : i32
    %broadcast_in_dim3A_13 = vector.broadcast %broadcast_in_dim3A : i32 to vector<32x676xi32>
    %broadcast_in_dim3A_14 = arith.constant 540 : i32
    %broadcast_in_dim3A_15 = vector.broadcast %broadcast_in_dim3A_14 : i32 to vector<32x1xi32>
    %scan3A = arith.constant 0 : i32
    %scan3A_16 = arith.constant 32 : i32
    %scan3A_17 = arith.addi %scan3A, %scan3A_16 : i32
    %scan3A_18 = arith.constant 1 : i32
    %scan3A_19:3 = scf.for %scan3A_1209 = %scan3A to %scan3A_17 step %scan3A_18 iter_args(%scan3A_1210 = %broadcast_in_dim3A_13, %scan3A_1211 = %convert_element_type3A, %scan3A_1212 = %broadcast_in_dim3A_15) -> (vector<32x676xi32>, vector<32x676xi32>, vector<32x1xi32>)  : i32 {
      %sub3A_1213 = arith.constant 31 : i32
      %sub3A_1214 = arith.subi %sub3A_1213, %scan3A_1209 : i32
      %shift_right_logical3A_1215 = vector.broadcast %sub3A_1214 : i32 to vector<32x676xi32>
      %shift_right_logical3A_1216 = arith.shrui %xor3A_12, %shift_right_logical3A_1215 : vector<32x676xi32>
      %and3A_1217 = arith.constant 1 : i32
      %and3A_1218 = vector.broadcast %and3A_1217 : i32 to vector<32x676xi32>
      %and3A_1219 = arith.andi %shift_right_logical3A_1216, %and3A_1218 : vector<32x676xi32>
      %mul3A_1220 = arith.muli %scan3A_1211, %and3A_1219 : vector<32x676xi32>
      %reduce_sum3A_1221 = arith.constant dense<0> : vector<32xi32>
      %reduce_sum3A_1222 = vector.multi_reduction <add>, %mul3A_1220, %reduce_sum3A_1221 [1] : vector<32x676xi32> to vector<32xi32>
      %broadcast_in_dim3A_1223 = vector.shape_cast %reduce_sum3A_1222 : vector<32xi32> to vector<32x1xi32>
      %ge3A_1224 = arith.cmpi sge, %broadcast_in_dim3A_1223, %scan3A_1212 : vector<32x1xi32>
      %mul3A_1225 = arith.muli %scan3A_1211, %and3A_1219 : vector<32x676xi32>
      %jit3A_1226 = arith.constant 0 : i32
      %broadcast_in_dim3A_1227 = vector.shape_cast %ge3A_1224 : vector<32x1xi1> to vector<32x1xi1>
      %broadcast_in_dim3A_1228 = vector.broadcast %broadcast_in_dim3A_1227 : vector<32x1xi1> to vector<32x676xi1>
      %broadcast_in_dim3A_1229 = vector.broadcast %jit3A_1226 : i32 to vector<32x676xi32>
      %select_n3A_1230 = arith.select %broadcast_in_dim3A_1228, %broadcast_in_dim3A_1229, %mul3A_1225 : vector<32x676xi1>, vector<32x676xi32>
      %or3A_1231 = arith.ori %scan3A_1210, %select_n3A_1230 : vector<32x676xi32>
      %mul3A_1232 = arith.muli %scan3A_1211, %and3A_1219 : vector<32x676xi32>
      %sub3A_1233 = arith.constant 1 : i32
      %sub3A_1234 = vector.broadcast %sub3A_1233 : i32 to vector<32x676xi32>
      %sub3A_1235 = arith.subi %sub3A_1234, %and3A_1219 : vector<32x676xi32>
      %mul3A_1236 = arith.muli %scan3A_1211, %sub3A_1235 : vector<32x676xi32>
      %broadcast_in_dim3A_1237 = vector.shape_cast %ge3A_1224 : vector<32x1xi1> to vector<32x1xi1>
      %broadcast_in_dim3A_1238 = vector.broadcast %broadcast_in_dim3A_1237 : vector<32x1xi1> to vector<32x676xi1>
      %select_n3A_1239 = arith.select %broadcast_in_dim3A_1238, %mul3A_1232, %mul3A_1236 : vector<32x676xi1>, vector<32x676xi32>
      %jit3A_1240 = arith.constant 0 : i32
      %broadcast_in_dim3A_1241 = vector.broadcast %jit3A_1240 : i32 to vector<32x1xi32>
      %select_n3A_1242 = arith.select %ge3A_1224, %broadcast_in_dim3A_1241, %broadcast_in_dim3A_1223 : vector<32x1xi1>, vector<32x1xi32>
      %sub3A_1243 = arith.subi %scan3A_1212, %select_n3A_1242 : vector<32x1xi32>
      scf.yield %or3A_1231, %select_n3A_1239, %sub3A_1243 : vector<32x676xi32>, vector<32x676xi32>, vector<32x1xi32>
    }
    %scan3A_20 = arith.constant 32 : i32
    %iota3A_21 = tpu.iota {dimensions = array<i32: 0>} : vector<676x676xi32>
    %iota3A_22 = tpu.iota {dimensions = array<i32: 1>} : vector<676x676xi32>
    %lt3A_23 = arith.cmpi slt, %iota3A_21, %iota3A_22 : vector<676x676xi32>
    %convert_element_type3A_24 = arith.extui %lt3A_23 : vector<676x676xi1> to vector<676x676xi32>
    %convert_element_type3A_25 = arith.sitofp %convert_element_type3A_24 : vector<676x676xi32> to vector<676x676xf32>
    %convert_element_type3A_26 = arith.sitofp %scan3A_19#1 : vector<32x676xi32> to vector<32x676xf32>
    %dot_general3A = arith.constant dense<0.000000e+00> : vector<32x676xf32>
    %dot_general3A_27 = tpu.matmul %convert_element_type3A_26, %convert_element_type3A_25, %dot_general3A {dimension_numbers = #tpu.dot_dimension_numbers<[1], [0], [0], [1], [0, 0, 1, 1], [], []>, transpose_lhs_hint = false} : vector<32x676xf32>, vector<676x676xf32>, vector<32x676xf32> -> vector<32x676xf32>
    %convert_element_type3A_28 = arith.fptosi %dot_general3A_27 : vector<32x676xf32> to vector<32x676xi32>
    %lt3A_29 = vector.broadcast %scan3A_19#2 : vector<32x1xi32> to vector<32x676xi32>
    %lt3A_30 = arith.cmpi slt, %convert_element_type3A_28, %lt3A_29 : vector<32x676xi32>
    %convert_element_type3A_31 = arith.extui %lt3A_30 : vector<32x676xi1> to vector<32x676xi32>
    %mul3A = arith.muli %scan3A_19#1, %convert_element_type3A_31 : vector<32x676xi32>
    %or3A = arith.ori %scan3A_19#0, %mul3A : vector<32x676xi32>
    %sub3A = arith.constant 1 : i32
    %sub3A_32 = vector.broadcast %sub3A : i32 to vector<32x676xi32>
    %sub3A_33 = arith.subi %sub3A_32, %or3A : vector<32x676xi32>
    %mul3A_34 = arith.muli %convert_element_type3A, %sub3A_33 : vector<32x676xi32>
    %convert_element_type3A_35 = arith.sitofp %or3A : vector<32x676xi32> to vector<32x676xf32>
    %reduce_sum3A = arith.constant dense<0.000000e+00> : vector<676xf32>
    %reduce_sum3A_36 = vector.multi_reduction <add>, %convert_element_type3A_35, %reduce_sum3A [0] : vector<32x676xf32> to vector<676xf32>
    %broadcast_in_dim3A_37 = vector.shape_cast %reduce_sum3A_36 : vector<676xf32> to vector<1x676xf32>
    %dot_general3A_38 = arith.constant dense<0.000000e+00> : vector<1x676xf32>
    %dot_general3A_39 = tpu.matmul %broadcast_in_dim3A_37, %convert_element_type3A_25, %dot_general3A_38 {dimension_numbers = #tpu.dot_dimension_numbers<[1], [0], [0], [1], [0, 0, 1, 1], [], []>, transpose_lhs_hint = false} : vector<1x676xf32>, vector<676x676xf32>, vector<1x676xf32> -> vector<1x676xf32>
    %iota3A_40 = tpu.iota {dimensions = array<i32: 0>} : vector<32x32xi32>
    %iota3A_41 = tpu.iota {dimensions = array<i32: 1>} : vector<32x32xi32>
    %lt3A_42 = arith.cmpi slt, %iota3A_40, %iota3A_41 : vector<32x32xi32>
    %convert_element_type3A_43 = arith.extui %lt3A_42 : vector<32x32xi1> to vector<32x32xi32>
    %convert_element_type3A_44 = arith.sitofp %convert_element_type3A_43 : vector<32x32xi32> to vector<32x32xf32>
    %dot_general3A_45 = arith.constant dense<0.000000e+00> : vector<32x676xf32>
    %dot_general3A_46 = tpu.matmul %convert_element_type3A_44, %convert_element_type3A_35, %dot_general3A_45 {dimension_numbers = #tpu.dot_dimension_numbers<[0], [0], [1], [1], [0, 1, 1, 1], [], []>, transpose_lhs_hint = false} : vector<32x32xf32>, vector<32x676xf32>, vector<32x676xf32> -> vector<32x676xf32>
    %add3A_47 = vector.broadcast %dot_general3A_39 : vector<1x676xf32> to vector<32x676xf32>
    %add3A_48 = arith.addf %add3A_47, %dot_general3A_46 : vector<32x676xf32>
    %convert_element_type3A_49 = arith.fptosi %add3A_48 : vector<32x676xf32> to vector<32x676xi32>
    %convert_element_type3A_50 = arith.sitofp %mul3A_34 : vector<32x676xi32> to vector<32x676xf32>
    %reduce_sum3A_51 = arith.constant dense<0.000000e+00> : vector<676xf32>
    %reduce_sum3A_52 = vector.multi_reduction <add>, %convert_element_type3A_50, %reduce_sum3A_51 [0] : vector<32x676xf32> to vector<676xf32>
    %broadcast_in_dim3A_53 = vector.shape_cast %reduce_sum3A_52 : vector<676xf32> to vector<1x676xf32>
    %dot_general3A_54 = arith.constant dense<0.000000e+00> : vector<1x676xf32>
    %dot_general3A_55 = tpu.matmul %broadcast_in_dim3A_53, %convert_element_type3A_25, %dot_general3A_54 {dimension_numbers = #tpu.dot_dimension_numbers<[1], [0], [0], [1], [0, 0, 1, 1], [], []>, transpose_lhs_hint = false} : vector<1x676xf32>, vector<676x676xf32>, vector<1x676xf32> -> vector<1x676xf32>
    %iota3A_56 = tpu.iota {dimensions = array<i32: 0>} : vector<32x32xi32>
    %iota3A_57 = tpu.iota {dimensions = array<i32: 1>} : vector<32x32xi32>
    %lt3A_58 = arith.cmpi slt, %iota3A_56, %iota3A_57 : vector<32x32xi32>
    %convert_element_type3A_59 = arith.extui %lt3A_58 : vector<32x32xi1> to vector<32x32xi32>
    %convert_element_type3A_60 = arith.sitofp %convert_element_type3A_59 : vector<32x32xi32> to vector<32x32xf32>
    %dot_general3A_61 = arith.constant dense<0.000000e+00> : vector<32x676xf32>
    %dot_general3A_62 = tpu.matmul %convert_element_type3A_60, %convert_element_type3A_50, %dot_general3A_61 {dimension_numbers = #tpu.dot_dimension_numbers<[0], [0], [1], [1], [0, 1, 1, 1], [], []>, transpose_lhs_hint = false} : vector<32x32xf32>, vector<32x676xf32>, vector<32x676xf32> -> vector<32x676xf32>
    %add3A_63 = vector.broadcast %dot_general3A_55 : vector<1x676xf32> to vector<32x676xf32>
    %add3A_64 = arith.addf %add3A_63, %dot_general3A_62 : vector<32x676xf32>
    %convert_element_type3A_65 = arith.fptosi %add3A_64 : vector<32x676xf32> to vector<32x676xi32>
    %and3A = arith.constant 31 : i32
    %and3A_66 = vector.broadcast %and3A : i32 to vector<32x676xi32>
    %and3A_67 = arith.andi %convert_element_type3A_65, %and3A_66 : vector<32x676xi32>
    %eq3A = arith.constant 1 : i32
    %eq3A_68 = vector.broadcast %eq3A : i32 to vector<32x676xi32>
    %eq3A_69 = arith.cmpi eq, %mul3A_34, %eq3A_68 : vector<32x676xi32>
    %broadcast_in_dim3A_70 = arith.constant 0.000000e+00 : f32
    %broadcast_in_dim3A_71 = vector.broadcast %broadcast_in_dim3A_70 : f32 to vector<32x676xf32>
    %eq3A_72 = arith.constant 0 : i32
    %eq3A_73 = vector.broadcast %eq3A_72 : i32 to vector<32x676xi32>
    %eq3A_74 = arith.cmpi eq, %and3A_67, %eq3A_73 : vector<32x676xi32>
    %and3A_75 = arith.andi %eq3A_69, %eq3A_74 : vector<32x676xi1>
    %jit3A = arith.constant 0xFF800000 : f32
    %broadcast_in_dim3A_76 = vector.broadcast %jit3A : f32 to vector<32x676xf32>
    %select_n3A_77 = arith.select %and3A_75, %add3A_3, %broadcast_in_dim3A_76 : vector<32x676xi1>, vector<32x676xf32>
    %reduce_max3A = vector.shape_cast %select_n3A_77 : vector<32x676xf32> to vector<1x32x676xf32>
    %reduce_max3A_78 = arith.constant dense<0xFF800000> : vector<1xf32>
    %reduce_max3A_79 = vector.multi_reduction <maximumf>, %reduce_max3A, %reduce_max3A_78 [1, 2] : vector<1x32x676xf32> to vector<1xf32>
    %reduce_max3A_80 = vector.shape_cast %reduce_max3A_79 : vector<1xf32> to vector<1x1x1xf32>
    %reduce_max3A_81 = vector.extract %reduce_max3A_80[0, 0, 0] : f32 from vector<1x1x1xf32>
    %eq3A_82 = arith.constant 0 : i32
    %eq3A_83 = vector.broadcast %eq3A_82 : i32 to vector<32x676xi32>
    %eq3A_84 = arith.cmpi eq, %and3A_67, %eq3A_83 : vector<32x676xi32>
    %broadcast_in_dim3A_85 = vector.broadcast %reduce_max3A_81 : f32 to vector<32x676xf32>
    %select_n3A_86 = arith.select %eq3A_84, %broadcast_in_dim3A_85, %broadcast_in_dim3A_71 : vector<32x676xi1>, vector<32x676xf32>
    %eq3A_87 = arith.constant 1 : i32
    %eq3A_88 = vector.broadcast %eq3A_87 : i32 to vector<32x676xi32>
    %eq3A_89 = arith.cmpi eq, %and3A_67, %eq3A_88 : vector<32x676xi32>
    %and3A_90 = arith.andi %eq3A_69, %eq3A_89 : vector<32x676xi1>
    %jit3A_91 = arith.constant 0xFF800000 : f32
    %broadcast_in_dim3A_92 = vector.broadcast %jit3A_91 : f32 to vector<32x676xf32>
    %select_n3A_93 = arith.select %and3A_90, %add3A_3, %broadcast_in_dim3A_92 : vector<32x676xi1>, vector<32x676xf32>
    %reduce_max3A_94 = vector.shape_cast %select_n3A_93 : vector<32x676xf32> to vector<1x32x676xf32>
    %reduce_max3A_95 = arith.constant dense<0xFF800000> : vector<1xf32>
    %reduce_max3A_96 = vector.multi_reduction <maximumf>, %reduce_max3A_94, %reduce_max3A_95 [1, 2] : vector<1x32x676xf32> to vector<1xf32>
    %reduce_max3A_97 = vector.shape_cast %reduce_max3A_96 : vector<1xf32> to vector<1x1x1xf32>
    %reduce_max3A_98 = vector.extract %reduce_max3A_97[0, 0, 0] : f32 from vector<1x1x1xf32>
    %eq3A_99 = arith.constant 1 : i32
    %eq3A_100 = vector.broadcast %eq3A_99 : i32 to vector<32x676xi32>
    %eq3A_101 = arith.cmpi eq, %and3A_67, %eq3A_100 : vector<32x676xi32>
    %broadcast_in_dim3A_102 = vector.broadcast %reduce_max3A_98 : f32 to vector<32x676xf32>
    %select_n3A_103 = arith.select %eq3A_101, %broadcast_in_dim3A_102, %select_n3A_86 : vector<32x676xi1>, vector<32x676xf32>
    %eq3A_104 = arith.constant 2 : i32
    %eq3A_105 = vector.broadcast %eq3A_104 : i32 to vector<32x676xi32>
    %eq3A_106 = arith.cmpi eq, %and3A_67, %eq3A_105 : vector<32x676xi32>
    %and3A_107 = arith.andi %eq3A_69, %eq3A_106 : vector<32x676xi1>
    %jit3A_108 = arith.constant 0xFF800000 : f32
    %broadcast_in_dim3A_109 = vector.broadcast %jit3A_108 : f32 to vector<32x676xf32>
    %select_n3A_110 = arith.select %and3A_107, %add3A_3, %broadcast_in_dim3A_109 : vector<32x676xi1>, vector<32x676xf32>
    %reduce_max3A_111 = vector.shape_cast %select_n3A_110 : vector<32x676xf32> to vector<1x32x676xf32>
    %reduce_max3A_112 = arith.constant dense<0xFF800000> : vector<1xf32>
    %reduce_max3A_113 = vector.multi_reduction <maximumf>, %reduce_max3A_111, %reduce_max3A_112 [1, 2] : vector<1x32x676xf32> to vector<1xf32>
    %reduce_max3A_114 = vector.shape_cast %reduce_max3A_113 : vector<1xf32> to vector<1x1x1xf32>
    %reduce_max3A_115 = vector.extract %reduce_max3A_114[0, 0, 0] : f32 from vector<1x1x1xf32>
    %eq3A_116 = arith.constant 2 : i32
    %eq3A_117 = vector.broadcast %eq3A_116 : i32 to vector<32x676xi32>
    %eq3A_118 = arith.cmpi eq, %and3A_67, %eq3A_117 : vector<32x676xi32>
    %broadcast_in_dim3A_119 = vector.broadcast %reduce_max3A_115 : f32 to vector<32x676xf32>
    %select_n3A_120 = arith.select %eq3A_118, %broadcast_in_dim3A_119, %select_n3A_103 : vector<32x676xi1>, vector<32x676xf32>
    %eq3A_121 = arith.constant 3 : i32
    %eq3A_122 = vector.broadcast %eq3A_121 : i32 to vector<32x676xi32>
    %eq3A_123 = arith.cmpi eq, %and3A_67, %eq3A_122 : vector<32x676xi32>
    %and3A_124 = arith.andi %eq3A_69, %eq3A_123 : vector<32x676xi1>
    %jit3A_125 = arith.constant 0xFF800000 : f32
    %broadcast_in_dim3A_126 = vector.broadcast %jit3A_125 : f32 to vector<32x676xf32>
    %select_n3A_127 = arith.select %and3A_124, %add3A_3, %broadcast_in_dim3A_126 : vector<32x676xi1>, vector<32x676xf32>
    %reduce_max3A_128 = vector.shape_cast %select_n3A_127 : vector<32x676xf32> to vector<1x32x676xf32>
    %reduce_max3A_129 = arith.constant dense<0xFF800000> : vector<1xf32>
    %reduce_max3A_130 = vector.multi_reduction <maximumf>, %reduce_max3A_128, %reduce_max3A_129 [1, 2] : vector<1x32x676xf32> to vector<1xf32>
    %reduce_max3A_131 = vector.shape_cast %reduce_max3A_130 : vector<1xf32> to vector<1x1x1xf32>
    %reduce_max3A_132 = vector.extract %reduce_max3A_131[0, 0, 0] : f32 from vector<1x1x1xf32>
    %eq3A_133 = arith.constant 3 : i32
    %eq3A_134 = vector.broadcast %eq3A_133 : i32 to vector<32x676xi32>
    %eq3A_135 = arith.cmpi eq, %and3A_67, %eq3A_134 : vector<32x676xi32>
    %broadcast_in_dim3A_136 = vector.broadcast %reduce_max3A_132 : f32 to vector<32x676xf32>
    %select_n3A_137 = arith.select %eq3A_135, %broadcast_in_dim3A_136, %select_n3A_120 : vector<32x676xi1>, vector<32x676xf32>
    %eq3A_138 = arith.constant 4 : i32
    %eq3A_139 = vector.broadcast %eq3A_138 : i32 to vector<32x676xi32>
    %eq3A_140 = arith.cmpi eq, %and3A_67, %eq3A_139 : vector<32x676xi32>
    %and3A_141 = arith.andi %eq3A_69, %eq3A_140 : vector<32x676xi1>
    %jit3A_142 = arith.constant 0xFF800000 : f32
    %broadcast_in_dim3A_143 = vector.broadcast %jit3A_142 : f32 to vector<32x676xf32>
    %select_n3A_144 = arith.select %and3A_141, %add3A_3, %broadcast_in_dim3A_143 : vector<32x676xi1>, vector<32x676xf32>
    %reduce_max3A_145 = vector.shape_cast %select_n3A_144 : vector<32x676xf32> to vector<1x32x676xf32>
    %reduce_max3A_146 = arith.constant dense<0xFF800000> : vector<1xf32>
    %reduce_max3A_147 = vector.multi_reduction <maximumf>, %reduce_max3A_145, %reduce_max3A_146 [1, 2] : vector<1x32x676xf32> to vector<1xf32>
    %reduce_max3A_148 = vector.shape_cast %reduce_max3A_147 : vector<1xf32> to vector<1x1x1xf32>
    %reduce_max3A_149 = vector.extract %reduce_max3A_148[0, 0, 0] : f32 from vector<1x1x1xf32>
    %eq3A_150 = arith.constant 4 : i32
    %eq3A_151 = vector.broadcast %eq3A_150 : i32 to vector<32x676xi32>
    %eq3A_152 = arith.cmpi eq, %and3A_67, %eq3A_151 : vector<32x676xi32>
    %broadcast_in_dim3A_153 = vector.broadcast %reduce_max3A_149 : f32 to vector<32x676xf32>
    %select_n3A_154 = arith.select %eq3A_152, %broadcast_in_dim3A_153, %select_n3A_137 : vector<32x676xi1>, vector<32x676xf32>
    %eq3A_155 = arith.constant 5 : i32
    %eq3A_156 = vector.broadcast %eq3A_155 : i32 to vector<32x676xi32>
    %eq3A_157 = arith.cmpi eq, %and3A_67, %eq3A_156 : vector<32x676xi32>
    %and3A_158 = arith.andi %eq3A_69, %eq3A_157 : vector<32x676xi1>
    %jit3A_159 = arith.constant 0xFF800000 : f32
    %broadcast_in_dim3A_160 = vector.broadcast %jit3A_159 : f32 to vector<32x676xf32>
    %select_n3A_161 = arith.select %and3A_158, %add3A_3, %broadcast_in_dim3A_160 : vector<32x676xi1>, vector<32x676xf32>
    %reduce_max3A_162 = vector.shape_cast %select_n3A_161 : vector<32x676xf32> to vector<1x32x676xf32>
    %reduce_max3A_163 = arith.constant dense<0xFF800000> : vector<1xf32>
    %reduce_max3A_164 = vector.multi_reduction <maximumf>, %reduce_max3A_162, %reduce_max3A_163 [1, 2] : vector<1x32x676xf32> to vector<1xf32>
    %reduce_max3A_165 = vector.shape_cast %reduce_max3A_164 : vector<1xf32> to vector<1x1x1xf32>
    %reduce_max3A_166 = vector.extract %reduce_max3A_165[0, 0, 0] : f32 from vector<1x1x1xf32>
    %eq3A_167 = arith.constant 5 : i32
    %eq3A_168 = vector.broadcast %eq3A_167 : i32 to vector<32x676xi32>
    %eq3A_169 = arith.cmpi eq, %and3A_67, %eq3A_168 : vector<32x676xi32>
    %broadcast_in_dim3A_170 = vector.broadcast %reduce_max3A_166 : f32 to vector<32x676xf32>
    %select_n3A_171 = arith.select %eq3A_169, %broadcast_in_dim3A_170, %select_n3A_154 : vector<32x676xi1>, vector<32x676xf32>
    %eq3A_172 = arith.constant 6 : i32
    %eq3A_173 = vector.broadcast %eq3A_172 : i32 to vector<32x676xi32>
    %eq3A_174 = arith.cmpi eq, %and3A_67, %eq3A_173 : vector<32x676xi32>
    %and3A_175 = arith.andi %eq3A_69, %eq3A_174 : vector<32x676xi1>
    %jit3A_176 = arith.constant 0xFF800000 : f32
    %broadcast_in_dim3A_177 = vector.broadcast %jit3A_176 : f32 to vector<32x676xf32>
    %select_n3A_178 = arith.select %and3A_175, %add3A_3, %broadcast_in_dim3A_177 : vector<32x676xi1>, vector<32x676xf32>
    %reduce_max3A_179 = vector.shape_cast %select_n3A_178 : vector<32x676xf32> to vector<1x32x676xf32>
    %reduce_max3A_180 = arith.constant dense<0xFF800000> : vector<1xf32>
    %reduce_max3A_181 = vector.multi_reduction <maximumf>, %reduce_max3A_179, %reduce_max3A_180 [1, 2] : vector<1x32x676xf32> to vector<1xf32>
    %reduce_max3A_182 = vector.shape_cast %reduce_max3A_181 : vector<1xf32> to vector<1x1x1xf32>
    %reduce_max3A_183 = vector.extract %reduce_max3A_182[0, 0, 0] : f32 from vector<1x1x1xf32>
    %eq3A_184 = arith.constant 6 : i32
    %eq3A_185 = vector.broadcast %eq3A_184 : i32 to vector<32x676xi32>
    %eq3A_186 = arith.cmpi eq, %and3A_67, %eq3A_185 : vector<32x676xi32>
    %broadcast_in_dim3A_187 = vector.broadcast %reduce_max3A_183 : f32 to vector<32x676xf32>
    %select_n3A_188 = arith.select %eq3A_186, %broadcast_in_dim3A_187, %select_n3A_171 : vector<32x676xi1>, vector<32x676xf32>
    %eq3A_189 = arith.constant 7 : i32
    %eq3A_190 = vector.broadcast %eq3A_189 : i32 to vector<32x676xi32>
    %eq3A_191 = arith.cmpi eq, %and3A_67, %eq3A_190 : vector<32x676xi32>
    %and3A_192 = arith.andi %eq3A_69, %eq3A_191 : vector<32x676xi1>
    %jit3A_193 = arith.constant 0xFF800000 : f32
    %broadcast_in_dim3A_194 = vector.broadcast %jit3A_193 : f32 to vector<32x676xf32>
    %select_n3A_195 = arith.select %and3A_192, %add3A_3, %broadcast_in_dim3A_194 : vector<32x676xi1>, vector<32x676xf32>
    %reduce_max3A_196 = vector.shape_cast %select_n3A_195 : vector<32x676xf32> to vector<1x32x676xf32>
    %reduce_max3A_197 = arith.constant dense<0xFF800000> : vector<1xf32>
    %reduce_max3A_198 = vector.multi_reduction <maximumf>, %reduce_max3A_196, %reduce_max3A_197 [1, 2] : vector<1x32x676xf32> to vector<1xf32>
    %reduce_max3A_199 = vector.shape_cast %reduce_max3A_198 : vector<1xf32> to vector<1x1x1xf32>
    %reduce_max3A_200 = vector.extract %reduce_max3A_199[0, 0, 0] : f32 from vector<1x1x1xf32>
    %eq3A_201 = arith.constant 7 : i32
    %eq3A_202 = vector.broadcast %eq3A_201 : i32 to vector<32x676xi32>
    %eq3A_203 = arith.cmpi eq, %and3A_67, %eq3A_202 : vector<32x676xi32>
    %broadcast_in_dim3A_204 = vector.broadcast %reduce_max3A_200 : f32 to vector<32x676xf32>
    %select_n3A_205 = arith.select %eq3A_203, %broadcast_in_dim3A_204, %select_n3A_188 : vector<32x676xi1>, vector<32x676xf32>
    %eq3A_206 = arith.constant 8 : i32
    %eq3A_207 = vector.broadcast %eq3A_206 : i32 to vector<32x676xi32>
    %eq3A_208 = arith.cmpi eq, %and3A_67, %eq3A_207 : vector<32x676xi32>
    %and3A_209 = arith.andi %eq3A_69, %eq3A_208 : vector<32x676xi1>
    %jit3A_210 = arith.constant 0xFF800000 : f32
    %broadcast_in_dim3A_211 = vector.broadcast %jit3A_210 : f32 to vector<32x676xf32>
    %select_n3A_212 = arith.select %and3A_209, %add3A_3, %broadcast_in_dim3A_211 : vector<32x676xi1>, vector<32x676xf32>
    %reduce_max3A_213 = vector.shape_cast %select_n3A_212 : vector<32x676xf32> to vector<1x32x676xf32>
    %reduce_max3A_214 = arith.constant dense<0xFF800000> : vector<1xf32>
    %reduce_max3A_215 = vector.multi_reduction <maximumf>, %reduce_max3A_213, %reduce_max3A_214 [1, 2] : vector<1x32x676xf32> to vector<1xf32>
    %reduce_max3A_216 = vector.shape_cast %reduce_max3A_215 : vector<1xf32> to vector<1x1x1xf32>
    %reduce_max3A_217 = vector.extract %reduce_max3A_216[0, 0, 0] : f32 from vector<1x1x1xf32>
    %eq3A_218 = arith.constant 8 : i32
    %eq3A_219 = vector.broadcast %eq3A_218 : i32 to vector<32x676xi32>
    %eq3A_220 = arith.cmpi eq, %and3A_67, %eq3A_219 : vector<32x676xi32>
    %broadcast_in_dim3A_221 = vector.broadcast %reduce_max3A_217 : f32 to vector<32x676xf32>
    %select_n3A_222 = arith.select %eq3A_220, %broadcast_in_dim3A_221, %select_n3A_205 : vector<32x676xi1>, vector<32x676xf32>
    %eq3A_223 = arith.constant 9 : i32
    %eq3A_224 = vector.broadcast %eq3A_223 : i32 to vector<32x676xi32>
    %eq3A_225 = arith.cmpi eq, %and3A_67, %eq3A_224 : vector<32x676xi32>
    %and3A_226 = arith.andi %eq3A_69, %eq3A_225 : vector<32x676xi1>
    %jit3A_227 = arith.constant 0xFF800000 : f32
    %broadcast_in_dim3A_228 = vector.broadcast %jit3A_227 : f32 to vector<32x676xf32>
    %select_n3A_229 = arith.select %and3A_226, %add3A_3, %broadcast_in_dim3A_228 : vector<32x676xi1>, vector<32x676xf32>
    %reduce_max3A_230 = vector.shape_cast %select_n3A_229 : vector<32x676xf32> to vector<1x32x676xf32>
    %reduce_max3A_231 = arith.constant dense<0xFF800000> : vector<1xf32>
    %reduce_max3A_232 = vector.multi_reduction <maximumf>, %reduce_max3A_230, %reduce_max3A_231 [1, 2] : vector<1x32x676xf32> to vector<1xf32>
    %reduce_max3A_233 = vector.shape_cast %reduce_max3A_232 : vector<1xf32> to vector<1x1x1xf32>
    %reduce_max3A_234 = vector.extract %reduce_max3A_233[0, 0, 0] : f32 from vector<1x1x1xf32>
    %eq3A_235 = arith.constant 9 : i32
    %eq3A_236 = vector.broadcast %eq3A_235 : i32 to vector<32x676xi32>
    %eq3A_237 = arith.cmpi eq, %and3A_67, %eq3A_236 : vector<32x676xi32>
    %broadcast_in_dim3A_238 = vector.broadcast %reduce_max3A_234 : f32 to vector<32x676xf32>
    %select_n3A_239 = arith.select %eq3A_237, %broadcast_in_dim3A_238, %select_n3A_222 : vector<32x676xi1>, vector<32x676xf32>
    %eq3A_240 = arith.constant 10 : i32
    %eq3A_241 = vector.broadcast %eq3A_240 : i32 to vector<32x676xi32>
    %eq3A_242 = arith.cmpi eq, %and3A_67, %eq3A_241 : vector<32x676xi32>
    %and3A_243 = arith.andi %eq3A_69, %eq3A_242 : vector<32x676xi1>
    %jit3A_244 = arith.constant 0xFF800000 : f32
    %broadcast_in_dim3A_245 = vector.broadcast %jit3A_244 : f32 to vector<32x676xf32>
    %select_n3A_246 = arith.select %and3A_243, %add3A_3, %broadcast_in_dim3A_245 : vector<32x676xi1>, vector<32x676xf32>
    %reduce_max3A_247 = vector.shape_cast %select_n3A_246 : vector<32x676xf32> to vector<1x32x676xf32>
    %reduce_max3A_248 = arith.constant dense<0xFF800000> : vector<1xf32>
    %reduce_max3A_249 = vector.multi_reduction <maximumf>, %reduce_max3A_247, %reduce_max3A_248 [1, 2] : vector<1x32x676xf32> to vector<1xf32>
    %reduce_max3A_250 = vector.shape_cast %reduce_max3A_249 : vector<1xf32> to vector<1x1x1xf32>
    %reduce_max3A_251 = vector.extract %reduce_max3A_250[0, 0, 0] : f32 from vector<1x1x1xf32>
    %eq3A_252 = arith.constant 10 : i32
    %eq3A_253 = vector.broadcast %eq3A_252 : i32 to vector<32x676xi32>
    %eq3A_254 = arith.cmpi eq, %and3A_67, %eq3A_253 : vector<32x676xi32>
    %broadcast_in_dim3A_255 = vector.broadcast %reduce_max3A_251 : f32 to vector<32x676xf32>
    %select_n3A_256 = arith.select %eq3A_254, %broadcast_in_dim3A_255, %select_n3A_239 : vector<32x676xi1>, vector<32x676xf32>
    %eq3A_257 = arith.constant 11 : i32
    %eq3A_258 = vector.broadcast %eq3A_257 : i32 to vector<32x676xi32>
    %eq3A_259 = arith.cmpi eq, %and3A_67, %eq3A_258 : vector<32x676xi32>
    %and3A_260 = arith.andi %eq3A_69, %eq3A_259 : vector<32x676xi1>
    %jit3A_261 = arith.constant 0xFF800000 : f32
    %broadcast_in_dim3A_262 = vector.broadcast %jit3A_261 : f32 to vector<32x676xf32>
    %select_n3A_263 = arith.select %and3A_260, %add3A_3, %broadcast_in_dim3A_262 : vector<32x676xi1>, vector<32x676xf32>
    %reduce_max3A_264 = vector.shape_cast %select_n3A_263 : vector<32x676xf32> to vector<1x32x676xf32>
    %reduce_max3A_265 = arith.constant dense<0xFF800000> : vector<1xf32>
    %reduce_max3A_266 = vector.multi_reduction <maximumf>, %reduce_max3A_264, %reduce_max3A_265 [1, 2] : vector<1x32x676xf32> to vector<1xf32>
    %reduce_max3A_267 = vector.shape_cast %reduce_max3A_266 : vector<1xf32> to vector<1x1x1xf32>
    %reduce_max3A_268 = vector.extract %reduce_max3A_267[0, 0, 0] : f32 from vector<1x1x1xf32>
    %eq3A_269 = arith.constant 11 : i32
    %eq3A_270 = vector.broadcast %eq3A_269 : i32 to vector<32x676xi32>
    %eq3A_271 = arith.cmpi eq, %and3A_67, %eq3A_270 : vector<32x676xi32>
    %broadcast_in_dim3A_272 = vector.broadcast %reduce_max3A_268 : f32 to vector<32x676xf32>
    %select_n3A_273 = arith.select %eq3A_271, %broadcast_in_dim3A_272, %select_n3A_256 : vector<32x676xi1>, vector<32x676xf32>
    %eq3A_274 = arith.constant 12 : i32
    %eq3A_275 = vector.broadcast %eq3A_274 : i32 to vector<32x676xi32>
    %eq3A_276 = arith.cmpi eq, %and3A_67, %eq3A_275 : vector<32x676xi32>
    %and3A_277 = arith.andi %eq3A_69, %eq3A_276 : vector<32x676xi1>
    %jit3A_278 = arith.constant 0xFF800000 : f32
    %broadcast_in_dim3A_279 = vector.broadcast %jit3A_278 : f32 to vector<32x676xf32>
    %select_n3A_280 = arith.select %and3A_277, %add3A_3, %broadcast_in_dim3A_279 : vector<32x676xi1>, vector<32x676xf32>
    %reduce_max3A_281 = vector.shape_cast %select_n3A_280 : vector<32x676xf32> to vector<1x32x676xf32>
    %reduce_max3A_282 = arith.constant dense<0xFF800000> : vector<1xf32>
    %reduce_max3A_283 = vector.multi_reduction <maximumf>, %reduce_max3A_281, %reduce_max3A_282 [1, 2] : vector<1x32x676xf32> to vector<1xf32>
    %reduce_max3A_284 = vector.shape_cast %reduce_max3A_283 : vector<1xf32> to vector<1x1x1xf32>
    %reduce_max3A_285 = vector.extract %reduce_max3A_284[0, 0, 0] : f32 from vector<1x1x1xf32>
    %eq3A_286 = arith.constant 12 : i32
    %eq3A_287 = vector.broadcast %eq3A_286 : i32 to vector<32x676xi32>
    %eq3A_288 = arith.cmpi eq, %and3A_67, %eq3A_287 : vector<32x676xi32>
    %broadcast_in_dim3A_289 = vector.broadcast %reduce_max3A_285 : f32 to vector<32x676xf32>
    %select_n3A_290 = arith.select %eq3A_288, %broadcast_in_dim3A_289, %select_n3A_273 : vector<32x676xi1>, vector<32x676xf32>
    %eq3A_291 = arith.constant 13 : i32
    %eq3A_292 = vector.broadcast %eq3A_291 : i32 to vector<32x676xi32>
    %eq3A_293 = arith.cmpi eq, %and3A_67, %eq3A_292 : vector<32x676xi32>
    %and3A_294 = arith.andi %eq3A_69, %eq3A_293 : vector<32x676xi1>
    %jit3A_295 = arith.constant 0xFF800000 : f32
    %broadcast_in_dim3A_296 = vector.broadcast %jit3A_295 : f32 to vector<32x676xf32>
    %select_n3A_297 = arith.select %and3A_294, %add3A_3, %broadcast_in_dim3A_296 : vector<32x676xi1>, vector<32x676xf32>
    %reduce_max3A_298 = vector.shape_cast %select_n3A_297 : vector<32x676xf32> to vector<1x32x676xf32>
    %reduce_max3A_299 = arith.constant dense<0xFF800000> : vector<1xf32>
    %reduce_max3A_300 = vector.multi_reduction <maximumf>, %reduce_max3A_298, %reduce_max3A_299 [1, 2] : vector<1x32x676xf32> to vector<1xf32>
    %reduce_max3A_301 = vector.shape_cast %reduce_max3A_300 : vector<1xf32> to vector<1x1x1xf32>
    %reduce_max3A_302 = vector.extract %reduce_max3A_301[0, 0, 0] : f32 from vector<1x1x1xf32>
    %eq3A_303 = arith.constant 13 : i32
    %eq3A_304 = vector.broadcast %eq3A_303 : i32 to vector<32x676xi32>
    %eq3A_305 = arith.cmpi eq, %and3A_67, %eq3A_304 : vector<32x676xi32>
    %broadcast_in_dim3A_306 = vector.broadcast %reduce_max3A_302 : f32 to vector<32x676xf32>
    %select_n3A_307 = arith.select %eq3A_305, %broadcast_in_dim3A_306, %select_n3A_290 : vector<32x676xi1>, vector<32x676xf32>
    %eq3A_308 = arith.constant 14 : i32
    %eq3A_309 = vector.broadcast %eq3A_308 : i32 to vector<32x676xi32>
    %eq3A_310 = arith.cmpi eq, %and3A_67, %eq3A_309 : vector<32x676xi32>
    %and3A_311 = arith.andi %eq3A_69, %eq3A_310 : vector<32x676xi1>
    %jit3A_312 = arith.constant 0xFF800000 : f32
    %broadcast_in_dim3A_313 = vector.broadcast %jit3A_312 : f32 to vector<32x676xf32>
    %select_n3A_314 = arith.select %and3A_311, %add3A_3, %broadcast_in_dim3A_313 : vector<32x676xi1>, vector<32x676xf32>
    %reduce_max3A_315 = vector.shape_cast %select_n3A_314 : vector<32x676xf32> to vector<1x32x676xf32>
    %reduce_max3A_316 = arith.constant dense<0xFF800000> : vector<1xf32>
    %reduce_max3A_317 = vector.multi_reduction <maximumf>, %reduce_max3A_315, %reduce_max3A_316 [1, 2] : vector<1x32x676xf32> to vector<1xf32>
    %reduce_max3A_318 = vector.shape_cast %reduce_max3A_317 : vector<1xf32> to vector<1x1x1xf32>
    %reduce_max3A_319 = vector.extract %reduce_max3A_318[0, 0, 0] : f32 from vector<1x1x1xf32>
    %eq3A_320 = arith.constant 14 : i32
    %eq3A_321 = vector.broadcast %eq3A_320 : i32 to vector<32x676xi32>
    %eq3A_322 = arith.cmpi eq, %and3A_67, %eq3A_321 : vector<32x676xi32>
    %broadcast_in_dim3A_323 = vector.broadcast %reduce_max3A_319 : f32 to vector<32x676xf32>
    %select_n3A_324 = arith.select %eq3A_322, %broadcast_in_dim3A_323, %select_n3A_307 : vector<32x676xi1>, vector<32x676xf32>
    %eq3A_325 = arith.constant 15 : i32
    %eq3A_326 = vector.broadcast %eq3A_325 : i32 to vector<32x676xi32>
    %eq3A_327 = arith.cmpi eq, %and3A_67, %eq3A_326 : vector<32x676xi32>
    %and3A_328 = arith.andi %eq3A_69, %eq3A_327 : vector<32x676xi1>
    %jit3A_329 = arith.constant 0xFF800000 : f32
    %broadcast_in_dim3A_330 = vector.broadcast %jit3A_329 : f32 to vector<32x676xf32>
    %select_n3A_331 = arith.select %and3A_328, %add3A_3, %broadcast_in_dim3A_330 : vector<32x676xi1>, vector<32x676xf32>
    %reduce_max3A_332 = vector.shape_cast %select_n3A_331 : vector<32x676xf32> to vector<1x32x676xf32>
    %reduce_max3A_333 = arith.constant dense<0xFF800000> : vector<1xf32>
    %reduce_max3A_334 = vector.multi_reduction <maximumf>, %reduce_max3A_332, %reduce_max3A_333 [1, 2] : vector<1x32x676xf32> to vector<1xf32>
    %reduce_max3A_335 = vector.shape_cast %reduce_max3A_334 : vector<1xf32> to vector<1x1x1xf32>
    %reduce_max3A_336 = vector.extract %reduce_max3A_335[0, 0, 0] : f32 from vector<1x1x1xf32>
    %eq3A_337 = arith.constant 15 : i32
    %eq3A_338 = vector.broadcast %eq3A_337 : i32 to vector<32x676xi32>
    %eq3A_339 = arith.cmpi eq, %and3A_67, %eq3A_338 : vector<32x676xi32>
    %broadcast_in_dim3A_340 = vector.broadcast %reduce_max3A_336 : f32 to vector<32x676xf32>
    %select_n3A_341 = arith.select %eq3A_339, %broadcast_in_dim3A_340, %select_n3A_324 : vector<32x676xi1>, vector<32x676xf32>
    %eq3A_342 = arith.constant 16 : i32
    %eq3A_343 = vector.broadcast %eq3A_342 : i32 to vector<32x676xi32>
    %eq3A_344 = arith.cmpi eq, %and3A_67, %eq3A_343 : vector<32x676xi32>
    %and3A_345 = arith.andi %eq3A_69, %eq3A_344 : vector<32x676xi1>
    %jit3A_346 = arith.constant 0xFF800000 : f32
    %broadcast_in_dim3A_347 = vector.broadcast %jit3A_346 : f32 to vector<32x676xf32>
    %select_n3A_348 = arith.select %and3A_345, %add3A_3, %broadcast_in_dim3A_347 : vector<32x676xi1>, vector<32x676xf32>
    %reduce_max3A_349 = vector.shape_cast %select_n3A_348 : vector<32x676xf32> to vector<1x32x676xf32>
    %reduce_max3A_350 = arith.constant dense<0xFF800000> : vector<1xf32>
    %reduce_max3A_351 = vector.multi_reduction <maximumf>, %reduce_max3A_349, %reduce_max3A_350 [1, 2] : vector<1x32x676xf32> to vector<1xf32>
    %reduce_max3A_352 = vector.shape_cast %reduce_max3A_351 : vector<1xf32> to vector<1x1x1xf32>
    %reduce_max3A_353 = vector.extract %reduce_max3A_352[0, 0, 0] : f32 from vector<1x1x1xf32>
    %eq3A_354 = arith.constant 16 : i32
    %eq3A_355 = vector.broadcast %eq3A_354 : i32 to vector<32x676xi32>
    %eq3A_356 = arith.cmpi eq, %and3A_67, %eq3A_355 : vector<32x676xi32>
    %broadcast_in_dim3A_357 = vector.broadcast %reduce_max3A_353 : f32 to vector<32x676xf32>
    %select_n3A_358 = arith.select %eq3A_356, %broadcast_in_dim3A_357, %select_n3A_341 : vector<32x676xi1>, vector<32x676xf32>
    %eq3A_359 = arith.constant 17 : i32
    %eq3A_360 = vector.broadcast %eq3A_359 : i32 to vector<32x676xi32>
    %eq3A_361 = arith.cmpi eq, %and3A_67, %eq3A_360 : vector<32x676xi32>
    %and3A_362 = arith.andi %eq3A_69, %eq3A_361 : vector<32x676xi1>
    %jit3A_363 = arith.constant 0xFF800000 : f32
    %broadcast_in_dim3A_364 = vector.broadcast %jit3A_363 : f32 to vector<32x676xf32>
    %select_n3A_365 = arith.select %and3A_362, %add3A_3, %broadcast_in_dim3A_364 : vector<32x676xi1>, vector<32x676xf32>
    %reduce_max3A_366 = vector.shape_cast %select_n3A_365 : vector<32x676xf32> to vector<1x32x676xf32>
    %reduce_max3A_367 = arith.constant dense<0xFF800000> : vector<1xf32>
    %reduce_max3A_368 = vector.multi_reduction <maximumf>, %reduce_max3A_366, %reduce_max3A_367 [1, 2] : vector<1x32x676xf32> to vector<1xf32>
    %reduce_max3A_369 = vector.shape_cast %reduce_max3A_368 : vector<1xf32> to vector<1x1x1xf32>
    %reduce_max3A_370 = vector.extract %reduce_max3A_369[0, 0, 0] : f32 from vector<1x1x1xf32>
    %eq3A_371 = arith.constant 17 : i32
    %eq3A_372 = vector.broadcast %eq3A_371 : i32 to vector<32x676xi32>
    %eq3A_373 = arith.cmpi eq, %and3A_67, %eq3A_372 : vector<32x676xi32>
    %broadcast_in_dim3A_374 = vector.broadcast %reduce_max3A_370 : f32 to vector<32x676xf32>
    %select_n3A_375 = arith.select %eq3A_373, %broadcast_in_dim3A_374, %select_n3A_358 : vector<32x676xi1>, vector<32x676xf32>
    %eq3A_376 = arith.constant 18 : i32
    %eq3A_377 = vector.broadcast %eq3A_376 : i32 to vector<32x676xi32>
    %eq3A_378 = arith.cmpi eq, %and3A_67, %eq3A_377 : vector<32x676xi32>
    %and3A_379 = arith.andi %eq3A_69, %eq3A_378 : vector<32x676xi1>
    %jit3A_380 = arith.constant 0xFF800000 : f32
    %broadcast_in_dim3A_381 = vector.broadcast %jit3A_380 : f32 to vector<32x676xf32>
    %select_n3A_382 = arith.select %and3A_379, %add3A_3, %broadcast_in_dim3A_381 : vector<32x676xi1>, vector<32x676xf32>
    %reduce_max3A_383 = vector.shape_cast %select_n3A_382 : vector<32x676xf32> to vector<1x32x676xf32>
    %reduce_max3A_384 = arith.constant dense<0xFF800000> : vector<1xf32>
    %reduce_max3A_385 = vector.multi_reduction <maximumf>, %reduce_max3A_383, %reduce_max3A_384 [1, 2] : vector<1x32x676xf32> to vector<1xf32>
    %reduce_max3A_386 = vector.shape_cast %reduce_max3A_385 : vector<1xf32> to vector<1x1x1xf32>
    %reduce_max3A_387 = vector.extract %reduce_max3A_386[0, 0, 0] : f32 from vector<1x1x1xf32>
    %eq3A_388 = arith.constant 18 : i32
    %eq3A_389 = vector.broadcast %eq3A_388 : i32 to vector<32x676xi32>
    %eq3A_390 = arith.cmpi eq, %and3A_67, %eq3A_389 : vector<32x676xi32>
    %broadcast_in_dim3A_391 = vector.broadcast %reduce_max3A_387 : f32 to vector<32x676xf32>
    %select_n3A_392 = arith.select %eq3A_390, %broadcast_in_dim3A_391, %select_n3A_375 : vector<32x676xi1>, vector<32x676xf32>
    %eq3A_393 = arith.constant 19 : i32
    %eq3A_394 = vector.broadcast %eq3A_393 : i32 to vector<32x676xi32>
    %eq3A_395 = arith.cmpi eq, %and3A_67, %eq3A_394 : vector<32x676xi32>
    %and3A_396 = arith.andi %eq3A_69, %eq3A_395 : vector<32x676xi1>
    %jit3A_397 = arith.constant 0xFF800000 : f32
    %broadcast_in_dim3A_398 = vector.broadcast %jit3A_397 : f32 to vector<32x676xf32>
    %select_n3A_399 = arith.select %and3A_396, %add3A_3, %broadcast_in_dim3A_398 : vector<32x676xi1>, vector<32x676xf32>
    %reduce_max3A_400 = vector.shape_cast %select_n3A_399 : vector<32x676xf32> to vector<1x32x676xf32>
    %reduce_max3A_401 = arith.constant dense<0xFF800000> : vector<1xf32>
    %reduce_max3A_402 = vector.multi_reduction <maximumf>, %reduce_max3A_400, %reduce_max3A_401 [1, 2] : vector<1x32x676xf32> to vector<1xf32>
    %reduce_max3A_403 = vector.shape_cast %reduce_max3A_402 : vector<1xf32> to vector<1x1x1xf32>
    %reduce_max3A_404 = vector.extract %reduce_max3A_403[0, 0, 0] : f32 from vector<1x1x1xf32>
    %eq3A_405 = arith.constant 19 : i32
    %eq3A_406 = vector.broadcast %eq3A_405 : i32 to vector<32x676xi32>
    %eq3A_407 = arith.cmpi eq, %and3A_67, %eq3A_406 : vector<32x676xi32>
    %broadcast_in_dim3A_408 = vector.broadcast %reduce_max3A_404 : f32 to vector<32x676xf32>
    %select_n3A_409 = arith.select %eq3A_407, %broadcast_in_dim3A_408, %select_n3A_392 : vector<32x676xi1>, vector<32x676xf32>
    %eq3A_410 = arith.constant 20 : i32
    %eq3A_411 = vector.broadcast %eq3A_410 : i32 to vector<32x676xi32>
    %eq3A_412 = arith.cmpi eq, %and3A_67, %eq3A_411 : vector<32x676xi32>
    %and3A_413 = arith.andi %eq3A_69, %eq3A_412 : vector<32x676xi1>
    %jit3A_414 = arith.constant 0xFF800000 : f32
    %broadcast_in_dim3A_415 = vector.broadcast %jit3A_414 : f32 to vector<32x676xf32>
    %select_n3A_416 = arith.select %and3A_413, %add3A_3, %broadcast_in_dim3A_415 : vector<32x676xi1>, vector<32x676xf32>
    %reduce_max3A_417 = vector.shape_cast %select_n3A_416 : vector<32x676xf32> to vector<1x32x676xf32>
    %reduce_max3A_418 = arith.constant dense<0xFF800000> : vector<1xf32>
    %reduce_max3A_419 = vector.multi_reduction <maximumf>, %reduce_max3A_417, %reduce_max3A_418 [1, 2] : vector<1x32x676xf32> to vector<1xf32>
    %reduce_max3A_420 = vector.shape_cast %reduce_max3A_419 : vector<1xf32> to vector<1x1x1xf32>
    %reduce_max3A_421 = vector.extract %reduce_max3A_420[0, 0, 0] : f32 from vector<1x1x1xf32>
    %eq3A_422 = arith.constant 20 : i32
    %eq3A_423 = vector.broadcast %eq3A_422 : i32 to vector<32x676xi32>
    %eq3A_424 = arith.cmpi eq, %and3A_67, %eq3A_423 : vector<32x676xi32>
    %broadcast_in_dim3A_425 = vector.broadcast %reduce_max3A_421 : f32 to vector<32x676xf32>
    %select_n3A_426 = arith.select %eq3A_424, %broadcast_in_dim3A_425, %select_n3A_409 : vector<32x676xi1>, vector<32x676xf32>
    %eq3A_427 = arith.constant 21 : i32
    %eq3A_428 = vector.broadcast %eq3A_427 : i32 to vector<32x676xi32>
    %eq3A_429 = arith.cmpi eq, %and3A_67, %eq3A_428 : vector<32x676xi32>
    %and3A_430 = arith.andi %eq3A_69, %eq3A_429 : vector<32x676xi1>
    %jit3A_431 = arith.constant 0xFF800000 : f32
    %broadcast_in_dim3A_432 = vector.broadcast %jit3A_431 : f32 to vector<32x676xf32>
    %select_n3A_433 = arith.select %and3A_430, %add3A_3, %broadcast_in_dim3A_432 : vector<32x676xi1>, vector<32x676xf32>
    %reduce_max3A_434 = vector.shape_cast %select_n3A_433 : vector<32x676xf32> to vector<1x32x676xf32>
    %reduce_max3A_435 = arith.constant dense<0xFF800000> : vector<1xf32>
    %reduce_max3A_436 = vector.multi_reduction <maximumf>, %reduce_max3A_434, %reduce_max3A_435 [1, 2] : vector<1x32x676xf32> to vector<1xf32>
    %reduce_max3A_437 = vector.shape_cast %reduce_max3A_436 : vector<1xf32> to vector<1x1x1xf32>
    %reduce_max3A_438 = vector.extract %reduce_max3A_437[0, 0, 0] : f32 from vector<1x1x1xf32>
    %eq3A_439 = arith.constant 21 : i32
    %eq3A_440 = vector.broadcast %eq3A_439 : i32 to vector<32x676xi32>
    %eq3A_441 = arith.cmpi eq, %and3A_67, %eq3A_440 : vector<32x676xi32>
    %broadcast_in_dim3A_442 = vector.broadcast %reduce_max3A_438 : f32 to vector<32x676xf32>
    %select_n3A_443 = arith.select %eq3A_441, %broadcast_in_dim3A_442, %select_n3A_426 : vector<32x676xi1>, vector<32x676xf32>
    %eq3A_444 = arith.constant 22 : i32
    %eq3A_445 = vector.broadcast %eq3A_444 : i32 to vector<32x676xi32>
    %eq3A_446 = arith.cmpi eq, %and3A_67, %eq3A_445 : vector<32x676xi32>
    %and3A_447 = arith.andi %eq3A_69, %eq3A_446 : vector<32x676xi1>
    %jit3A_448 = arith.constant 0xFF800000 : f32
    %broadcast_in_dim3A_449 = vector.broadcast %jit3A_448 : f32 to vector<32x676xf32>
    %select_n3A_450 = arith.select %and3A_447, %add3A_3, %broadcast_in_dim3A_449 : vector<32x676xi1>, vector<32x676xf32>
    %reduce_max3A_451 = vector.shape_cast %select_n3A_450 : vector<32x676xf32> to vector<1x32x676xf32>
    %reduce_max3A_452 = arith.constant dense<0xFF800000> : vector<1xf32>
    %reduce_max3A_453 = vector.multi_reduction <maximumf>, %reduce_max3A_451, %reduce_max3A_452 [1, 2] : vector<1x32x676xf32> to vector<1xf32>
    %reduce_max3A_454 = vector.shape_cast %reduce_max3A_453 : vector<1xf32> to vector<1x1x1xf32>
    %reduce_max3A_455 = vector.extract %reduce_max3A_454[0, 0, 0] : f32 from vector<1x1x1xf32>
    %eq3A_456 = arith.constant 22 : i32
    %eq3A_457 = vector.broadcast %eq3A_456 : i32 to vector<32x676xi32>
    %eq3A_458 = arith.cmpi eq, %and3A_67, %eq3A_457 : vector<32x676xi32>
    %broadcast_in_dim3A_459 = vector.broadcast %reduce_max3A_455 : f32 to vector<32x676xf32>
    %select_n3A_460 = arith.select %eq3A_458, %broadcast_in_dim3A_459, %select_n3A_443 : vector<32x676xi1>, vector<32x676xf32>
    %eq3A_461 = arith.constant 23 : i32
    %eq3A_462 = vector.broadcast %eq3A_461 : i32 to vector<32x676xi32>
    %eq3A_463 = arith.cmpi eq, %and3A_67, %eq3A_462 : vector<32x676xi32>
    %and3A_464 = arith.andi %eq3A_69, %eq3A_463 : vector<32x676xi1>
    %jit3A_465 = arith.constant 0xFF800000 : f32
    %broadcast_in_dim3A_466 = vector.broadcast %jit3A_465 : f32 to vector<32x676xf32>
    %select_n3A_467 = arith.select %and3A_464, %add3A_3, %broadcast_in_dim3A_466 : vector<32x676xi1>, vector<32x676xf32>
    %reduce_max3A_468 = vector.shape_cast %select_n3A_467 : vector<32x676xf32> to vector<1x32x676xf32>
    %reduce_max3A_469 = arith.constant dense<0xFF800000> : vector<1xf32>
    %reduce_max3A_470 = vector.multi_reduction <maximumf>, %reduce_max3A_468, %reduce_max3A_469 [1, 2] : vector<1x32x676xf32> to vector<1xf32>
    %reduce_max3A_471 = vector.shape_cast %reduce_max3A_470 : vector<1xf32> to vector<1x1x1xf32>
    %reduce_max3A_472 = vector.extract %reduce_max3A_471[0, 0, 0] : f32 from vector<1x1x1xf32>
    %eq3A_473 = arith.constant 23 : i32
    %eq3A_474 = vector.broadcast %eq3A_473 : i32 to vector<32x676xi32>
    %eq3A_475 = arith.cmpi eq, %and3A_67, %eq3A_474 : vector<32x676xi32>
    %broadcast_in_dim3A_476 = vector.broadcast %reduce_max3A_472 : f32 to vector<32x676xf32>
    %select_n3A_477 = arith.select %eq3A_475, %broadcast_in_dim3A_476, %select_n3A_460 : vector<32x676xi1>, vector<32x676xf32>
    %eq3A_478 = arith.constant 24 : i32
    %eq3A_479 = vector.broadcast %eq3A_478 : i32 to vector<32x676xi32>
    %eq3A_480 = arith.cmpi eq, %and3A_67, %eq3A_479 : vector<32x676xi32>
    %and3A_481 = arith.andi %eq3A_69, %eq3A_480 : vector<32x676xi1>
    %jit3A_482 = arith.constant 0xFF800000 : f32
    %broadcast_in_dim3A_483 = vector.broadcast %jit3A_482 : f32 to vector<32x676xf32>
    %select_n3A_484 = arith.select %and3A_481, %add3A_3, %broadcast_in_dim3A_483 : vector<32x676xi1>, vector<32x676xf32>
    %reduce_max3A_485 = vector.shape_cast %select_n3A_484 : vector<32x676xf32> to vector<1x32x676xf32>
    %reduce_max3A_486 = arith.constant dense<0xFF800000> : vector<1xf32>
    %reduce_max3A_487 = vector.multi_reduction <maximumf>, %reduce_max3A_485, %reduce_max3A_486 [1, 2] : vector<1x32x676xf32> to vector<1xf32>
    %reduce_max3A_488 = vector.shape_cast %reduce_max3A_487 : vector<1xf32> to vector<1x1x1xf32>
    %reduce_max3A_489 = vector.extract %reduce_max3A_488[0, 0, 0] : f32 from vector<1x1x1xf32>
    %eq3A_490 = arith.constant 24 : i32
    %eq3A_491 = vector.broadcast %eq3A_490 : i32 to vector<32x676xi32>
    %eq3A_492 = arith.cmpi eq, %and3A_67, %eq3A_491 : vector<32x676xi32>
    %broadcast_in_dim3A_493 = vector.broadcast %reduce_max3A_489 : f32 to vector<32x676xf32>
    %select_n3A_494 = arith.select %eq3A_492, %broadcast_in_dim3A_493, %select_n3A_477 : vector<32x676xi1>, vector<32x676xf32>
    %eq3A_495 = arith.constant 25 : i32
    %eq3A_496 = vector.broadcast %eq3A_495 : i32 to vector<32x676xi32>
    %eq3A_497 = arith.cmpi eq, %and3A_67, %eq3A_496 : vector<32x676xi32>
    %and3A_498 = arith.andi %eq3A_69, %eq3A_497 : vector<32x676xi1>
    %jit3A_499 = arith.constant 0xFF800000 : f32
    %broadcast_in_dim3A_500 = vector.broadcast %jit3A_499 : f32 to vector<32x676xf32>
    %select_n3A_501 = arith.select %and3A_498, %add3A_3, %broadcast_in_dim3A_500 : vector<32x676xi1>, vector<32x676xf32>
    %reduce_max3A_502 = vector.shape_cast %select_n3A_501 : vector<32x676xf32> to vector<1x32x676xf32>
    %reduce_max3A_503 = arith.constant dense<0xFF800000> : vector<1xf32>
    %reduce_max3A_504 = vector.multi_reduction <maximumf>, %reduce_max3A_502, %reduce_max3A_503 [1, 2] : vector<1x32x676xf32> to vector<1xf32>
    %reduce_max3A_505 = vector.shape_cast %reduce_max3A_504 : vector<1xf32> to vector<1x1x1xf32>
    %reduce_max3A_506 = vector.extract %reduce_max3A_505[0, 0, 0] : f32 from vector<1x1x1xf32>
    %eq3A_507 = arith.constant 25 : i32
    %eq3A_508 = vector.broadcast %eq3A_507 : i32 to vector<32x676xi32>
    %eq3A_509 = arith.cmpi eq, %and3A_67, %eq3A_508 : vector<32x676xi32>
    %broadcast_in_dim3A_510 = vector.broadcast %reduce_max3A_506 : f32 to vector<32x676xf32>
    %select_n3A_511 = arith.select %eq3A_509, %broadcast_in_dim3A_510, %select_n3A_494 : vector<32x676xi1>, vector<32x676xf32>
    %eq3A_512 = arith.constant 26 : i32
    %eq3A_513 = vector.broadcast %eq3A_512 : i32 to vector<32x676xi32>
    %eq3A_514 = arith.cmpi eq, %and3A_67, %eq3A_513 : vector<32x676xi32>
    %and3A_515 = arith.andi %eq3A_69, %eq3A_514 : vector<32x676xi1>
    %jit3A_516 = arith.constant 0xFF800000 : f32
    %broadcast_in_dim3A_517 = vector.broadcast %jit3A_516 : f32 to vector<32x676xf32>
    %select_n3A_518 = arith.select %and3A_515, %add3A_3, %broadcast_in_dim3A_517 : vector<32x676xi1>, vector<32x676xf32>
    %reduce_max3A_519 = vector.shape_cast %select_n3A_518 : vector<32x676xf32> to vector<1x32x676xf32>
    %reduce_max3A_520 = arith.constant dense<0xFF800000> : vector<1xf32>
    %reduce_max3A_521 = vector.multi_reduction <maximumf>, %reduce_max3A_519, %reduce_max3A_520 [1, 2] : vector<1x32x676xf32> to vector<1xf32>
    %reduce_max3A_522 = vector.shape_cast %reduce_max3A_521 : vector<1xf32> to vector<1x1x1xf32>
    %reduce_max3A_523 = vector.extract %reduce_max3A_522[0, 0, 0] : f32 from vector<1x1x1xf32>
    %eq3A_524 = arith.constant 26 : i32
    %eq3A_525 = vector.broadcast %eq3A_524 : i32 to vector<32x676xi32>
    %eq3A_526 = arith.cmpi eq, %and3A_67, %eq3A_525 : vector<32x676xi32>
    %broadcast_in_dim3A_527 = vector.broadcast %reduce_max3A_523 : f32 to vector<32x676xf32>
    %select_n3A_528 = arith.select %eq3A_526, %broadcast_in_dim3A_527, %select_n3A_511 : vector<32x676xi1>, vector<32x676xf32>
    %eq3A_529 = arith.constant 27 : i32
    %eq3A_530 = vector.broadcast %eq3A_529 : i32 to vector<32x676xi32>
    %eq3A_531 = arith.cmpi eq, %and3A_67, %eq3A_530 : vector<32x676xi32>
    %and3A_532 = arith.andi %eq3A_69, %eq3A_531 : vector<32x676xi1>
    %jit3A_533 = arith.constant 0xFF800000 : f32
    %broadcast_in_dim3A_534 = vector.broadcast %jit3A_533 : f32 to vector<32x676xf32>
    %select_n3A_535 = arith.select %and3A_532, %add3A_3, %broadcast_in_dim3A_534 : vector<32x676xi1>, vector<32x676xf32>
    %reduce_max3A_536 = vector.shape_cast %select_n3A_535 : vector<32x676xf32> to vector<1x32x676xf32>
    %reduce_max3A_537 = arith.constant dense<0xFF800000> : vector<1xf32>
    %reduce_max3A_538 = vector.multi_reduction <maximumf>, %reduce_max3A_536, %reduce_max3A_537 [1, 2] : vector<1x32x676xf32> to vector<1xf32>
    %reduce_max3A_539 = vector.shape_cast %reduce_max3A_538 : vector<1xf32> to vector<1x1x1xf32>
    %reduce_max3A_540 = vector.extract %reduce_max3A_539[0, 0, 0] : f32 from vector<1x1x1xf32>
    %eq3A_541 = arith.constant 27 : i32
    %eq3A_542 = vector.broadcast %eq3A_541 : i32 to vector<32x676xi32>
    %eq3A_543 = arith.cmpi eq, %and3A_67, %eq3A_542 : vector<32x676xi32>
    %broadcast_in_dim3A_544 = vector.broadcast %reduce_max3A_540 : f32 to vector<32x676xf32>
    %select_n3A_545 = arith.select %eq3A_543, %broadcast_in_dim3A_544, %select_n3A_528 : vector<32x676xi1>, vector<32x676xf32>
    %eq3A_546 = arith.constant 28 : i32
    %eq3A_547 = vector.broadcast %eq3A_546 : i32 to vector<32x676xi32>
    %eq3A_548 = arith.cmpi eq, %and3A_67, %eq3A_547 : vector<32x676xi32>
    %and3A_549 = arith.andi %eq3A_69, %eq3A_548 : vector<32x676xi1>
    %jit3A_550 = arith.constant 0xFF800000 : f32
    %broadcast_in_dim3A_551 = vector.broadcast %jit3A_550 : f32 to vector<32x676xf32>
    %select_n3A_552 = arith.select %and3A_549, %add3A_3, %broadcast_in_dim3A_551 : vector<32x676xi1>, vector<32x676xf32>
    %reduce_max3A_553 = vector.shape_cast %select_n3A_552 : vector<32x676xf32> to vector<1x32x676xf32>
    %reduce_max3A_554 = arith.constant dense<0xFF800000> : vector<1xf32>
    %reduce_max3A_555 = vector.multi_reduction <maximumf>, %reduce_max3A_553, %reduce_max3A_554 [1, 2] : vector<1x32x676xf32> to vector<1xf32>
    %reduce_max3A_556 = vector.shape_cast %reduce_max3A_555 : vector<1xf32> to vector<1x1x1xf32>
    %reduce_max3A_557 = vector.extract %reduce_max3A_556[0, 0, 0] : f32 from vector<1x1x1xf32>
    %eq3A_558 = arith.constant 28 : i32
    %eq3A_559 = vector.broadcast %eq3A_558 : i32 to vector<32x676xi32>
    %eq3A_560 = arith.cmpi eq, %and3A_67, %eq3A_559 : vector<32x676xi32>
    %broadcast_in_dim3A_561 = vector.broadcast %reduce_max3A_557 : f32 to vector<32x676xf32>
    %select_n3A_562 = arith.select %eq3A_560, %broadcast_in_dim3A_561, %select_n3A_545 : vector<32x676xi1>, vector<32x676xf32>
    %eq3A_563 = arith.constant 29 : i32
    %eq3A_564 = vector.broadcast %eq3A_563 : i32 to vector<32x676xi32>
    %eq3A_565 = arith.cmpi eq, %and3A_67, %eq3A_564 : vector<32x676xi32>
    %and3A_566 = arith.andi %eq3A_69, %eq3A_565 : vector<32x676xi1>
    %jit3A_567 = arith.constant 0xFF800000 : f32
    %broadcast_in_dim3A_568 = vector.broadcast %jit3A_567 : f32 to vector<32x676xf32>
    %select_n3A_569 = arith.select %and3A_566, %add3A_3, %broadcast_in_dim3A_568 : vector<32x676xi1>, vector<32x676xf32>
    %reduce_max3A_570 = vector.shape_cast %select_n3A_569 : vector<32x676xf32> to vector<1x32x676xf32>
    %reduce_max3A_571 = arith.constant dense<0xFF800000> : vector<1xf32>
    %reduce_max3A_572 = vector.multi_reduction <maximumf>, %reduce_max3A_570, %reduce_max3A_571 [1, 2] : vector<1x32x676xf32> to vector<1xf32>
    %reduce_max3A_573 = vector.shape_cast %reduce_max3A_572 : vector<1xf32> to vector<1x1x1xf32>
    %reduce_max3A_574 = vector.extract %reduce_max3A_573[0, 0, 0] : f32 from vector<1x1x1xf32>
    %eq3A_575 = arith.constant 29 : i32
    %eq3A_576 = vector.broadcast %eq3A_575 : i32 to vector<32x676xi32>
    %eq3A_577 = arith.cmpi eq, %and3A_67, %eq3A_576 : vector<32x676xi32>
    %broadcast_in_dim3A_578 = vector.broadcast %reduce_max3A_574 : f32 to vector<32x676xf32>
    %select_n3A_579 = arith.select %eq3A_577, %broadcast_in_dim3A_578, %select_n3A_562 : vector<32x676xi1>, vector<32x676xf32>
    %eq3A_580 = arith.constant 30 : i32
    %eq3A_581 = vector.broadcast %eq3A_580 : i32 to vector<32x676xi32>
    %eq3A_582 = arith.cmpi eq, %and3A_67, %eq3A_581 : vector<32x676xi32>
    %and3A_583 = arith.andi %eq3A_69, %eq3A_582 : vector<32x676xi1>
    %jit3A_584 = arith.constant 0xFF800000 : f32
    %broadcast_in_dim3A_585 = vector.broadcast %jit3A_584 : f32 to vector<32x676xf32>
    %select_n3A_586 = arith.select %and3A_583, %add3A_3, %broadcast_in_dim3A_585 : vector<32x676xi1>, vector<32x676xf32>
    %reduce_max3A_587 = vector.shape_cast %select_n3A_586 : vector<32x676xf32> to vector<1x32x676xf32>
    %reduce_max3A_588 = arith.constant dense<0xFF800000> : vector<1xf32>
    %reduce_max3A_589 = vector.multi_reduction <maximumf>, %reduce_max3A_587, %reduce_max3A_588 [1, 2] : vector<1x32x676xf32> to vector<1xf32>
    %reduce_max3A_590 = vector.shape_cast %reduce_max3A_589 : vector<1xf32> to vector<1x1x1xf32>
    %reduce_max3A_591 = vector.extract %reduce_max3A_590[0, 0, 0] : f32 from vector<1x1x1xf32>
    %eq3A_592 = arith.constant 30 : i32
    %eq3A_593 = vector.broadcast %eq3A_592 : i32 to vector<32x676xi32>
    %eq3A_594 = arith.cmpi eq, %and3A_67, %eq3A_593 : vector<32x676xi32>
    %broadcast_in_dim3A_595 = vector.broadcast %reduce_max3A_591 : f32 to vector<32x676xf32>
    %select_n3A_596 = arith.select %eq3A_594, %broadcast_in_dim3A_595, %select_n3A_579 : vector<32x676xi1>, vector<32x676xf32>
    %eq3A_597 = arith.constant 31 : i32
    %eq3A_598 = vector.broadcast %eq3A_597 : i32 to vector<32x676xi32>
    %eq3A_599 = arith.cmpi eq, %and3A_67, %eq3A_598 : vector<32x676xi32>
    %and3A_600 = arith.andi %eq3A_69, %eq3A_599 : vector<32x676xi1>
    %jit3A_601 = arith.constant 0xFF800000 : f32
    %broadcast_in_dim3A_602 = vector.broadcast %jit3A_601 : f32 to vector<32x676xf32>
    %select_n3A_603 = arith.select %and3A_600, %add3A_3, %broadcast_in_dim3A_602 : vector<32x676xi1>, vector<32x676xf32>
    %reduce_max3A_604 = vector.shape_cast %select_n3A_603 : vector<32x676xf32> to vector<1x32x676xf32>
    %reduce_max3A_605 = arith.constant dense<0xFF800000> : vector<1xf32>
    %reduce_max3A_606 = vector.multi_reduction <maximumf>, %reduce_max3A_604, %reduce_max3A_605 [1, 2] : vector<1x32x676xf32> to vector<1xf32>
    %reduce_max3A_607 = vector.shape_cast %reduce_max3A_606 : vector<1xf32> to vector<1x1x1xf32>
    %reduce_max3A_608 = vector.extract %reduce_max3A_607[0, 0, 0] : f32 from vector<1x1x1xf32>
    %eq3A_609 = arith.constant 31 : i32
    %eq3A_610 = vector.broadcast %eq3A_609 : i32 to vector<32x676xi32>
    %eq3A_611 = arith.cmpi eq, %and3A_67, %eq3A_610 : vector<32x676xi32>
    %broadcast_in_dim3A_612 = vector.broadcast %reduce_max3A_608 : f32 to vector<32x676xf32>
    %select_n3A_613 = arith.select %eq3A_611, %broadcast_in_dim3A_612, %select_n3A_596 : vector<32x676xi1>, vector<32x676xf32>
    %sub3A_614 = arith.subf %add3A_3, %select_n3A_613 : vector<32x676xf32>
    %exp3A = math.exp %sub3A_614 : vector<32x676xf32>
    %jit3A_615 = arith.constant 0.000000e+00 : f32
    %broadcast_in_dim3A_616 = vector.broadcast %jit3A_615 : f32 to vector<32x676xf32>
    %select_n3A_617 = arith.select %eq3A_69, %exp3A, %broadcast_in_dim3A_616 : vector<32x676xi1>, vector<32x676xf32>
    %broadcast_in_dim3A_618 = arith.constant 1.000000e+00 : f32
    %broadcast_in_dim3A_619 = vector.broadcast %broadcast_in_dim3A_618 : f32 to vector<32x676xf32>
    %eq3A_620 = arith.constant 0 : i32
    %eq3A_621 = vector.broadcast %eq3A_620 : i32 to vector<32x676xi32>
    %eq3A_622 = arith.cmpi eq, %and3A_67, %eq3A_621 : vector<32x676xi32>
    %jit3A_623 = arith.constant 0.000000e+00 : f32
    %broadcast_in_dim3A_624 = vector.broadcast %jit3A_623 : f32 to vector<32x676xf32>
    %select_n3A_625 = arith.select %eq3A_622, %select_n3A_617, %broadcast_in_dim3A_624 : vector<32x676xi1>, vector<32x676xf32>
    %reduce_sum3A_626 = vector.shape_cast %select_n3A_625 : vector<32x676xf32> to vector<1x32x676xf32>
    %reduce_sum3A_627 = arith.constant dense<0.000000e+00> : vector<1xf32>
    %reduce_sum3A_628 = vector.multi_reduction <add>, %reduce_sum3A_626, %reduce_sum3A_627 [1, 2] : vector<1x32x676xf32> to vector<1xf32>
    %reduce_sum3A_629 = vector.shape_cast %reduce_sum3A_628 : vector<1xf32> to vector<1x1x1xf32>
    %reduce_sum3A_630 = vector.extract %reduce_sum3A_629[0, 0, 0] : f32 from vector<1x1x1xf32>
    %eq3A_631 = arith.constant 0 : i32
    %eq3A_632 = vector.broadcast %eq3A_631 : i32 to vector<32x676xi32>
    %eq3A_633 = arith.cmpi eq, %and3A_67, %eq3A_632 : vector<32x676xi32>
    %broadcast_in_dim3A_634 = vector.broadcast %reduce_sum3A_630 : f32 to vector<32x676xf32>
    %select_n3A_635 = arith.select %eq3A_633, %broadcast_in_dim3A_634, %broadcast_in_dim3A_619 : vector<32x676xi1>, vector<32x676xf32>
    %eq3A_636 = arith.constant 1 : i32
    %eq3A_637 = vector.broadcast %eq3A_636 : i32 to vector<32x676xi32>
    %eq3A_638 = arith.cmpi eq, %and3A_67, %eq3A_637 : vector<32x676xi32>
    %jit3A_639 = arith.constant 0.000000e+00 : f32
    %broadcast_in_dim3A_640 = vector.broadcast %jit3A_639 : f32 to vector<32x676xf32>
    %select_n3A_641 = arith.select %eq3A_638, %select_n3A_617, %broadcast_in_dim3A_640 : vector<32x676xi1>, vector<32x676xf32>
    %reduce_sum3A_642 = vector.shape_cast %select_n3A_641 : vector<32x676xf32> to vector<1x32x676xf32>
    %reduce_sum3A_643 = arith.constant dense<0.000000e+00> : vector<1xf32>
    %reduce_sum3A_644 = vector.multi_reduction <add>, %reduce_sum3A_642, %reduce_sum3A_643 [1, 2] : vector<1x32x676xf32> to vector<1xf32>
    %reduce_sum3A_645 = vector.shape_cast %reduce_sum3A_644 : vector<1xf32> to vector<1x1x1xf32>
    %reduce_sum3A_646 = vector.extract %reduce_sum3A_645[0, 0, 0] : f32 from vector<1x1x1xf32>
    %eq3A_647 = arith.constant 1 : i32
    %eq3A_648 = vector.broadcast %eq3A_647 : i32 to vector<32x676xi32>
    %eq3A_649 = arith.cmpi eq, %and3A_67, %eq3A_648 : vector<32x676xi32>
    %broadcast_in_dim3A_650 = vector.broadcast %reduce_sum3A_646 : f32 to vector<32x676xf32>
    %select_n3A_651 = arith.select %eq3A_649, %broadcast_in_dim3A_650, %select_n3A_635 : vector<32x676xi1>, vector<32x676xf32>
    %eq3A_652 = arith.constant 2 : i32
    %eq3A_653 = vector.broadcast %eq3A_652 : i32 to vector<32x676xi32>
    %eq3A_654 = arith.cmpi eq, %and3A_67, %eq3A_653 : vector<32x676xi32>
    %jit3A_655 = arith.constant 0.000000e+00 : f32
    %broadcast_in_dim3A_656 = vector.broadcast %jit3A_655 : f32 to vector<32x676xf32>
    %select_n3A_657 = arith.select %eq3A_654, %select_n3A_617, %broadcast_in_dim3A_656 : vector<32x676xi1>, vector<32x676xf32>
    %reduce_sum3A_658 = vector.shape_cast %select_n3A_657 : vector<32x676xf32> to vector<1x32x676xf32>
    %reduce_sum3A_659 = arith.constant dense<0.000000e+00> : vector<1xf32>
    %reduce_sum3A_660 = vector.multi_reduction <add>, %reduce_sum3A_658, %reduce_sum3A_659 [1, 2] : vector<1x32x676xf32> to vector<1xf32>
    %reduce_sum3A_661 = vector.shape_cast %reduce_sum3A_660 : vector<1xf32> to vector<1x1x1xf32>
    %reduce_sum3A_662 = vector.extract %reduce_sum3A_661[0, 0, 0] : f32 from vector<1x1x1xf32>
    %eq3A_663 = arith.constant 2 : i32
    %eq3A_664 = vector.broadcast %eq3A_663 : i32 to vector<32x676xi32>
    %eq3A_665 = arith.cmpi eq, %and3A_67, %eq3A_664 : vector<32x676xi32>
    %broadcast_in_dim3A_666 = vector.broadcast %reduce_sum3A_662 : f32 to vector<32x676xf32>
    %select_n3A_667 = arith.select %eq3A_665, %broadcast_in_dim3A_666, %select_n3A_651 : vector<32x676xi1>, vector<32x676xf32>
    %eq3A_668 = arith.constant 3 : i32
    %eq3A_669 = vector.broadcast %eq3A_668 : i32 to vector<32x676xi32>
    %eq3A_670 = arith.cmpi eq, %and3A_67, %eq3A_669 : vector<32x676xi32>
    %jit3A_671 = arith.constant 0.000000e+00 : f32
    %broadcast_in_dim3A_672 = vector.broadcast %jit3A_671 : f32 to vector<32x676xf32>
    %select_n3A_673 = arith.select %eq3A_670, %select_n3A_617, %broadcast_in_dim3A_672 : vector<32x676xi1>, vector<32x676xf32>
    %reduce_sum3A_674 = vector.shape_cast %select_n3A_673 : vector<32x676xf32> to vector<1x32x676xf32>
    %reduce_sum3A_675 = arith.constant dense<0.000000e+00> : vector<1xf32>
    %reduce_sum3A_676 = vector.multi_reduction <add>, %reduce_sum3A_674, %reduce_sum3A_675 [1, 2] : vector<1x32x676xf32> to vector<1xf32>
    %reduce_sum3A_677 = vector.shape_cast %reduce_sum3A_676 : vector<1xf32> to vector<1x1x1xf32>
    %reduce_sum3A_678 = vector.extract %reduce_sum3A_677[0, 0, 0] : f32 from vector<1x1x1xf32>
    %eq3A_679 = arith.constant 3 : i32
    %eq3A_680 = vector.broadcast %eq3A_679 : i32 to vector<32x676xi32>
    %eq3A_681 = arith.cmpi eq, %and3A_67, %eq3A_680 : vector<32x676xi32>
    %broadcast_in_dim3A_682 = vector.broadcast %reduce_sum3A_678 : f32 to vector<32x676xf32>
    %select_n3A_683 = arith.select %eq3A_681, %broadcast_in_dim3A_682, %select_n3A_667 : vector<32x676xi1>, vector<32x676xf32>
    %eq3A_684 = arith.constant 4 : i32
    %eq3A_685 = vector.broadcast %eq3A_684 : i32 to vector<32x676xi32>
    %eq3A_686 = arith.cmpi eq, %and3A_67, %eq3A_685 : vector<32x676xi32>
    %jit3A_687 = arith.constant 0.000000e+00 : f32
    %broadcast_in_dim3A_688 = vector.broadcast %jit3A_687 : f32 to vector<32x676xf32>
    %select_n3A_689 = arith.select %eq3A_686, %select_n3A_617, %broadcast_in_dim3A_688 : vector<32x676xi1>, vector<32x676xf32>
    %reduce_sum3A_690 = vector.shape_cast %select_n3A_689 : vector<32x676xf32> to vector<1x32x676xf32>
    %reduce_sum3A_691 = arith.constant dense<0.000000e+00> : vector<1xf32>
    %reduce_sum3A_692 = vector.multi_reduction <add>, %reduce_sum3A_690, %reduce_sum3A_691 [1, 2] : vector<1x32x676xf32> to vector<1xf32>
    %reduce_sum3A_693 = vector.shape_cast %reduce_sum3A_692 : vector<1xf32> to vector<1x1x1xf32>
    %reduce_sum3A_694 = vector.extract %reduce_sum3A_693[0, 0, 0] : f32 from vector<1x1x1xf32>
    %eq3A_695 = arith.constant 4 : i32
    %eq3A_696 = vector.broadcast %eq3A_695 : i32 to vector<32x676xi32>
    %eq3A_697 = arith.cmpi eq, %and3A_67, %eq3A_696 : vector<32x676xi32>
    %broadcast_in_dim3A_698 = vector.broadcast %reduce_sum3A_694 : f32 to vector<32x676xf32>
    %select_n3A_699 = arith.select %eq3A_697, %broadcast_in_dim3A_698, %select_n3A_683 : vector<32x676xi1>, vector<32x676xf32>
    %eq3A_700 = arith.constant 5 : i32
    %eq3A_701 = vector.broadcast %eq3A_700 : i32 to vector<32x676xi32>
    %eq3A_702 = arith.cmpi eq, %and3A_67, %eq3A_701 : vector<32x676xi32>
    %jit3A_703 = arith.constant 0.000000e+00 : f32
    %broadcast_in_dim3A_704 = vector.broadcast %jit3A_703 : f32 to vector<32x676xf32>
    %select_n3A_705 = arith.select %eq3A_702, %select_n3A_617, %broadcast_in_dim3A_704 : vector<32x676xi1>, vector<32x676xf32>
    %reduce_sum3A_706 = vector.shape_cast %select_n3A_705 : vector<32x676xf32> to vector<1x32x676xf32>
    %reduce_sum3A_707 = arith.constant dense<0.000000e+00> : vector<1xf32>
    %reduce_sum3A_708 = vector.multi_reduction <add>, %reduce_sum3A_706, %reduce_sum3A_707 [1, 2] : vector<1x32x676xf32> to vector<1xf32>
    %reduce_sum3A_709 = vector.shape_cast %reduce_sum3A_708 : vector<1xf32> to vector<1x1x1xf32>
    %reduce_sum3A_710 = vector.extract %reduce_sum3A_709[0, 0, 0] : f32 from vector<1x1x1xf32>
    %eq3A_711 = arith.constant 5 : i32
    %eq3A_712 = vector.broadcast %eq3A_711 : i32 to vector<32x676xi32>
    %eq3A_713 = arith.cmpi eq, %and3A_67, %eq3A_712 : vector<32x676xi32>
    %broadcast_in_dim3A_714 = vector.broadcast %reduce_sum3A_710 : f32 to vector<32x676xf32>
    %select_n3A_715 = arith.select %eq3A_713, %broadcast_in_dim3A_714, %select_n3A_699 : vector<32x676xi1>, vector<32x676xf32>
    %eq3A_716 = arith.constant 6 : i32
    %eq3A_717 = vector.broadcast %eq3A_716 : i32 to vector<32x676xi32>
    %eq3A_718 = arith.cmpi eq, %and3A_67, %eq3A_717 : vector<32x676xi32>
    %jit3A_719 = arith.constant 0.000000e+00 : f32
    %broadcast_in_dim3A_720 = vector.broadcast %jit3A_719 : f32 to vector<32x676xf32>
    %select_n3A_721 = arith.select %eq3A_718, %select_n3A_617, %broadcast_in_dim3A_720 : vector<32x676xi1>, vector<32x676xf32>
    %reduce_sum3A_722 = vector.shape_cast %select_n3A_721 : vector<32x676xf32> to vector<1x32x676xf32>
    %reduce_sum3A_723 = arith.constant dense<0.000000e+00> : vector<1xf32>
    %reduce_sum3A_724 = vector.multi_reduction <add>, %reduce_sum3A_722, %reduce_sum3A_723 [1, 2] : vector<1x32x676xf32> to vector<1xf32>
    %reduce_sum3A_725 = vector.shape_cast %reduce_sum3A_724 : vector<1xf32> to vector<1x1x1xf32>
    %reduce_sum3A_726 = vector.extract %reduce_sum3A_725[0, 0, 0] : f32 from vector<1x1x1xf32>
    %eq3A_727 = arith.constant 6 : i32
    %eq3A_728 = vector.broadcast %eq3A_727 : i32 to vector<32x676xi32>
    %eq3A_729 = arith.cmpi eq, %and3A_67, %eq3A_728 : vector<32x676xi32>
    %broadcast_in_dim3A_730 = vector.broadcast %reduce_sum3A_726 : f32 to vector<32x676xf32>
    %select_n3A_731 = arith.select %eq3A_729, %broadcast_in_dim3A_730, %select_n3A_715 : vector<32x676xi1>, vector<32x676xf32>
    %eq3A_732 = arith.constant 7 : i32
    %eq3A_733 = vector.broadcast %eq3A_732 : i32 to vector<32x676xi32>
    %eq3A_734 = arith.cmpi eq, %and3A_67, %eq3A_733 : vector<32x676xi32>
    %jit3A_735 = arith.constant 0.000000e+00 : f32
    %broadcast_in_dim3A_736 = vector.broadcast %jit3A_735 : f32 to vector<32x676xf32>
    %select_n3A_737 = arith.select %eq3A_734, %select_n3A_617, %broadcast_in_dim3A_736 : vector<32x676xi1>, vector<32x676xf32>
    %reduce_sum3A_738 = vector.shape_cast %select_n3A_737 : vector<32x676xf32> to vector<1x32x676xf32>
    %reduce_sum3A_739 = arith.constant dense<0.000000e+00> : vector<1xf32>
    %reduce_sum3A_740 = vector.multi_reduction <add>, %reduce_sum3A_738, %reduce_sum3A_739 [1, 2] : vector<1x32x676xf32> to vector<1xf32>
    %reduce_sum3A_741 = vector.shape_cast %reduce_sum3A_740 : vector<1xf32> to vector<1x1x1xf32>
    %reduce_sum3A_742 = vector.extract %reduce_sum3A_741[0, 0, 0] : f32 from vector<1x1x1xf32>
    %eq3A_743 = arith.constant 7 : i32
    %eq3A_744 = vector.broadcast %eq3A_743 : i32 to vector<32x676xi32>
    %eq3A_745 = arith.cmpi eq, %and3A_67, %eq3A_744 : vector<32x676xi32>
    %broadcast_in_dim3A_746 = vector.broadcast %reduce_sum3A_742 : f32 to vector<32x676xf32>
    %select_n3A_747 = arith.select %eq3A_745, %broadcast_in_dim3A_746, %select_n3A_731 : vector<32x676xi1>, vector<32x676xf32>
    %eq3A_748 = arith.constant 8 : i32
    %eq3A_749 = vector.broadcast %eq3A_748 : i32 to vector<32x676xi32>
    %eq3A_750 = arith.cmpi eq, %and3A_67, %eq3A_749 : vector<32x676xi32>
    %jit3A_751 = arith.constant 0.000000e+00 : f32
    %broadcast_in_dim3A_752 = vector.broadcast %jit3A_751 : f32 to vector<32x676xf32>
    %select_n3A_753 = arith.select %eq3A_750, %select_n3A_617, %broadcast_in_dim3A_752 : vector<32x676xi1>, vector<32x676xf32>
    %reduce_sum3A_754 = vector.shape_cast %select_n3A_753 : vector<32x676xf32> to vector<1x32x676xf32>
    %reduce_sum3A_755 = arith.constant dense<0.000000e+00> : vector<1xf32>
    %reduce_sum3A_756 = vector.multi_reduction <add>, %reduce_sum3A_754, %reduce_sum3A_755 [1, 2] : vector<1x32x676xf32> to vector<1xf32>
    %reduce_sum3A_757 = vector.shape_cast %reduce_sum3A_756 : vector<1xf32> to vector<1x1x1xf32>
    %reduce_sum3A_758 = vector.extract %reduce_sum3A_757[0, 0, 0] : f32 from vector<1x1x1xf32>
    %eq3A_759 = arith.constant 8 : i32
    %eq3A_760 = vector.broadcast %eq3A_759 : i32 to vector<32x676xi32>
    %eq3A_761 = arith.cmpi eq, %and3A_67, %eq3A_760 : vector<32x676xi32>
    %broadcast_in_dim3A_762 = vector.broadcast %reduce_sum3A_758 : f32 to vector<32x676xf32>
    %select_n3A_763 = arith.select %eq3A_761, %broadcast_in_dim3A_762, %select_n3A_747 : vector<32x676xi1>, vector<32x676xf32>
    %eq3A_764 = arith.constant 9 : i32
    %eq3A_765 = vector.broadcast %eq3A_764 : i32 to vector<32x676xi32>
    %eq3A_766 = arith.cmpi eq, %and3A_67, %eq3A_765 : vector<32x676xi32>
    %jit3A_767 = arith.constant 0.000000e+00 : f32
    %broadcast_in_dim3A_768 = vector.broadcast %jit3A_767 : f32 to vector<32x676xf32>
    %select_n3A_769 = arith.select %eq3A_766, %select_n3A_617, %broadcast_in_dim3A_768 : vector<32x676xi1>, vector<32x676xf32>
    %reduce_sum3A_770 = vector.shape_cast %select_n3A_769 : vector<32x676xf32> to vector<1x32x676xf32>
    %reduce_sum3A_771 = arith.constant dense<0.000000e+00> : vector<1xf32>
    %reduce_sum3A_772 = vector.multi_reduction <add>, %reduce_sum3A_770, %reduce_sum3A_771 [1, 2] : vector<1x32x676xf32> to vector<1xf32>
    %reduce_sum3A_773 = vector.shape_cast %reduce_sum3A_772 : vector<1xf32> to vector<1x1x1xf32>
    %reduce_sum3A_774 = vector.extract %reduce_sum3A_773[0, 0, 0] : f32 from vector<1x1x1xf32>
    %eq3A_775 = arith.constant 9 : i32
    %eq3A_776 = vector.broadcast %eq3A_775 : i32 to vector<32x676xi32>
    %eq3A_777 = arith.cmpi eq, %and3A_67, %eq3A_776 : vector<32x676xi32>
    %broadcast_in_dim3A_778 = vector.broadcast %reduce_sum3A_774 : f32 to vector<32x676xf32>
    %select_n3A_779 = arith.select %eq3A_777, %broadcast_in_dim3A_778, %select_n3A_763 : vector<32x676xi1>, vector<32x676xf32>
    %eq3A_780 = arith.constant 10 : i32
    %eq3A_781 = vector.broadcast %eq3A_780 : i32 to vector<32x676xi32>
    %eq3A_782 = arith.cmpi eq, %and3A_67, %eq3A_781 : vector<32x676xi32>
    %jit3A_783 = arith.constant 0.000000e+00 : f32
    %broadcast_in_dim3A_784 = vector.broadcast %jit3A_783 : f32 to vector<32x676xf32>
    %select_n3A_785 = arith.select %eq3A_782, %select_n3A_617, %broadcast_in_dim3A_784 : vector<32x676xi1>, vector<32x676xf32>
    %reduce_sum3A_786 = vector.shape_cast %select_n3A_785 : vector<32x676xf32> to vector<1x32x676xf32>
    %reduce_sum3A_787 = arith.constant dense<0.000000e+00> : vector<1xf32>
    %reduce_sum3A_788 = vector.multi_reduction <add>, %reduce_sum3A_786, %reduce_sum3A_787 [1, 2] : vector<1x32x676xf32> to vector<1xf32>
    %reduce_sum3A_789 = vector.shape_cast %reduce_sum3A_788 : vector<1xf32> to vector<1x1x1xf32>
    %reduce_sum3A_790 = vector.extract %reduce_sum3A_789[0, 0, 0] : f32 from vector<1x1x1xf32>
    %eq3A_791 = arith.constant 10 : i32
    %eq3A_792 = vector.broadcast %eq3A_791 : i32 to vector<32x676xi32>
    %eq3A_793 = arith.cmpi eq, %and3A_67, %eq3A_792 : vector<32x676xi32>
    %broadcast_in_dim3A_794 = vector.broadcast %reduce_sum3A_790 : f32 to vector<32x676xf32>
    %select_n3A_795 = arith.select %eq3A_793, %broadcast_in_dim3A_794, %select_n3A_779 : vector<32x676xi1>, vector<32x676xf32>
    %eq3A_796 = arith.constant 11 : i32
    %eq3A_797 = vector.broadcast %eq3A_796 : i32 to vector<32x676xi32>
    %eq3A_798 = arith.cmpi eq, %and3A_67, %eq3A_797 : vector<32x676xi32>
    %jit3A_799 = arith.constant 0.000000e+00 : f32
    %broadcast_in_dim3A_800 = vector.broadcast %jit3A_799 : f32 to vector<32x676xf32>
    %select_n3A_801 = arith.select %eq3A_798, %select_n3A_617, %broadcast_in_dim3A_800 : vector<32x676xi1>, vector<32x676xf32>
    %reduce_sum3A_802 = vector.shape_cast %select_n3A_801 : vector<32x676xf32> to vector<1x32x676xf32>
    %reduce_sum3A_803 = arith.constant dense<0.000000e+00> : vector<1xf32>
    %reduce_sum3A_804 = vector.multi_reduction <add>, %reduce_sum3A_802, %reduce_sum3A_803 [1, 2] : vector<1x32x676xf32> to vector<1xf32>
    %reduce_sum3A_805 = vector.shape_cast %reduce_sum3A_804 : vector<1xf32> to vector<1x1x1xf32>
    %reduce_sum3A_806 = vector.extract %reduce_sum3A_805[0, 0, 0] : f32 from vector<1x1x1xf32>
    %eq3A_807 = arith.constant 11 : i32
    %eq3A_808 = vector.broadcast %eq3A_807 : i32 to vector<32x676xi32>
    %eq3A_809 = arith.cmpi eq, %and3A_67, %eq3A_808 : vector<32x676xi32>
    %broadcast_in_dim3A_810 = vector.broadcast %reduce_sum3A_806 : f32 to vector<32x676xf32>
    %select_n3A_811 = arith.select %eq3A_809, %broadcast_in_dim3A_810, %select_n3A_795 : vector<32x676xi1>, vector<32x676xf32>
    %eq3A_812 = arith.constant 12 : i32
    %eq3A_813 = vector.broadcast %eq3A_812 : i32 to vector<32x676xi32>
    %eq3A_814 = arith.cmpi eq, %and3A_67, %eq3A_813 : vector<32x676xi32>
    %jit3A_815 = arith.constant 0.000000e+00 : f32
    %broadcast_in_dim3A_816 = vector.broadcast %jit3A_815 : f32 to vector<32x676xf32>
    %select_n3A_817 = arith.select %eq3A_814, %select_n3A_617, %broadcast_in_dim3A_816 : vector<32x676xi1>, vector<32x676xf32>
    %reduce_sum3A_818 = vector.shape_cast %select_n3A_817 : vector<32x676xf32> to vector<1x32x676xf32>
    %reduce_sum3A_819 = arith.constant dense<0.000000e+00> : vector<1xf32>
    %reduce_sum3A_820 = vector.multi_reduction <add>, %reduce_sum3A_818, %reduce_sum3A_819 [1, 2] : vector<1x32x676xf32> to vector<1xf32>
    %reduce_sum3A_821 = vector.shape_cast %reduce_sum3A_820 : vector<1xf32> to vector<1x1x1xf32>
    %reduce_sum3A_822 = vector.extract %reduce_sum3A_821[0, 0, 0] : f32 from vector<1x1x1xf32>
    %eq3A_823 = arith.constant 12 : i32
    %eq3A_824 = vector.broadcast %eq3A_823 : i32 to vector<32x676xi32>
    %eq3A_825 = arith.cmpi eq, %and3A_67, %eq3A_824 : vector<32x676xi32>
    %broadcast_in_dim3A_826 = vector.broadcast %reduce_sum3A_822 : f32 to vector<32x676xf32>
    %select_n3A_827 = arith.select %eq3A_825, %broadcast_in_dim3A_826, %select_n3A_811 : vector<32x676xi1>, vector<32x676xf32>
    %eq3A_828 = arith.constant 13 : i32
    %eq3A_829 = vector.broadcast %eq3A_828 : i32 to vector<32x676xi32>
    %eq3A_830 = arith.cmpi eq, %and3A_67, %eq3A_829 : vector<32x676xi32>
    %jit3A_831 = arith.constant 0.000000e+00 : f32
    %broadcast_in_dim3A_832 = vector.broadcast %jit3A_831 : f32 to vector<32x676xf32>
    %select_n3A_833 = arith.select %eq3A_830, %select_n3A_617, %broadcast_in_dim3A_832 : vector<32x676xi1>, vector<32x676xf32>
    %reduce_sum3A_834 = vector.shape_cast %select_n3A_833 : vector<32x676xf32> to vector<1x32x676xf32>
    %reduce_sum3A_835 = arith.constant dense<0.000000e+00> : vector<1xf32>
    %reduce_sum3A_836 = vector.multi_reduction <add>, %reduce_sum3A_834, %reduce_sum3A_835 [1, 2] : vector<1x32x676xf32> to vector<1xf32>
    %reduce_sum3A_837 = vector.shape_cast %reduce_sum3A_836 : vector<1xf32> to vector<1x1x1xf32>
    %reduce_sum3A_838 = vector.extract %reduce_sum3A_837[0, 0, 0] : f32 from vector<1x1x1xf32>
    %eq3A_839 = arith.constant 13 : i32
    %eq3A_840 = vector.broadcast %eq3A_839 : i32 to vector<32x676xi32>
    %eq3A_841 = arith.cmpi eq, %and3A_67, %eq3A_840 : vector<32x676xi32>
    %broadcast_in_dim3A_842 = vector.broadcast %reduce_sum3A_838 : f32 to vector<32x676xf32>
    %select_n3A_843 = arith.select %eq3A_841, %broadcast_in_dim3A_842, %select_n3A_827 : vector<32x676xi1>, vector<32x676xf32>
    %eq3A_844 = arith.constant 14 : i32
    %eq3A_845 = vector.broadcast %eq3A_844 : i32 to vector<32x676xi32>
    %eq3A_846 = arith.cmpi eq, %and3A_67, %eq3A_845 : vector<32x676xi32>
    %jit3A_847 = arith.constant 0.000000e+00 : f32
    %broadcast_in_dim3A_848 = vector.broadcast %jit3A_847 : f32 to vector<32x676xf32>
    %select_n3A_849 = arith.select %eq3A_846, %select_n3A_617, %broadcast_in_dim3A_848 : vector<32x676xi1>, vector<32x676xf32>
    %reduce_sum3A_850 = vector.shape_cast %select_n3A_849 : vector<32x676xf32> to vector<1x32x676xf32>
    %reduce_sum3A_851 = arith.constant dense<0.000000e+00> : vector<1xf32>
    %reduce_sum3A_852 = vector.multi_reduction <add>, %reduce_sum3A_850, %reduce_sum3A_851 [1, 2] : vector<1x32x676xf32> to vector<1xf32>
    %reduce_sum3A_853 = vector.shape_cast %reduce_sum3A_852 : vector<1xf32> to vector<1x1x1xf32>
    %reduce_sum3A_854 = vector.extract %reduce_sum3A_853[0, 0, 0] : f32 from vector<1x1x1xf32>
    %eq3A_855 = arith.constant 14 : i32
    %eq3A_856 = vector.broadcast %eq3A_855 : i32 to vector<32x676xi32>
    %eq3A_857 = arith.cmpi eq, %and3A_67, %eq3A_856 : vector<32x676xi32>
    %broadcast_in_dim3A_858 = vector.broadcast %reduce_sum3A_854 : f32 to vector<32x676xf32>
    %select_n3A_859 = arith.select %eq3A_857, %broadcast_in_dim3A_858, %select_n3A_843 : vector<32x676xi1>, vector<32x676xf32>
    %eq3A_860 = arith.constant 15 : i32
    %eq3A_861 = vector.broadcast %eq3A_860 : i32 to vector<32x676xi32>
    %eq3A_862 = arith.cmpi eq, %and3A_67, %eq3A_861 : vector<32x676xi32>
    %jit3A_863 = arith.constant 0.000000e+00 : f32
    %broadcast_in_dim3A_864 = vector.broadcast %jit3A_863 : f32 to vector<32x676xf32>
    %select_n3A_865 = arith.select %eq3A_862, %select_n3A_617, %broadcast_in_dim3A_864 : vector<32x676xi1>, vector<32x676xf32>
    %reduce_sum3A_866 = vector.shape_cast %select_n3A_865 : vector<32x676xf32> to vector<1x32x676xf32>
    %reduce_sum3A_867 = arith.constant dense<0.000000e+00> : vector<1xf32>
    %reduce_sum3A_868 = vector.multi_reduction <add>, %reduce_sum3A_866, %reduce_sum3A_867 [1, 2] : vector<1x32x676xf32> to vector<1xf32>
    %reduce_sum3A_869 = vector.shape_cast %reduce_sum3A_868 : vector<1xf32> to vector<1x1x1xf32>
    %reduce_sum3A_870 = vector.extract %reduce_sum3A_869[0, 0, 0] : f32 from vector<1x1x1xf32>
    %eq3A_871 = arith.constant 15 : i32
    %eq3A_872 = vector.broadcast %eq3A_871 : i32 to vector<32x676xi32>
    %eq3A_873 = arith.cmpi eq, %and3A_67, %eq3A_872 : vector<32x676xi32>
    %broadcast_in_dim3A_874 = vector.broadcast %reduce_sum3A_870 : f32 to vector<32x676xf32>
    %select_n3A_875 = arith.select %eq3A_873, %broadcast_in_dim3A_874, %select_n3A_859 : vector<32x676xi1>, vector<32x676xf32>
    %eq3A_876 = arith.constant 16 : i32
    %eq3A_877 = vector.broadcast %eq3A_876 : i32 to vector<32x676xi32>
    %eq3A_878 = arith.cmpi eq, %and3A_67, %eq3A_877 : vector<32x676xi32>
    %jit3A_879 = arith.constant 0.000000e+00 : f32
    %broadcast_in_dim3A_880 = vector.broadcast %jit3A_879 : f32 to vector<32x676xf32>
    %select_n3A_881 = arith.select %eq3A_878, %select_n3A_617, %broadcast_in_dim3A_880 : vector<32x676xi1>, vector<32x676xf32>
    %reduce_sum3A_882 = vector.shape_cast %select_n3A_881 : vector<32x676xf32> to vector<1x32x676xf32>
    %reduce_sum3A_883 = arith.constant dense<0.000000e+00> : vector<1xf32>
    %reduce_sum3A_884 = vector.multi_reduction <add>, %reduce_sum3A_882, %reduce_sum3A_883 [1, 2] : vector<1x32x676xf32> to vector<1xf32>
    %reduce_sum3A_885 = vector.shape_cast %reduce_sum3A_884 : vector<1xf32> to vector<1x1x1xf32>
    %reduce_sum3A_886 = vector.extract %reduce_sum3A_885[0, 0, 0] : f32 from vector<1x1x1xf32>
    %eq3A_887 = arith.constant 16 : i32
    %eq3A_888 = vector.broadcast %eq3A_887 : i32 to vector<32x676xi32>
    %eq3A_889 = arith.cmpi eq, %and3A_67, %eq3A_888 : vector<32x676xi32>
    %broadcast_in_dim3A_890 = vector.broadcast %reduce_sum3A_886 : f32 to vector<32x676xf32>
    %select_n3A_891 = arith.select %eq3A_889, %broadcast_in_dim3A_890, %select_n3A_875 : vector<32x676xi1>, vector<32x676xf32>
    %eq3A_892 = arith.constant 17 : i32
    %eq3A_893 = vector.broadcast %eq3A_892 : i32 to vector<32x676xi32>
    %eq3A_894 = arith.cmpi eq, %and3A_67, %eq3A_893 : vector<32x676xi32>
    %jit3A_895 = arith.constant 0.000000e+00 : f32
    %broadcast_in_dim3A_896 = vector.broadcast %jit3A_895 : f32 to vector<32x676xf32>
    %select_n3A_897 = arith.select %eq3A_894, %select_n3A_617, %broadcast_in_dim3A_896 : vector<32x676xi1>, vector<32x676xf32>
    %reduce_sum3A_898 = vector.shape_cast %select_n3A_897 : vector<32x676xf32> to vector<1x32x676xf32>
    %reduce_sum3A_899 = arith.constant dense<0.000000e+00> : vector<1xf32>
    %reduce_sum3A_900 = vector.multi_reduction <add>, %reduce_sum3A_898, %reduce_sum3A_899 [1, 2] : vector<1x32x676xf32> to vector<1xf32>
    %reduce_sum3A_901 = vector.shape_cast %reduce_sum3A_900 : vector<1xf32> to vector<1x1x1xf32>
    %reduce_sum3A_902 = vector.extract %reduce_sum3A_901[0, 0, 0] : f32 from vector<1x1x1xf32>
    %eq3A_903 = arith.constant 17 : i32
    %eq3A_904 = vector.broadcast %eq3A_903 : i32 to vector<32x676xi32>
    %eq3A_905 = arith.cmpi eq, %and3A_67, %eq3A_904 : vector<32x676xi32>
    %broadcast_in_dim3A_906 = vector.broadcast %reduce_sum3A_902 : f32 to vector<32x676xf32>
    %select_n3A_907 = arith.select %eq3A_905, %broadcast_in_dim3A_906, %select_n3A_891 : vector<32x676xi1>, vector<32x676xf32>
    %eq3A_908 = arith.constant 18 : i32
    %eq3A_909 = vector.broadcast %eq3A_908 : i32 to vector<32x676xi32>
    %eq3A_910 = arith.cmpi eq, %and3A_67, %eq3A_909 : vector<32x676xi32>
    %jit3A_911 = arith.constant 0.000000e+00 : f32
    %broadcast_in_dim3A_912 = vector.broadcast %jit3A_911 : f32 to vector<32x676xf32>
    %select_n3A_913 = arith.select %eq3A_910, %select_n3A_617, %broadcast_in_dim3A_912 : vector<32x676xi1>, vector<32x676xf32>
    %reduce_sum3A_914 = vector.shape_cast %select_n3A_913 : vector<32x676xf32> to vector<1x32x676xf32>
    %reduce_sum3A_915 = arith.constant dense<0.000000e+00> : vector<1xf32>
    %reduce_sum3A_916 = vector.multi_reduction <add>, %reduce_sum3A_914, %reduce_sum3A_915 [1, 2] : vector<1x32x676xf32> to vector<1xf32>
    %reduce_sum3A_917 = vector.shape_cast %reduce_sum3A_916 : vector<1xf32> to vector<1x1x1xf32>
    %reduce_sum3A_918 = vector.extract %reduce_sum3A_917[0, 0, 0] : f32 from vector<1x1x1xf32>
    %eq3A_919 = arith.constant 18 : i32
    %eq3A_920 = vector.broadcast %eq3A_919 : i32 to vector<32x676xi32>
    %eq3A_921 = arith.cmpi eq, %and3A_67, %eq3A_920 : vector<32x676xi32>
    %broadcast_in_dim3A_922 = vector.broadcast %reduce_sum3A_918 : f32 to vector<32x676xf32>
    %select_n3A_923 = arith.select %eq3A_921, %broadcast_in_dim3A_922, %select_n3A_907 : vector<32x676xi1>, vector<32x676xf32>
    %eq3A_924 = arith.constant 19 : i32
    %eq3A_925 = vector.broadcast %eq3A_924 : i32 to vector<32x676xi32>
    %eq3A_926 = arith.cmpi eq, %and3A_67, %eq3A_925 : vector<32x676xi32>
    %jit3A_927 = arith.constant 0.000000e+00 : f32
    %broadcast_in_dim3A_928 = vector.broadcast %jit3A_927 : f32 to vector<32x676xf32>
    %select_n3A_929 = arith.select %eq3A_926, %select_n3A_617, %broadcast_in_dim3A_928 : vector<32x676xi1>, vector<32x676xf32>
    %reduce_sum3A_930 = vector.shape_cast %select_n3A_929 : vector<32x676xf32> to vector<1x32x676xf32>
    %reduce_sum3A_931 = arith.constant dense<0.000000e+00> : vector<1xf32>
    %reduce_sum3A_932 = vector.multi_reduction <add>, %reduce_sum3A_930, %reduce_sum3A_931 [1, 2] : vector<1x32x676xf32> to vector<1xf32>
    %reduce_sum3A_933 = vector.shape_cast %reduce_sum3A_932 : vector<1xf32> to vector<1x1x1xf32>
    %reduce_sum3A_934 = vector.extract %reduce_sum3A_933[0, 0, 0] : f32 from vector<1x1x1xf32>
    %eq3A_935 = arith.constant 19 : i32
    %eq3A_936 = vector.broadcast %eq3A_935 : i32 to vector<32x676xi32>
    %eq3A_937 = arith.cmpi eq, %and3A_67, %eq3A_936 : vector<32x676xi32>
    %broadcast_in_dim3A_938 = vector.broadcast %reduce_sum3A_934 : f32 to vector<32x676xf32>
    %select_n3A_939 = arith.select %eq3A_937, %broadcast_in_dim3A_938, %select_n3A_923 : vector<32x676xi1>, vector<32x676xf32>
    %eq3A_940 = arith.constant 20 : i32
    %eq3A_941 = vector.broadcast %eq3A_940 : i32 to vector<32x676xi32>
    %eq3A_942 = arith.cmpi eq, %and3A_67, %eq3A_941 : vector<32x676xi32>
    %jit3A_943 = arith.constant 0.000000e+00 : f32
    %broadcast_in_dim3A_944 = vector.broadcast %jit3A_943 : f32 to vector<32x676xf32>
    %select_n3A_945 = arith.select %eq3A_942, %select_n3A_617, %broadcast_in_dim3A_944 : vector<32x676xi1>, vector<32x676xf32>
    %reduce_sum3A_946 = vector.shape_cast %select_n3A_945 : vector<32x676xf32> to vector<1x32x676xf32>
    %reduce_sum3A_947 = arith.constant dense<0.000000e+00> : vector<1xf32>
    %reduce_sum3A_948 = vector.multi_reduction <add>, %reduce_sum3A_946, %reduce_sum3A_947 [1, 2] : vector<1x32x676xf32> to vector<1xf32>
    %reduce_sum3A_949 = vector.shape_cast %reduce_sum3A_948 : vector<1xf32> to vector<1x1x1xf32>
    %reduce_sum3A_950 = vector.extract %reduce_sum3A_949[0, 0, 0] : f32 from vector<1x1x1xf32>
    %eq3A_951 = arith.constant 20 : i32
    %eq3A_952 = vector.broadcast %eq3A_951 : i32 to vector<32x676xi32>
    %eq3A_953 = arith.cmpi eq, %and3A_67, %eq3A_952 : vector<32x676xi32>
    %broadcast_in_dim3A_954 = vector.broadcast %reduce_sum3A_950 : f32 to vector<32x676xf32>
    %select_n3A_955 = arith.select %eq3A_953, %broadcast_in_dim3A_954, %select_n3A_939 : vector<32x676xi1>, vector<32x676xf32>
    %eq3A_956 = arith.constant 21 : i32
    %eq3A_957 = vector.broadcast %eq3A_956 : i32 to vector<32x676xi32>
    %eq3A_958 = arith.cmpi eq, %and3A_67, %eq3A_957 : vector<32x676xi32>
    %jit3A_959 = arith.constant 0.000000e+00 : f32
    %broadcast_in_dim3A_960 = vector.broadcast %jit3A_959 : f32 to vector<32x676xf32>
    %select_n3A_961 = arith.select %eq3A_958, %select_n3A_617, %broadcast_in_dim3A_960 : vector<32x676xi1>, vector<32x676xf32>
    %reduce_sum3A_962 = vector.shape_cast %select_n3A_961 : vector<32x676xf32> to vector<1x32x676xf32>
    %reduce_sum3A_963 = arith.constant dense<0.000000e+00> : vector<1xf32>
    %reduce_sum3A_964 = vector.multi_reduction <add>, %reduce_sum3A_962, %reduce_sum3A_963 [1, 2] : vector<1x32x676xf32> to vector<1xf32>
    %reduce_sum3A_965 = vector.shape_cast %reduce_sum3A_964 : vector<1xf32> to vector<1x1x1xf32>
    %reduce_sum3A_966 = vector.extract %reduce_sum3A_965[0, 0, 0] : f32 from vector<1x1x1xf32>
    %eq3A_967 = arith.constant 21 : i32
    %eq3A_968 = vector.broadcast %eq3A_967 : i32 to vector<32x676xi32>
    %eq3A_969 = arith.cmpi eq, %and3A_67, %eq3A_968 : vector<32x676xi32>
    %broadcast_in_dim3A_970 = vector.broadcast %reduce_sum3A_966 : f32 to vector<32x676xf32>
    %select_n3A_971 = arith.select %eq3A_969, %broadcast_in_dim3A_970, %select_n3A_955 : vector<32x676xi1>, vector<32x676xf32>
    %eq3A_972 = arith.constant 22 : i32
    %eq3A_973 = vector.broadcast %eq3A_972 : i32 to vector<32x676xi32>
    %eq3A_974 = arith.cmpi eq, %and3A_67, %eq3A_973 : vector<32x676xi32>
    %jit3A_975 = arith.constant 0.000000e+00 : f32
    %broadcast_in_dim3A_976 = vector.broadcast %jit3A_975 : f32 to vector<32x676xf32>
    %select_n3A_977 = arith.select %eq3A_974, %select_n3A_617, %broadcast_in_dim3A_976 : vector<32x676xi1>, vector<32x676xf32>
    %reduce_sum3A_978 = vector.shape_cast %select_n3A_977 : vector<32x676xf32> to vector<1x32x676xf32>
    %reduce_sum3A_979 = arith.constant dense<0.000000e+00> : vector<1xf32>
    %reduce_sum3A_980 = vector.multi_reduction <add>, %reduce_sum3A_978, %reduce_sum3A_979 [1, 2] : vector<1x32x676xf32> to vector<1xf32>
    %reduce_sum3A_981 = vector.shape_cast %reduce_sum3A_980 : vector<1xf32> to vector<1x1x1xf32>
    %reduce_sum3A_982 = vector.extract %reduce_sum3A_981[0, 0, 0] : f32 from vector<1x1x1xf32>
    %eq3A_983 = arith.constant 22 : i32
    %eq3A_984 = vector.broadcast %eq3A_983 : i32 to vector<32x676xi32>
    %eq3A_985 = arith.cmpi eq, %and3A_67, %eq3A_984 : vector<32x676xi32>
    %broadcast_in_dim3A_986 = vector.broadcast %reduce_sum3A_982 : f32 to vector<32x676xf32>
    %select_n3A_987 = arith.select %eq3A_985, %broadcast_in_dim3A_986, %select_n3A_971 : vector<32x676xi1>, vector<32x676xf32>
    %eq3A_988 = arith.constant 23 : i32
    %eq3A_989 = vector.broadcast %eq3A_988 : i32 to vector<32x676xi32>
    %eq3A_990 = arith.cmpi eq, %and3A_67, %eq3A_989 : vector<32x676xi32>
    %jit3A_991 = arith.constant 0.000000e+00 : f32
    %broadcast_in_dim3A_992 = vector.broadcast %jit3A_991 : f32 to vector<32x676xf32>
    %select_n3A_993 = arith.select %eq3A_990, %select_n3A_617, %broadcast_in_dim3A_992 : vector<32x676xi1>, vector<32x676xf32>
    %reduce_sum3A_994 = vector.shape_cast %select_n3A_993 : vector<32x676xf32> to vector<1x32x676xf32>
    %reduce_sum3A_995 = arith.constant dense<0.000000e+00> : vector<1xf32>
    %reduce_sum3A_996 = vector.multi_reduction <add>, %reduce_sum3A_994, %reduce_sum3A_995 [1, 2] : vector<1x32x676xf32> to vector<1xf32>
    %reduce_sum3A_997 = vector.shape_cast %reduce_sum3A_996 : vector<1xf32> to vector<1x1x1xf32>
    %reduce_sum3A_998 = vector.extract %reduce_sum3A_997[0, 0, 0] : f32 from vector<1x1x1xf32>
    %eq3A_999 = arith.constant 23 : i32
    %eq3A_1000 = vector.broadcast %eq3A_999 : i32 to vector<32x676xi32>
    %eq3A_1001 = arith.cmpi eq, %and3A_67, %eq3A_1000 : vector<32x676xi32>
    %broadcast_in_dim3A_1002 = vector.broadcast %reduce_sum3A_998 : f32 to vector<32x676xf32>
    %select_n3A_1003 = arith.select %eq3A_1001, %broadcast_in_dim3A_1002, %select_n3A_987 : vector<32x676xi1>, vector<32x676xf32>
    %eq3A_1004 = arith.constant 24 : i32
    %eq3A_1005 = vector.broadcast %eq3A_1004 : i32 to vector<32x676xi32>
    %eq3A_1006 = arith.cmpi eq, %and3A_67, %eq3A_1005 : vector<32x676xi32>
    %jit3A_1007 = arith.constant 0.000000e+00 : f32
    %broadcast_in_dim3A_1008 = vector.broadcast %jit3A_1007 : f32 to vector<32x676xf32>
    %select_n3A_1009 = arith.select %eq3A_1006, %select_n3A_617, %broadcast_in_dim3A_1008 : vector<32x676xi1>, vector<32x676xf32>
    %reduce_sum3A_1010 = vector.shape_cast %select_n3A_1009 : vector<32x676xf32> to vector<1x32x676xf32>
    %reduce_sum3A_1011 = arith.constant dense<0.000000e+00> : vector<1xf32>
    %reduce_sum3A_1012 = vector.multi_reduction <add>, %reduce_sum3A_1010, %reduce_sum3A_1011 [1, 2] : vector<1x32x676xf32> to vector<1xf32>
    %reduce_sum3A_1013 = vector.shape_cast %reduce_sum3A_1012 : vector<1xf32> to vector<1x1x1xf32>
    %reduce_sum3A_1014 = vector.extract %reduce_sum3A_1013[0, 0, 0] : f32 from vector<1x1x1xf32>
    %eq3A_1015 = arith.constant 24 : i32
    %eq3A_1016 = vector.broadcast %eq3A_1015 : i32 to vector<32x676xi32>
    %eq3A_1017 = arith.cmpi eq, %and3A_67, %eq3A_1016 : vector<32x676xi32>
    %broadcast_in_dim3A_1018 = vector.broadcast %reduce_sum3A_1014 : f32 to vector<32x676xf32>
    %select_n3A_1019 = arith.select %eq3A_1017, %broadcast_in_dim3A_1018, %select_n3A_1003 : vector<32x676xi1>, vector<32x676xf32>
    %eq3A_1020 = arith.constant 25 : i32
    %eq3A_1021 = vector.broadcast %eq3A_1020 : i32 to vector<32x676xi32>
    %eq3A_1022 = arith.cmpi eq, %and3A_67, %eq3A_1021 : vector<32x676xi32>
    %jit3A_1023 = arith.constant 0.000000e+00 : f32
    %broadcast_in_dim3A_1024 = vector.broadcast %jit3A_1023 : f32 to vector<32x676xf32>
    %select_n3A_1025 = arith.select %eq3A_1022, %select_n3A_617, %broadcast_in_dim3A_1024 : vector<32x676xi1>, vector<32x676xf32>
    %reduce_sum3A_1026 = vector.shape_cast %select_n3A_1025 : vector<32x676xf32> to vector<1x32x676xf32>
    %reduce_sum3A_1027 = arith.constant dense<0.000000e+00> : vector<1xf32>
    %reduce_sum3A_1028 = vector.multi_reduction <add>, %reduce_sum3A_1026, %reduce_sum3A_1027 [1, 2] : vector<1x32x676xf32> to vector<1xf32>
    %reduce_sum3A_1029 = vector.shape_cast %reduce_sum3A_1028 : vector<1xf32> to vector<1x1x1xf32>
    %reduce_sum3A_1030 = vector.extract %reduce_sum3A_1029[0, 0, 0] : f32 from vector<1x1x1xf32>
    %eq3A_1031 = arith.constant 25 : i32
    %eq3A_1032 = vector.broadcast %eq3A_1031 : i32 to vector<32x676xi32>
    %eq3A_1033 = arith.cmpi eq, %and3A_67, %eq3A_1032 : vector<32x676xi32>
    %broadcast_in_dim3A_1034 = vector.broadcast %reduce_sum3A_1030 : f32 to vector<32x676xf32>
    %select_n3A_1035 = arith.select %eq3A_1033, %broadcast_in_dim3A_1034, %select_n3A_1019 : vector<32x676xi1>, vector<32x676xf32>
    %eq3A_1036 = arith.constant 26 : i32
    %eq3A_1037 = vector.broadcast %eq3A_1036 : i32 to vector<32x676xi32>
    %eq3A_1038 = arith.cmpi eq, %and3A_67, %eq3A_1037 : vector<32x676xi32>
    %jit3A_1039 = arith.constant 0.000000e+00 : f32
    %broadcast_in_dim3A_1040 = vector.broadcast %jit3A_1039 : f32 to vector<32x676xf32>
    %select_n3A_1041 = arith.select %eq3A_1038, %select_n3A_617, %broadcast_in_dim3A_1040 : vector<32x676xi1>, vector<32x676xf32>
    %reduce_sum3A_1042 = vector.shape_cast %select_n3A_1041 : vector<32x676xf32> to vector<1x32x676xf32>
    %reduce_sum3A_1043 = arith.constant dense<0.000000e+00> : vector<1xf32>
    %reduce_sum3A_1044 = vector.multi_reduction <add>, %reduce_sum3A_1042, %reduce_sum3A_1043 [1, 2] : vector<1x32x676xf32> to vector<1xf32>
    %reduce_sum3A_1045 = vector.shape_cast %reduce_sum3A_1044 : vector<1xf32> to vector<1x1x1xf32>
    %reduce_sum3A_1046 = vector.extract %reduce_sum3A_1045[0, 0, 0] : f32 from vector<1x1x1xf32>
    %eq3A_1047 = arith.constant 26 : i32
    %eq3A_1048 = vector.broadcast %eq3A_1047 : i32 to vector<32x676xi32>
    %eq3A_1049 = arith.cmpi eq, %and3A_67, %eq3A_1048 : vector<32x676xi32>
    %broadcast_in_dim3A_1050 = vector.broadcast %reduce_sum3A_1046 : f32 to vector<32x676xf32>
    %select_n3A_1051 = arith.select %eq3A_1049, %broadcast_in_dim3A_1050, %select_n3A_1035 : vector<32x676xi1>, vector<32x676xf32>
    %eq3A_1052 = arith.constant 27 : i32
    %eq3A_1053 = vector.broadcast %eq3A_1052 : i32 to vector<32x676xi32>
    %eq3A_1054 = arith.cmpi eq, %and3A_67, %eq3A_1053 : vector<32x676xi32>
    %jit3A_1055 = arith.constant 0.000000e+00 : f32
    %broadcast_in_dim3A_1056 = vector.broadcast %jit3A_1055 : f32 to vector<32x676xf32>
    %select_n3A_1057 = arith.select %eq3A_1054, %select_n3A_617, %broadcast_in_dim3A_1056 : vector<32x676xi1>, vector<32x676xf32>
    %reduce_sum3A_1058 = vector.shape_cast %select_n3A_1057 : vector<32x676xf32> to vector<1x32x676xf32>
    %reduce_sum3A_1059 = arith.constant dense<0.000000e+00> : vector<1xf32>
    %reduce_sum3A_1060 = vector.multi_reduction <add>, %reduce_sum3A_1058, %reduce_sum3A_1059 [1, 2] : vector<1x32x676xf32> to vector<1xf32>
    %reduce_sum3A_1061 = vector.shape_cast %reduce_sum3A_1060 : vector<1xf32> to vector<1x1x1xf32>
    %reduce_sum3A_1062 = vector.extract %reduce_sum3A_1061[0, 0, 0] : f32 from vector<1x1x1xf32>
    %eq3A_1063 = arith.constant 27 : i32
    %eq3A_1064 = vector.broadcast %eq3A_1063 : i32 to vector<32x676xi32>
    %eq3A_1065 = arith.cmpi eq, %and3A_67, %eq3A_1064 : vector<32x676xi32>
    %broadcast_in_dim3A_1066 = vector.broadcast %reduce_sum3A_1062 : f32 to vector<32x676xf32>
    %select_n3A_1067 = arith.select %eq3A_1065, %broadcast_in_dim3A_1066, %select_n3A_1051 : vector<32x676xi1>, vector<32x676xf32>
    %eq3A_1068 = arith.constant 28 : i32
    %eq3A_1069 = vector.broadcast %eq3A_1068 : i32 to vector<32x676xi32>
    %eq3A_1070 = arith.cmpi eq, %and3A_67, %eq3A_1069 : vector<32x676xi32>
    %jit3A_1071 = arith.constant 0.000000e+00 : f32
    %broadcast_in_dim3A_1072 = vector.broadcast %jit3A_1071 : f32 to vector<32x676xf32>
    %select_n3A_1073 = arith.select %eq3A_1070, %select_n3A_617, %broadcast_in_dim3A_1072 : vector<32x676xi1>, vector<32x676xf32>
    %reduce_sum3A_1074 = vector.shape_cast %select_n3A_1073 : vector<32x676xf32> to vector<1x32x676xf32>
    %reduce_sum3A_1075 = arith.constant dense<0.000000e+00> : vector<1xf32>
    %reduce_sum3A_1076 = vector.multi_reduction <add>, %reduce_sum3A_1074, %reduce_sum3A_1075 [1, 2] : vector<1x32x676xf32> to vector<1xf32>
    %reduce_sum3A_1077 = vector.shape_cast %reduce_sum3A_1076 : vector<1xf32> to vector<1x1x1xf32>
    %reduce_sum3A_1078 = vector.extract %reduce_sum3A_1077[0, 0, 0] : f32 from vector<1x1x1xf32>
    %eq3A_1079 = arith.constant 28 : i32
    %eq3A_1080 = vector.broadcast %eq3A_1079 : i32 to vector<32x676xi32>
    %eq3A_1081 = arith.cmpi eq, %and3A_67, %eq3A_1080 : vector<32x676xi32>
    %broadcast_in_dim3A_1082 = vector.broadcast %reduce_sum3A_1078 : f32 to vector<32x676xf32>
    %select_n3A_1083 = arith.select %eq3A_1081, %broadcast_in_dim3A_1082, %select_n3A_1067 : vector<32x676xi1>, vector<32x676xf32>
    %eq3A_1084 = arith.constant 29 : i32
    %eq3A_1085 = vector.broadcast %eq3A_1084 : i32 to vector<32x676xi32>
    %eq3A_1086 = arith.cmpi eq, %and3A_67, %eq3A_1085 : vector<32x676xi32>
    %jit3A_1087 = arith.constant 0.000000e+00 : f32
    %broadcast_in_dim3A_1088 = vector.broadcast %jit3A_1087 : f32 to vector<32x676xf32>
    %select_n3A_1089 = arith.select %eq3A_1086, %select_n3A_617, %broadcast_in_dim3A_1088 : vector<32x676xi1>, vector<32x676xf32>
    %reduce_sum3A_1090 = vector.shape_cast %select_n3A_1089 : vector<32x676xf32> to vector<1x32x676xf32>
    %reduce_sum3A_1091 = arith.constant dense<0.000000e+00> : vector<1xf32>
    %reduce_sum3A_1092 = vector.multi_reduction <add>, %reduce_sum3A_1090, %reduce_sum3A_1091 [1, 2] : vector<1x32x676xf32> to vector<1xf32>
    %reduce_sum3A_1093 = vector.shape_cast %reduce_sum3A_1092 : vector<1xf32> to vector<1x1x1xf32>
    %reduce_sum3A_1094 = vector.extract %reduce_sum3A_1093[0, 0, 0] : f32 from vector<1x1x1xf32>
    %eq3A_1095 = arith.constant 29 : i32
    %eq3A_1096 = vector.broadcast %eq3A_1095 : i32 to vector<32x676xi32>
    %eq3A_1097 = arith.cmpi eq, %and3A_67, %eq3A_1096 : vector<32x676xi32>
    %broadcast_in_dim3A_1098 = vector.broadcast %reduce_sum3A_1094 : f32 to vector<32x676xf32>
    %select_n3A_1099 = arith.select %eq3A_1097, %broadcast_in_dim3A_1098, %select_n3A_1083 : vector<32x676xi1>, vector<32x676xf32>
    %eq3A_1100 = arith.constant 30 : i32
    %eq3A_1101 = vector.broadcast %eq3A_1100 : i32 to vector<32x676xi32>
    %eq3A_1102 = arith.cmpi eq, %and3A_67, %eq3A_1101 : vector<32x676xi32>
    %jit3A_1103 = arith.constant 0.000000e+00 : f32
    %broadcast_in_dim3A_1104 = vector.broadcast %jit3A_1103 : f32 to vector<32x676xf32>
    %select_n3A_1105 = arith.select %eq3A_1102, %select_n3A_617, %broadcast_in_dim3A_1104 : vector<32x676xi1>, vector<32x676xf32>
    %reduce_sum3A_1106 = vector.shape_cast %select_n3A_1105 : vector<32x676xf32> to vector<1x32x676xf32>
    %reduce_sum3A_1107 = arith.constant dense<0.000000e+00> : vector<1xf32>
    %reduce_sum3A_1108 = vector.multi_reduction <add>, %reduce_sum3A_1106, %reduce_sum3A_1107 [1, 2] : vector<1x32x676xf32> to vector<1xf32>
    %reduce_sum3A_1109 = vector.shape_cast %reduce_sum3A_1108 : vector<1xf32> to vector<1x1x1xf32>
    %reduce_sum3A_1110 = vector.extract %reduce_sum3A_1109[0, 0, 0] : f32 from vector<1x1x1xf32>
    %eq3A_1111 = arith.constant 30 : i32
    %eq3A_1112 = vector.broadcast %eq3A_1111 : i32 to vector<32x676xi32>
    %eq3A_1113 = arith.cmpi eq, %and3A_67, %eq3A_1112 : vector<32x676xi32>
    %broadcast_in_dim3A_1114 = vector.broadcast %reduce_sum3A_1110 : f32 to vector<32x676xf32>
    %select_n3A_1115 = arith.select %eq3A_1113, %broadcast_in_dim3A_1114, %select_n3A_1099 : vector<32x676xi1>, vector<32x676xf32>
    %eq3A_1116 = arith.constant 31 : i32
    %eq3A_1117 = vector.broadcast %eq3A_1116 : i32 to vector<32x676xi32>
    %eq3A_1118 = arith.cmpi eq, %and3A_67, %eq3A_1117 : vector<32x676xi32>
    %jit3A_1119 = arith.constant 0.000000e+00 : f32
    %broadcast_in_dim3A_1120 = vector.broadcast %jit3A_1119 : f32 to vector<32x676xf32>
    %select_n3A_1121 = arith.select %eq3A_1118, %select_n3A_617, %broadcast_in_dim3A_1120 : vector<32x676xi1>, vector<32x676xf32>
    %reduce_sum3A_1122 = vector.shape_cast %select_n3A_1121 : vector<32x676xf32> to vector<1x32x676xf32>
    %reduce_sum3A_1123 = arith.constant dense<0.000000e+00> : vector<1xf32>
    %reduce_sum3A_1124 = vector.multi_reduction <add>, %reduce_sum3A_1122, %reduce_sum3A_1123 [1, 2] : vector<1x32x676xf32> to vector<1xf32>
    %reduce_sum3A_1125 = vector.shape_cast %reduce_sum3A_1124 : vector<1xf32> to vector<1x1x1xf32>
    %reduce_sum3A_1126 = vector.extract %reduce_sum3A_1125[0, 0, 0] : f32 from vector<1x1x1xf32>
    %eq3A_1127 = arith.constant 31 : i32
    %eq3A_1128 = vector.broadcast %eq3A_1127 : i32 to vector<32x676xi32>
    %eq3A_1129 = arith.cmpi eq, %and3A_67, %eq3A_1128 : vector<32x676xi32>
    %broadcast_in_dim3A_1130 = vector.broadcast %reduce_sum3A_1126 : f32 to vector<32x676xf32>
    %select_n3A_1131 = arith.select %eq3A_1129, %broadcast_in_dim3A_1130, %select_n3A_1115 : vector<32x676xi1>, vector<32x676xf32>
    %div3A = arith.divf %select_n3A_617, %select_n3A_1131 : vector<32x676xf32>
    %and3A_1132 = arith.constant 31 : i32
    %and3A_1133 = vector.broadcast %and3A_1132 : i32 to vector<32x676xi32>
    %and3A_1134 = arith.andi %convert_element_type3A_49, %and3A_1133 : vector<32x676xi32>
    %mul3A_1135 = arith.constant 544 : i32
    %mul3A_1136 = vector.broadcast %mul3A_1135 : i32 to vector<32x676xi32>
    %mul3A_1137 = arith.muli %and3A_1134, %mul3A_1136 : vector<32x676xi32>
    %add3A_1138 = arith.constant 1 : i32
    %add3A_1139 = vector.broadcast %add3A_1138 : i32 to vector<32x676xi32>
    %add3A_1140 = arith.addi %mul3A_1137, %add3A_1139 : vector<32x676xi32>
    %shift_right_logical3A = arith.constant 5 : i32
    %shift_right_logical3A_1141 = vector.broadcast %shift_right_logical3A : i32 to vector<32x676xi32>
    %shift_right_logical3A_1142 = arith.shrui %convert_element_type3A_49, %shift_right_logical3A_1141 : vector<32x676xi32>
    %add3A_1143 = arith.addi %add3A_1140, %shift_right_logical3A_1142 : vector<32x676xi32>
    %iota3A_1144 = tpu.iota {dimensions = array<i32: 1>} : vector<1x32xi32>
    %add3A_1145 = arith.constant 1 : i32
    %add3A_1146 = vector.broadcast %add3A_1145 : i32 to vector<32x676xi32>
    %add3A_1147 = arith.addi %iota3A, %add3A_1146 : vector<32x676xi32>
    %mul3A_1148 = arith.constant 2731 : i32
    %mul3A_1149 = vector.broadcast %mul3A_1148 : i32 to vector<32x676xi32>
    %mul3A_1150 = arith.muli %add3A_1147, %mul3A_1149 : vector<32x676xi32>
    %shift_right_logical3A_1151 = arith.constant 16 : i32
    %shift_right_logical3A_1152 = vector.broadcast %shift_right_logical3A_1151 : i32 to vector<32x676xi32>
    %shift_right_logical3A_1153 = arith.shrui %mul3A_1150, %shift_right_logical3A_1152 : vector<32x676xi32>
    %eq3A_1154 = arith.constant 1 : i32
    %eq3A_1155 = vector.broadcast %eq3A_1154 : i32 to vector<32x676xi32>
    %eq3A_1156 = arith.cmpi eq, %or3A, %eq3A_1155 : vector<32x676xi32>
    %add3A_1157 = arith.constant 17408 : i32
    %add3A_1158 = vector.broadcast %add3A_1157 : i32 to vector<32x676xi32>
    %add3A_1159 = arith.addi %add3A_1158, %shift_right_logical3A_1153 : vector<32x676xi32>
    %select_n3A_1160 = arith.select %eq3A_1156, %add3A_1143, %add3A_1159 : vector<32x676xi1>, vector<32x676xi32>
    %transpose3A_1161 = tpu.transpose %select_n3A_1160, [1, 0] : vector<32x676xi32> -> vector<676x32xi32>
    %mul3A_1162 = arith.constant 544 : i32
    %mul3A_1163 = vector.broadcast %mul3A_1162 : i32 to vector<1x32xi32>
    %mul3A_1164 = arith.muli %iota3A_1144, %mul3A_1163 : vector<1x32xi32>
    %concatenate3A = tpu.concatenate %mul3A_1164, %transpose3A_1161 in 0 : vector<1x32xi32>, vector<676x32xi32> -> vector<677x32xi32>
    %swap3A = arith.constant 0 : index
    %swap3A_1165 = arith.constant 0 : index
    %swap3A_1166 = vector.load %arg1[%swap3A, %swap3A_1165] : memref<677x32xi32, #tpu.memory_space<vmem>>, vector<677x32xi32>
    tpu.vector_store %arg1[%swap3A, %swap3A_1165], %concatenate3A {strides = array<i32>} : memref<677x32xi32, #tpu.memory_space<vmem>>, vector<677x32xi32>,
    %mul3A_1167 = arith.constant 7711 : i32
    %mul3A_1168 = vector.broadcast %mul3A_1167 : i32 to vector<32x676xi32>
    %mul3A_1169 = arith.muli %convert_element_type3A_65, %mul3A_1168 : vector<32x676xi32>
    %shift_right_logical3A_1170 = arith.constant 20 : i32
    %shift_right_logical3A_1171 = vector.broadcast %shift_right_logical3A_1170 : i32 to vector<32x676xi32>
    %shift_right_logical3A_1172 = arith.shrui %mul3A_1169, %shift_right_logical3A_1171 : vector<32x676xi32>
    %eq3A_1173 = arith.constant 1 : i32
    %eq3A_1174 = vector.broadcast %eq3A_1173 : i32 to vector<32x676xi32>
    %eq3A_1175 = arith.cmpi eq, %or3A, %eq3A_1174 : vector<32x676xi32>
    %mul3A_1176 = arith.constant 544 : i32
    %mul3A_1177 = vector.broadcast %mul3A_1176 : i32 to vector<32x676xi32>
    %mul3A_1178 = arith.muli %shift_right_logical3A_1172, %mul3A_1177 : vector<32x676xi32>
    %add3A_1179 = arith.constant 540 : i32
    %add3A_1180 = vector.broadcast %add3A_1179 : i32 to vector<32x676xi32>
    %add3A_1181 = arith.addi %mul3A_1178, %add3A_1180 : vector<32x676xi32>
    %add3A_1182 = arith.constant 1 : i32
    %add3A_1183 = vector.broadcast %add3A_1182 : i32 to vector<32x676xi32>
    %add3A_1184 = arith.addi %add3A_1181, %add3A_1183 : vector<32x676xi32>
    %select_n3A_1185 = arith.select %eq3A_1175, %add3A_1143, %add3A_1184 : vector<32x676xi1>, vector<32x676xi32>
    %transpose3A_1186 = tpu.transpose %select_n3A_1185, [1, 0] : vector<32x676xi32> -> vector<676x32xi32>
    %mul3A_1187 = arith.constant 544 : i32
    %mul3A_1188 = vector.broadcast %mul3A_1187 : i32 to vector<1x32xi32>
    %mul3A_1189 = arith.muli %iota3A_1144, %mul3A_1188 : vector<1x32xi32>
    %concatenate3A_1190 = tpu.concatenate %mul3A_1189, %transpose3A_1186 in 0 : vector<1x32xi32>, vector<676x32xi32> -> vector<677x32xi32>
    %swap3A_1191 = arith.constant 0 : index
    %swap3A_1192 = arith.constant 0 : index
    %swap3A_1193 = vector.load %arg2[%swap3A_1191, %swap3A_1192] : memref<677x32xi32, #tpu.memory_space<vmem>>, vector<677x32xi32>
    tpu.vector_store %arg2[%swap3A_1191, %swap3A_1192], %concatenate3A_1190 {strides = array<i32>} : memref<677x32xi32, #tpu.memory_space<vmem>>, vector<677x32xi32>,
    %iota3A_1194 = tpu.iota {dimensions = array<i32: 2>} : vector<676x32x32xi32>
    %transpose3A_1195 = tpu.transpose %div3A, [1, 0] : vector<32x676xf32> -> vector<676x32xf32>
    %broadcast_in_dim3A_1196 = vector.shape_cast %transpose3A_1195 : vector<676x32xf32> to vector<676x32x1xf32>
    %transpose3A_1197 = tpu.transpose %and3A_67, [1, 0] : vector<32x676xi32> -> vector<676x32xi32>
    %broadcast_in_dim3A_1198 = vector.shape_cast %transpose3A_1197 : vector<676x32xi32> to vector<676x32x1xi32>
    %eq3A_1199 = vector.broadcast %broadcast_in_dim3A_1198 : vector<676x32x1xi32> to vector<676x32x32xi32>
    %eq3A_1200 = arith.cmpi eq, %eq3A_1199, %iota3A_1194 : vector<676x32x32xi32>
    %convert_element_type3A_1201 = arith.extui %eq3A_1200 : vector<676x32x32xi1> to vector<676x32x32xi32>
    %convert_element_type3A_1202 = arith.sitofp %convert_element_type3A_1201 : vector<676x32x32xi32> to vector<676x32x32xf32>
    %mul3A_1203 = vector.broadcast %broadcast_in_dim3A_1196 : vector<676x32x1xf32> to vector<676x32x32xf32>
    %mul3A_1204 = arith.mulf %mul3A_1203, %convert_element_type3A_1202 : vector<676x32x32xf32>
    %swap3A_1205 = arith.constant 0 : index
    %swap3A_1206 = arith.constant 0 : index
    %swap3A_1207 = arith.constant 0 : index
    %swap3A_1208 = vector.load %arg3[%swap3A_1205, %swap3A_1206, %swap3A_1207] : memref<676x32x32xf32, #tpu.memory_space<vmem>>, vector<676x32x32xf32>
    tpu.vector_store %arg3[%swap3A_1205, %swap3A_1206, %swap3A_1207], %mul3A_1204 {strides = array<i32>} : memref<676x32x32xf32, #tpu.memory_space<vmem>>, vector<676x32x32xf32>,
    return
  }
}

module attributes {stable_mosaic.version = 14 : i64} {
  func.func @_lowagg_body(%arg0: i32, %arg1: memref<1664x32xf32, #tpu.memory_space<vmem>>, %arg2: memref<1664x768xf32, #tpu.memory_space<vmem>>, %arg3: memref<32x768xf32, #tpu.memory_space<vmem>>) attributes {dimension_semantics = [#tpu.dimension_semantics<arbitrary>], iteration_bounds = array<i64: 13>, scalar_prefetch = 0 : i64, scratch_operands = 0 : i64, tpu.core_type = #tpu.core_type<tc>, window_params = [{transform_indices = @transform_0, window_bounds = array<i64: 1664, 32>}, {transform_indices = @transform_1, window_bounds = array<i64: 1664, 768>}, {pipeline_mode = #tpu.pipeline_mode<synchronous>, transform_indices = @transform_2, window_bounds = array<i64: 32, 768>}]} {
    %get3A = arith.constant 0 : index
    %get3A_0 = arith.constant 0 : index
    %get3A_1 = vector.load %arg1[%get3A, %get3A_0] : memref<1664x32xf32, #tpu.memory_space<vmem>>, vector<1664x32xf32>
    %get3A_2 = arith.constant 0 : index
    %get3A_3 = arith.constant 0 : index
    %get3A_4 = vector.load %arg2[%get3A_2, %get3A_3] : memref<1664x768xf32, #tpu.memory_space<vmem>>, vector<1664x768xf32>
    %dot_general3A = arith.constant dense<0.000000e+00> : vector<32x768xf32>
    %dot_general3A_5 = tpu.matmul %get3A_1, %get3A_4, %dot_general3A {dimension_numbers = #tpu.dot_dimension_numbers<[0], [0], [1], [1], [0, 1, 1, 1], [], []>, transpose_lhs_hint = false} : vector<1664x32xf32>, vector<1664x768xf32>, vector<32x768xf32> -> vector<32x768xf32>
    %eq3A = arith.constant 0 : i32
    %eq3A_6 = arith.cmpi eq, %arg0, %eq3A : i32
    %convert_element_type3A = arith.extui %eq3A_6 : i1 to i32
    %cond3A = arith.constant 0 : i32
    %cond3A_7 = arith.cmpi ne, %convert_element_type3A, %cond3A : i32
    scf.if %cond3A_7 {
      %broadcast_in_dim3A = arith.constant 0.000000e+00 : f32
      %broadcast_in_dim3A_13 = vector.broadcast %broadcast_in_dim3A : f32 to vector<32x768xf32>
      %swap3A_14 = arith.constant 0 : index
      %swap3A_15 = arith.constant 0 : index
      %swap3A_16 = vector.load %arg3[%swap3A_14, %swap3A_15] : memref<32x768xf32, #tpu.memory_space<vmem>>, vector<32x768xf32>
      tpu.vector_store %arg3[%swap3A_14, %swap3A_15], %broadcast_in_dim3A_13 {strides = array<i32>} : memref<32x768xf32, #tpu.memory_space<vmem>>, vector<32x768xf32>,
    } else {
    }
    %get3A_8 = arith.constant 0 : index
    %get3A_9 = arith.constant 0 : index
    %get3A_10 = vector.load %arg3[%get3A_8, %get3A_9] : memref<32x768xf32, #tpu.memory_space<vmem>>, vector<32x768xf32>
    %add3A = arith.addf %get3A_10, %dot_general3A_5 : vector<32x768xf32>
    %swap3A = arith.constant 0 : index
    %swap3A_11 = arith.constant 0 : index
    %swap3A_12 = vector.load %arg3[%swap3A, %swap3A_11] : memref<32x768xf32, #tpu.memory_space<vmem>>, vector<32x768xf32>
    tpu.vector_store %arg3[%swap3A, %swap3A_11], %add3A {strides = array<i32>} : memref<32x768xf32, #tpu.memory_space<vmem>>, vector<32x768xf32>,
    return
  }
  func.func @transform_0(%arg0: i32) -> (i32, i32) {
    %c0_i32 = arith.constant 0 : i32
    %c0_i32_0 = arith.constant 0 : i32
    return %arg0, %c0_i32 : i32, i32
  }
  func.func @transform_1(%arg0: i32) -> (i32, i32) {
    %c0_i32 = arith.constant 0 : i32
    %c0_i32_0 = arith.constant 0 : i32
    return %arg0, %c0_i32 : i32, i32
  }
  func.func @transform_2(%arg0: i32) -> (i32, i32) {
    %c0_i32 = arith.constant 0 : i32
    %c0_i32_0 = arith.constant 0 : i32
    %c0_i32_1 = arith.constant 0 : i32
    return %c0_i32, %c0_i32_0 : i32, i32
  }
}

module attributes {stable_mosaic.version = 14 : i64} {
  func.func @_mmln_body(%arg0: i32, %arg1: memref<512x768xf32, #tpu.memory_space<vmem>>, %arg2: memref<2304x768xf32, #tpu.memory_space<vmem>>, %arg3: memref<1x2304xf32, #tpu.memory_space<vmem>>, %arg4: memref<1x768xf32, #tpu.memory_space<vmem>>, %arg5: memref<1x768xf32, #tpu.memory_space<vmem>>, %arg6: memref<512x2304xf32, #tpu.memory_space<vmem>>) attributes {dimension_semantics = [#tpu.dimension_semantics<arbitrary>], iteration_bounds = array<i64: 34>, scalar_prefetch = 0 : i64, scratch_operands = 0 : i64, tpu.core_type = #tpu.core_type<tc>, window_params = [{transform_indices = @transform_0, window_bounds = array<i64: 512, 768>}, {pipeline_mode = #tpu.pipeline_mode<synchronous>, transform_indices = @transform_1, window_bounds = array<i64: 2304, 768>}, {pipeline_mode = #tpu.pipeline_mode<synchronous>, transform_indices = @transform_2, window_bounds = array<i64: 1, 2304>}, {pipeline_mode = #tpu.pipeline_mode<synchronous>, transform_indices = @transform_3, window_bounds = array<i64: 1, 768>}, {pipeline_mode = #tpu.pipeline_mode<synchronous>, transform_indices = @transform_4, window_bounds = array<i64: 1, 768>}, {transform_indices = @transform_5, window_bounds = array<i64: 512, 2304>}]} {
    %get3A = arith.constant 0 : index
    %get3A_0 = arith.constant 0 : index
    %get3A_1 = vector.load %arg1[%get3A, %get3A_0] : memref<512x768xf32, #tpu.memory_space<vmem>>, vector<512x768xf32>
    %reduce_sum3A = arith.constant dense<0.000000e+00> : vector<512xf32>
    %reduce_sum3A_2 = vector.multi_reduction <add>, %get3A_1, %reduce_sum3A [1] : vector<512x768xf32> to vector<512xf32>
    %broadcast_in_dim3A = vector.shape_cast %reduce_sum3A_2 : vector<512xf32> to vector<512x1xf32>
    %div3A = arith.constant 7.680000e+02 : f32
    %div3A_3 = vector.broadcast %div3A : f32 to vector<512x1xf32>
    %div3A_4 = arith.divf %broadcast_in_dim3A, %div3A_3 : vector<512x1xf32>
    %sub3A = vector.broadcast %div3A_4 : vector<512x1xf32> to vector<512x768xf32>
    %sub3A_5 = arith.subf %get3A_1, %sub3A : vector<512x768xf32>
    %mul3A = arith.mulf %sub3A_5, %sub3A_5 : vector<512x768xf32>
    %reduce_sum3A_6 = arith.constant dense<0.000000e+00> : vector<512xf32>
    %reduce_sum3A_7 = vector.multi_reduction <add>, %mul3A, %reduce_sum3A_6 [1] : vector<512x768xf32> to vector<512xf32>
    %broadcast_in_dim3A_8 = vector.shape_cast %reduce_sum3A_7 : vector<512xf32> to vector<512x1xf32>
    %div3A_9 = arith.constant 7.680000e+02 : f32
    %div3A_10 = vector.broadcast %div3A_9 : f32 to vector<512x1xf32>
    %div3A_11 = arith.divf %broadcast_in_dim3A_8, %div3A_10 : vector<512x1xf32>
    %add3A = arith.constant 9.99999974E-6 : f32
    %add3A_12 = vector.broadcast %add3A : f32 to vector<512x1xf32>
    %add3A_13 = arith.addf %div3A_11, %add3A_12 : vector<512x1xf32>
    %rsqrt3A = math.rsqrt %add3A_13 : vector<512x1xf32>
    %mul3A_14 = vector.broadcast %rsqrt3A : vector<512x1xf32> to vector<512x768xf32>
    %mul3A_15 = arith.mulf %sub3A_5, %mul3A_14 : vector<512x768xf32>
    %get3A_16 = arith.constant 0 : index
    %get3A_17 = arith.constant 0 : index
    %get3A_18 = vector.load %arg4[%get3A_16, %get3A_17] : memref<1x768xf32, #tpu.memory_space<vmem>>, vector<1x768xf32>
    %mul3A_19 = vector.broadcast %get3A_18 : vector<1x768xf32> to vector<512x768xf32>
    %mul3A_20 = arith.mulf %mul3A_15, %mul3A_19 : vector<512x768xf32>
    %get3A_21 = arith.constant 0 : index
    %get3A_22 = arith.constant 0 : index
    %get3A_23 = vector.load %arg5[%get3A_21, %get3A_22] : memref<1x768xf32, #tpu.memory_space<vmem>>, vector<1x768xf32>
    %add3A_24 = vector.broadcast %get3A_23 : vector<1x768xf32> to vector<512x768xf32>
    %add3A_25 = arith.addf %mul3A_20, %add3A_24 : vector<512x768xf32>
    %get3A_26 = arith.constant 0 : index
    %get3A_27 = arith.constant 0 : index
    %get3A_28 = vector.load %arg2[%get3A_26, %get3A_27] : memref<2304x768xf32, #tpu.memory_space<vmem>>, vector<2304x768xf32>
    %dot_general3A = arith.constant dense<0.000000e+00> : vector<512x2304xf32>
    %dot_general3A_29 = tpu.matmul %add3A_25, %get3A_28, %dot_general3A {dimension_numbers = #tpu.dot_dimension_numbers<[1], [1], [0], [0], [0, 0, 1, 0], [], []>, transpose_lhs_hint = false} : vector<512x768xf32>, vector<2304x768xf32>, vector<512x2304xf32> -> vector<512x2304xf32>
    %get3A_30 = arith.constant 0 : index
    %get3A_31 = arith.constant 0 : index
    %get3A_32 = vector.load %arg3[%get3A_30, %get3A_31] : memref<1x2304xf32, #tpu.memory_space<vmem>>, vector<1x2304xf32>
    %add3A_33 = vector.broadcast %get3A_32 : vector<1x2304xf32> to vector<512x2304xf32>
    %add3A_34 = arith.addf %dot_general3A_29, %add3A_33 : vector<512x2304xf32>
    %swap3A = arith.constant 0 : index
    %swap3A_35 = arith.constant 0 : index
    %swap3A_36 = vector.load %arg6[%swap3A, %swap3A_35] : memref<512x2304xf32, #tpu.memory_space<vmem>>, vector<512x2304xf32>
    tpu.vector_store %arg6[%swap3A, %swap3A_35], %add3A_34 {strides = array<i32>} : memref<512x2304xf32, #tpu.memory_space<vmem>>, vector<512x2304xf32>,
    return
  }
  func.func @transform_0(%arg0: i32) -> (i32, i32) {
    %c0_i32 = arith.constant 0 : i32
    %c0_i32_0 = arith.constant 0 : i32
    return %arg0, %c0_i32 : i32, i32
  }
  func.func @transform_1(%arg0: i32) -> (i32, i32) {
    %c0_i32 = arith.constant 0 : i32
    %c0_i32_0 = arith.constant 0 : i32
    %c0_i32_1 = arith.constant 0 : i32
    return %c0_i32, %c0_i32_0 : i32, i32
  }
  func.func @transform_2(%arg0: i32) -> (i32, i32) {
    %c0_i32 = arith.constant 0 : i32
    %c0_i32_0 = arith.constant 0 : i32
    %c0_i32_1 = arith.constant 0 : i32
    return %c0_i32, %c0_i32_0 : i32, i32
  }
  func.func @transform_3(%arg0: i32) -> (i32, i32) {
    %c0_i32 = arith.constant 0 : i32
    %c0_i32_0 = arith.constant 0 : i32
    %c0_i32_1 = arith.constant 0 : i32
    return %c0_i32, %c0_i32_0 : i32, i32
  }
  func.func @transform_4(%arg0: i32) -> (i32, i32) {
    %c0_i32 = arith.constant 0 : i32
    %c0_i32_0 = arith.constant 0 : i32
    %c0_i32_1 = arith.constant 0 : i32
    return %c0_i32, %c0_i32_0 : i32, i32
  }
  func.func @transform_5(%arg0: i32) -> (i32, i32) {
    %c0_i32 = arith.constant 0 : i32
    %c0_i32_0 = arith.constant 0 : i32
    return %arg0, %c0_i32 : i32, i32
  }
}

module attributes {stable_mosaic.version = 14 : i64} {
  func.func @_attn_body(%arg0: i32, %arg1: memref<544x2304xf32, #tpu.memory_space<vmem>>, %arg2: memref<544x768xf32, #tpu.memory_space<vmem>>) attributes {dimension_semantics = [#tpu.dimension_semantics<arbitrary>], iteration_bounds = array<i64: 32>, scalar_prefetch = 0 : i64, scratch_operands = 0 : i64, tpu.core_type = #tpu.core_type<tc>, window_params = [{transform_indices = @transform_0, window_bounds = array<i64: 544, 2304>}, {transform_indices = @transform_1, window_bounds = array<i64: 544, 768>}]} {
    %get3A = arith.constant 0 : index
    %get3A_0 = arith.constant 0 : index
    %get3A_1 = vector.load %arg1[%get3A, %get3A_0] : memref<544x2304xf32, #tpu.memory_space<vmem>>, vector<544x2304xf32>
    %iota3A = tpu.iota {dimensions = array<i32: 1>} : vector<544x544xi32>
    %lt3A = arith.constant 542 : i32
    %lt3A_2 = vector.broadcast %lt3A : i32 to vector<544x544xi32>
    %lt3A_3 = arith.cmpi slt, %iota3A, %lt3A_2 : vector<544x544xi32>
    %slice3A = vector.extract_strided_slice %get3A_1 {offsets = [0, 0], sizes = [544, 64], strides = [1, 1]} : vector<544x2304xf32> to vector<544x64xf32>
    %slice3A_4 = vector.extract_strided_slice %get3A_1 {offsets = [0, 768], sizes = [544, 64], strides = [1, 1]} : vector<544x2304xf32> to vector<544x64xf32>
    %slice3A_5 = vector.extract_strided_slice %get3A_1 {offsets = [0, 1536], sizes = [544, 64], strides = [1, 1]} : vector<544x2304xf32> to vector<544x64xf32>
    %dot_general3A = arith.constant dense<0.000000e+00> : vector<544x544xf32>
    %dot_general3A_6 = tpu.matmul %slice3A, %slice3A_4, %dot_general3A {dimension_numbers = #tpu.dot_dimension_numbers<[1], [1], [0], [0], [0, 0, 1, 0], [], []>, transpose_lhs_hint = false} : vector<544x64xf32>, vector<544x64xf32>, vector<544x544xf32> -> vector<544x544xf32>
    %mul3A = arith.constant 1.250000e-01 : f32
    %mul3A_7 = vector.broadcast %mul3A : f32 to vector<544x544xf32>
    %mul3A_8 = arith.mulf %dot_general3A_6, %mul3A_7 : vector<544x544xf32>
    %jit3A = arith.constant -1.000000e+30 : f32
    %broadcast_in_dim3A = vector.broadcast %jit3A : f32 to vector<544x544xf32>
    %select_n3A = arith.select %lt3A_3, %mul3A_8, %broadcast_in_dim3A : vector<544x544xi1>, vector<544x544xf32>
    %reduce_max3A = arith.constant dense<0xFF800000> : vector<544xf32>
    %reduce_max3A_9 = vector.multi_reduction <maximumf>, %select_n3A, %reduce_max3A [1] : vector<544x544xf32> to vector<544xf32>
    %broadcast_in_dim3A_10 = vector.shape_cast %reduce_max3A_9 : vector<544xf32> to vector<544x1xf32>
    %sub3A = vector.broadcast %broadcast_in_dim3A_10 : vector<544x1xf32> to vector<544x544xf32>
    %sub3A_11 = arith.subf %select_n3A, %sub3A : vector<544x544xf32>
    %exp3A = math.exp %sub3A_11 : vector<544x544xf32>
    %reduce_sum3A = arith.constant dense<0.000000e+00> : vector<544xf32>
    %reduce_sum3A_12 = vector.multi_reduction <add>, %exp3A, %reduce_sum3A [1] : vector<544x544xf32> to vector<544xf32>
    %broadcast_in_dim3A_13 = vector.shape_cast %reduce_sum3A_12 : vector<544xf32> to vector<544x1xf32>
    %div3A = vector.broadcast %broadcast_in_dim3A_13 : vector<544x1xf32> to vector<544x544xf32>
    %div3A_14 = arith.divf %exp3A, %div3A : vector<544x544xf32>
    %dot_general3A_15 = arith.constant dense<0.000000e+00> : vector<544x64xf32>
    %dot_general3A_16 = tpu.matmul %div3A_14, %slice3A_5, %dot_general3A_15 {dimension_numbers = #tpu.dot_dimension_numbers<[1], [0], [0], [1], [0, 0, 1, 1], [], []>, transpose_lhs_hint = false} : vector<544x544xf32>, vector<544x64xf32>, vector<544x64xf32> -> vector<544x64xf32>
    %slice3A_17 = vector.extract_strided_slice %get3A_1 {offsets = [0, 64], sizes = [544, 64], strides = [1, 1]} : vector<544x2304xf32> to vector<544x64xf32>
    %slice3A_18 = vector.extract_strided_slice %get3A_1 {offsets = [0, 832], sizes = [544, 64], strides = [1, 1]} : vector<544x2304xf32> to vector<544x64xf32>
    %slice3A_19 = vector.extract_strided_slice %get3A_1 {offsets = [0, 1600], sizes = [544, 64], strides = [1, 1]} : vector<544x2304xf32> to vector<544x64xf32>
    %dot_general3A_20 = arith.constant dense<0.000000e+00> : vector<544x544xf32>
    %dot_general3A_21 = tpu.matmul %slice3A_17, %slice3A_18, %dot_general3A_20 {dimension_numbers = #tpu.dot_dimension_numbers<[1], [1], [0], [0], [0, 0, 1, 0], [], []>, transpose_lhs_hint = false} : vector<544x64xf32>, vector<544x64xf32>, vector<544x544xf32> -> vector<544x544xf32>
    %mul3A_22 = arith.constant 1.250000e-01 : f32
    %mul3A_23 = vector.broadcast %mul3A_22 : f32 to vector<544x544xf32>
    %mul3A_24 = arith.mulf %dot_general3A_21, %mul3A_23 : vector<544x544xf32>
    %jit3A_25 = arith.constant -1.000000e+30 : f32
    %broadcast_in_dim3A_26 = vector.broadcast %jit3A_25 : f32 to vector<544x544xf32>
    %select_n3A_27 = arith.select %lt3A_3, %mul3A_24, %broadcast_in_dim3A_26 : vector<544x544xi1>, vector<544x544xf32>
    %reduce_max3A_28 = arith.constant dense<0xFF800000> : vector<544xf32>
    %reduce_max3A_29 = vector.multi_reduction <maximumf>, %select_n3A_27, %reduce_max3A_28 [1] : vector<544x544xf32> to vector<544xf32>
    %broadcast_in_dim3A_30 = vector.shape_cast %reduce_max3A_29 : vector<544xf32> to vector<544x1xf32>
    %sub3A_31 = vector.broadcast %broadcast_in_dim3A_30 : vector<544x1xf32> to vector<544x544xf32>
    %sub3A_32 = arith.subf %select_n3A_27, %sub3A_31 : vector<544x544xf32>
    %exp3A_33 = math.exp %sub3A_32 : vector<544x544xf32>
    %reduce_sum3A_34 = arith.constant dense<0.000000e+00> : vector<544xf32>
    %reduce_sum3A_35 = vector.multi_reduction <add>, %exp3A_33, %reduce_sum3A_34 [1] : vector<544x544xf32> to vector<544xf32>
    %broadcast_in_dim3A_36 = vector.shape_cast %reduce_sum3A_35 : vector<544xf32> to vector<544x1xf32>
    %div3A_37 = vector.broadcast %broadcast_in_dim3A_36 : vector<544x1xf32> to vector<544x544xf32>
    %div3A_38 = arith.divf %exp3A_33, %div3A_37 : vector<544x544xf32>
    %dot_general3A_39 = arith.constant dense<0.000000e+00> : vector<544x64xf32>
    %dot_general3A_40 = tpu.matmul %div3A_38, %slice3A_19, %dot_general3A_39 {dimension_numbers = #tpu.dot_dimension_numbers<[1], [0], [0], [1], [0, 0, 1, 1], [], []>, transpose_lhs_hint = false} : vector<544x544xf32>, vector<544x64xf32>, vector<544x64xf32> -> vector<544x64xf32>
    %slice3A_41 = vector.extract_strided_slice %get3A_1 {offsets = [0, 128], sizes = [544, 64], strides = [1, 1]} : vector<544x2304xf32> to vector<544x64xf32>
    %slice3A_42 = vector.extract_strided_slice %get3A_1 {offsets = [0, 896], sizes = [544, 64], strides = [1, 1]} : vector<544x2304xf32> to vector<544x64xf32>
    %slice3A_43 = vector.extract_strided_slice %get3A_1 {offsets = [0, 1664], sizes = [544, 64], strides = [1, 1]} : vector<544x2304xf32> to vector<544x64xf32>
    %dot_general3A_44 = arith.constant dense<0.000000e+00> : vector<544x544xf32>
    %dot_general3A_45 = tpu.matmul %slice3A_41, %slice3A_42, %dot_general3A_44 {dimension_numbers = #tpu.dot_dimension_numbers<[1], [1], [0], [0], [0, 0, 1, 0], [], []>, transpose_lhs_hint = false} : vector<544x64xf32>, vector<544x64xf32>, vector<544x544xf32> -> vector<544x544xf32>
    %mul3A_46 = arith.constant 1.250000e-01 : f32
    %mul3A_47 = vector.broadcast %mul3A_46 : f32 to vector<544x544xf32>
    %mul3A_48 = arith.mulf %dot_general3A_45, %mul3A_47 : vector<544x544xf32>
    %jit3A_49 = arith.constant -1.000000e+30 : f32
    %broadcast_in_dim3A_50 = vector.broadcast %jit3A_49 : f32 to vector<544x544xf32>
    %select_n3A_51 = arith.select %lt3A_3, %mul3A_48, %broadcast_in_dim3A_50 : vector<544x544xi1>, vector<544x544xf32>
    %reduce_max3A_52 = arith.constant dense<0xFF800000> : vector<544xf32>
    %reduce_max3A_53 = vector.multi_reduction <maximumf>, %select_n3A_51, %reduce_max3A_52 [1] : vector<544x544xf32> to vector<544xf32>
    %broadcast_in_dim3A_54 = vector.shape_cast %reduce_max3A_53 : vector<544xf32> to vector<544x1xf32>
    %sub3A_55 = vector.broadcast %broadcast_in_dim3A_54 : vector<544x1xf32> to vector<544x544xf32>
    %sub3A_56 = arith.subf %select_n3A_51, %sub3A_55 : vector<544x544xf32>
    %exp3A_57 = math.exp %sub3A_56 : vector<544x544xf32>
    %reduce_sum3A_58 = arith.constant dense<0.000000e+00> : vector<544xf32>
    %reduce_sum3A_59 = vector.multi_reduction <add>, %exp3A_57, %reduce_sum3A_58 [1] : vector<544x544xf32> to vector<544xf32>
    %broadcast_in_dim3A_60 = vector.shape_cast %reduce_sum3A_59 : vector<544xf32> to vector<544x1xf32>
    %div3A_61 = vector.broadcast %broadcast_in_dim3A_60 : vector<544x1xf32> to vector<544x544xf32>
    %div3A_62 = arith.divf %exp3A_57, %div3A_61 : vector<544x544xf32>
    %dot_general3A_63 = arith.constant dense<0.000000e+00> : vector<544x64xf32>
    %dot_general3A_64 = tpu.matmul %div3A_62, %slice3A_43, %dot_general3A_63 {dimension_numbers = #tpu.dot_dimension_numbers<[1], [0], [0], [1], [0, 0, 1, 1], [], []>, transpose_lhs_hint = false} : vector<544x544xf32>, vector<544x64xf32>, vector<544x64xf32> -> vector<544x64xf32>
    %slice3A_65 = vector.extract_strided_slice %get3A_1 {offsets = [0, 192], sizes = [544, 64], strides = [1, 1]} : vector<544x2304xf32> to vector<544x64xf32>
    %slice3A_66 = vector.extract_strided_slice %get3A_1 {offsets = [0, 960], sizes = [544, 64], strides = [1, 1]} : vector<544x2304xf32> to vector<544x64xf32>
    %slice3A_67 = vector.extract_strided_slice %get3A_1 {offsets = [0, 1728], sizes = [544, 64], strides = [1, 1]} : vector<544x2304xf32> to vector<544x64xf32>
    %dot_general3A_68 = arith.constant dense<0.000000e+00> : vector<544x544xf32>
    %dot_general3A_69 = tpu.matmul %slice3A_65, %slice3A_66, %dot_general3A_68 {dimension_numbers = #tpu.dot_dimension_numbers<[1], [1], [0], [0], [0, 0, 1, 0], [], []>, transpose_lhs_hint = false} : vector<544x64xf32>, vector<544x64xf32>, vector<544x544xf32> -> vector<544x544xf32>
    %mul3A_70 = arith.constant 1.250000e-01 : f32
    %mul3A_71 = vector.broadcast %mul3A_70 : f32 to vector<544x544xf32>
    %mul3A_72 = arith.mulf %dot_general3A_69, %mul3A_71 : vector<544x544xf32>
    %jit3A_73 = arith.constant -1.000000e+30 : f32
    %broadcast_in_dim3A_74 = vector.broadcast %jit3A_73 : f32 to vector<544x544xf32>
    %select_n3A_75 = arith.select %lt3A_3, %mul3A_72, %broadcast_in_dim3A_74 : vector<544x544xi1>, vector<544x544xf32>
    %reduce_max3A_76 = arith.constant dense<0xFF800000> : vector<544xf32>
    %reduce_max3A_77 = vector.multi_reduction <maximumf>, %select_n3A_75, %reduce_max3A_76 [1] : vector<544x544xf32> to vector<544xf32>
    %broadcast_in_dim3A_78 = vector.shape_cast %reduce_max3A_77 : vector<544xf32> to vector<544x1xf32>
    %sub3A_79 = vector.broadcast %broadcast_in_dim3A_78 : vector<544x1xf32> to vector<544x544xf32>
    %sub3A_80 = arith.subf %select_n3A_75, %sub3A_79 : vector<544x544xf32>
    %exp3A_81 = math.exp %sub3A_80 : vector<544x544xf32>
    %reduce_sum3A_82 = arith.constant dense<0.000000e+00> : vector<544xf32>
    %reduce_sum3A_83 = vector.multi_reduction <add>, %exp3A_81, %reduce_sum3A_82 [1] : vector<544x544xf32> to vector<544xf32>
    %broadcast_in_dim3A_84 = vector.shape_cast %reduce_sum3A_83 : vector<544xf32> to vector<544x1xf32>
    %div3A_85 = vector.broadcast %broadcast_in_dim3A_84 : vector<544x1xf32> to vector<544x544xf32>
    %div3A_86 = arith.divf %exp3A_81, %div3A_85 : vector<544x544xf32>
    %dot_general3A_87 = arith.constant dense<0.000000e+00> : vector<544x64xf32>
    %dot_general3A_88 = tpu.matmul %div3A_86, %slice3A_67, %dot_general3A_87 {dimension_numbers = #tpu.dot_dimension_numbers<[1], [0], [0], [1], [0, 0, 1, 1], [], []>, transpose_lhs_hint = false} : vector<544x544xf32>, vector<544x64xf32>, vector<544x64xf32> -> vector<544x64xf32>
    %slice3A_89 = vector.extract_strided_slice %get3A_1 {offsets = [0, 256], sizes = [544, 64], strides = [1, 1]} : vector<544x2304xf32> to vector<544x64xf32>
    %slice3A_90 = vector.extract_strided_slice %get3A_1 {offsets = [0, 1024], sizes = [544, 64], strides = [1, 1]} : vector<544x2304xf32> to vector<544x64xf32>
    %slice3A_91 = vector.extract_strided_slice %get3A_1 {offsets = [0, 1792], sizes = [544, 64], strides = [1, 1]} : vector<544x2304xf32> to vector<544x64xf32>
    %dot_general3A_92 = arith.constant dense<0.000000e+00> : vector<544x544xf32>
    %dot_general3A_93 = tpu.matmul %slice3A_89, %slice3A_90, %dot_general3A_92 {dimension_numbers = #tpu.dot_dimension_numbers<[1], [1], [0], [0], [0, 0, 1, 0], [], []>, transpose_lhs_hint = false} : vector<544x64xf32>, vector<544x64xf32>, vector<544x544xf32> -> vector<544x544xf32>
    %mul3A_94 = arith.constant 1.250000e-01 : f32
    %mul3A_95 = vector.broadcast %mul3A_94 : f32 to vector<544x544xf32>
    %mul3A_96 = arith.mulf %dot_general3A_93, %mul3A_95 : vector<544x544xf32>
    %jit3A_97 = arith.constant -1.000000e+30 : f32
    %broadcast_in_dim3A_98 = vector.broadcast %jit3A_97 : f32 to vector<544x544xf32>
    %select_n3A_99 = arith.select %lt3A_3, %mul3A_96, %broadcast_in_dim3A_98 : vector<544x544xi1>, vector<544x544xf32>
    %reduce_max3A_100 = arith.constant dense<0xFF800000> : vector<544xf32>
    %reduce_max3A_101 = vector.multi_reduction <maximumf>, %select_n3A_99, %reduce_max3A_100 [1] : vector<544x544xf32> to vector<544xf32>
    %broadcast_in_dim3A_102 = vector.shape_cast %reduce_max3A_101 : vector<544xf32> to vector<544x1xf32>
    %sub3A_103 = vector.broadcast %broadcast_in_dim3A_102 : vector<544x1xf32> to vector<544x544xf32>
    %sub3A_104 = arith.subf %select_n3A_99, %sub3A_103 : vector<544x544xf32>
    %exp3A_105 = math.exp %sub3A_104 : vector<544x544xf32>
    %reduce_sum3A_106 = arith.constant dense<0.000000e+00> : vector<544xf32>
    %reduce_sum3A_107 = vector.multi_reduction <add>, %exp3A_105, %reduce_sum3A_106 [1] : vector<544x544xf32> to vector<544xf32>
    %broadcast_in_dim3A_108 = vector.shape_cast %reduce_sum3A_107 : vector<544xf32> to vector<544x1xf32>
    %div3A_109 = vector.broadcast %broadcast_in_dim3A_108 : vector<544x1xf32> to vector<544x544xf32>
    %div3A_110 = arith.divf %exp3A_105, %div3A_109 : vector<544x544xf32>
    %dot_general3A_111 = arith.constant dense<0.000000e+00> : vector<544x64xf32>
    %dot_general3A_112 = tpu.matmul %div3A_110, %slice3A_91, %dot_general3A_111 {dimension_numbers = #tpu.dot_dimension_numbers<[1], [0], [0], [1], [0, 0, 1, 1], [], []>, transpose_lhs_hint = false} : vector<544x544xf32>, vector<544x64xf32>, vector<544x64xf32> -> vector<544x64xf32>
    %slice3A_113 = vector.extract_strided_slice %get3A_1 {offsets = [0, 320], sizes = [544, 64], strides = [1, 1]} : vector<544x2304xf32> to vector<544x64xf32>
    %slice3A_114 = vector.extract_strided_slice %get3A_1 {offsets = [0, 1088], sizes = [544, 64], strides = [1, 1]} : vector<544x2304xf32> to vector<544x64xf32>
    %slice3A_115 = vector.extract_strided_slice %get3A_1 {offsets = [0, 1856], sizes = [544, 64], strides = [1, 1]} : vector<544x2304xf32> to vector<544x64xf32>
    %dot_general3A_116 = arith.constant dense<0.000000e+00> : vector<544x544xf32>
    %dot_general3A_117 = tpu.matmul %slice3A_113, %slice3A_114, %dot_general3A_116 {dimension_numbers = #tpu.dot_dimension_numbers<[1], [1], [0], [0], [0, 0, 1, 0], [], []>, transpose_lhs_hint = false} : vector<544x64xf32>, vector<544x64xf32>, vector<544x544xf32> -> vector<544x544xf32>
    %mul3A_118 = arith.constant 1.250000e-01 : f32
    %mul3A_119 = vector.broadcast %mul3A_118 : f32 to vector<544x544xf32>
    %mul3A_120 = arith.mulf %dot_general3A_117, %mul3A_119 : vector<544x544xf32>
    %jit3A_121 = arith.constant -1.000000e+30 : f32
    %broadcast_in_dim3A_122 = vector.broadcast %jit3A_121 : f32 to vector<544x544xf32>
    %select_n3A_123 = arith.select %lt3A_3, %mul3A_120, %broadcast_in_dim3A_122 : vector<544x544xi1>, vector<544x544xf32>
    %reduce_max3A_124 = arith.constant dense<0xFF800000> : vector<544xf32>
    %reduce_max3A_125 = vector.multi_reduction <maximumf>, %select_n3A_123, %reduce_max3A_124 [1] : vector<544x544xf32> to vector<544xf32>
    %broadcast_in_dim3A_126 = vector.shape_cast %reduce_max3A_125 : vector<544xf32> to vector<544x1xf32>
    %sub3A_127 = vector.broadcast %broadcast_in_dim3A_126 : vector<544x1xf32> to vector<544x544xf32>
    %sub3A_128 = arith.subf %select_n3A_123, %sub3A_127 : vector<544x544xf32>
    %exp3A_129 = math.exp %sub3A_128 : vector<544x544xf32>
    %reduce_sum3A_130 = arith.constant dense<0.000000e+00> : vector<544xf32>
    %reduce_sum3A_131 = vector.multi_reduction <add>, %exp3A_129, %reduce_sum3A_130 [1] : vector<544x544xf32> to vector<544xf32>
    %broadcast_in_dim3A_132 = vector.shape_cast %reduce_sum3A_131 : vector<544xf32> to vector<544x1xf32>
    %div3A_133 = vector.broadcast %broadcast_in_dim3A_132 : vector<544x1xf32> to vector<544x544xf32>
    %div3A_134 = arith.divf %exp3A_129, %div3A_133 : vector<544x544xf32>
    %dot_general3A_135 = arith.constant dense<0.000000e+00> : vector<544x64xf32>
    %dot_general3A_136 = tpu.matmul %div3A_134, %slice3A_115, %dot_general3A_135 {dimension_numbers = #tpu.dot_dimension_numbers<[1], [0], [0], [1], [0, 0, 1, 1], [], []>, transpose_lhs_hint = false} : vector<544x544xf32>, vector<544x64xf32>, vector<544x64xf32> -> vector<544x64xf32>
    %slice3A_137 = vector.extract_strided_slice %get3A_1 {offsets = [0, 384], sizes = [544, 64], strides = [1, 1]} : vector<544x2304xf32> to vector<544x64xf32>
    %slice3A_138 = vector.extract_strided_slice %get3A_1 {offsets = [0, 1152], sizes = [544, 64], strides = [1, 1]} : vector<544x2304xf32> to vector<544x64xf32>
    %slice3A_139 = vector.extract_strided_slice %get3A_1 {offsets = [0, 1920], sizes = [544, 64], strides = [1, 1]} : vector<544x2304xf32> to vector<544x64xf32>
    %dot_general3A_140 = arith.constant dense<0.000000e+00> : vector<544x544xf32>
    %dot_general3A_141 = tpu.matmul %slice3A_137, %slice3A_138, %dot_general3A_140 {dimension_numbers = #tpu.dot_dimension_numbers<[1], [1], [0], [0], [0, 0, 1, 0], [], []>, transpose_lhs_hint = false} : vector<544x64xf32>, vector<544x64xf32>, vector<544x544xf32> -> vector<544x544xf32>
    %mul3A_142 = arith.constant 1.250000e-01 : f32
    %mul3A_143 = vector.broadcast %mul3A_142 : f32 to vector<544x544xf32>
    %mul3A_144 = arith.mulf %dot_general3A_141, %mul3A_143 : vector<544x544xf32>
    %jit3A_145 = arith.constant -1.000000e+30 : f32
    %broadcast_in_dim3A_146 = vector.broadcast %jit3A_145 : f32 to vector<544x544xf32>
    %select_n3A_147 = arith.select %lt3A_3, %mul3A_144, %broadcast_in_dim3A_146 : vector<544x544xi1>, vector<544x544xf32>
    %reduce_max3A_148 = arith.constant dense<0xFF800000> : vector<544xf32>
    %reduce_max3A_149 = vector.multi_reduction <maximumf>, %select_n3A_147, %reduce_max3A_148 [1] : vector<544x544xf32> to vector<544xf32>
    %broadcast_in_dim3A_150 = vector.shape_cast %reduce_max3A_149 : vector<544xf32> to vector<544x1xf32>
    %sub3A_151 = vector.broadcast %broadcast_in_dim3A_150 : vector<544x1xf32> to vector<544x544xf32>
    %sub3A_152 = arith.subf %select_n3A_147, %sub3A_151 : vector<544x544xf32>
    %exp3A_153 = math.exp %sub3A_152 : vector<544x544xf32>
    %reduce_sum3A_154 = arith.constant dense<0.000000e+00> : vector<544xf32>
    %reduce_sum3A_155 = vector.multi_reduction <add>, %exp3A_153, %reduce_sum3A_154 [1] : vector<544x544xf32> to vector<544xf32>
    %broadcast_in_dim3A_156 = vector.shape_cast %reduce_sum3A_155 : vector<544xf32> to vector<544x1xf32>
    %div3A_157 = vector.broadcast %broadcast_in_dim3A_156 : vector<544x1xf32> to vector<544x544xf32>
    %div3A_158 = arith.divf %exp3A_153, %div3A_157 : vector<544x544xf32>
    %dot_general3A_159 = arith.constant dense<0.000000e+00> : vector<544x64xf32>
    %dot_general3A_160 = tpu.matmul %div3A_158, %slice3A_139, %dot_general3A_159 {dimension_numbers = #tpu.dot_dimension_numbers<[1], [0], [0], [1], [0, 0, 1, 1], [], []>, transpose_lhs_hint = false} : vector<544x544xf32>, vector<544x64xf32>, vector<544x64xf32> -> vector<544x64xf32>
    %slice3A_161 = vector.extract_strided_slice %get3A_1 {offsets = [0, 448], sizes = [544, 64], strides = [1, 1]} : vector<544x2304xf32> to vector<544x64xf32>
    %slice3A_162 = vector.extract_strided_slice %get3A_1 {offsets = [0, 1216], sizes = [544, 64], strides = [1, 1]} : vector<544x2304xf32> to vector<544x64xf32>
    %slice3A_163 = vector.extract_strided_slice %get3A_1 {offsets = [0, 1984], sizes = [544, 64], strides = [1, 1]} : vector<544x2304xf32> to vector<544x64xf32>
    %dot_general3A_164 = arith.constant dense<0.000000e+00> : vector<544x544xf32>
    %dot_general3A_165 = tpu.matmul %slice3A_161, %slice3A_162, %dot_general3A_164 {dimension_numbers = #tpu.dot_dimension_numbers<[1], [1], [0], [0], [0, 0, 1, 0], [], []>, transpose_lhs_hint = false} : vector<544x64xf32>, vector<544x64xf32>, vector<544x544xf32> -> vector<544x544xf32>
    %mul3A_166 = arith.constant 1.250000e-01 : f32
    %mul3A_167 = vector.broadcast %mul3A_166 : f32 to vector<544x544xf32>
    %mul3A_168 = arith.mulf %dot_general3A_165, %mul3A_167 : vector<544x544xf32>
    %jit3A_169 = arith.constant -1.000000e+30 : f32
    %broadcast_in_dim3A_170 = vector.broadcast %jit3A_169 : f32 to vector<544x544xf32>
    %select_n3A_171 = arith.select %lt3A_3, %mul3A_168, %broadcast_in_dim3A_170 : vector<544x544xi1>, vector<544x544xf32>
    %reduce_max3A_172 = arith.constant dense<0xFF800000> : vector<544xf32>
    %reduce_max3A_173 = vector.multi_reduction <maximumf>, %select_n3A_171, %reduce_max3A_172 [1] : vector<544x544xf32> to vector<544xf32>
    %broadcast_in_dim3A_174 = vector.shape_cast %reduce_max3A_173 : vector<544xf32> to vector<544x1xf32>
    %sub3A_175 = vector.broadcast %broadcast_in_dim3A_174 : vector<544x1xf32> to vector<544x544xf32>
    %sub3A_176 = arith.subf %select_n3A_171, %sub3A_175 : vector<544x544xf32>
    %exp3A_177 = math.exp %sub3A_176 : vector<544x544xf32>
    %reduce_sum3A_178 = arith.constant dense<0.000000e+00> : vector<544xf32>
    %reduce_sum3A_179 = vector.multi_reduction <add>, %exp3A_177, %reduce_sum3A_178 [1] : vector<544x544xf32> to vector<544xf32>
    %broadcast_in_dim3A_180 = vector.shape_cast %reduce_sum3A_179 : vector<544xf32> to vector<544x1xf32>
    %div3A_181 = vector.broadcast %broadcast_in_dim3A_180 : vector<544x1xf32> to vector<544x544xf32>
    %div3A_182 = arith.divf %exp3A_177, %div3A_181 : vector<544x544xf32>
    %dot_general3A_183 = arith.constant dense<0.000000e+00> : vector<544x64xf32>
    %dot_general3A_184 = tpu.matmul %div3A_182, %slice3A_163, %dot_general3A_183 {dimension_numbers = #tpu.dot_dimension_numbers<[1], [0], [0], [1], [0, 0, 1, 1], [], []>, transpose_lhs_hint = false} : vector<544x544xf32>, vector<544x64xf32>, vector<544x64xf32> -> vector<544x64xf32>
    %slice3A_185 = vector.extract_strided_slice %get3A_1 {offsets = [0, 512], sizes = [544, 64], strides = [1, 1]} : vector<544x2304xf32> to vector<544x64xf32>
    %slice3A_186 = vector.extract_strided_slice %get3A_1 {offsets = [0, 1280], sizes = [544, 64], strides = [1, 1]} : vector<544x2304xf32> to vector<544x64xf32>
    %slice3A_187 = vector.extract_strided_slice %get3A_1 {offsets = [0, 2048], sizes = [544, 64], strides = [1, 1]} : vector<544x2304xf32> to vector<544x64xf32>
    %dot_general3A_188 = arith.constant dense<0.000000e+00> : vector<544x544xf32>
    %dot_general3A_189 = tpu.matmul %slice3A_185, %slice3A_186, %dot_general3A_188 {dimension_numbers = #tpu.dot_dimension_numbers<[1], [1], [0], [0], [0, 0, 1, 0], [], []>, transpose_lhs_hint = false} : vector<544x64xf32>, vector<544x64xf32>, vector<544x544xf32> -> vector<544x544xf32>
    %mul3A_190 = arith.constant 1.250000e-01 : f32
    %mul3A_191 = vector.broadcast %mul3A_190 : f32 to vector<544x544xf32>
    %mul3A_192 = arith.mulf %dot_general3A_189, %mul3A_191 : vector<544x544xf32>
    %jit3A_193 = arith.constant -1.000000e+30 : f32
    %broadcast_in_dim3A_194 = vector.broadcast %jit3A_193 : f32 to vector<544x544xf32>
    %select_n3A_195 = arith.select %lt3A_3, %mul3A_192, %broadcast_in_dim3A_194 : vector<544x544xi1>, vector<544x544xf32>
    %reduce_max3A_196 = arith.constant dense<0xFF800000> : vector<544xf32>
    %reduce_max3A_197 = vector.multi_reduction <maximumf>, %select_n3A_195, %reduce_max3A_196 [1] : vector<544x544xf32> to vector<544xf32>
    %broadcast_in_dim3A_198 = vector.shape_cast %reduce_max3A_197 : vector<544xf32> to vector<544x1xf32>
    %sub3A_199 = vector.broadcast %broadcast_in_dim3A_198 : vector<544x1xf32> to vector<544x544xf32>
    %sub3A_200 = arith.subf %select_n3A_195, %sub3A_199 : vector<544x544xf32>
    %exp3A_201 = math.exp %sub3A_200 : vector<544x544xf32>
    %reduce_sum3A_202 = arith.constant dense<0.000000e+00> : vector<544xf32>
    %reduce_sum3A_203 = vector.multi_reduction <add>, %exp3A_201, %reduce_sum3A_202 [1] : vector<544x544xf32> to vector<544xf32>
    %broadcast_in_dim3A_204 = vector.shape_cast %reduce_sum3A_203 : vector<544xf32> to vector<544x1xf32>
    %div3A_205 = vector.broadcast %broadcast_in_dim3A_204 : vector<544x1xf32> to vector<544x544xf32>
    %div3A_206 = arith.divf %exp3A_201, %div3A_205 : vector<544x544xf32>
    %dot_general3A_207 = arith.constant dense<0.000000e+00> : vector<544x64xf32>
    %dot_general3A_208 = tpu.matmul %div3A_206, %slice3A_187, %dot_general3A_207 {dimension_numbers = #tpu.dot_dimension_numbers<[1], [0], [0], [1], [0, 0, 1, 1], [], []>, transpose_lhs_hint = false} : vector<544x544xf32>, vector<544x64xf32>, vector<544x64xf32> -> vector<544x64xf32>
    %slice3A_209 = vector.extract_strided_slice %get3A_1 {offsets = [0, 576], sizes = [544, 64], strides = [1, 1]} : vector<544x2304xf32> to vector<544x64xf32>
    %slice3A_210 = vector.extract_strided_slice %get3A_1 {offsets = [0, 1344], sizes = [544, 64], strides = [1, 1]} : vector<544x2304xf32> to vector<544x64xf32>
    %slice3A_211 = vector.extract_strided_slice %get3A_1 {offsets = [0, 2112], sizes = [544, 64], strides = [1, 1]} : vector<544x2304xf32> to vector<544x64xf32>
    %dot_general3A_212 = arith.constant dense<0.000000e+00> : vector<544x544xf32>
    %dot_general3A_213 = tpu.matmul %slice3A_209, %slice3A_210, %dot_general3A_212 {dimension_numbers = #tpu.dot_dimension_numbers<[1], [1], [0], [0], [0, 0, 1, 0], [], []>, transpose_lhs_hint = false} : vector<544x64xf32>, vector<544x64xf32>, vector<544x544xf32> -> vector<544x544xf32>
    %mul3A_214 = arith.constant 1.250000e-01 : f32
    %mul3A_215 = vector.broadcast %mul3A_214 : f32 to vector<544x544xf32>
    %mul3A_216 = arith.mulf %dot_general3A_213, %mul3A_215 : vector<544x544xf32>
    %jit3A_217 = arith.constant -1.000000e+30 : f32
    %broadcast_in_dim3A_218 = vector.broadcast %jit3A_217 : f32 to vector<544x544xf32>
    %select_n3A_219 = arith.select %lt3A_3, %mul3A_216, %broadcast_in_dim3A_218 : vector<544x544xi1>, vector<544x544xf32>
    %reduce_max3A_220 = arith.constant dense<0xFF800000> : vector<544xf32>
    %reduce_max3A_221 = vector.multi_reduction <maximumf>, %select_n3A_219, %reduce_max3A_220 [1] : vector<544x544xf32> to vector<544xf32>
    %broadcast_in_dim3A_222 = vector.shape_cast %reduce_max3A_221 : vector<544xf32> to vector<544x1xf32>
    %sub3A_223 = vector.broadcast %broadcast_in_dim3A_222 : vector<544x1xf32> to vector<544x544xf32>
    %sub3A_224 = arith.subf %select_n3A_219, %sub3A_223 : vector<544x544xf32>
    %exp3A_225 = math.exp %sub3A_224 : vector<544x544xf32>
    %reduce_sum3A_226 = arith.constant dense<0.000000e+00> : vector<544xf32>
    %reduce_sum3A_227 = vector.multi_reduction <add>, %exp3A_225, %reduce_sum3A_226 [1] : vector<544x544xf32> to vector<544xf32>
    %broadcast_in_dim3A_228 = vector.shape_cast %reduce_sum3A_227 : vector<544xf32> to vector<544x1xf32>
    %div3A_229 = vector.broadcast %broadcast_in_dim3A_228 : vector<544x1xf32> to vector<544x544xf32>
    %div3A_230 = arith.divf %exp3A_225, %div3A_229 : vector<544x544xf32>
    %dot_general3A_231 = arith.constant dense<0.000000e+00> : vector<544x64xf32>
    %dot_general3A_232 = tpu.matmul %div3A_230, %slice3A_211, %dot_general3A_231 {dimension_numbers = #tpu.dot_dimension_numbers<[1], [0], [0], [1], [0, 0, 1, 1], [], []>, transpose_lhs_hint = false} : vector<544x544xf32>, vector<544x64xf32>, vector<544x64xf32> -> vector<544x64xf32>
    %slice3A_233 = vector.extract_strided_slice %get3A_1 {offsets = [0, 640], sizes = [544, 64], strides = [1, 1]} : vector<544x2304xf32> to vector<544x64xf32>
    %slice3A_234 = vector.extract_strided_slice %get3A_1 {offsets = [0, 1408], sizes = [544, 64], strides = [1, 1]} : vector<544x2304xf32> to vector<544x64xf32>
    %slice3A_235 = vector.extract_strided_slice %get3A_1 {offsets = [0, 2176], sizes = [544, 64], strides = [1, 1]} : vector<544x2304xf32> to vector<544x64xf32>
    %dot_general3A_236 = arith.constant dense<0.000000e+00> : vector<544x544xf32>
    %dot_general3A_237 = tpu.matmul %slice3A_233, %slice3A_234, %dot_general3A_236 {dimension_numbers = #tpu.dot_dimension_numbers<[1], [1], [0], [0], [0, 0, 1, 0], [], []>, transpose_lhs_hint = false} : vector<544x64xf32>, vector<544x64xf32>, vector<544x544xf32> -> vector<544x544xf32>
    %mul3A_238 = arith.constant 1.250000e-01 : f32
    %mul3A_239 = vector.broadcast %mul3A_238 : f32 to vector<544x544xf32>
    %mul3A_240 = arith.mulf %dot_general3A_237, %mul3A_239 : vector<544x544xf32>
    %jit3A_241 = arith.constant -1.000000e+30 : f32
    %broadcast_in_dim3A_242 = vector.broadcast %jit3A_241 : f32 to vector<544x544xf32>
    %select_n3A_243 = arith.select %lt3A_3, %mul3A_240, %broadcast_in_dim3A_242 : vector<544x544xi1>, vector<544x544xf32>
    %reduce_max3A_244 = arith.constant dense<0xFF800000> : vector<544xf32>
    %reduce_max3A_245 = vector.multi_reduction <maximumf>, %select_n3A_243, %reduce_max3A_244 [1] : vector<544x544xf32> to vector<544xf32>
    %broadcast_in_dim3A_246 = vector.shape_cast %reduce_max3A_245 : vector<544xf32> to vector<544x1xf32>
    %sub3A_247 = vector.broadcast %broadcast_in_dim3A_246 : vector<544x1xf32> to vector<544x544xf32>
    %sub3A_248 = arith.subf %select_n3A_243, %sub3A_247 : vector<544x544xf32>
    %exp3A_249 = math.exp %sub3A_248 : vector<544x544xf32>
    %reduce_sum3A_250 = arith.constant dense<0.000000e+00> : vector<544xf32>
    %reduce_sum3A_251 = vector.multi_reduction <add>, %exp3A_249, %reduce_sum3A_250 [1] : vector<544x544xf32> to vector<544xf32>
    %broadcast_in_dim3A_252 = vector.shape_cast %reduce_sum3A_251 : vector<544xf32> to vector<544x1xf32>
    %div3A_253 = vector.broadcast %broadcast_in_dim3A_252 : vector<544x1xf32> to vector<544x544xf32>
    %div3A_254 = arith.divf %exp3A_249, %div3A_253 : vector<544x544xf32>
    %dot_general3A_255 = arith.constant dense<0.000000e+00> : vector<544x64xf32>
    %dot_general3A_256 = tpu.matmul %div3A_254, %slice3A_235, %dot_general3A_255 {dimension_numbers = #tpu.dot_dimension_numbers<[1], [0], [0], [1], [0, 0, 1, 1], [], []>, transpose_lhs_hint = false} : vector<544x544xf32>, vector<544x64xf32>, vector<544x64xf32> -> vector<544x64xf32>
    %slice3A_257 = vector.extract_strided_slice %get3A_1 {offsets = [0, 704], sizes = [544, 64], strides = [1, 1]} : vector<544x2304xf32> to vector<544x64xf32>
    %slice3A_258 = vector.extract_strided_slice %get3A_1 {offsets = [0, 1472], sizes = [544, 64], strides = [1, 1]} : vector<544x2304xf32> to vector<544x64xf32>
    %slice3A_259 = vector.extract_strided_slice %get3A_1 {offsets = [0, 2240], sizes = [544, 64], strides = [1, 1]} : vector<544x2304xf32> to vector<544x64xf32>
    %dot_general3A_260 = arith.constant dense<0.000000e+00> : vector<544x544xf32>
    %dot_general3A_261 = tpu.matmul %slice3A_257, %slice3A_258, %dot_general3A_260 {dimension_numbers = #tpu.dot_dimension_numbers<[1], [1], [0], [0], [0, 0, 1, 0], [], []>, transpose_lhs_hint = false} : vector<544x64xf32>, vector<544x64xf32>, vector<544x544xf32> -> vector<544x544xf32>
    %mul3A_262 = arith.constant 1.250000e-01 : f32
    %mul3A_263 = vector.broadcast %mul3A_262 : f32 to vector<544x544xf32>
    %mul3A_264 = arith.mulf %dot_general3A_261, %mul3A_263 : vector<544x544xf32>
    %jit3A_265 = arith.constant -1.000000e+30 : f32
    %broadcast_in_dim3A_266 = vector.broadcast %jit3A_265 : f32 to vector<544x544xf32>
    %select_n3A_267 = arith.select %lt3A_3, %mul3A_264, %broadcast_in_dim3A_266 : vector<544x544xi1>, vector<544x544xf32>
    %reduce_max3A_268 = arith.constant dense<0xFF800000> : vector<544xf32>
    %reduce_max3A_269 = vector.multi_reduction <maximumf>, %select_n3A_267, %reduce_max3A_268 [1] : vector<544x544xf32> to vector<544xf32>
    %broadcast_in_dim3A_270 = vector.shape_cast %reduce_max3A_269 : vector<544xf32> to vector<544x1xf32>
    %sub3A_271 = vector.broadcast %broadcast_in_dim3A_270 : vector<544x1xf32> to vector<544x544xf32>
    %sub3A_272 = arith.subf %select_n3A_267, %sub3A_271 : vector<544x544xf32>
    %exp3A_273 = math.exp %sub3A_272 : vector<544x544xf32>
    %reduce_sum3A_274 = arith.constant dense<0.000000e+00> : vector<544xf32>
    %reduce_sum3A_275 = vector.multi_reduction <add>, %exp3A_273, %reduce_sum3A_274 [1] : vector<544x544xf32> to vector<544xf32>
    %broadcast_in_dim3A_276 = vector.shape_cast %reduce_sum3A_275 : vector<544xf32> to vector<544x1xf32>
    %div3A_277 = vector.broadcast %broadcast_in_dim3A_276 : vector<544x1xf32> to vector<544x544xf32>
    %div3A_278 = arith.divf %exp3A_273, %div3A_277 : vector<544x544xf32>
    %dot_general3A_279 = arith.constant dense<0.000000e+00> : vector<544x64xf32>
    %dot_general3A_280 = tpu.matmul %div3A_278, %slice3A_259, %dot_general3A_279 {dimension_numbers = #tpu.dot_dimension_numbers<[1], [0], [0], [1], [0, 0, 1, 1], [], []>, transpose_lhs_hint = false} : vector<544x544xf32>, vector<544x64xf32>, vector<544x64xf32> -> vector<544x64xf32>
    %concatenate3A = tpu.concatenate %dot_general3A_16, %dot_general3A_40, %dot_general3A_64, %dot_general3A_88, %dot_general3A_112, %dot_general3A_136, %dot_general3A_160, %dot_general3A_184, %dot_general3A_208, %dot_general3A_232, %dot_general3A_256, %dot_general3A_280 in 1 : vector<544x64xf32>, vector<544x64xf32>, vector<544x64xf32>, vector<544x64xf32>, vector<544x64xf32>, vector<544x64xf32>, vector<544x64xf32>, vector<544x64xf32>, vector<544x64xf32>, vector<544x64xf32>, vector<544x64xf32>, vector<544x64xf32> -> vector<544x768xf32>
    %swap3A = arith.constant 0 : index
    %swap3A_281 = arith.constant 0 : index
    %swap3A_282 = vector.load %arg2[%swap3A, %swap3A_281] : memref<544x768xf32, #tpu.memory_space<vmem>>, vector<544x768xf32>
    tpu.vector_store %arg2[%swap3A, %swap3A_281], %concatenate3A {strides = array<i32>} : memref<544x768xf32, #tpu.memory_space<vmem>>, vector<544x768xf32>,
    return
  }
  func.func @transform_0(%arg0: i32) -> (i32, i32) {
    %c0_i32 = arith.constant 0 : i32
    %c0_i32_0 = arith.constant 0 : i32
    return %arg0, %c0_i32 : i32, i32
  }
  func.func @transform_1(%arg0: i32) -> (i32, i32) {
    %c0_i32 = arith.constant 0 : i32
    %c0_i32_0 = arith.constant 0 : i32
    return %arg0, %c0_i32 : i32, i32
  }
}

module attributes {stable_mosaic.version = 14 : i64} {
  func.func @_mm_body(%arg0: i32, %arg1: memref<512x768xf32, #tpu.memory_space<vmem>>, %arg2: memref<768x768xf32, #tpu.memory_space<vmem>>, %arg3: memref<1x768xf32, #tpu.memory_space<vmem>>, %arg4: memref<512x768xf32, #tpu.memory_space<vmem>>) attributes {dimension_semantics = [#tpu.dimension_semantics<arbitrary>], iteration_bounds = array<i64: 34>, scalar_prefetch = 0 : i64, scratch_operands = 0 : i64, tpu.core_type = #tpu.core_type<tc>, window_params = [{transform_indices = @transform_0, window_bounds = array<i64: 512, 768>}, {pipeline_mode = #tpu.pipeline_mode<synchronous>, transform_indices = @transform_1, window_bounds = array<i64: 768, 768>}, {pipeline_mode = #tpu.pipeline_mode<synchronous>, transform_indices = @transform_2, window_bounds = array<i64: 1, 768>}, {transform_indices = @transform_3, window_bounds = array<i64: 512, 768>}]} {
    %get3A = arith.constant 0 : index
    %get3A_0 = arith.constant 0 : index
    %get3A_1 = vector.load %arg1[%get3A, %get3A_0] : memref<512x768xf32, #tpu.memory_space<vmem>>, vector<512x768xf32>
    %get3A_2 = arith.constant 0 : index
    %get3A_3 = arith.constant 0 : index
    %get3A_4 = vector.load %arg2[%get3A_2, %get3A_3] : memref<768x768xf32, #tpu.memory_space<vmem>>, vector<768x768xf32>
    %dot_general3A = arith.constant dense<0.000000e+00> : vector<512x768xf32>
    %dot_general3A_5 = tpu.matmul %get3A_1, %get3A_4, %dot_general3A {dimension_numbers = #tpu.dot_dimension_numbers<[1], [1], [0], [0], [0, 0, 1, 0], [], []>, transpose_lhs_hint = false} : vector<512x768xf32>, vector<768x768xf32>, vector<512x768xf32> -> vector<512x768xf32>
    %get3A_6 = arith.constant 0 : index
    %get3A_7 = arith.constant 0 : index
    %get3A_8 = vector.load %arg3[%get3A_6, %get3A_7] : memref<1x768xf32, #tpu.memory_space<vmem>>, vector<1x768xf32>
    %add3A = vector.broadcast %get3A_8 : vector<1x768xf32> to vector<512x768xf32>
    %add3A_9 = arith.addf %dot_general3A_5, %add3A : vector<512x768xf32>
    %swap3A = arith.constant 0 : index
    %swap3A_10 = arith.constant 0 : index
    %swap3A_11 = vector.load %arg4[%swap3A, %swap3A_10] : memref<512x768xf32, #tpu.memory_space<vmem>>, vector<512x768xf32>
    tpu.vector_store %arg4[%swap3A, %swap3A_10], %add3A_9 {strides = array<i32>} : memref<512x768xf32, #tpu.memory_space<vmem>>, vector<512x768xf32>,
    return
  }
  func.func @transform_0(%arg0: i32) -> (i32, i32) {
    %c0_i32 = arith.constant 0 : i32
    %c0_i32_0 = arith.constant 0 : i32
    return %arg0, %c0_i32 : i32, i32
  }
  func.func @transform_1(%arg0: i32) -> (i32, i32) {
    %c0_i32 = arith.constant 0 : i32
    %c0_i32_0 = arith.constant 0 : i32
    %c0_i32_1 = arith.constant 0 : i32
    return %c0_i32, %c0_i32_0 : i32, i32
  }
  func.func @transform_2(%arg0: i32) -> (i32, i32) {
    %c0_i32 = arith.constant 0 : i32
    %c0_i32_0 = arith.constant 0 : i32
    %c0_i32_1 = arith.constant 0 : i32
    return %c0_i32, %c0_i32_0 : i32, i32
  }
  func.func @transform_3(%arg0: i32) -> (i32, i32) {
    %c0_i32 = arith.constant 0 : i32
    %c0_i32_0 = arith.constant 0 : i32
    return %arg0, %c0_i32 : i32, i32
  }
}

module attributes {stable_mosaic.version = 14 : i64} {
  func.func @_mlp_body(%arg0: i32, %arg1: memref<512x768xf32, #tpu.memory_space<vmem>>, %arg2: memref<512x768xf32, #tpu.memory_space<vmem>>, %arg3: memref<3072x768xf32, #tpu.memory_space<vmem>>, %arg4: memref<1x3072xf32, #tpu.memory_space<vmem>>, %arg5: memref<768x3072xf32, #tpu.memory_space<vmem>>, %arg6: memref<1x768xf32, #tpu.memory_space<vmem>>, %arg7: memref<1x768xf32, #tpu.memory_space<vmem>>, %arg8: memref<1x768xf32, #tpu.memory_space<vmem>>, %arg9: memref<512x768xf32, #tpu.memory_space<vmem>>) attributes {dimension_semantics = [#tpu.dimension_semantics<arbitrary>], iteration_bounds = array<i64: 48>, scalar_prefetch = 0 : i64, scratch_operands = 0 : i64, tpu.core_type = #tpu.core_type<tc>, window_params = [{transform_indices = @transform_0, window_bounds = array<i64: 512, 768>}, {transform_indices = @transform_1, window_bounds = array<i64: 512, 768>}, {pipeline_mode = #tpu.pipeline_mode<synchronous>, transform_indices = @transform_2, window_bounds = array<i64: 3072, 768>}, {pipeline_mode = #tpu.pipeline_mode<synchronous>, transform_indices = @transform_3, window_bounds = array<i64: 1, 3072>}, {pipeline_mode = #tpu.pipeline_mode<synchronous>, transform_indices = @transform_4, window_bounds = array<i64: 768, 3072>}, {pipeline_mode = #tpu.pipeline_mode<synchronous>, transform_indices = @transform_5, window_bounds = array<i64: 1, 768>}, {pipeline_mode = #tpu.pipeline_mode<synchronous>, transform_indices = @transform_6, window_bounds = array<i64: 1, 768>}, {pipeline_mode = #tpu.pipeline_mode<synchronous>, transform_indices = @transform_7, window_bounds = array<i64: 1, 768>}, {transform_indices = @transform_8, window_bounds = array<i64: 512, 768>}]} {
    %get3A = arith.constant 0 : index
    %get3A_0 = arith.constant 0 : index
    %get3A_1 = vector.load %arg1[%get3A, %get3A_0] : memref<512x768xf32, #tpu.memory_space<vmem>>, vector<512x768xf32>
    %get3A_2 = arith.constant 0 : index
    %get3A_3 = arith.constant 0 : index
    %get3A_4 = vector.load %arg2[%get3A_2, %get3A_3] : memref<512x768xf32, #tpu.memory_space<vmem>>, vector<512x768xf32>
    %add3A = arith.addf %get3A_1, %get3A_4 : vector<512x768xf32>
    %reduce_sum3A = arith.constant dense<0.000000e+00> : vector<512xf32>
    %reduce_sum3A_5 = vector.multi_reduction <add>, %add3A, %reduce_sum3A [1] : vector<512x768xf32> to vector<512xf32>
    %broadcast_in_dim3A = vector.shape_cast %reduce_sum3A_5 : vector<512xf32> to vector<512x1xf32>
    %div3A = arith.constant 7.680000e+02 : f32
    %div3A_6 = vector.broadcast %div3A : f32 to vector<512x1xf32>
    %div3A_7 = arith.divf %broadcast_in_dim3A, %div3A_6 : vector<512x1xf32>
    %sub3A = vector.broadcast %div3A_7 : vector<512x1xf32> to vector<512x768xf32>
    %sub3A_8 = arith.subf %add3A, %sub3A : vector<512x768xf32>
    %mul3A = arith.mulf %sub3A_8, %sub3A_8 : vector<512x768xf32>
    %reduce_sum3A_9 = arith.constant dense<0.000000e+00> : vector<512xf32>
    %reduce_sum3A_10 = vector.multi_reduction <add>, %mul3A, %reduce_sum3A_9 [1] : vector<512x768xf32> to vector<512xf32>
    %broadcast_in_dim3A_11 = vector.shape_cast %reduce_sum3A_10 : vector<512xf32> to vector<512x1xf32>
    %div3A_12 = arith.constant 7.680000e+02 : f32
    %div3A_13 = vector.broadcast %div3A_12 : f32 to vector<512x1xf32>
    %div3A_14 = arith.divf %broadcast_in_dim3A_11, %div3A_13 : vector<512x1xf32>
    %add3A_15 = arith.constant 9.99999974E-6 : f32
    %add3A_16 = vector.broadcast %add3A_15 : f32 to vector<512x1xf32>
    %add3A_17 = arith.addf %div3A_14, %add3A_16 : vector<512x1xf32>
    %rsqrt3A = math.rsqrt %add3A_17 : vector<512x1xf32>
    %mul3A_18 = vector.broadcast %rsqrt3A : vector<512x1xf32> to vector<512x768xf32>
    %mul3A_19 = arith.mulf %sub3A_8, %mul3A_18 : vector<512x768xf32>
    %get3A_20 = arith.constant 0 : index
    %get3A_21 = arith.constant 0 : index
    %get3A_22 = vector.load %arg7[%get3A_20, %get3A_21] : memref<1x768xf32, #tpu.memory_space<vmem>>, vector<1x768xf32>
    %mul3A_23 = vector.broadcast %get3A_22 : vector<1x768xf32> to vector<512x768xf32>
    %mul3A_24 = arith.mulf %mul3A_19, %mul3A_23 : vector<512x768xf32>
    %get3A_25 = arith.constant 0 : index
    %get3A_26 = arith.constant 0 : index
    %get3A_27 = vector.load %arg8[%get3A_25, %get3A_26] : memref<1x768xf32, #tpu.memory_space<vmem>>, vector<1x768xf32>
    %add3A_28 = vector.broadcast %get3A_27 : vector<1x768xf32> to vector<512x768xf32>
    %add3A_29 = arith.addf %mul3A_24, %add3A_28 : vector<512x768xf32>
    %get3A_30 = arith.constant 0 : index
    %get3A_31 = arith.constant 0 : index
    %get3A_32 = vector.load %arg3[%get3A_30, %get3A_31] : memref<3072x768xf32, #tpu.memory_space<vmem>>, vector<3072x768xf32>
    %dot_general3A = arith.constant dense<0.000000e+00> : vector<512x3072xf32>
    %dot_general3A_33 = tpu.matmul %add3A_29, %get3A_32, %dot_general3A {dimension_numbers = #tpu.dot_dimension_numbers<[1], [1], [0], [0], [0, 0, 1, 0], [], []>, transpose_lhs_hint = false} : vector<512x768xf32>, vector<3072x768xf32>, vector<512x3072xf32> -> vector<512x3072xf32>
    %get3A_34 = arith.constant 0 : index
    %get3A_35 = arith.constant 0 : index
    %get3A_36 = vector.load %arg4[%get3A_34, %get3A_35] : memref<1x3072xf32, #tpu.memory_space<vmem>>, vector<1x3072xf32>
    %add3A_37 = vector.broadcast %get3A_36 : vector<1x3072xf32> to vector<512x3072xf32>
    %add3A_38 = arith.addf %dot_general3A_33, %add3A_37 : vector<512x3072xf32>
    %mul3A_39 = arith.constant -1.702000e+00 : f32
    %mul3A_40 = vector.broadcast %mul3A_39 : f32 to vector<512x3072xf32>
    %mul3A_41 = arith.mulf %mul3A_40, %add3A_38 : vector<512x3072xf32>
    %exp3A = math.exp %mul3A_41 : vector<512x3072xf32>
    %add3A_42 = arith.constant 1.000000e+00 : f32
    %add3A_43 = vector.broadcast %add3A_42 : f32 to vector<512x3072xf32>
    %add3A_44 = arith.addf %add3A_43, %exp3A : vector<512x3072xf32>
    %div3A_45 = arith.divf %add3A_38, %add3A_44 : vector<512x3072xf32>
    %get3A_46 = arith.constant 0 : index
    %get3A_47 = arith.constant 0 : index
    %get3A_48 = vector.load %arg5[%get3A_46, %get3A_47] : memref<768x3072xf32, #tpu.memory_space<vmem>>, vector<768x3072xf32>
    %dot_general3A_49 = arith.constant dense<0.000000e+00> : vector<512x768xf32>
    %dot_general3A_50 = tpu.matmul %div3A_45, %get3A_48, %dot_general3A_49 {dimension_numbers = #tpu.dot_dimension_numbers<[1], [1], [0], [0], [0, 0, 1, 0], [], []>, transpose_lhs_hint = false} : vector<512x3072xf32>, vector<768x3072xf32>, vector<512x768xf32> -> vector<512x768xf32>
    %get3A_51 = arith.constant 0 : index
    %get3A_52 = arith.constant 0 : index
    %get3A_53 = vector.load %arg6[%get3A_51, %get3A_52] : memref<1x768xf32, #tpu.memory_space<vmem>>, vector<1x768xf32>
    %add3A_54 = vector.broadcast %get3A_53 : vector<1x768xf32> to vector<512x768xf32>
    %add3A_55 = arith.addf %dot_general3A_50, %add3A_54 : vector<512x768xf32>
    %add3A_56 = arith.addf %add3A, %add3A_55 : vector<512x768xf32>
    %swap3A = arith.constant 0 : index
    %swap3A_57 = arith.constant 0 : index
    %swap3A_58 = vector.load %arg9[%swap3A, %swap3A_57] : memref<512x768xf32, #tpu.memory_space<vmem>>, vector<512x768xf32>
    tpu.vector_store %arg9[%swap3A, %swap3A_57], %add3A_56 {strides = array<i32>} : memref<512x768xf32, #tpu.memory_space<vmem>>, vector<512x768xf32>,
    return
  }
  func.func @transform_0(%arg0: i32) -> (i32, i32) {
    %c0_i32 = arith.constant 0 : i32
    %c0_i32_0 = arith.constant 0 : i32
    return %arg0, %c0_i32 : i32, i32
  }
  func.func @transform_1(%arg0: i32) -> (i32, i32) {
    %c0_i32 = arith.constant 0 : i32
    %c0_i32_0 = arith.constant 0 : i32
    return %arg0, %c0_i32 : i32, i32
  }
  func.func @transform_2(%arg0: i32) -> (i32, i32) {
    %c0_i32 = arith.constant 0 : i32
    %c0_i32_0 = arith.constant 0 : i32
    %c0_i32_1 = arith.constant 0 : i32
    return %c0_i32, %c0_i32_0 : i32, i32
  }
  func.func @transform_3(%arg0: i32) -> (i32, i32) {
    %c0_i32 = arith.constant 0 : i32
    %c0_i32_0 = arith.constant 0 : i32
    %c0_i32_1 = arith.constant 0 : i32
    return %c0_i32, %c0_i32_0 : i32, i32
  }
  func.func @transform_4(%arg0: i32) -> (i32, i32) {
    %c0_i32 = arith.constant 0 : i32
    %c0_i32_0 = arith.constant 0 : i32
    %c0_i32_1 = arith.constant 0 : i32
    return %c0_i32, %c0_i32_0 : i32, i32
  }
  func.func @transform_5(%arg0: i32) -> (i32, i32) {
    %c0_i32 = arith.constant 0 : i32
    %c0_i32_0 = arith.constant 0 : i32
    %c0_i32_1 = arith.constant 0 : i32
    return %c0_i32, %c0_i32_0 : i32, i32
  }
  func.func @transform_6(%arg0: i32) -> (i32, i32) {
    %c0_i32 = arith.constant 0 : i32
    %c0_i32_0 = arith.constant 0 : i32
    %c0_i32_1 = arith.constant 0 : i32
    return %c0_i32, %c0_i32_0 : i32, i32
  }
  func.func @transform_7(%arg0: i32) -> (i32, i32) {
    %c0_i32 = arith.constant 0 : i32
    %c0_i32_0 = arith.constant 0 : i32
    %c0_i32_1 = arith.constant 0 : i32
    return %c0_i32, %c0_i32_0 : i32, i32
  }
  func.func @transform_8(%arg0: i32) -> (i32, i32) {
    %c0_i32 = arith.constant 0 : i32
    %c0_i32_0 = arith.constant 0 : i32
    return %arg0, %c0_i32 : i32, i32
  }
}

</mosaic_0001>

<sc_bundles>
// kernel: kernel.11.cloned.1.call-start
scs
__scs_entry_jumppad:
0x0: {  	(pc) =	sbr.rel $0x88, $3  }
0x1: {  	(tag) =	ssettag $0x0;
	lr =	simm.s32 $0x1  }
0x2: {  	[smem:$0x3F93] =	sst lr;
	_ =	strace $0xD0000000  }
0x3: {  	_ = 	snop  }
0x4: {  	_ = 	snop  }
0x5: {  	_ = 	snop  }
0x6: {  	_ = 	snop  }
0x7: {  	_ = 	snop  }
__scs_overlays_trampoline_lowered:
0x8: {  	[smem:$0x3FA2] =	sst s0  }
0x9: {  	[smem:$0x3FA3] =	sst s1  }
0xa: {  	[smem:$0x3FA4] =	sst s2  }
0xb: {  	[smem:$0x3FA5] =	sst s3  }
0xc: {  	[smem:$0x3FA6] =	sst s4  }
0xd: {  	[smem:$0x3FA7] =	sst s5  }
0xe: {  	[smem:$0x3FA8] =	sst s6  }
0xf: {  	[smem:$0x3FA9] =	sst s7  }
0x10: {  	[smem:$0x3FAA] =	sst s8  }
0x11: {  	[smem:$0x3FAB] =	sst s9;
	s0 =	simm.s32 @!p0 $0x0  }
0x12: {  	s1 =	sld [smem:$0x3F91];
	s0 =	simm.s32 @p0 $0x1  }
0x13: {  	[smem:$0x3FAC] =	sst s0;
	s0 =	simm.s32 @!p1 $0x0  }
0x14: {  	s2 =	sld [smem:$0x3F90];
	s0 =	simm.s32 @p1 $0x1  }
0x15: {  	[smem:$0x3FAD] =	sst s0;
	s0 =	simm.s32 @!p2 $0x0  }
0x16: {  	s3 =	sld [smem:$0x3FDB];
	s0 =	simm.s32 @p2 $0x1  }
0x17: {  	s4 =	simm.s32 $0x1BF5;
	[smem:$0x3FAF] =	sst s0  }
0x18: {  	s0 =	sld [smem:$0x3F92];
	_ =	swait.ge [sflag:s4], $0x0  }
0x19: {  	s7 =	sld [smem:$0x3F93]  }
0x1a: {  	s8 =	sadd.s32 $0xFFFFE003, lr  }
0x1b: {  	s9 =	sadd.s32 $0xFFFFFEF7, lr;
	s5 =	simm.s32 $0xFFFFFFFF;
	p2 =	slt.u32 s8, $0xFFFFF086  }
0x1c: {  	p1 =	slt.u32 s9, $0xF7A;
	s5 =	simm.s32 @!p2 $0x0  }
0x1d: {  	s5 =	simm.s32 @p1 $0x1;
	p0 =	seq.s32 s7, s2  }
0x1e: {  	s7 =	smul.u32 @!p0 $0xF7A, s2;
	p2 =	seq.s32 @!p0 s5, $0x0  }
0x1f: {  	s9 =	smul.u32 $0xF7A, s1;
	s8 =	simm.s32 @!p0 $0x1BF5;
	p2 =	por !p2, p0  }
0x20: {  	[sflag:s8] =	ssyncset.s32 @!p0 $0xFFFFF086;
	s6 =	sadd.s32 @!p0 s3, s7;
	s7 =	simm.s32 @!p0 $0x108  }
0x21: {  	s3 =	sadd.s32 s3, s9;
	s6 =	sadd.s32 @!p0 $0x88, s6;
	s7 =	simm.s32 @p2 $0x1082  }
0x22: {  	[simem:s7], [sflag:s8] =	dma.local @!p0 [hbm:s6], $0xF7A  }
0x23: {  	s9 =	sor.u32 $0xD0000000, s2;
	s6 =	simm.s32 $0x108;
	_ =	swait.ge @!p0 [sflag:s8], $0x0  }
0x24: {  	s3 =	sadd.s32 $0x88, s3;
	s6 =	simm.s32 @!p1 $0x1082;
	[sflag:s4] =	ssyncset.s32 $0xFFFFF086  }
0x25: {  	[simem:s6], [sflag:s4] =	dma.local [hbm:s3], $0xF7A  }
0x26: {  	[smem:$0x3F93] =	sst s1;
	(tag) =	ssettag s2;
	_ =	strace s9  }
0x27: {  	s1 =	sld [smem:$0x3FA3]  }
0x28: {  	s2 =	sld [smem:$0x3FA4]  }
0x29: {  	s4 =	sld [smem:$0x3FA6]  }
0x2a: {  	p0 =	seq.s32 s5, $0x0;
	s5 =	sld [smem:$0x3FA7]  }
0x2b: {  	s6 =	sld [smem:$0x3FA8]  }
0x2c: {  	s7 =	sld [smem:$0x3FA9]  }
0x2d: {  	s3 =	simm.s32 $0x108;
	s8 =	sld [smem:$0x3FAA]  }
0x2e: {  	s3 =	simm.s32 @!p0 $0x1082;
	s9 =	sld [smem:$0x3FAB]  }
0x2f: {  	lr =	sadd.s32 s0, s3;
	s0 =	sld [smem:$0x3FA2]  }
0x30: {  	s3 =	sld [smem:$0x3FA5]  }
0x31: {  	[smem:$0x3FAE] =	sst s10  }
0x32: {  	s10 =	sld [smem:$0x3FAC];
	_ =	sdelay $0x3  }
0x33: {  	p0 =	seq.s32 s10, $0x1;
	s10 =	sld [smem:$0x3FAE];
	_ =	sdelay $0x3  }
0x34: {  	[smem:$0x3FAE] =	sst s10  }
0x35: {  	s10 =	sld [smem:$0x3FAD];
	_ =	sdelay $0x3  }
0x36: {  	p1 =	seq.s32 s10, $0x1;
	s10 =	sld [smem:$0x3FAE];
	_ =	sdelay $0x3  }
0x37: {  	[smem:$0x3FAE] =	sst s10  }
0x38: {  	s10 =	sld [smem:$0x3FAF]  }
0x39: {  	_ = 	snop;
	(pc) =	sbr.ind lr, $3  }
0x3a: {  	_ = 	snop  }
0x3b: {  	_ = 	snop  }
0x3c: {  	p2 =	seq.s32 s10, $0x1;
	s10 =	sld [smem:$0x3FAE]  }
0x3d: {  	_ =	shalt  }
0x3e: {  	_ =	shalt  }
0x3f: {  	_ =	shalt  }
0x40: {  	_ =	shalt  }
0x41: {  	_ =	shalt  }
0x42: {  	_ =	shalt  }
0x43: {  	_ =	shalt  }
0x44: {  	_ =	shalt  }
0x45: {  	_ =	shalt  }
0x46: {  	_ =	shalt  }
0x47: {  	_ =	shalt  }
0x48: {  	_ =	shalt  }
0x49: {  	_ =	shalt  }
0x4a: {  	_ =	shalt  }
0x4b: {  	_ =	shalt  }
0x4c: {  	_ =	shalt  }
0x4d: {  	_ =	shalt  }
0x4e: {  	_ =	shalt  }
0x4f: {  	_ =	shalt  }
0x50: {  	_ =	shalt  }
0x51: {  	_ =	shalt  }
0x52: {  	_ =	shalt  }
0x53: {  	_ =	shalt  }
0x54: {  	_ =	shalt  }
0x55: {  	_ =	shalt  }
0x56: {  	_ =	shalt  }
0x57: {  	_ =	shalt  }
0x58: {  	_ =	shalt  }
0x59: {  	_ =	shalt  }
0x5a: {  	_ =	shalt  }
0x5b: {  	_ =	shalt  }
0x5c: {  	_ =	shalt  }
0x5d: {  	_ =	shalt  }
0x5e: {  	_ =	shalt  }
0x5f: {  	_ =	shalt  }
0x60: {  	_ =	shalt  }
0x61: {  	_ =	shalt  }
0x62: {  	_ =	shalt  }
0x63: {  	_ =	shalt  }
0x64: {  	_ =	shalt  }
0x65: {  	_ =	shalt  }
0x66: {  	_ =	shalt  }
0x67: {  	_ =	shalt  }
0x68: {  	_ =	shalt  }
0x69: {  	_ =	shalt  }
0x6a: {  	_ =	shalt  }
0x6b: {  	_ =	shalt  }
0x6c: {  	_ =	shalt  }
0x6d: {  	_ =	shalt  }
0x6e: {  	_ =	shalt  }
0x6f: {  	_ =	shalt  }
0x70: {  	_ =	shalt  }
0x71: {  	_ =	shalt  }
0x72: {  	_ =	shalt  }
0x73: {  	_ =	shalt  }
0x74: {  	_ =	shalt  }
0x75: {  	_ =	shalt  }
0x76: {  	_ =	shalt  }
0x77: {  	_ =	shalt  }
0x78: {  	_ =	shalt  }
0x79: {  	_ =	shalt  }
0x7a: {  	_ =	shalt  }
0x7b: {  	_ =	shalt  }
0x7c: {  	_ =	shalt  }
0x7d: {  	_ =	shalt  }
0x7e: {  	_ =	shalt  }
0x7f: {  	_ =	shalt  }
0x80: {  	_ =	shalt  }
0x81: {  	_ =	shalt  }
0x82: {  	_ =	shalt  }
0x83: {  	_ =	shalt  }
0x84: {  	_ =	shalt  }
0x85: {  	_ =	shalt  }
0x86: {  	_ =	shalt  }
0x87: {  	_ =	shalt  }
.Lfunc_end0:
.L_simem_size_0:
called_computation_lowered:
.L_overlay_start_0:
0x88: {  	s2 =	sld [smem:$0x3FD9]  }
0x89: {  	s3 =	sld [smem:$0x3FFE];
	_ =	sdelay $0x1  }
0x8a: {  	s1 =	srdreg.scid  }
0x8b: {  	s0 =	sand.u32 $0x1, s1  }
0x8c: {  	s17 =	sshll.u32 s0, $0xA;
	s2 =	sadd.s32 s3, s2  }
0x8d: {  	s2 =	sadd.s32 s2, s17  }
0x8e: {  	[smem:$0x3FBA] =	sst s2  }
0x8f: {  	_ = 	snop  }
0x90: {  	s2 =	sld [smem:$0x3FD0];
	(tm) =	ssettm $0x1  }
0x91: {  	s18 =	sld [smem:$0x3FFB];
	_ =	sdelay $0x3  }
0x92: {  	_ =	strace s18  }
0x93: {  	s3 =	sld [smem:$0x3FFC];
	_ =	sdelay $0x3  }
0x94: {  	_ =	strace s3  }
0x95: {  	s3 =	sld [smem:$0x3FFD];
	_ =	sdelay $0x3  }
0x96: {  	_ =	strace s3  }
0x97: {  	_ =	strace $0x8FFFFFFF  }
0x98: {  	s19 =	sld [smem:$0x3FDB];
	_ =	sdelay $0x1  }
0x99: {  	s4 =	simm.s32 $_scs_section_size  }
0x9a: {  	s5 =	simm.s32 $_size__tile_overlayer_lowered;
	s6 =	simm.s32 $_tile_overlayer_lowered  }
0x9b: {  	s22 =	simm.s32 $0x1BFF;
	s21 =	sshll.u32 s6, $0x1;
	s3 =	sadd.s32 s4, s19  }
0x9c: {  	s7 =	simm.s32 $0x0;
	s20 =	sshll.u32 s5, $0x1;
	s5 =	sadd.s32 s21, s3  }
0x9d: {  	[timem:s7], [sflag:s22] =	dma.local [hbm:s5], s20  }
0x9e: {  	_ =	swait.ge [sflag:s22], s20  }
0x9f: {  	s4 =	ssub.s32 $0x0, s20;
	[sflag:s22] =	ssyncset.done $0x0  }
0xa0: {  	[sflag:s22] =	ssyncadd.s32 s4;
	_ =	sdelay $0x1  }
0xa1: {  	s23 =	simm.s32 $0x1B8B  }
0xa2: {  	_ =	swait.ge [sflag:s23], $0x1  }
0xa3: {  	[sflag:s23] =	ssyncset.done $0x0  }
0xa4: {  	s25 =	simm.s32 $0x1B8E;
	s24 =	sld [smem:$0x3FFE];
	[sflag:s23] =	ssyncadd.s32 $0xFFFFFFFF  }
0xa5: {  	s26 =	simm.s32 $execute0_lowered;
	[smem:$0x3FD2] =	sst s25  }
0xa6: {  	s5 =	sshll.u32 s26, $0x1;
	_ =	strace $0x80000046;
	[dreg:$0x1] =	wrdreg $0xFFFFFFFF  }
0xa7: {  	s28 =	simm.s32 $_size_execute0_lowered;
	s3 =	sadd.s32 s3, s5;
	[dreg:$0x0] =	wrdreg $0x0  }
0xa8: {  	s5 =	sshll.u32 s28, $0x1;
	[dreg:$0x2] =	wrdreg s3  }
0xa9: {  	[dreg:$0x3] =	wrdreg s5  }
0xaa: {  	[dreg:$0x4] =	wrdreg $0xC0  }
0xab: {  	_ =	task [dreg:s7], $0x5FFFF  }
0xac: {  	[dreg:$0x1] =	wrdreg $0xFFFFFFFF  }
0xad: {  	[dreg:$0x0] =	wrdreg $0x60  }
0xae: {  	[dreg:$0x2] =	wrdreg s24  }
0xaf: {  	[dreg:$0x3] =	wrdreg s2  }
0xb0: {  	[dreg:$0x4] =	wrdreg $0x9  }
0xb1: {  	_ =	task.clear_ibuf [dreg:s7], $0x5FFFF;
	_ =	strace $0x90000046  }
0xb2: {  	s29 =	simm.s32 $0x9;
	_ =	strace $0x80000048  }
0xb3: {  	_ =	swait.ge [sflag:s29], $0x1  }
0xb4: {  	[sflag:s29] =	ssyncadd.s32 $0xFFFFFFFF  }
0xb5: {  	_ =	strace $0x90000048  }
0xb6: {  	_ =	sfence  }
0xb7: {  	s30 =	sld [smem:$0x0];
	_ =	sdelay $0x2  }
0xb8: {  	s31 =	sshll.u32 s1, $0xD;
	s1 =	sshrl.u32 s1, $0x2  }
0xb9: {  	s3 =	sand.u32 $0x4000, s31;
	s1 =	sadd.s32 s1, s30  }
0xba: {  	s0 =	sor.u32 s3, s0;
	s1 =	sshll.u32 s1, $0x11  }
0xbb: {  	s0 =	sor.u32 s1, s0  }
0xbc: {  	s0 =	sadd.s32 $0x8F2B, s0  }
0xbd: {  	[sflag:s0] =	ssyncadd.remote.s32 $0x1  }
0xbe: {  	_ =	sfence.sel $0xFFFF  }
0xbf: {  	[dreg:$0x0] =	wrdreg $0xFFFFFFFF;
	(pc) =	sbr.abs _section_cstart, $3  }
0xc0: {  	[dreg:$0x1] =	wrdreg $0xFFFFFFFF  }
0xc1: {  	_ =	task.clear_ibuf [dreg:s7], $0x2FFFF;
	_ =	strace $0x9FFFFFFF  }
0xc2: {  	(tm) =	ssettm $0x7FFFFFFF  }
0xc3: {  	_ =	shalt  }
tec
execute0_lowered:
.L_overlay_start_1:
0x0: {  	(tag) =	ssettag $0x1  }
0x1: {  	s0 =	srdreg.scid;
	s1 =	stileid.u32  }
0x2: {  	s0 =	sand.u32 $0x1, s0;
	s1 =	sshll.u32 s1, $0x1  }
0x3: {  	s1 =	sor.u32 s0, s1  }
0x4: {  	s3 =	smul.u32 $0x300, s1  }
0x5: {  	s4 =	rddreg [dreg:$0x0]  }
0x6: {  	s2 =	rddreg [dreg:$0x1];
	s1 =	sshll.u32 s1, $0x8;
	s5 =	sshrl.u32 s3, $0x3  }
0x7: {  	s1 =	sadd.s32 s1, s4;
	s3 =	simm.s32 $0x0;
	s6 =	smul.u32 $0x300, s5  }
0x8: {  	s7 =	sadd.s32 $0x7E00, s4;
	s1 =	sadd.s32 $0x5E00, s1;
	[smem:$0x7FF] =	sst s3  }
0x9: {  	_ =	strace $0x80000047;
	[dreg:$0x3] =	wrdreg s1;
	s6 =	sadd.s32 s7, s6  }
0xa: {  	s10 =	simm.s32 $0x1;
	s19 =	sadd.s32 $0x1800, s6;
	[dreg:$0xf] =	wrdreg s6  }
0xb: {  	s12 =	simm.s32 $0x2;
	s22 =	sadd.s32 $0x6000, s6;
	[dreg:$0x4] =	wrdreg s19  }
0xc: {  	s13 =	simm.s32 $0x3;
	s23 =	sadd.s32 $0x7800, s6;
	[dreg:$0x7] =	wrdreg s22  }
0xd: {  	s16 =	simm.s32 $0x4;
	s24 =	sadd.s32 $0x9000, s6;
	[dreg:$0x8] =	wrdreg s23  }
0xe: {  	s0 =	ssub.s32 $0x2, s0;
	s25 =	sadd.s32 $0xA800, s6;
	[dreg:$0x9] =	wrdreg s24  }
0xf: {  	s5 =	smul.u32 $0x1800, s5;
	s26 =	sadd.s32 $0xC000, s6;
	[dreg:$0xa] =	wrdreg s25  }
0x10: {  	s29 =	sshrl.u32 s0, $0x1;
	s28 =	sadd.s32 $0xD800, s6;
	[dreg:$0xb] =	wrdreg s26  }
0x11: {  	s18 =	sshrl.u32 s5, $0x3;
	s30 =	sadd.s32 $0xF000, s6;
	[dreg:$0xc] =	wrdreg s28  }
0x12: {  	s4 =	sadd.s32 s7, s18;
	s31 =	sadd.s32 $0x10800, s6;
	[dreg:$0xd] =	wrdreg s30  }
0x13: {  	v2 =	vlaneseq.u32;
	s0 =	ssub.s32 s0, s29;
	s20 =	sadd.s32 $0x3000, s4;
	[dreg:$0xe] =	wrdreg s31  }
0x14: {  	vm0 =	vmmov $0xffff;
	v1 =	vshrl.u32 v2, $0x3;
	s0 =	smax.u32 s0, $0x1;
	s21 =	sadd.s32 $0x4800, s4;
	[dreg:$0x5] =	wrdreg s20  }
0x15: {  	v0 =	vand.u32 $0x7, v2;
	v2 =	vor.u32 $0x8, v2;
	v1 =	vmul.u32 $0x8, v1;
	s5 =	sadd.s32 $0x100, s2;
	s6 =	sadd.s32 $0x200, s2;
	[dreg:$0x6] =	wrdreg s21  }
.LBB2_1:
0x16: {  	[dreg:$0x10] =	wrdreg s0  }
0x17: {  	s17 =	rddreg [dreg:$0x3];
	s19 =	simm.s32 $0x5  }
0x18: {  	[tilespmem:s3], [sflag:$0x5] =	stream.linear.gather [hbm4b:s17+s3], $0x600, $0x38;
	[tilespmem:$0x18800] =	vst v63  }
0x19: {  	_ =	swait.ge [sflag:s19], $0x600  }
0x1a: {  	[sflag:s19] =	ssyncset.done $0x0  }
0x1b: {  	s21 =	simm.s32 $0x800;
	s20 =	rddreg [dreg:$0xf];
	[sflag:s19] =	ssyncadd.s32 $0xFFFFFA00  }
0x1c: {  	[tilespmem:s21], [sflag:$0x1] =	stream.linear.gather [hbm4b:s20+s3], $0xC000, $0x38;
	[tilespmem:$0x18800] =	vst v63  }
0x1d: {  	_ =	swait.ge [sflag:s10], $0xC000  }
0x1e: {  	[sflag:s10] =	ssyncset.done $0x0  }
0x1f: {  	s23 =	simm.s32 $0xC800;
	s22 =	rddreg [dreg:$0x4];
	[sflag:s10] =	ssyncadd.s32 $0xFFFF4000  }
0x20: {  	[tilespmem:s23], [sflag:$0x2] =	stream.linear.gather [hbm4b:s22+s3], $0xC000, $0x38;
	[tilespmem:$0x18800] =	vst v63  }
0x21: {  	v3 =	vld [tilespmem:$0x0];
	_ =	sdelay $0x4  }
0x22: {  	v4 =	vshrl.u32 v3, $0x3  }
0x23: {  	v4 =	vmul.u32 $0x30, v4  }
0x24: {  	v3 =	vand.u32 $0x7, v3  }
0x25: {  	v3 =	vor.u32 v3, v4  }
0x26: {  	v4 =	vperm.xlane v3, v0;
	_ =	sdelay $0x1  }
0x27: {  	v4 =	vadd.s32 v1, v4;
	_ =	sdelay $0x3  }
0x28: {  	s4 =	simm.s32 $0x800;
	v3 =	vperm.xlane v3, v2  }
0x29: {  	[hbm4b:s2+s3] =	stream.indirect_vreg.scatter [tilespmem:s4], [sflag:$0x3], $0x80, v4, vm0, $0xb8;
	[tilespmem:$0x18800] =	vst v63  }
0x2a: {  	s24 =	simm.s32 $0x1000;
	v3 =	vadd.s32 v1, v3  }
0x2b: {  	[hbm4b:s5+s3] =	stream.indirect_vreg.scatter [tilespmem:s24], [sflag:$0x3], $0x80, v4, vm0, $0xb8;
	[tilespmem:$0x18800] =	vst v63  }
0x2c: {  	s25 =	simm.s32 $0x1800  }
0x2d: {  	[hbm4b:s6+s3] =	stream.indirect_vreg.scatter [tilespmem:s25], [sflag:$0x3], $0x80, v4, vm0, $0xb8;
	[tilespmem:$0x18800] =	vst v63  }
0x2e: {  	s26 =	simm.s32 $0x2000  }
0x2f: {  	[hbm4b:s2+s3] =	stream.indirect_vreg.scatter [tilespmem:s26], [sflag:$0x3], $0x80, v3, vm0, $0xb8;
	[tilespmem:$0x18800] =	vst v63  }
0x30: {  	s28 =	simm.s32 $0x2800  }
0x31: {  	[hbm4b:s5+s3] =	stream.indirect_vreg.scatter [tilespmem:s28], [sflag:$0x3], $0x80, v3, vm0, $0xb8;
	[tilespmem:$0x18800] =	vst v63  }
0x32: {  	s29 =	simm.s32 $0x3000  }
0x33: {  	[hbm4b:s6+s3] =	stream.indirect_vreg.scatter [tilespmem:s29], [sflag:$0x3], $0x80, v3, vm0, $0xb8;
	[tilespmem:$0x18800] =	vst v63  }
0x34: {  	v3 =	vld [tilespmem:$0x10];
	_ =	sdelay $0x4  }
0x35: {  	v17 =	vshrl.u32 v3, $0x3  }
0x36: {  	v4 =	vmul.u32 $0x30, v17  }
0x37: {  	v3 =	vand.u32 $0x7, v3  }
0x38: {  	v3 =	vor.u32 v3, v4  }
0x39: {  	v4 =	vperm.xlane v3, v0;
	_ =	sdelay $0x1  }
0x3a: {  	v4 =	vadd.s32 v1, v4;
	_ =	sdelay $0x3  }
0x3b: {  	s30 =	simm.s32 $0x3800;
	v3 =	vperm.xlane v3, v2  }
0x3c: {  	[hbm4b:s2+s3] =	stream.indirect_vreg.scatter [tilespmem:s30], [sflag:$0x3], $0x80, v4, vm0, $0xb8;
	[tilespmem:$0x18800] =	vst v63  }
0x3d: {  	s31 =	simm.s32 $0x4000;
	v3 =	vadd.s32 v1, v3  }
0x3e: {  	[hbm4b:s5+s3] =	stream.indirect_vreg.scatter [tilespmem:s31], [sflag:$0x3], $0x80, v4, vm0, $0xb8;
	[tilespmem:$0x18800] =	vst v63  }
0x3f: {  	s7 =	simm.s32 $0x4800  }
0x40: {  	[hbm4b:s6+s3] =	stream.indirect_vreg.scatter [tilespmem:s7], [sflag:$0x3], $0x80, v4, vm0, $0xb8;
	[tilespmem:$0x18800] =	vst v63  }
0x41: {  	s9 =	simm.s32 $0x5000  }
0x42: {  	[hbm4b:s2+s3] =	stream.indirect_vreg.scatter [tilespmem:s9], [sflag:$0x3], $0x80, v3, vm0, $0xb8;
	[tilespmem:$0x18800] =	vst v63  }
0x43: {  	s11 =	simm.s32 $0x5800  }
0x44: {  	[hbm4b:s5+s3] =	stream.indirect_vreg.scatter [tilespmem:s11], [sflag:$0x3], $0x80, v3, vm0, $0xb8;
	[tilespmem:$0x18800] =	vst v63  }
0x45: {  	s15 =	simm.s32 $0x6000  }
0x46: {  	[hbm4b:s6+s3] =	stream.indirect_vreg.scatter [tilespmem:s15], [sflag:$0x3], $0x80, v3, vm0, $0xb8;
	[tilespmem:$0x18800] =	vst v63  }
0x47: {  	v3 =	vld [tilespmem:$0x20];
	_ =	sdelay $0x4  }
0x48: {  	v18 =	vshrl.u32 v3, $0x3  }
0x49: {  	v4 =	vmul.u32 $0x30, v18  }
0x4a: {  	v3 =	vand.u32 $0x7, v3  }
0x4b: {  	v3 =	vor.u32 v3, v4  }
0x4c: {  	v4 =	vperm.xlane v3, v0;
	_ =	sdelay $0x1  }
0x4d: {  	v4 =	vadd.s32 v1, v4;
	_ =	sdelay $0x3  }
0x4e: {  	s17 =	simm.s32 $0x6800;
	v3 =	vperm.xlane v3, v2  }
0x4f: {  	[hbm4b:s2+s3] =	stream.indirect_vreg.scatter [tilespmem:s17], [sflag:$0x3], $0x80, v4, vm0, $0xb8;
	[tilespmem:$0x18800] =	vst v63  }
0x50: {  	s18 =	simm.s32 $0x7000;
	v3 =	vadd.s32 v1, v3  }
0x51: {  	[hbm4b:s5+s3] =	stream.indirect_vreg.scatter [tilespmem:s18], [sflag:$0x3], $0x80, v4, vm0, $0xb8;
	[tilespmem:$0x18800] =	vst v63  }
0x52: {  	s21 =	simm.s32 $0x7800  }
0x53: {  	[hbm4b:s6+s3] =	stream.indirect_vreg.scatter [tilespmem:s21], [sflag:$0x3], $0x80, v4, vm0, $0xb8;
	[tilespmem:$0x18800] =	vst v63  }
0x54: {  	s22 =	simm.s32 $0x8000  }
0x55: {  	[hbm4b:s2+s3] =	stream.indirect_vreg.scatter [tilespmem:s22], [sflag:$0x3], $0x80, v3, vm0, $0xb8;
	[tilespmem:$0x18800] =	vst v63  }
0x56: {  	s23 =	simm.s32 $0x8800  }
0x57: {  	[hbm4b:s5+s3] =	stream.indirect_vreg.scatter [tilespmem:s23], [sflag:$0x3], $0x80, v3, vm0, $0xb8;
	[tilespmem:$0x18800] =	vst v63  }
0x58: {  	s24 =	simm.s32 $0x9000  }
0x59: {  	[hbm4b:s6+s3] =	stream.indirect_vreg.scatter [tilespmem:s24], [sflag:$0x3], $0x80, v3, vm0, $0xb8;
	[tilespmem:$0x18800] =	vst v63  }
0x5a: {  	v3 =	vld [tilespmem:$0x30];
	_ =	sdelay $0x4  }
0x5b: {  	v19 =	vshrl.u32 v3, $0x3  }
0x5c: {  	v4 =	vmul.u32 $0x30, v19  }
0x5d: {  	v3 =	vand.u32 $0x7, v3  }
0x5e: {  	v3 =	vor.u32 v3, v4  }
0x5f: {  	v4 =	vperm.xlane v3, v0;
	_ =	sdelay $0x1  }
0x60: {  	v4 =	vadd.s32 v1, v4;
	_ =	sdelay $0x3  }
0x61: {  	s25 =	simm.s32 $0x9800;
	v3 =	vperm.xlane v3, v2  }
0x62: {  	[hbm4b:s2+s3] =	stream.indirect_vreg.scatter [tilespmem:s25], [sflag:$0x3], $0x80, v4, vm0, $0xb8;
	[tilespmem:$0x18800] =	vst v63  }
0x63: {  	s26 =	simm.s32 $0xA000;
	v3 =	vadd.s32 v1, v3  }
0x64: {  	[hbm4b:s5+s3] =	stream.indirect_vreg.scatter [tilespmem:s26], [sflag:$0x3], $0x80, v4, vm0, $0xb8;
	[tilespmem:$0x18800] =	vst v63  }
0x65: {  	s28 =	simm.s32 $0xA800  }
0x66: {  	[hbm4b:s6+s3] =	stream.indirect_vreg.scatter [tilespmem:s28], [sflag:$0x3], $0x80, v4, vm0, $0xb8;
	[tilespmem:$0x18800] =	vst v63  }
0x67: {  	s29 =	simm.s32 $0xB000  }
0x68: {  	[hbm4b:s2+s3] =	stream.indirect_vreg.scatter [tilespmem:s29], [sflag:$0x3], $0x80, v3, vm0, $0xb8;
	[tilespmem:$0x18800] =	vst v63  }
0x69: {  	s30 =	simm.s32 $0xB800  }
0x6a: {  	[hbm4b:s5+s3] =	stream.indirect_vreg.scatter [tilespmem:s30], [sflag:$0x3], $0x80, v3, vm0, $0xb8;
	[tilespmem:$0x18800] =	vst v63  }
0x6b: {  	s31 =	simm.s32 $0xC000  }
0x6c: {  	[hbm4b:s6+s3] =	stream.indirect_vreg.scatter [tilespmem:s31], [sflag:$0x3], $0x80, v3, vm0, $0xb8;
	[tilespmem:$0x18800] =	vst v63  }
0x6d: {  	_ =	swait.ge [sflag:s12], $0xC000  }
0x6e: {  	[sflag:s12] =	ssyncset.done $0x0  }
0x6f: {  	[sflag:s12] =	ssyncadd.s32 $0xFFFF4000  }
0x70: {  	_ =	swait.ge [sflag:s13], $0xC000  }
0x71: {  	[sflag:s13] =	ssyncset.done $0x0  }
0x72: {  	s4 =	simm.s32 $0x800;
	s0 =	rddreg [dreg:$0x5];
	[sflag:s13] =	ssyncadd.s32 $0xFFFF4000  }
0x73: {  	[tilespmem:s4], [sflag:$0x1] =	stream.linear.gather [hbm4b:s0+s3], $0xC000, $0x38;
	[tilespmem:$0x18800] =	vst v63  }
0x74: {  	v3 =	vld [tilespmem:$0x80];
	_ =	sdelay $0x4  }
0x75: {  	v20 =	vshrl.u32 v3, $0x3  }
0x76: {  	v4 =	vmul.u32 $0x30, v20  }
0x77: {  	v3 =	vand.u32 $0x7, v3  }
0x78: {  	v3 =	vor.u32 v3, v4  }
0x79: {  	v4 =	vperm.xlane v3, v0;
	_ =	sdelay $0x1  }
0x7a: {  	v4 =	vadd.s32 v1, v4;
	_ =	sdelay $0x3  }
0x7b: {  	s1 =	simm.s32 $0xC800;
	v3 =	vperm.xlane v3, v2  }
0x7c: {  	[hbm4b:s2+s3] =	stream.indirect_vreg.scatter [tilespmem:s1], [sflag:$0x4], $0x80, v4, vm0, $0xb8;
	[tilespmem:$0x18800] =	vst v63  }
0x7d: {  	s7 =	simm.s32 $0xD000;
	v3 =	vadd.s32 v1, v3  }
0x7e: {  	[hbm4b:s5+s3] =	stream.indirect_vreg.scatter [tilespmem:s7], [sflag:$0x4], $0x80, v4, vm0, $0xb8;
	[tilespmem:$0x18800] =	vst v63  }
0x7f: {  	s9 =	simm.s32 $0xD800  }
0x80: {  	[hbm4b:s6+s3] =	stream.indirect_vreg.scatter [tilespmem:s9], [sflag:$0x4], $0x80, v4, vm0, $0xb8;
	[tilespmem:$0x18800] =	vst v63  }
0x81: {  	s11 =	simm.s32 $0xE000  }
0x82: {  	[hbm4b:s2+s3] =	stream.indirect_vreg.scatter [tilespmem:s11], [sflag:$0x4], $0x80, v3, vm0, $0xb8;
	[tilespmem:$0x18800] =	vst v63  }
0x83: {  	s15 =	simm.s32 $0xE800  }
0x84: {  	[hbm4b:s5+s3] =	stream.indirect_vreg.scatter [tilespmem:s15], [sflag:$0x4], $0x80, v3, vm0, $0xb8;
	[tilespmem:$0x18800] =	vst v63  }
0x85: {  	s17 =	simm.s32 $0xF000  }
0x86: {  	[hbm4b:s6+s3] =	stream.indirect_vreg.scatter [tilespmem:s17], [sflag:$0x4], $0x80, v3, vm0, $0xb8;
	[tilespmem:$0x18800] =	vst v63  }
0x87: {  	v3 =	vld [tilespmem:$0x90];
	_ =	sdelay $0x4  }
0x88: {  	v21 =	vshrl.u32 v3, $0x3  }
0x89: {  	v4 =	vmul.u32 $0x30, v21  }
0x8a: {  	v3 =	vand.u32 $0x7, v3  }
0x8b: {  	v3 =	vor.u32 v3, v4  }
0x8c: {  	v4 =	vperm.xlane v3, v0;
	_ =	sdelay $0x1  }
0x8d: {  	v4 =	vadd.s32 v1, v4;
	_ =	sdelay $0x3  }
0x8e: {  	s18 =	simm.s32 $0xF800;
	v3 =	vperm.xlane v3, v2  }
0x8f: {  	[hbm4b:s2+s3] =	stream.indirect_vreg.scatter [tilespmem:s18], [sflag:$0x4], $0x80, v4, vm0, $0xb8;
	[tilespmem:$0x18800] =	vst v63  }
0x90: {  	s21 =	simm.s32 $0x10000;
	v3 =	vadd.s32 v1, v3  }
0x91: {  	[hbm4b:s5+s3] =	stream.indirect_vreg.scatter [tilespmem:s21], [sflag:$0x4], $0x80, v4, vm0, $0xb8;
	[tilespmem:$0x18800] =	vst v63  }
0x92: {  	s22 =	simm.s32 $0x10800  }
0x93: {  	[hbm4b:s6+s3] =	stream.indirect_vreg.scatter [tilespmem:s22], [sflag:$0x4], $0x80, v4, vm0, $0xb8;
	[tilespmem:$0x18800] =	vst v63  }
0x94: {  	s25 =	simm.s32 $0x11000  }
0x95: {  	[hbm4b:s2+s3] =	stream.indirect_vreg.scatter [tilespmem:s25], [sflag:$0x4], $0x80, v3, vm0, $0xb8;
	[tilespmem:$0x18800] =	vst v63  }
0x96: {  	s26 =	simm.s32 $0x11800  }
0x97: {  	[hbm4b:s5+s3] =	stream.indirect_vreg.scatter [tilespmem:s26], [sflag:$0x4], $0x80, v3, vm0, $0xb8;
	[tilespmem:$0x18800] =	vst v63  }
0x98: {  	s28 =	simm.s32 $0x12000  }
0x99: {  	[hbm4b:s6+s3] =	stream.indirect_vreg.scatter [tilespmem:s28], [sflag:$0x4], $0x80, v3, vm0, $0xb8;
	[tilespmem:$0x18800] =	vst v63  }
0x9a: {  	v3 =	vld [tilespmem:$0xA0];
	_ =	sdelay $0x4  }
0x9b: {  	v22 =	vshrl.u32 v3, $0x3  }
0x9c: {  	v4 =	vmul.u32 $0x30, v22  }
0x9d: {  	v3 =	vand.u32 $0x7, v3  }
0x9e: {  	v3 =	vor.u32 v3, v4  }
0x9f: {  	v4 =	vperm.xlane v3, v0;
	_ =	sdelay $0x1  }
0xa0: {  	v4 =	vadd.s32 v1, v4;
	_ =	sdelay $0x3  }
0xa1: {  	s30 =	simm.s32 $0x12800;
	v3 =	vperm.xlane v3, v2  }
0xa2: {  	[hbm4b:s2+s3] =	stream.indirect_vreg.scatter [tilespmem:s30], [sflag:$0x4], $0x80, v4, vm0, $0xb8;
	[tilespmem:$0x18800] =	vst v63  }
0xa3: {  	s31 =	simm.s32 $0x13000;
	v3 =	vadd.s32 v1, v3  }
0xa4: {  	[hbm4b:s5+s3] =	stream.indirect_vreg.scatter [tilespmem:s31], [sflag:$0x4], $0x80, v4, vm0, $0xb8;
	[tilespmem:$0x18800] =	vst v63  }
0xa5: {  	s4 =	simm.s32 $0x13800  }
0xa6: {  	[hbm4b:s6+s3] =	stream.indirect_vreg.scatter [tilespmem:s4], [sflag:$0x4], $0x80, v4, vm0, $0xb8;
	[tilespmem:$0x18800] =	vst v63  }
0xa7: {  	s7 =	simm.s32 $0x14000  }
0xa8: {  	[hbm4b:s2+s3] =	stream.indirect_vreg.scatter [tilespmem:s7], [sflag:$0x4], $0x80, v3, vm0, $0xb8;
	[tilespmem:$0x18800] =	vst v63  }
0xa9: {  	s9 =	simm.s32 $0x14800  }
0xaa: {  	[hbm4b:s5+s3] =	stream.indirect_vreg.scatter [tilespmem:s9], [sflag:$0x4], $0x80, v3, vm0, $0xb8;
	[tilespmem:$0x18800] =	vst v63  }
0xab: {  	s15 =	simm.s32 $0x15000  }
0xac: {  	[hbm4b:s6+s3] =	stream.indirect_vreg.scatter [tilespmem:s15], [sflag:$0x4], $0x80, v3, vm0, $0xb8;
	[tilespmem:$0x18800] =	vst v63  }
0xad: {  	v3 =	vld [tilespmem:$0xB0];
	_ =	sdelay $0x4  }
0xae: {  	v23 =	vshrl.u32 v3, $0x3  }
0xaf: {  	v4 =	vmul.u32 $0x30, v23  }
0xb0: {  	v3 =	vand.u32 $0x7, v3  }
0xb1: {  	v3 =	vor.u32 v3, v4  }
0xb2: {  	v4 =	vperm.xlane v3, v0;
	_ =	sdelay $0x1  }
0xb3: {  	v4 =	vadd.s32 v1, v4;
	_ =	sdelay $0x3  }
0xb4: {  	s17 =	simm.s32 $0x15800;
	v3 =	vperm.xlane v3, v2  }
0xb5: {  	[hbm4b:s2+s3] =	stream.indirect_vreg.scatter [tilespmem:s17], [sflag:$0x4], $0x80, v4, vm0, $0xb8;
	[tilespmem:$0x18800] =	vst v63  }
0xb6: {  	s18 =	simm.s32 $0x16000;
	v3 =	vadd.s32 v1, v3  }
0xb7: {  	[hbm4b:s5+s3] =	stream.indirect_vreg.scatter [tilespmem:s18], [sflag:$0x4], $0x80, v4, vm0, $0xb8;
	[tilespmem:$0x18800] =	vst v63  }
0xb8: {  	s21 =	simm.s32 $0x16800  }
0xb9: {  	[hbm4b:s6+s3] =	stream.indirect_vreg.scatter [tilespmem:s21], [sflag:$0x4], $0x80, v4, vm0, $0xb8;
	[tilespmem:$0x18800] =	vst v63  }
0xba: {  	s22 =	simm.s32 $0x17000  }
0xbb: {  	[hbm4b:s2+s3] =	stream.indirect_vreg.scatter [tilespmem:s22], [sflag:$0x4], $0x80, v3, vm0, $0xb8;
	[tilespmem:$0x18800] =	vst v63  }
0xbc: {  	s25 =	simm.s32 $0x17800  }
0xbd: {  	[hbm4b:s5+s3] =	stream.indirect_vreg.scatter [tilespmem:s25], [sflag:$0x4], $0x80, v3, vm0, $0xb8;
	[tilespmem:$0x18800] =	vst v63  }
0xbe: {  	s26 =	simm.s32 $0x18000  }
0xbf: {  	[hbm4b:s6+s3] =	stream.indirect_vreg.scatter [tilespmem:s26], [sflag:$0x4], $0x80, v3, vm0, $0xb8;
	[tilespmem:$0x18800] =	vst v63  }
0xc0: {  	_ =	swait.ge [sflag:s10], $0xC000  }
0xc1: {  	[sflag:s10] =	ssyncset.done $0x0  }
0xc2: {  	[sflag:s10] =	ssyncadd.s32 $0xFFFF4000  }
0xc3: {  	_ =	swait.ge [sflag:s16], $0xC000  }
0xc4: {  	[sflag:s16] =	ssyncset.done $0x0  }
0xc5: {  	s1 =	simm.s32 $0xC800;
	s28 =	rddreg [dreg:$0x6];
	[sflag:s16] =	ssyncadd.s32 $0xFFFF4000  }
0xc6: {  	[tilespmem:s1], [sflag:$0x2] =	stream.linear.gather [hbm4b:s28+s3], $0xC000, $0x38;
	[tilespmem:$0x18800] =	vst v63  }
0xc7: {  	v3 =	vld [tilespmem:$0x100];
	_ =	sdelay $0x4  }
0xc8: {  	v24 =	vshrl.u32 v3, $0x3  }
0xc9: {  	v4 =	vmul.u32 $0x30, v24  }
0xca: {  	v3 =	vand.u32 $0x7, v3  }
0xcb: {  	v3 =	vor.u32 v3, v4  }
0xcc: {  	v4 =	vperm.xlane v3, v0;
	_ =	sdelay $0x1  }
0xcd: {  	v4 =	vadd.s32 v1, v4;
	_ =	sdelay $0x3  }
0xce: {  	s7 =	simm.s32 $0x800;
	v3 =	vperm.xlane v3, v2  }
0xcf: {  	[hbm4b:s2+s3] =	stream.indirect_vreg.scatter [tilespmem:s7], [sflag:$0x3], $0x80, v4, vm0, $0xb8;
	[tilespmem:$0x18800] =	vst v63  }
0xd0: {  	s30 =	simm.s32 $0x1000;
	v3 =	vadd.s32 v1, v3  }
0xd1: {  	[hbm4b:s5+s3] =	stream.indirect_vreg.scatter [tilespmem:s30], [sflag:$0x3], $0x80, v4, vm0, $0xb8;
	[tilespmem:$0x18800] =	vst v63  }
0xd2: {  	s31 =	simm.s32 $0x1800  }
0xd3: {  	[hbm4b:s6+s3] =	stream.indirect_vreg.scatter [tilespmem:s31], [sflag:$0x3], $0x80, v4, vm0, $0xb8;
	[tilespmem:$0x18800] =	vst v63  }
0xd4: {  	s1 =	simm.s32 $0x2000  }
0xd5: {  	[hbm4b:s2+s3] =	stream.indirect_vreg.scatter [tilespmem:s1], [sflag:$0x3], $0x80, v3, vm0, $0xb8;
	[tilespmem:$0x18800] =	vst v63  }
0xd6: {  	s9 =	simm.s32 $0x2800  }
0xd7: {  	[hbm4b:s5+s3] =	stream.indirect_vreg.scatter [tilespmem:s9], [sflag:$0x3], $0x80, v3, vm0, $0xb8;
	[tilespmem:$0x18800] =	vst v63  }
0xd8: {  	s8 =	simm.s32 $0x3000  }
0xd9: {  	[hbm4b:s6+s3] =	stream.indirect_vreg.scatter [tilespmem:s8], [sflag:$0x3], $0x80, v3, vm0, $0xb8;
	[tilespmem:$0x18800] =	vst v63  }
0xda: {  	v3 =	vld [tilespmem:$0x110];
	_ =	sdelay $0x4  }
0xdb: {  	v25 =	vshrl.u32 v3, $0x3  }
0xdc: {  	v4 =	vmul.u32 $0x30, v25  }
0xdd: {  	v3 =	vand.u32 $0x7, v3  }
0xde: {  	v3 =	vor.u32 v3, v4  }
0xdf: {  	v4 =	vperm.xlane v3, v0;
	_ =	sdelay $0x1  }
0xe0: {  	v4 =	vadd.s32 v1, v4;
	_ =	sdelay $0x3  }
0xe1: {  	s14 =	simm.s32 $0x3800;
	v3 =	vperm.xlane v3, v2  }
0xe2: {  	[hbm4b:s2+s3] =	stream.indirect_vreg.scatter [tilespmem:s14], [sflag:$0x3], $0x80, v4, vm0, $0xb8;
	[tilespmem:$0x18800] =	vst v63  }
0xe3: {  	s8 =	simm.s32 $0x4000;
	v3 =	vadd.s32 v1, v3  }
0xe4: {  	[hbm4b:s5+s3] =	stream.indirect_vreg.scatter [tilespmem:s8], [sflag:$0x3], $0x80, v4, vm0, $0xb8;
	[tilespmem:$0x18800] =	vst v63  }
0xe5: {  	s14 =	simm.s32 $0x4800  }
0xe6: {  	[hbm4b:s6+s3] =	stream.indirect_vreg.scatter [tilespmem:s14], [sflag:$0x3], $0x80, v4, vm0, $0xb8;
	[tilespmem:$0x18800] =	vst v63  }
0xe7: {  	s15 =	simm.s32 $0x5000  }
0xe8: {  	[hbm4b:s2+s3] =	stream.indirect_vreg.scatter [tilespmem:s15], [sflag:$0x3], $0x80, v3, vm0, $0xb8;
	[tilespmem:$0x18800] =	vst v63  }
0xe9: {  	s18 =	simm.s32 $0x5800  }
0xea: {  	[hbm4b:s5+s3] =	stream.indirect_vreg.scatter [tilespmem:s18], [sflag:$0x3], $0x80, v3, vm0, $0xb8;
	[tilespmem:$0x18800] =	vst v63  }
0xeb: {  	s19 =	simm.s32 $0x6000  }
0xec: {  	[hbm4b:s6+s3] =	stream.indirect_vreg.scatter [tilespmem:s19], [sflag:$0x3], $0x80, v3, vm0, $0xb8;
	[tilespmem:$0x18800] =	vst v63  }
0xed: {  	v3 =	vld [tilespmem:$0x120];
	_ =	sdelay $0x4  }
0xee: {  	v26 =	vshrl.u32 v3, $0x3  }
0xef: {  	v4 =	vmul.u32 $0x30, v26  }
0xf0: {  	v3 =	vand.u32 $0x7, v3  }
0xf1: {  	v3 =	vor.u32 v3, v4  }
0xf2: {  	v4 =	vperm.xlane v3, v0;
	_ =	sdelay $0x1  }
0xf3: {  	v4 =	vadd.s32 v1, v4;
	_ =	sdelay $0x3  }
0xf4: {  	s20 =	simm.s32 $0x6800;
	v3 =	vperm.xlane v3, v2  }
0xf5: {  	[hbm4b:s2+s3] =	stream.indirect_vreg.scatter [tilespmem:s20], [sflag:$0x3], $0x80, v4, vm0, $0xb8;
	[tilespmem:$0x18800] =	vst v63  }
0xf6: {  	s19 =	simm.s32 $0x7000;
	v3 =	vadd.s32 v1, v3  }
0xf7: {  	[hbm4b:s5+s3] =	stream.indirect_vreg.scatter [tilespmem:s19], [sflag:$0x3], $0x80, v4, vm0, $0xb8;
	[tilespmem:$0x18800] =	vst v63  }
0xf8: {  	s20 =	simm.s32 $0x7800  }
0xf9: {  	[hbm4b:s6+s3] =	stream.indirect_vreg.scatter [tilespmem:s20], [sflag:$0x3], $0x80, v4, vm0, $0xb8;
	[tilespmem:$0x18800] =	vst v63  }
0xfa: {  	s21 =	simm.s32 $0x8000  }
0xfb: {  	[hbm4b:s2+s3] =	stream.indirect_vreg.scatter [tilespmem:s21], [sflag:$0x3], $0x80, v3, vm0, $0xb8;
	[tilespmem:$0x18800] =	vst v63  }
0xfc: {  	s22 =	simm.s32 $0x8800  }
0xfd: {  	[hbm4b:s5+s3] =	stream.indirect_vreg.scatter [tilespmem:s22], [sflag:$0x3], $0x80, v3, vm0, $0xb8;
	[tilespmem:$0x18800] =	vst v63  }
0xfe: {  	s23 =	simm.s32 $0x9000  }
0xff: {  	[hbm4b:s6+s3] =	stream.indirect_vreg.scatter [tilespmem:s23], [sflag:$0x3], $0x80, v3, vm0, $0xb8;
	[tilespmem:$0x18800] =	vst v63  }
0x100: {  	v3 =	vld [tilespmem:$0x130];
	_ =	sdelay $0x4  }
0x101: {  	v27 =	vshrl.u32 v3, $0x3  }
0x102: {  	v4 =	vmul.u32 $0x30, v27  }
0x103: {  	v3 =	vand.u32 $0x7, v3  }
0x104: {  	v3 =	vor.u32 v3, v4  }
0x105: {  	v4 =	vperm.xlane v3, v0;
	_ =	sdelay $0x1  }
0x106: {  	v4 =	vadd.s32 v1, v4;
	_ =	sdelay $0x3  }
0x107: {  	s24 =	simm.s32 $0x9800;
	v3 =	vperm.xlane v3, v2  }
0x108: {  	[hbm4b:s2+s3] =	stream.indirect_vreg.scatter [tilespmem:s24], [sflag:$0x3], $0x80, v4, vm0, $0xb8;
	[tilespmem:$0x18800] =	vst v63  }
0x109: {  	s23 =	simm.s32 $0xA000;
	v3 =	vadd.s32 v1, v3  }
0x10a: {  	[hbm4b:s5+s3] =	stream.indirect_vreg.scatter [tilespmem:s23], [sflag:$0x3], $0x80, v4, vm0, $0xb8;
	[tilespmem:$0x18800] =	vst v63  }
0x10b: {  	s24 =	simm.s32 $0xA800  }
0x10c: {  	[hbm4b:s6+s3] =	stream.indirect_vreg.scatter [tilespmem:s24], [sflag:$0x3], $0x80, v4, vm0, $0xb8;
	[tilespmem:$0x18800] =	vst v63  }
0x10d: {  	s25 =	simm.s32 $0xB000  }
0x10e: {  	[hbm4b:s2+s3] =	stream.indirect_vreg.scatter [tilespmem:s25], [sflag:$0x3], $0x80, v3, vm0, $0xb8;
	[tilespmem:$0x18800] =	vst v63  }
0x10f: {  	s26 =	simm.s32 $0xB800  }
0x110: {  	[hbm4b:s5+s3] =	stream.indirect_vreg.scatter [tilespmem:s26], [sflag:$0x3], $0x80, v3, vm0, $0xb8;
	[tilespmem:$0x18800] =	vst v63  }
0x111: {  	s29 =	simm.s32 $0xC000  }
0x112: {  	[hbm4b:s6+s3] =	stream.indirect_vreg.scatter [tilespmem:s29], [sflag:$0x3], $0x80, v3, vm0, $0xb8;
	[tilespmem:$0x18800] =	vst v63  }
0x113: {  	_ =	swait.ge [sflag:s12], $0xC000  }
0x114: {  	[sflag:s12] =	ssyncset.done $0x0  }
0x115: {  	[sflag:s12] =	ssyncadd.s32 $0xFFFF4000  }
0x116: {  	_ =	swait.ge [sflag:s13], $0xC000  }
0x117: {  	[sflag:s13] =	ssyncset.done $0x0  }
0x118: {  	s4 =	rddreg [dreg:$0x7];
	[sflag:s13] =	ssyncadd.s32 $0xFFFF4000  }
0x119: {  	[tilespmem:s7], [sflag:$0x1] =	stream.linear.gather [hbm4b:s4+s3], $0xC000, $0x38;
	[tilespmem:$0x18800] =	vst v63  }
0x11a: {  	v3 =	vld [tilespmem:$0x180];
	_ =	sdelay $0x4  }
0x11b: {  	v28 =	vshrl.u32 v3, $0x3  }
0x11c: {  	v4 =	vmul.u32 $0x30, v28  }
0x11d: {  	v3 =	vand.u32 $0x7, v3  }
0x11e: {  	v3 =	vor.u32 v3, v4  }
0x11f: {  	v4 =	vperm.xlane v3, v0;
	_ =	sdelay $0x1  }
0x120: {  	v4 =	vadd.s32 v1, v4;
	_ =	sdelay $0x3  }
0x121: {  	s28 =	simm.s32 $0xC800;
	v3 =	vperm.xlane v3, v2  }
0x122: {  	[hbm4b:s2+s3] =	stream.indirect_vreg.scatter [tilespmem:s28], [sflag:$0x4], $0x80, v4, vm0, $0xb8;
	[tilespmem:$0x18800] =	vst v63  }
0x123: {  	s29 =	simm.s32 $0xD000;
	v3 =	vadd.s32 v1, v3  }
0x124: {  	[hbm4b:s5+s3] =	stream.indirect_vreg.scatter [tilespmem:s29], [sflag:$0x4], $0x80, v4, vm0, $0xb8;
	[tilespmem:$0x18800] =	vst v63  }
0x125: {  	s28 =	simm.s32 $0xD800  }
0x126: {  	[hbm4b:s6+s3] =	stream.indirect_vreg.scatter [tilespmem:s28], [sflag:$0x4], $0x80, v4, vm0, $0xb8;
	[tilespmem:$0x18800] =	vst v63  }
0x127: {  	s30 =	simm.s32 $0xE000  }
0x128: {  	[hbm4b:s2+s3] =	stream.indirect_vreg.scatter [tilespmem:s30], [sflag:$0x4], $0x80, v3, vm0, $0xb8;
	[tilespmem:$0x18800] =	vst v63  }
0x129: {  	s31 =	simm.s32 $0xE800  }
0x12a: {  	[hbm4b:s5+s3] =	stream.indirect_vreg.scatter [tilespmem:s31], [sflag:$0x4], $0x80, v3, vm0, $0xb8;
	[tilespmem:$0x18800] =	vst v63  }
0x12b: {  	s11 =	simm.s32 $0xF000  }
0x12c: {  	[hbm4b:s6+s3] =	stream.indirect_vreg.scatter [tilespmem:s11], [sflag:$0x4], $0x80, v3, vm0, $0xb8;
	[tilespmem:$0x18800] =	vst v63  }
0x12d: {  	v3 =	vld [tilespmem:$0x190];
	_ =	sdelay $0x4  }
0x12e: {  	v29 =	vshrl.u32 v3, $0x3  }
0x12f: {  	v4 =	vmul.u32 $0x30, v29  }
0x130: {  	v3 =	vand.u32 $0x7, v3  }
0x131: {  	v3 =	vor.u32 v3, v4  }
0x132: {  	v4 =	vperm.xlane v3, v0;
	_ =	sdelay $0x1  }
0x133: {  	v4 =	vadd.s32 v1, v4;
	_ =	sdelay $0x3  }
0x134: {  	s7 =	simm.s32 $0xF800;
	v3 =	vperm.xlane v3, v2  }
0x135: {  	[hbm4b:s2+s3] =	stream.indirect_vreg.scatter [tilespmem:s7], [sflag:$0x4], $0x80, v4, vm0, $0xb8;
	[tilespmem:$0x18800] =	vst v63  }
0x136: {  	s11 =	simm.s32 $0x10000;
	v3 =	vadd.s32 v1, v3  }
0x137: {  	[hbm4b:s5+s3] =	stream.indirect_vreg.scatter [tilespmem:s11], [sflag:$0x4], $0x80, v4, vm0, $0xb8;
	[tilespmem:$0x18800] =	vst v63  }
0x138: {  	s11 =	simm.s32 $0x10800  }
0x139: {  	[hbm4b:s6+s3] =	stream.indirect_vreg.scatter [tilespmem:s11], [sflag:$0x4], $0x80, v4, vm0, $0xb8;
	[tilespmem:$0x18800] =	vst v63  }
0x13a: {  	s17 =	simm.s32 $0x11000  }
0x13b: {  	[hbm4b:s2+s3] =	stream.indirect_vreg.scatter [tilespmem:s17], [sflag:$0x4], $0x80, v3, vm0, $0xb8;
	[tilespmem:$0x18800] =	vst v63  }
0x13c: {  	s7 =	simm.s32 $0x11800  }
0x13d: {  	[hbm4b:s5+s3] =	stream.indirect_vreg.scatter [tilespmem:s7], [sflag:$0x4], $0x80, v3, vm0, $0xb8;
	[tilespmem:$0x18800] =	vst v63  }
0x13e: {  	s17 =	simm.s32 $0x12000  }
0x13f: {  	[hbm4b:s6+s3] =	stream.indirect_vreg.scatter [tilespmem:s17], [sflag:$0x4], $0x80, v3, vm0, $0xb8;
	[tilespmem:$0x18800] =	vst v63  }
0x140: {  	v3 =	vld [tilespmem:$0x1A0];
	_ =	sdelay $0x4  }
0x141: {  	v30 =	vshrl.u32 v3, $0x3  }
0x142: {  	v4 =	vmul.u32 $0x30, v30  }
0x143: {  	v3 =	vand.u32 $0x7, v3  }
0x144: {  	v3 =	vor.u32 v3, v4  }
0x145: {  	v4 =	vperm.xlane v3, v0;
	_ =	sdelay $0x1  }
0x146: {  	v4 =	vadd.s32 v1, v4;
	_ =	sdelay $0x3  }
0x147: {  	s7 =	simm.s32 $0x12800;
	v3 =	vperm.xlane v3, v2  }
0x148: {  	[hbm4b:s2+s3] =	stream.indirect_vreg.scatter [tilespmem:s7], [sflag:$0x4], $0x80, v4, vm0, $0xb8;
	[tilespmem:$0x18800] =	vst v63  }
0x149: {  	s17 =	simm.s32 $0x13000;
	v3 =	vadd.s32 v1, v3  }
0x14a: {  	[hbm4b:s5+s3] =	stream.indirect_vreg.scatter [tilespmem:s17], [sflag:$0x4], $0x80, v4, vm0, $0xb8;
	[tilespmem:$0x18800] =	vst v63  }
0x14b: {  	s7 =	simm.s32 $0x13800  }
0x14c: {  	[hbm4b:s6+s3] =	stream.indirect_vreg.scatter [tilespmem:s7], [sflag:$0x4], $0x80, v4, vm0, $0xb8;
	[tilespmem:$0x18800] =	vst v63  }
0x14d: {  	s17 =	simm.s32 $0x14000  }
0x14e: {  	[hbm4b:s2+s3] =	stream.indirect_vreg.scatter [tilespmem:s17], [sflag:$0x4], $0x80, v3, vm0, $0xb8;
	[tilespmem:$0x18800] =	vst v63  }
0x14f: {  	s7 =	simm.s32 $0x14800  }
0x150: {  	[hbm4b:s5+s3] =	stream.indirect_vreg.scatter [tilespmem:s7], [sflag:$0x4], $0x80, v3, vm0, $0xb8;
	[tilespmem:$0x18800] =	vst v63  }
0x151: {  	s17 =	simm.s32 $0x15000  }
0x152: {  	[hbm4b:s6+s3] =	stream.indirect_vreg.scatter [tilespmem:s17], [sflag:$0x4], $0x80, v3, vm0, $0xb8;
	[tilespmem:$0x18800] =	vst v63  }
0x153: {  	v3 =	vld [tilespmem:$0x1B0];
	_ =	sdelay $0x4  }
0x154: {  	v31 =	vshrl.u32 v3, $0x3  }
0x155: {  	v4 =	vmul.u32 $0x30, v31  }
0x156: {  	v3 =	vand.u32 $0x7, v3  }
0x157: {  	v3 =	vor.u32 v3, v4  }
0x158: {  	v4 =	vperm.xlane v3, v0;
	_ =	sdelay $0x1  }
0x159: {  	v4 =	vadd.s32 v1, v4;
	_ =	sdelay $0x3  }
0x15a: {  	s7 =	simm.s32 $0x15800;
	v3 =	vperm.xlane v3, v2  }
0x15b: {  	[hbm4b:s2+s3] =	stream.indirect_vreg.scatter [tilespmem:s7], [sflag:$0x4], $0x80, v4, vm0, $0xb8;
	[tilespmem:$0x18800] =	vst v63  }
0x15c: {  	s17 =	simm.s32 $0x16000;
	v3 =	vadd.s32 v1, v3  }
0x15d: {  	[hbm4b:s5+s3] =	stream.indirect_vreg.scatter [tilespmem:s17], [sflag:$0x4], $0x80, v4, vm0, $0xb8;
	[tilespmem:$0x18800] =	vst v63  }
0x15e: {  	s7 =	simm.s32 $0x16800  }
0x15f: {  	[hbm4b:s6+s3] =	stream.indirect_vreg.scatter [tilespmem:s7], [sflag:$0x4], $0x80, v4, vm0, $0xb8;
	[tilespmem:$0x18800] =	vst v63  }
0x160: {  	s17 =	simm.s32 $0x17000  }
0x161: {  	[hbm4b:s2+s3] =	stream.indirect_vreg.scatter [tilespmem:s17], [sflag:$0x4], $0x80, v3, vm0, $0xb8;
	[tilespmem:$0x18800] =	vst v63  }
0x162: {  	s7 =	simm.s32 $0x17800  }
0x163: {  	[hbm4b:s5+s3] =	stream.indirect_vreg.scatter [tilespmem:s7], [sflag:$0x4], $0x80, v3, vm0, $0xb8;
	[tilespmem:$0x18800] =	vst v63  }
0x164: {  	s17 =	simm.s32 $0x18000  }
0x165: {  	[hbm4b:s6+s3] =	stream.indirect_vreg.scatter [tilespmem:s17], [sflag:$0x4], $0x80, v3, vm0, $0xb8;
	[tilespmem:$0x18800] =	vst v63  }
0x166: {  	_ =	swait.ge [sflag:s10], $0xC000  }
0x167: {  	[sflag:s10] =	ssyncset.done $0x0  }
0x168: {  	[sflag:s10] =	ssyncadd.s32 $0xFFFF4000  }
0x169: {  	_ =	swait.ge [sflag:s16], $0xC000  }
0x16a: {  	[sflag:s16] =	ssyncset.done $0x0  }
0x16b: {  	s0 =	simm.s32 $0xC800;
	s4 =	rddreg [dreg:$0x8];
	[sflag:s16] =	ssyncadd.s32 $0xFFFF4000  }
0x16c: {  	[tilespmem:s0], [sflag:$0x2] =	stream.linear.gather [hbm4b:s4+s3], $0xC000, $0x38;
	[tilespmem:$0x18800] =	vst v63  }
0x16d: {  	v3 =	vld [tilespmem:$0x200];
	_ =	sdelay $0x4  }
0x16e: {  	v32 =	vshrl.u32 v3, $0x3  }
0x16f: {  	v4 =	vmul.u32 $0x30, v32  }
0x170: {  	v3 =	vand.u32 $0x7, v3  }
0x171: {  	v3 =	vor.u32 v3, v4  }
0x172: {  	v4 =	vperm.xlane v3, v0;
	_ =	sdelay $0x1  }
0x173: {  	v4 =	vadd.s32 v1, v4;
	_ =	sdelay $0x3  }
0x174: {  	s1 =	simm.s32 $0x800;
	v3 =	vperm.xlane v3, v2  }
0x175: {  	[hbm4b:s2+s3] =	stream.indirect_vreg.scatter [tilespmem:s1], [sflag:$0x3], $0x80, v4, vm0, $0xb8;
	[tilespmem:$0x18800] =	vst v63  }
0x176: {  	s7 =	simm.s32 $0x1000;
	v3 =	vadd.s32 v1, v3  }
0x177: {  	[hbm4b:s5+s3] =	stream.indirect_vreg.scatter [tilespmem:s7], [sflag:$0x3], $0x80, v4, vm0, $0xb8;
	[tilespmem:$0x18800] =	vst v63  }
0x178: {  	s17 =	simm.s32 $0x1800  }
0x179: {  	[hbm4b:s6+s3] =	stream.indirect_vreg.scatter [tilespmem:s17], [sflag:$0x3], $0x80, v4, vm0, $0xb8;
	[tilespmem:$0x18800] =	vst v63  }
0x17a: {  	s7 =	simm.s32 $0x2000  }
0x17b: {  	[hbm4b:s2+s3] =	stream.indirect_vreg.scatter [tilespmem:s7], [sflag:$0x3], $0x80, v3, vm0, $0xb8;
	[tilespmem:$0x18800] =	vst v63  }
0x17c: {  	_ = 	snop  }
0x17d: {  	[hbm4b:s5+s3] =	stream.indirect_vreg.scatter [tilespmem:s9], [sflag:$0x3], $0x80, v3, vm0, $0xb8;
	[tilespmem:$0x18800] =	vst v63  }
0x17e: {  	s1 =	simm.s32 $0x3000  }
0x17f: {  	[hbm4b:s6+s3] =	stream.indirect_vreg.scatter [tilespmem:s1], [sflag:$0x3], $0x80, v3, vm0, $0xb8;
	[tilespmem:$0x18800] =	vst v63  }
0x180: {  	v3 =	vld [tilespmem:$0x210];
	_ =	sdelay $0x4  }
0x181: {  	v33 =	vshrl.u32 v3, $0x3  }
0x182: {  	v4 =	vmul.u32 $0x30, v33  }
0x183: {  	v3 =	vand.u32 $0x7, v3  }
0x184: {  	v3 =	vor.u32 v3, v4  }
0x185: {  	v4 =	vperm.xlane v3, v0;
	_ =	sdelay $0x1  }
0x186: {  	v4 =	vadd.s32 v1, v4;
	_ =	sdelay $0x3  }
0x187: {  	s17 =	simm.s32 $0x3800;
	v3 =	vperm.xlane v3, v2  }
0x188: {  	[hbm4b:s2+s3] =	stream.indirect_vreg.scatter [tilespmem:s17], [sflag:$0x3], $0x80, v4, vm0, $0xb8;
	[tilespmem:$0x18800] =	vst v63  }
0x189: {  	v3 =	vadd.s32 v1, v3  }
0x18a: {  	[hbm4b:s5+s3] =	stream.indirect_vreg.scatter [tilespmem:s8], [sflag:$0x3], $0x80, v4, vm0, $0xb8;
	[tilespmem:$0x18800] =	vst v63  }
0x18b: {  	_ = 	snop  }
0x18c: {  	[hbm4b:s6+s3] =	stream.indirect_vreg.scatter [tilespmem:s14], [sflag:$0x3], $0x80, v4, vm0, $0xb8;
	[tilespmem:$0x18800] =	vst v63  }
0x18d: {  	_ = 	snop  }
0x18e: {  	[hbm4b:s2+s3] =	stream.indirect_vreg.scatter [tilespmem:s15], [sflag:$0x3], $0x80, v3, vm0, $0xb8;
	[tilespmem:$0x18800] =	vst v63  }
0x18f: {  	_ = 	snop  }
0x190: {  	[hbm4b:s5+s3] =	stream.indirect_vreg.scatter [tilespmem:s18], [sflag:$0x3], $0x80, v3, vm0, $0xb8;
	[tilespmem:$0x18800] =	vst v63  }
0x191: {  	s7 =	simm.s32 $0x6000  }
0x192: {  	[hbm4b:s6+s3] =	stream.indirect_vreg.scatter [tilespmem:s7], [sflag:$0x3], $0x80, v3, vm0, $0xb8;
	[tilespmem:$0x18800] =	vst v63  }
0x193: {  	v3 =	vld [tilespmem:$0x220];
	_ =	sdelay $0x4  }
0x194: {  	v34 =	vshrl.u32 v3, $0x3  }
0x195: {  	v4 =	vmul.u32 $0x30, v34  }
0x196: {  	v3 =	vand.u32 $0x7, v3  }
0x197: {  	v3 =	vor.u32 v3, v4  }
0x198: {  	v4 =	vperm.xlane v3, v0;
	_ =	sdelay $0x1  }
0x199: {  	v4 =	vadd.s32 v1, v4;
	_ =	sdelay $0x3  }
0x19a: {  	s8 =	simm.s32 $0x6800;
	v3 =	vperm.xlane v3, v2  }
0x19b: {  	[hbm4b:s2+s3] =	stream.indirect_vreg.scatter [tilespmem:s8], [sflag:$0x3], $0x80, v4, vm0, $0xb8;
	[tilespmem:$0x18800] =	vst v63  }
0x19c: {  	v3 =	vadd.s32 v1, v3  }
0x19d: {  	[hbm4b:s5+s3] =	stream.indirect_vreg.scatter [tilespmem:s19], [sflag:$0x3], $0x80, v4, vm0, $0xb8;
	[tilespmem:$0x18800] =	vst v63  }
0x19e: {  	_ = 	snop  }
0x19f: {  	[hbm4b:s6+s3] =	stream.indirect_vreg.scatter [tilespmem:s20], [sflag:$0x3], $0x80, v4, vm0, $0xb8;
	[tilespmem:$0x18800] =	vst v63  }
0x1a0: {  	_ = 	snop  }
0x1a1: {  	[hbm4b:s2+s3] =	stream.indirect_vreg.scatter [tilespmem:s21], [sflag:$0x3], $0x80, v3, vm0, $0xb8;
	[tilespmem:$0x18800] =	vst v63  }
0x1a2: {  	_ = 	snop  }
0x1a3: {  	[hbm4b:s5+s3] =	stream.indirect_vreg.scatter [tilespmem:s22], [sflag:$0x3], $0x80, v3, vm0, $0xb8;
	[tilespmem:$0x18800] =	vst v63  }
0x1a4: {  	s9 =	simm.s32 $0x9000  }
0x1a5: {  	[hbm4b:s6+s3] =	stream.indirect_vreg.scatter [tilespmem:s9], [sflag:$0x3], $0x80, v3, vm0, $0xb8;
	[tilespmem:$0x18800] =	vst v63  }
0x1a6: {  	v3 =	vld [tilespmem:$0x230];
	_ =	sdelay $0x4  }
0x1a7: {  	v35 =	vshrl.u32 v3, $0x3  }
0x1a8: {  	v4 =	vmul.u32 $0x30, v35  }
0x1a9: {  	v3 =	vand.u32 $0x7, v3  }
0x1aa: {  	v3 =	vor.u32 v3, v4  }
0x1ab: {  	v4 =	vperm.xlane v3, v0;
	_ =	sdelay $0x1  }
0x1ac: {  	v4 =	vadd.s32 v1, v4;
	_ =	sdelay $0x3  }
0x1ad: {  	s14 =	simm.s32 $0x9800;
	v3 =	vperm.xlane v3, v2  }
0x1ae: {  	[hbm4b:s2+s3] =	stream.indirect_vreg.scatter [tilespmem:s14], [sflag:$0x3], $0x80, v4, vm0, $0xb8;
	[tilespmem:$0x18800] =	vst v63  }
0x1af: {  	v3 =	vadd.s32 v1, v3  }
0x1b0: {  	[hbm4b:s5+s3] =	stream.indirect_vreg.scatter [tilespmem:s23], [sflag:$0x3], $0x80, v4, vm0, $0xb8;
	[tilespmem:$0x18800] =	vst v63  }
0x1b1: {  	_ = 	snop  }
0x1b2: {  	[hbm4b:s6+s3] =	stream.indirect_vreg.scatter [tilespmem:s24], [sflag:$0x3], $0x80, v4, vm0, $0xb8;
	[tilespmem:$0x18800] =	vst v63  }
0x1b3: {  	_ = 	snop  }
0x1b4: {  	[hbm4b:s2+s3] =	stream.indirect_vreg.scatter [tilespmem:s25], [sflag:$0x3], $0x80, v3, vm0, $0xb8;
	[tilespmem:$0x18800] =	vst v63  }
0x1b5: {  	_ = 	snop  }
0x1b6: {  	[hbm4b:s5+s3] =	stream.indirect_vreg.scatter [tilespmem:s26], [sflag:$0x3], $0x80, v3, vm0, $0xb8;
	[tilespmem:$0x18800] =	vst v63  }
0x1b7: {  	s15 =	simm.s32 $0xC000  }
0x1b8: {  	[hbm4b:s6+s3] =	stream.indirect_vreg.scatter [tilespmem:s15], [sflag:$0x3], $0x80, v3, vm0, $0xb8;
	[tilespmem:$0x18800] =	vst v63  }
0x1b9: {  	_ =	swait.ge [sflag:s12], $0xC000  }
0x1ba: {  	[sflag:s12] =	ssyncset.done $0x0  }
0x1bb: {  	[sflag:s12] =	ssyncadd.s32 $0xFFFF4000  }
0x1bc: {  	_ =	swait.ge [sflag:s13], $0xC000  }
0x1bd: {  	[sflag:s13] =	ssyncset.done $0x0  }
0x1be: {  	s0 =	simm.s32 $0x800;
	s18 =	rddreg [dreg:$0x9];
	[sflag:s13] =	ssyncadd.s32 $0xFFFF4000  }
0x1bf: {  	[tilespmem:s0], [sflag:$0x1] =	stream.linear.gather [hbm4b:s18+s3], $0xC000, $0x38;
	[tilespmem:$0x18800] =	vst v63  }
0x1c0: {  	v3 =	vld [tilespmem:$0x280];
	_ =	sdelay $0x4  }
0x1c1: {  	v36 =	vshrl.u32 v3, $0x3  }
0x1c2: {  	v4 =	vmul.u32 $0x30, v36  }
0x1c3: {  	v3 =	vand.u32 $0x7, v3  }
0x1c4: {  	v3 =	vor.u32 v3, v4  }
0x1c5: {  	v4 =	vperm.xlane v3, v0;
	_ =	sdelay $0x1  }
0x1c6: {  	v4 =	vadd.s32 v1, v4;
	_ =	sdelay $0x3  }
0x1c7: {  	s4 =	simm.s32 $0xC800;
	v3 =	vperm.xlane v3, v2  }
0x1c8: {  	[hbm4b:s2+s3] =	stream.indirect_vreg.scatter [tilespmem:s4], [sflag:$0x4], $0x80, v4, vm0, $0xb8;
	[tilespmem:$0x18800] =	vst v63  }
0x1c9: {  	v3 =	vadd.s32 v1, v3  }
0x1ca: {  	[hbm4b:s5+s3] =	stream.indirect_vreg.scatter [tilespmem:s29], [sflag:$0x4], $0x80, v4, vm0, $0xb8;
	[tilespmem:$0x18800] =	vst v63  }
0x1cb: {  	_ = 	snop  }
0x1cc: {  	[hbm4b:s6+s3] =	stream.indirect_vreg.scatter [tilespmem:s28], [sflag:$0x4], $0x80, v4, vm0, $0xb8;
	[tilespmem:$0x18800] =	vst v63  }
0x1cd: {  	_ = 	snop  }
0x1ce: {  	[hbm4b:s2+s3] =	stream.indirect_vreg.scatter [tilespmem:s30], [sflag:$0x4], $0x80, v3, vm0, $0xb8;
	[tilespmem:$0x18800] =	vst v63  }
0x1cf: {  	_ = 	snop  }
0x1d0: {  	[hbm4b:s5+s3] =	stream.indirect_vreg.scatter [tilespmem:s31], [sflag:$0x4], $0x80, v3, vm0, $0xb8;
	[tilespmem:$0x18800] =	vst v63  }
0x1d1: {  	s31 =	simm.s32 $0xF000  }
0x1d2: {  	[hbm4b:s6+s3] =	stream.indirect_vreg.scatter [tilespmem:s31], [sflag:$0x4], $0x80, v3, vm0, $0xb8;
	[tilespmem:$0x18800] =	vst v63  }
0x1d3: {  	v3 =	vld [tilespmem:$0x290];
	_ =	sdelay $0x4  }
0x1d4: {  	v37 =	vshrl.u32 v3, $0x3  }
0x1d5: {  	v4 =	vmul.u32 $0x30, v37  }
0x1d6: {  	v3 =	vand.u32 $0x7, v3  }
0x1d7: {  	v3 =	vor.u32 v3, v4  }
0x1d8: {  	v4 =	vperm.xlane v3, v0;
	_ =	sdelay $0x1  }
0x1d9: {  	v4 =	vadd.s32 v1, v4;
	_ =	sdelay $0x3  }
0x1da: {  	s31 =	simm.s32 $0xF800;
	v3 =	vperm.xlane v3, v2  }
0x1db: {  	[hbm4b:s2+s3] =	stream.indirect_vreg.scatter [tilespmem:s31], [sflag:$0x4], $0x80, v4, vm0, $0xb8;
	[tilespmem:$0x18800] =	vst v63  }
0x1dc: {  	v3 =	vadd.s32 v1, v3;
	s31 =	simm.s32 $0x10000  }
0x1dd: {  	[hbm4b:s5+s3] =	stream.indirect_vreg.scatter [tilespmem:s31], [sflag:$0x4], $0x80, v4, vm0, $0xb8;
	[tilespmem:$0x18800] =	vst v63  }
0x1de: {  	_ = 	snop  }
0x1df: {  	[hbm4b:s6+s3] =	stream.indirect_vreg.scatter [tilespmem:s11], [sflag:$0x4], $0x80, v4, vm0, $0xb8;
	[tilespmem:$0x18800] =	vst v63  }
0x1e0: {  	s17 =	simm.s32 $0x11000  }
0x1e1: {  	[hbm4b:s2+s3] =	stream.indirect_vreg.scatter [tilespmem:s17], [sflag:$0x4], $0x80, v3, vm0, $0xb8;
	[tilespmem:$0x18800] =	vst v63  }
0x1e2: {  	s17 =	simm.s32 $0x11800  }
0x1e3: {  	[hbm4b:s5+s3] =	stream.indirect_vreg.scatter [tilespmem:s17], [sflag:$0x4], $0x80, v3, vm0, $0xb8;
	[tilespmem:$0x18800] =	vst v63  }
0x1e4: {  	s17 =	simm.s32 $0x12000  }
0x1e5: {  	[hbm4b:s6+s3] =	stream.indirect_vreg.scatter [tilespmem:s17], [sflag:$0x4], $0x80, v3, vm0, $0xb8;
	[tilespmem:$0x18800] =	vst v63  }
0x1e6: {  	v3 =	vld [tilespmem:$0x2A0];
	_ =	sdelay $0x4  }
0x1e7: {  	v38 =	vshrl.u32 v3, $0x3  }
0x1e8: {  	v4 =	vmul.u32 $0x30, v38  }
0x1e9: {  	v3 =	vand.u32 $0x7, v3  }
0x1ea: {  	v3 =	vor.u32 v3, v4  }
0x1eb: {  	v4 =	vperm.xlane v3, v0;
	_ =	sdelay $0x1  }
0x1ec: {  	v4 =	vadd.s32 v1, v4;
	_ =	sdelay $0x3  }
0x1ed: {  	s17 =	simm.s32 $0x12800;
	v3 =	vperm.xlane v3, v2  }
0x1ee: {  	[hbm4b:s2+s3] =	stream.indirect_vreg.scatter [tilespmem:s17], [sflag:$0x4], $0x80, v4, vm0, $0xb8;
	[tilespmem:$0x18800] =	vst v63  }
0x1ef: {  	v3 =	vadd.s32 v1, v3;
	s17 =	simm.s32 $0x13000  }
0x1f0: {  	[hbm4b:s5+s3] =	stream.indirect_vreg.scatter [tilespmem:s17], [sflag:$0x4], $0x80, v4, vm0, $0xb8;
	[tilespmem:$0x18800] =	vst v63  }
0x1f1: {  	s17 =	simm.s32 $0x13800  }
0x1f2: {  	[hbm4b:s6+s3] =	stream.indirect_vreg.scatter [tilespmem:s17], [sflag:$0x4], $0x80, v4, vm0, $0xb8;
	[tilespmem:$0x18800] =	vst v63  }
0x1f3: {  	s17 =	simm.s32 $0x14000  }
0x1f4: {  	[hbm4b:s2+s3] =	stream.indirect_vreg.scatter [tilespmem:s17], [sflag:$0x4], $0x80, v3, vm0, $0xb8;
	[tilespmem:$0x18800] =	vst v63  }
0x1f5: {  	s17 =	simm.s32 $0x14800  }
0x1f6: {  	[hbm4b:s5+s3] =	stream.indirect_vreg.scatter [tilespmem:s17], [sflag:$0x4], $0x80, v3, vm0, $0xb8;
	[tilespmem:$0x18800] =	vst v63  }
0x1f7: {  	s17 =	simm.s32 $0x15000  }
0x1f8: {  	[hbm4b:s6+s3] =	stream.indirect_vreg.scatter [tilespmem:s17], [sflag:$0x4], $0x80, v3, vm0, $0xb8;
	[tilespmem:$0x18800] =	vst v63  }
0x1f9: {  	v3 =	vld [tilespmem:$0x2B0];
	_ =	sdelay $0x4  }
0x1fa: {  	v39 =	vshrl.u32 v3, $0x3  }
0x1fb: {  	v4 =	vmul.u32 $0x30, v39  }
0x1fc: {  	v3 =	vand.u32 $0x7, v3  }
0x1fd: {  	v3 =	vor.u32 v3, v4  }
0x1fe: {  	v4 =	vperm.xlane v3, v0;
	_ =	sdelay $0x1  }
0x1ff: {  	v4 =	vadd.s32 v1, v4;
	_ =	sdelay $0x3  }
0x200: {  	s17 =	simm.s32 $0x15800;
	v3 =	vperm.xlane v3, v2  }
0x201: {  	[hbm4b:s2+s3] =	stream.indirect_vreg.scatter [tilespmem:s17], [sflag:$0x4], $0x80, v4, vm0, $0xb8;
	[tilespmem:$0x18800] =	vst v63  }
0x202: {  	v3 =	vadd.s32 v1, v3;
	s17 =	simm.s32 $0x16000  }
0x203: {  	[hbm4b:s5+s3] =	stream.indirect_vreg.scatter [tilespmem:s17], [sflag:$0x4], $0x80, v4, vm0, $0xb8;
	[tilespmem:$0x18800] =	vst v63  }
0x204: {  	s17 =	simm.s32 $0x16800  }
0x205: {  	[hbm4b:s6+s3] =	stream.indirect_vreg.scatter [tilespmem:s17], [sflag:$0x4], $0x80, v4, vm0, $0xb8;
	[tilespmem:$0x18800] =	vst v63  }
0x206: {  	s17 =	simm.s32 $0x17000  }
0x207: {  	[hbm4b:s2+s3] =	stream.indirect_vreg.scatter [tilespmem:s17], [sflag:$0x4], $0x80, v3, vm0, $0xb8;
	[tilespmem:$0x18800] =	vst v63  }
0x208: {  	s17 =	simm.s32 $0x17800  }
0x209: {  	[hbm4b:s5+s3] =	stream.indirect_vreg.scatter [tilespmem:s17], [sflag:$0x4], $0x80, v3, vm0, $0xb8;
	[tilespmem:$0x18800] =	vst v63  }
0x20a: {  	s17 =	simm.s32 $0x18000  }
0x20b: {  	[hbm4b:s6+s3] =	stream.indirect_vreg.scatter [tilespmem:s17], [sflag:$0x4], $0x80, v3, vm0, $0xb8;
	[tilespmem:$0x18800] =	vst v63  }
0x20c: {  	_ =	swait.ge [sflag:s10], $0xC000  }
0x20d: {  	[sflag:s10] =	ssyncset.done $0x0  }
0x20e: {  	[sflag:s10] =	ssyncadd.s32 $0xFFFF4000  }
0x20f: {  	_ =	swait.ge [sflag:s16], $0xC000  }
0x210: {  	[sflag:s16] =	ssyncset.done $0x0  }
0x211: {  	s4 =	simm.s32 $0xC800;
	s17 =	rddreg [dreg:$0xa];
	[sflag:s16] =	ssyncadd.s32 $0xFFFF4000  }
0x212: {  	[tilespmem:s4], [sflag:$0x2] =	stream.linear.gather [hbm4b:s17+s3], $0xC000, $0x38;
	[tilespmem:$0x18800] =	vst v63  }
0x213: {  	v3 =	vld [tilespmem:$0x300];
	_ =	sdelay $0x4  }
0x214: {  	v40 =	vshrl.u32 v3, $0x3  }
0x215: {  	v4 =	vmul.u32 $0x30, v40  }
0x216: {  	v3 =	vand.u32 $0x7, v3  }
0x217: {  	v3 =	vor.u32 v3, v4  }
0x218: {  	v4 =	vperm.xlane v3, v0;
	_ =	sdelay $0x1  }
0x219: {  	v4 =	vadd.s32 v1, v4;
	_ =	sdelay $0x3  }
0x21a: {  	s18 =	simm.s32 $0x800;
	v3 =	vperm.xlane v3, v2  }
0x21b: {  	[hbm4b:s2+s3] =	stream.indirect_vreg.scatter [tilespmem:s18], [sflag:$0x3], $0x80, v4, vm0, $0xb8;
	[tilespmem:$0x18800] =	vst v63  }
0x21c: {  	s17 =	simm.s32 $0x1000;
	v3 =	vadd.s32 v1, v3  }
0x21d: {  	[hbm4b:s5+s3] =	stream.indirect_vreg.scatter [tilespmem:s17], [sflag:$0x3], $0x80, v4, vm0, $0xb8;
	[tilespmem:$0x18800] =	vst v63  }
0x21e: {  	s17 =	simm.s32 $0x1800  }
0x21f: {  	[hbm4b:s6+s3] =	stream.indirect_vreg.scatter [tilespmem:s17], [sflag:$0x3], $0x80, v4, vm0, $0xb8;
	[tilespmem:$0x18800] =	vst v63  }
0x220: {  	s17 =	simm.s32 $0x2000  }
0x221: {  	[hbm4b:s2+s3] =	stream.indirect_vreg.scatter [tilespmem:s17], [sflag:$0x3], $0x80, v3, vm0, $0xb8;
	[tilespmem:$0x18800] =	vst v63  }
0x222: {  	s17 =	simm.s32 $0x2800  }
0x223: {  	[hbm4b:s5+s3] =	stream.indirect_vreg.scatter [tilespmem:s17], [sflag:$0x3], $0x80, v3, vm0, $0xb8;
	[tilespmem:$0x18800] =	vst v63  }
0x224: {  	_ = 	snop  }
0x225: {  	[hbm4b:s6+s3] =	stream.indirect_vreg.scatter [tilespmem:s1], [sflag:$0x3], $0x80, v3, vm0, $0xb8;
	[tilespmem:$0x18800] =	vst v63  }
0x226: {  	v3 =	vld [tilespmem:$0x310];
	_ =	sdelay $0x4  }
0x227: {  	v41 =	vshrl.u32 v3, $0x3  }
0x228: {  	v4 =	vmul.u32 $0x30, v41  }
0x229: {  	v3 =	vand.u32 $0x7, v3  }
0x22a: {  	v3 =	vor.u32 v3, v4  }
0x22b: {  	v4 =	vperm.xlane v3, v0;
	_ =	sdelay $0x1  }
0x22c: {  	v4 =	vadd.s32 v1, v4;
	_ =	sdelay $0x3  }
0x22d: {  	s17 =	simm.s32 $0x3800;
	v3 =	vperm.xlane v3, v2  }
0x22e: {  	[hbm4b:s2+s3] =	stream.indirect_vreg.scatter [tilespmem:s17], [sflag:$0x3], $0x80, v4, vm0, $0xb8;
	[tilespmem:$0x18800] =	vst v63  }
0x22f: {  	v3 =	vadd.s32 v1, v3;
	s17 =	simm.s32 $0x4000  }
0x230: {  	[hbm4b:s5+s3] =	stream.indirect_vreg.scatter [tilespmem:s17], [sflag:$0x3], $0x80, v4, vm0, $0xb8;
	[tilespmem:$0x18800] =	vst v63  }
0x231: {  	s17 =	simm.s32 $0x4800  }
0x232: {  	[hbm4b:s6+s3] =	stream.indirect_vreg.scatter [tilespmem:s17], [sflag:$0x3], $0x80, v4, vm0, $0xb8;
	[tilespmem:$0x18800] =	vst v63  }
0x233: {  	s17 =	simm.s32 $0x5000  }
0x234: {  	[hbm4b:s2+s3] =	stream.indirect_vreg.scatter [tilespmem:s17], [sflag:$0x3], $0x80, v3, vm0, $0xb8;
	[tilespmem:$0x18800] =	vst v63  }
0x235: {  	s17 =	simm.s32 $0x5800  }
0x236: {  	[hbm4b:s5+s3] =	stream.indirect_vreg.scatter [tilespmem:s17], [sflag:$0x3], $0x80, v3, vm0, $0xb8;
	[tilespmem:$0x18800] =	vst v63  }
0x237: {  	_ = 	snop  }
0x238: {  	[hbm4b:s6+s3] =	stream.indirect_vreg.scatter [tilespmem:s7], [sflag:$0x3], $0x80, v3, vm0, $0xb8;
	[tilespmem:$0x18800] =	vst v63  }
0x239: {  	v3 =	vld [tilespmem:$0x320];
	_ =	sdelay $0x4  }
0x23a: {  	v42 =	vshrl.u32 v3, $0x3  }
0x23b: {  	v4 =	vmul.u32 $0x30, v42  }
0x23c: {  	v3 =	vand.u32 $0x7, v3  }
0x23d: {  	v3 =	vor.u32 v3, v4  }
0x23e: {  	v4 =	vperm.xlane v3, v0;
	_ =	sdelay $0x1  }
0x23f: {  	v4 =	vadd.s32 v1, v4;
	_ =	sdelay $0x3  }
0x240: {  	v3 =	vperm.xlane v3, v2  }
0x241: {  	[hbm4b:s2+s3] =	stream.indirect_vreg.scatter [tilespmem:s8], [sflag:$0x3], $0x80, v4, vm0, $0xb8;
	[tilespmem:$0x18800] =	vst v63  }
0x242: {  	s19 =	simm.s32 $0x7000;
	v3 =	vadd.s32 v1, v3  }
0x243: {  	[hbm4b:s5+s3] =	stream.indirect_vreg.scatter [tilespmem:s19], [sflag:$0x3], $0x80, v4, vm0, $0xb8;
	[tilespmem:$0x18800] =	vst v63  }
0x244: {  	s20 =	simm.s32 $0x7800  }
0x245: {  	[hbm4b:s6+s3] =	stream.indirect_vreg.scatter [tilespmem:s20], [sflag:$0x3], $0x80, v4, vm0, $0xb8;
	[tilespmem:$0x18800] =	vst v63  }
0x246: {  	s21 =	simm.s32 $0x8000  }
0x247: {  	[hbm4b:s2+s3] =	stream.indirect_vreg.scatter [tilespmem:s21], [sflag:$0x3], $0x80, v3, vm0, $0xb8;
	[tilespmem:$0x18800] =	vst v63  }
0x248: {  	s22 =	simm.s32 $0x8800  }
0x249: {  	[hbm4b:s5+s3] =	stream.indirect_vreg.scatter [tilespmem:s22], [sflag:$0x3], $0x80, v3, vm0, $0xb8;
	[tilespmem:$0x18800] =	vst v63  }
0x24a: {  	_ = 	snop  }
0x24b: {  	[hbm4b:s6+s3] =	stream.indirect_vreg.scatter [tilespmem:s9], [sflag:$0x3], $0x80, v3, vm0, $0xb8;
	[tilespmem:$0x18800] =	vst v63  }
0x24c: {  	v3 =	vld [tilespmem:$0x330];
	_ =	sdelay $0x4  }
0x24d: {  	v43 =	vshrl.u32 v3, $0x3  }
0x24e: {  	v4 =	vmul.u32 $0x30, v43  }
0x24f: {  	v3 =	vand.u32 $0x7, v3  }
0x250: {  	v3 =	vor.u32 v3, v4  }
0x251: {  	v4 =	vperm.xlane v3, v0;
	_ =	sdelay $0x1  }
0x252: {  	v4 =	vadd.s32 v1, v4;
	_ =	sdelay $0x3  }
0x253: {  	v3 =	vperm.xlane v3, v2  }
0x254: {  	[hbm4b:s2+s3] =	stream.indirect_vreg.scatter [tilespmem:s14], [sflag:$0x3], $0x80, v4, vm0, $0xb8;
	[tilespmem:$0x18800] =	vst v63  }
0x255: {  	s23 =	simm.s32 $0xA000;
	v3 =	vadd.s32 v1, v3  }
0x256: {  	[hbm4b:s5+s3] =	stream.indirect_vreg.scatter [tilespmem:s23], [sflag:$0x3], $0x80, v4, vm0, $0xb8;
	[tilespmem:$0x18800] =	vst v63  }
0x257: {  	s24 =	simm.s32 $0xA800  }
0x258: {  	[hbm4b:s6+s3] =	stream.indirect_vreg.scatter [tilespmem:s24], [sflag:$0x3], $0x80, v4, vm0, $0xb8;
	[tilespmem:$0x18800] =	vst v63  }
0x259: {  	s25 =	simm.s32 $0xB000  }
0x25a: {  	[hbm4b:s2+s3] =	stream.indirect_vreg.scatter [tilespmem:s25], [sflag:$0x3], $0x80, v3, vm0, $0xb8;
	[tilespmem:$0x18800] =	vst v63  }
0x25b: {  	s26 =	simm.s32 $0xB800  }
0x25c: {  	[hbm4b:s5+s3] =	stream.indirect_vreg.scatter [tilespmem:s26], [sflag:$0x3], $0x80, v3, vm0, $0xb8;
	[tilespmem:$0x18800] =	vst v63  }
0x25d: {  	_ = 	snop  }
0x25e: {  	[hbm4b:s6+s3] =	stream.indirect_vreg.scatter [tilespmem:s15], [sflag:$0x3], $0x80, v3, vm0, $0xb8;
	[tilespmem:$0x18800] =	vst v63  }
0x25f: {  	_ =	swait.ge [sflag:s12], $0xC000  }
0x260: {  	[sflag:s12] =	ssyncset.done $0x0  }
0x261: {  	[sflag:s12] =	ssyncadd.s32 $0xFFFF4000  }
0x262: {  	_ =	swait.ge [sflag:s13], $0xC000  }
0x263: {  	[sflag:s13] =	ssyncset.done $0x0  }
0x264: {  	s9 =	rddreg [dreg:$0xb];
	[sflag:s13] =	ssyncadd.s32 $0xFFFF4000  }
0x265: {  	[tilespmem:s18], [sflag:$0x1] =	stream.linear.gather [hbm4b:s9+s3], $0xC000, $0x38;
	[tilespmem:$0x18800] =	vst v63  }
0x266: {  	v3 =	vld [tilespmem:$0x380];
	_ =	sdelay $0x4  }
0x267: {  	v44 =	vshrl.u32 v3, $0x3  }
0x268: {  	v4 =	vmul.u32 $0x30, v44  }
0x269: {  	v3 =	vand.u32 $0x7, v3  }
0x26a: {  	v3 =	vor.u32 v3, v4  }
0x26b: {  	v4 =	vperm.xlane v3, v0;
	_ =	sdelay $0x1  }
0x26c: {  	v4 =	vadd.s32 v1, v4;
	_ =	sdelay $0x3  }
0x26d: {  	v3 =	vperm.xlane v3, v2  }
0x26e: {  	[hbm4b:s2+s3] =	stream.indirect_vreg.scatter [tilespmem:s4], [sflag:$0x4], $0x80, v4, vm0, $0xb8;
	[tilespmem:$0x18800] =	vst v63  }
0x26f: {  	s0 =	simm.s32 $0xD000;
	v3 =	vadd.s32 v1, v3  }
0x270: {  	[hbm4b:s5+s3] =	stream.indirect_vreg.scatter [tilespmem:s0], [sflag:$0x4], $0x80, v4, vm0, $0xb8;
	[tilespmem:$0x18800] =	vst v63  }
0x271: {  	s28 =	simm.s32 $0xD800  }
0x272: {  	[hbm4b:s6+s3] =	stream.indirect_vreg.scatter [tilespmem:s28], [sflag:$0x4], $0x80, v4, vm0, $0xb8;
	[tilespmem:$0x18800] =	vst v63  }
0x273: {  	s29 =	simm.s32 $0xE000  }
0x274: {  	[hbm4b:s2+s3] =	stream.indirect_vreg.scatter [tilespmem:s29], [sflag:$0x4], $0x80, v3, vm0, $0xb8;
	[tilespmem:$0x18800] =	vst v63  }
0x275: {  	s30 =	simm.s32 $0xE800  }
0x276: {  	[hbm4b:s5+s3] =	stream.indirect_vreg.scatter [tilespmem:s30], [sflag:$0x4], $0x80, v3, vm0, $0xb8;
	[tilespmem:$0x18800] =	vst v63  }
0x277: {  	s20 =	simm.s32 $0xF000  }
0x278: {  	[hbm4b:s6+s3] =	stream.indirect_vreg.scatter [tilespmem:s20], [sflag:$0x4], $0x80, v3, vm0, $0xb8;
	[tilespmem:$0x18800] =	vst v63  }
0x279: {  	v3 =	vld [tilespmem:$0x390];
	_ =	sdelay $0x4  }
0x27a: {  	v45 =	vshrl.u32 v3, $0x3  }
0x27b: {  	v4 =	vmul.u32 $0x30, v45  }
0x27c: {  	v3 =	vand.u32 $0x7, v3  }
0x27d: {  	v3 =	vor.u32 v3, v4  }
0x27e: {  	v4 =	vperm.xlane v3, v0;
	_ =	sdelay $0x1  }
0x27f: {  	v4 =	vadd.s32 v1, v4;
	_ =	sdelay $0x3  }
0x280: {  	s21 =	simm.s32 $0xF800;
	v3 =	vperm.xlane v3, v2  }
0x281: {  	[hbm4b:s2+s3] =	stream.indirect_vreg.scatter [tilespmem:s21], [sflag:$0x4], $0x80, v4, vm0, $0xb8;
	[tilespmem:$0x18800] =	vst v63  }
0x282: {  	s31 =	simm.s32 $0x10000;
	v3 =	vadd.s32 v1, v3  }
0x283: {  	[hbm4b:s5+s3] =	stream.indirect_vreg.scatter [tilespmem:s31], [sflag:$0x4], $0x80, v4, vm0, $0xb8;
	[tilespmem:$0x18800] =	vst v63  }
0x284: {  	s11 =	simm.s32 $0x10800  }
0x285: {  	[hbm4b:s6+s3] =	stream.indirect_vreg.scatter [tilespmem:s11], [sflag:$0x4], $0x80, v4, vm0, $0xb8;
	[tilespmem:$0x18800] =	vst v63  }
0x286: {  	s23 =	simm.s32 $0x11000  }
0x287: {  	[hbm4b:s2+s3] =	stream.indirect_vreg.scatter [tilespmem:s23], [sflag:$0x4], $0x80, v3, vm0, $0xb8;
	[tilespmem:$0x18800] =	vst v63  }
0x288: {  	s24 =	simm.s32 $0x11800  }
0x289: {  	[hbm4b:s5+s3] =	stream.indirect_vreg.scatter [tilespmem:s24], [sflag:$0x4], $0x80, v3, vm0, $0xb8;
	[tilespmem:$0x18800] =	vst v63  }
0x28a: {  	s25 =	simm.s32 $0x12000  }
0x28b: {  	[hbm4b:s6+s3] =	stream.indirect_vreg.scatter [tilespmem:s25], [sflag:$0x4], $0x80, v3, vm0, $0xb8;
	[tilespmem:$0x18800] =	vst v63  }
0x28c: {  	v3 =	vld [tilespmem:$0x3A0];
	_ =	sdelay $0x4  }
0x28d: {  	v46 =	vshrl.u32 v3, $0x3  }
0x28e: {  	v4 =	vmul.u32 $0x30, v46  }
0x28f: {  	v3 =	vand.u32 $0x7, v3  }
0x290: {  	v3 =	vor.u32 v3, v4  }
0x291: {  	v4 =	vperm.xlane v3, v0;
	_ =	sdelay $0x1  }
0x292: {  	v4 =	vadd.s32 v1, v4;
	_ =	sdelay $0x3  }
0x293: {  	s26 =	simm.s32 $0x12800;
	v3 =	vperm.xlane v3, v2  }
0x294: {  	[hbm4b:s2+s3] =	stream.indirect_vreg.scatter [tilespmem:s26], [sflag:$0x4], $0x80, v4, vm0, $0xb8;
	[tilespmem:$0x18800] =	vst v63  }
0x295: {  	s28 =	simm.s32 $0x13000;
	v3 =	vadd.s32 v1, v3  }
0x296: {  	[hbm4b:s5+s3] =	stream.indirect_vreg.scatter [tilespmem:s28], [sflag:$0x4], $0x80, v4, vm0, $0xb8;
	[tilespmem:$0x18800] =	vst v63  }
0x297: {  	s29 =	simm.s32 $0x13800  }
0x298: {  	[hbm4b:s6+s3] =	stream.indirect_vreg.scatter [tilespmem:s29], [sflag:$0x4], $0x80, v4, vm0, $0xb8;
	[tilespmem:$0x18800] =	vst v63  }
0x299: {  	s30 =	simm.s32 $0x14000  }
0x29a: {  	[hbm4b:s2+s3] =	stream.indirect_vreg.scatter [tilespmem:s30], [sflag:$0x4], $0x80, v3, vm0, $0xb8;
	[tilespmem:$0x18800] =	vst v63  }
0x29b: {  	s31 =	simm.s32 $0x14800  }
0x29c: {  	[hbm4b:s5+s3] =	stream.indirect_vreg.scatter [tilespmem:s31], [sflag:$0x4], $0x80, v3, vm0, $0xb8;
	[tilespmem:$0x18800] =	vst v63  }
0x29d: {  	s7 =	simm.s32 $0x15000  }
0x29e: {  	[hbm4b:s6+s3] =	stream.indirect_vreg.scatter [tilespmem:s7], [sflag:$0x4], $0x80, v3, vm0, $0xb8;
	[tilespmem:$0x18800] =	vst v63  }
0x29f: {  	v3 =	vld [tilespmem:$0x3B0];
	_ =	sdelay $0x4  }
0x2a0: {  	v47 =	vshrl.u32 v3, $0x3  }
0x2a1: {  	v4 =	vmul.u32 $0x30, v47  }
0x2a2: {  	v3 =	vand.u32 $0x7, v3  }
0x2a3: {  	v3 =	vor.u32 v3, v4  }
0x2a4: {  	v4 =	vperm.xlane v3, v0;
	_ =	sdelay $0x1  }
0x2a5: {  	v4 =	vadd.s32 v1, v4;
	_ =	sdelay $0x3  }
0x2a6: {  	s8 =	simm.s32 $0x15800;
	v3 =	vperm.xlane v3, v2  }
0x2a7: {  	[hbm4b:s2+s3] =	stream.indirect_vreg.scatter [tilespmem:s8], [sflag:$0x4], $0x80, v4, vm0, $0xb8;
	[tilespmem:$0x18800] =	vst v63  }
0x2a8: {  	s11 =	simm.s32 $0x16000;
	v3 =	vadd.s32 v1, v3  }
0x2a9: {  	[hbm4b:s5+s3] =	stream.indirect_vreg.scatter [tilespmem:s11], [sflag:$0x4], $0x80, v4, vm0, $0xb8;
	[tilespmem:$0x18800] =	vst v63  }
0x2aa: {  	s17 =	simm.s32 $0x16800  }
0x2ab: {  	[hbm4b:s6+s3] =	stream.indirect_vreg.scatter [tilespmem:s17], [sflag:$0x4], $0x80, v4, vm0, $0xb8;
	[tilespmem:$0x18800] =	vst v63  }
0x2ac: {  	s23 =	simm.s32 $0x17000  }
0x2ad: {  	[hbm4b:s2+s3] =	stream.indirect_vreg.scatter [tilespmem:s23], [sflag:$0x4], $0x80, v3, vm0, $0xb8;
	[tilespmem:$0x18800] =	vst v63  }
0x2ae: {  	s28 =	simm.s32 $0x17800  }
0x2af: {  	[hbm4b:s5+s3] =	stream.indirect_vreg.scatter [tilespmem:s28], [sflag:$0x4], $0x80, v3, vm0, $0xb8;
	[tilespmem:$0x18800] =	vst v63  }
0x2b0: {  	s29 =	simm.s32 $0x18000  }
0x2b1: {  	[hbm4b:s6+s3] =	stream.indirect_vreg.scatter [tilespmem:s29], [sflag:$0x4], $0x80, v3, vm0, $0xb8;
	[tilespmem:$0x18800] =	vst v63  }
0x2b2: {  	_ =	swait.ge [sflag:s10], $0xC000  }
0x2b3: {  	[sflag:s10] =	ssyncset.done $0x0  }
0x2b4: {  	[sflag:s10] =	ssyncadd.s32 $0xFFFF4000  }
0x2b5: {  	_ =	swait.ge [sflag:s16], $0xC000  }
0x2b6: {  	[sflag:s16] =	ssyncset.done $0x0  }
0x2b7: {  	s30 =	rddreg [dreg:$0xc];
	[sflag:s16] =	ssyncadd.s32 $0xFFFF4000  }
0x2b8: {  	[tilespmem:s4], [sflag:$0x2] =	stream.linear.gather [hbm4b:s30+s3], $0xC000, $0x38;
	[tilespmem:$0x18800] =	vst v63  }
0x2b9: {  	v3 =	vld [tilespmem:$0x400];
	_ =	sdelay $0x4  }
0x2ba: {  	v48 =	vshrl.u32 v3, $0x3  }
0x2bb: {  	v4 =	vmul.u32 $0x30, v48  }
0x2bc: {  	v3 =	vand.u32 $0x7, v3  }
0x2bd: {  	v3 =	vor.u32 v3, v4  }
0x2be: {  	v4 =	vperm.xlane v3, v0;
	_ =	sdelay $0x1  }
0x2bf: {  	v4 =	vadd.s32 v1, v4;
	_ =	sdelay $0x3  }
0x2c0: {  	v3 =	vperm.xlane v3, v2  }
0x2c1: {  	[hbm4b:s2+s3] =	stream.indirect_vreg.scatter [tilespmem:s18], [sflag:$0x3], $0x80, v4, vm0, $0xb8;
	[tilespmem:$0x18800] =	vst v63  }
0x2c2: {  	s31 =	simm.s32 $0x1000;
	v3 =	vadd.s32 v1, v3  }
0x2c3: {  	[hbm4b:s5+s3] =	stream.indirect_vreg.scatter [tilespmem:s31], [sflag:$0x3], $0x80, v4, vm0, $0xb8;
	[tilespmem:$0x18800] =	vst v63  }
0x2c4: {  	s7 =	simm.s32 $0x1800  }
0x2c5: {  	[hbm4b:s6+s3] =	stream.indirect_vreg.scatter [tilespmem:s7], [sflag:$0x3], $0x80, v4, vm0, $0xb8;
	[tilespmem:$0x18800] =	vst v63  }
0x2c6: {  	s8 =	simm.s32 $0x2000  }
0x2c7: {  	[hbm4b:s2+s3] =	stream.indirect_vreg.scatter [tilespmem:s8], [sflag:$0x3], $0x80, v3, vm0, $0xb8;
	[tilespmem:$0x18800] =	vst v63  }
0x2c8: {  	s11 =	simm.s32 $0x2800  }
0x2c9: {  	[hbm4b:s5+s3] =	stream.indirect_vreg.scatter [tilespmem:s11], [sflag:$0x3], $0x80, v3, vm0, $0xb8;
	[tilespmem:$0x18800] =	vst v63  }
0x2ca: {  	s1 =	simm.s32 $0x3000  }
0x2cb: {  	[hbm4b:s6+s3] =	stream.indirect_vreg.scatter [tilespmem:s1], [sflag:$0x3], $0x80, v3, vm0, $0xb8;
	[tilespmem:$0x18800] =	vst v63  }
0x2cc: {  	v3 =	vld [tilespmem:$0x410];
	_ =	sdelay $0x4  }
0x2cd: {  	v49 =	vshrl.u32 v3, $0x3  }
0x2ce: {  	v4 =	vmul.u32 $0x30, v49  }
0x2cf: {  	v3 =	vand.u32 $0x7, v3  }
0x2d0: {  	v3 =	vor.u32 v3, v4  }
0x2d1: {  	v4 =	vperm.xlane v3, v0;
	_ =	sdelay $0x1  }
0x2d2: {  	v4 =	vadd.s32 v1, v4;
	_ =	sdelay $0x3  }
0x2d3: {  	s17 =	simm.s32 $0x3800;
	v3 =	vperm.xlane v3, v2  }
0x2d4: {  	[hbm4b:s2+s3] =	stream.indirect_vreg.scatter [tilespmem:s17], [sflag:$0x3], $0x80, v4, vm0, $0xb8;
	[tilespmem:$0x18800] =	vst v63  }
0x2d5: {  	s23 =	simm.s32 $0x4000;
	v3 =	vadd.s32 v1, v3  }
0x2d6: {  	[hbm4b:s5+s3] =	stream.indirect_vreg.scatter [tilespmem:s23], [sflag:$0x3], $0x80, v4, vm0, $0xb8;
	[tilespmem:$0x18800] =	vst v63  }
0x2d7: {  	s28 =	simm.s32 $0x4800  }
0x2d8: {  	[hbm4b:s6+s3] =	stream.indirect_vreg.scatter [tilespmem:s28], [sflag:$0x3], $0x80, v4, vm0, $0xb8;
	[tilespmem:$0x18800] =	vst v63  }
0x2d9: {  	s29 =	simm.s32 $0x5000  }
0x2da: {  	[hbm4b:s2+s3] =	stream.indirect_vreg.scatter [tilespmem:s29], [sflag:$0x3], $0x80, v3, vm0, $0xb8;
	[tilespmem:$0x18800] =	vst v63  }
0x2db: {  	s30 =	simm.s32 $0x5800  }
0x2dc: {  	[hbm4b:s5+s3] =	stream.indirect_vreg.scatter [tilespmem:s30], [sflag:$0x3], $0x80, v3, vm0, $0xb8;
	[tilespmem:$0x18800] =	vst v63  }
0x2dd: {  	s31 =	simm.s32 $0x6000  }
0x2de: {  	[hbm4b:s6+s3] =	stream.indirect_vreg.scatter [tilespmem:s31], [sflag:$0x3], $0x80, v3, vm0, $0xb8;
	[tilespmem:$0x18800] =	vst v63  }
0x2df: {  	v3 =	vld [tilespmem:$0x420];
	_ =	sdelay $0x4  }
0x2e0: {  	v50 =	vshrl.u32 v3, $0x3  }
0x2e1: {  	v4 =	vmul.u32 $0x30, v50  }
0x2e2: {  	v3 =	vand.u32 $0x7, v3  }
0x2e3: {  	v3 =	vor.u32 v3, v4  }
0x2e4: {  	v4 =	vperm.xlane v3, v0;
	_ =	sdelay $0x1  }
0x2e5: {  	v4 =	vadd.s32 v1, v4;
	_ =	sdelay $0x3  }
0x2e6: {  	s1 =	simm.s32 $0x6800;
	v3 =	vperm.xlane v3, v2  }
0x2e7: {  	[hbm4b:s2+s3] =	stream.indirect_vreg.scatter [tilespmem:s1], [sflag:$0x3], $0x80, v4, vm0, $0xb8;
	[tilespmem:$0x18800] =	vst v63  }
0x2e8: {  	s7 =	simm.s32 $0x7000;
	v3 =	vadd.s32 v1, v3  }
0x2e9: {  	[hbm4b:s5+s3] =	stream.indirect_vreg.scatter [tilespmem:s7], [sflag:$0x3], $0x80, v4, vm0, $0xb8;
	[tilespmem:$0x18800] =	vst v63  }
0x2ea: {  	s8 =	simm.s32 $0x7800  }
0x2eb: {  	[hbm4b:s6+s3] =	stream.indirect_vreg.scatter [tilespmem:s8], [sflag:$0x3], $0x80, v4, vm0, $0xb8;
	[tilespmem:$0x18800] =	vst v63  }
0x2ec: {  	s11 =	simm.s32 $0x8000  }
0x2ed: {  	[hbm4b:s2+s3] =	stream.indirect_vreg.scatter [tilespmem:s11], [sflag:$0x3], $0x80, v3, vm0, $0xb8;
	[tilespmem:$0x18800] =	vst v63  }
0x2ee: {  	s17 =	simm.s32 $0x8800  }
0x2ef: {  	[hbm4b:s5+s3] =	stream.indirect_vreg.scatter [tilespmem:s17], [sflag:$0x3], $0x80, v3, vm0, $0xb8;
	[tilespmem:$0x18800] =	vst v63  }
0x2f0: {  	s19 =	simm.s32 $0x9000  }
0x2f1: {  	[hbm4b:s6+s3] =	stream.indirect_vreg.scatter [tilespmem:s19], [sflag:$0x3], $0x80, v3, vm0, $0xb8;
	[tilespmem:$0x18800] =	vst v63  }
0x2f2: {  	v3 =	vld [tilespmem:$0x430];
	_ =	sdelay $0x4  }
0x2f3: {  	v51 =	vshrl.u32 v3, $0x3  }
0x2f4: {  	v4 =	vmul.u32 $0x30, v51  }
0x2f5: {  	v3 =	vand.u32 $0x7, v3  }
0x2f6: {  	v3 =	vor.u32 v3, v4  }
0x2f7: {  	v4 =	vperm.xlane v3, v0;
	_ =	sdelay $0x1  }
0x2f8: {  	v4 =	vadd.s32 v1, v4;
	_ =	sdelay $0x3  }
0x2f9: {  	s14 =	simm.s32 $0x9800;
	v3 =	vperm.xlane v3, v2  }
0x2fa: {  	[hbm4b:s2+s3] =	stream.indirect_vreg.scatter [tilespmem:s14], [sflag:$0x3], $0x80, v4, vm0, $0xb8;
	[tilespmem:$0x18800] =	vst v63  }
0x2fb: {  	s19 =	simm.s32 $0xA000;
	v3 =	vadd.s32 v1, v3  }
0x2fc: {  	[hbm4b:s5+s3] =	stream.indirect_vreg.scatter [tilespmem:s19], [sflag:$0x3], $0x80, v4, vm0, $0xb8;
	[tilespmem:$0x18800] =	vst v63  }
0x2fd: {  	s23 =	simm.s32 $0xA800  }
0x2fe: {  	[hbm4b:s6+s3] =	stream.indirect_vreg.scatter [tilespmem:s23], [sflag:$0x3], $0x80, v4, vm0, $0xb8;
	[tilespmem:$0x18800] =	vst v63  }
0x2ff: {  	s28 =	simm.s32 $0xB000  }
0x300: {  	[hbm4b:s2+s3] =	stream.indirect_vreg.scatter [tilespmem:s28], [sflag:$0x3], $0x80, v3, vm0, $0xb8;
	[tilespmem:$0x18800] =	vst v63  }
0x301: {  	s29 =	simm.s32 $0xB800  }
0x302: {  	[hbm4b:s5+s3] =	stream.indirect_vreg.scatter [tilespmem:s29], [sflag:$0x3], $0x80, v3, vm0, $0xb8;
	[tilespmem:$0x18800] =	vst v63  }
0x303: {  	s15 =	simm.s32 $0xC000  }
0x304: {  	[hbm4b:s6+s3] =	stream.indirect_vreg.scatter [tilespmem:s15], [sflag:$0x3], $0x80, v3, vm0, $0xb8;
	[tilespmem:$0x18800] =	vst v63  }
0x305: {  	_ =	swait.ge [sflag:s12], $0xC000  }
0x306: {  	[sflag:s12] =	ssyncset.done $0x0  }
0x307: {  	[sflag:s12] =	ssyncadd.s32 $0xFFFF4000  }
0x308: {  	_ =	swait.ge [sflag:s13], $0xC000  }
0x309: {  	[sflag:s13] =	ssyncset.done $0x0  }
0x30a: {  	s30 =	rddreg [dreg:$0xd];
	[sflag:s13] =	ssyncadd.s32 $0xFFFF4000  }
0x30b: {  	[tilespmem:s18], [sflag:$0x1] =	stream.linear.gather [hbm4b:s30+s3], $0xC000, $0x38;
	[tilespmem:$0x18800] =	vst v63  }
0x30c: {  	v3 =	vld [tilespmem:$0x480];
	_ =	sdelay $0x4  }
0x30d: {  	v52 =	vshrl.u32 v3, $0x3  }
0x30e: {  	v4 =	vmul.u32 $0x30, v52  }
0x30f: {  	v3 =	vand.u32 $0x7, v3  }
0x310: {  	v3 =	vor.u32 v3, v4  }
0x311: {  	v4 =	vperm.xlane v3, v0;
	_ =	sdelay $0x1  }
0x312: {  	v4 =	vadd.s32 v1, v4;
	_ =	sdelay $0x3  }
0x313: {  	v3 =	vperm.xlane v3, v2  }
0x314: {  	[hbm4b:s2+s3] =	stream.indirect_vreg.scatter [tilespmem:s4], [sflag:$0x4], $0x80, v4, vm0, $0xb8;
	[tilespmem:$0x18800] =	vst v63  }
0x315: {  	s31 =	simm.s32 $0xD000;
	v3 =	vadd.s32 v1, v3  }
0x316: {  	[hbm4b:s5+s3] =	stream.indirect_vreg.scatter [tilespmem:s31], [sflag:$0x4], $0x80, v4, vm0, $0xb8;
	[tilespmem:$0x18800] =	vst v63  }
0x317: {  	s1 =	simm.s32 $0xD800  }
0x318: {  	[hbm4b:s6+s3] =	stream.indirect_vreg.scatter [tilespmem:s1], [sflag:$0x4], $0x80, v4, vm0, $0xb8;
	[tilespmem:$0x18800] =	vst v63  }
0x319: {  	s7 =	simm.s32 $0xE000  }
0x31a: {  	[hbm4b:s2+s3] =	stream.indirect_vreg.scatter [tilespmem:s7], [sflag:$0x4], $0x80, v3, vm0, $0xb8;
	[tilespmem:$0x18800] =	vst v63  }
0x31b: {  	s8 =	simm.s32 $0xE800  }
0x31c: {  	[hbm4b:s5+s3] =	stream.indirect_vreg.scatter [tilespmem:s8], [sflag:$0x4], $0x80, v3, vm0, $0xb8;
	[tilespmem:$0x18800] =	vst v63  }
0x31d: {  	s22 =	simm.s32 $0xF000  }
0x31e: {  	[hbm4b:s6+s3] =	stream.indirect_vreg.scatter [tilespmem:s22], [sflag:$0x4], $0x80, v3, vm0, $0xb8;
	[tilespmem:$0x18800] =	vst v63  }
0x31f: {  	v3 =	vld [tilespmem:$0x490];
	_ =	sdelay $0x4  }
0x320: {  	v53 =	vshrl.u32 v3, $0x3  }
0x321: {  	v4 =	vmul.u32 $0x30, v53  }
0x322: {  	v3 =	vand.u32 $0x7, v3  }
0x323: {  	v3 =	vor.u32 v3, v4  }
0x324: {  	v4 =	vperm.xlane v3, v0;
	_ =	sdelay $0x1  }
0x325: {  	v4 =	vadd.s32 v1, v4;
	_ =	sdelay $0x3  }
0x326: {  	s9 =	simm.s32 $0xF800;
	v3 =	vperm.xlane v3, v2  }
0x327: {  	[hbm4b:s2+s3] =	stream.indirect_vreg.scatter [tilespmem:s9], [sflag:$0x4], $0x80, v4, vm0, $0xb8;
	[tilespmem:$0x18800] =	vst v63  }
0x328: {  	s11 =	simm.s32 $0x10000;
	v3 =	vadd.s32 v1, v3  }
0x329: {  	[hbm4b:s5+s3] =	stream.indirect_vreg.scatter [tilespmem:s11], [sflag:$0x4], $0x80, v4, vm0, $0xb8;
	[tilespmem:$0x18800] =	vst v63  }
0x32a: {  	s14 =	simm.s32 $0x10800  }
0x32b: {  	[hbm4b:s6+s3] =	stream.indirect_vreg.scatter [tilespmem:s14], [sflag:$0x4], $0x80, v4, vm0, $0xb8;
	[tilespmem:$0x18800] =	vst v63  }
0x32c: {  	s17 =	simm.s32 $0x11000  }
0x32d: {  	[hbm4b:s2+s3] =	stream.indirect_vreg.scatter [tilespmem:s17], [sflag:$0x4], $0x80, v3, vm0, $0xb8;
	[tilespmem:$0x18800] =	vst v63  }
0x32e: {  	s19 =	simm.s32 $0x11800  }
0x32f: {  	[hbm4b:s5+s3] =	stream.indirect_vreg.scatter [tilespmem:s19], [sflag:$0x4], $0x80, v3, vm0, $0xb8;
	[tilespmem:$0x18800] =	vst v63  }
0x330: {  	s20 =	simm.s32 $0x12000  }
0x331: {  	[hbm4b:s6+s3] =	stream.indirect_vreg.scatter [tilespmem:s20], [sflag:$0x4], $0x80, v3, vm0, $0xb8;
	[tilespmem:$0x18800] =	vst v63  }
0x332: {  	v3 =	vld [tilespmem:$0x4A0];
	_ =	sdelay $0x4  }
0x333: {  	v54 =	vshrl.u32 v3, $0x3  }
0x334: {  	v4 =	vmul.u32 $0x30, v54  }
0x335: {  	v3 =	vand.u32 $0x7, v3  }
0x336: {  	v3 =	vor.u32 v3, v4  }
0x337: {  	v4 =	vperm.xlane v3, v0;
	_ =	sdelay $0x1  }
0x338: {  	v4 =	vadd.s32 v1, v4;
	_ =	sdelay $0x3  }
0x339: {  	s21 =	simm.s32 $0x12800;
	v3 =	vperm.xlane v3, v2  }
0x33a: {  	[hbm4b:s2+s3] =	stream.indirect_vreg.scatter [tilespmem:s21], [sflag:$0x4], $0x80, v4, vm0, $0xb8;
	[tilespmem:$0x18800] =	vst v63  }
0x33b: {  	s20 =	simm.s32 $0x13000;
	v3 =	vadd.s32 v1, v3  }
0x33c: {  	[hbm4b:s5+s3] =	stream.indirect_vreg.scatter [tilespmem:s20], [sflag:$0x4], $0x80, v4, vm0, $0xb8;
	[tilespmem:$0x18800] =	vst v63  }
0x33d: {  	s21 =	simm.s32 $0x13800  }
0x33e: {  	[hbm4b:s6+s3] =	stream.indirect_vreg.scatter [tilespmem:s21], [sflag:$0x4], $0x80, v4, vm0, $0xb8;
	[tilespmem:$0x18800] =	vst v63  }
0x33f: {  	s22 =	simm.s32 $0x14000  }
0x340: {  	[hbm4b:s2+s3] =	stream.indirect_vreg.scatter [tilespmem:s22], [sflag:$0x4], $0x80, v3, vm0, $0xb8;
	[tilespmem:$0x18800] =	vst v63  }
0x341: {  	s23 =	simm.s32 $0x14800  }
0x342: {  	[hbm4b:s5+s3] =	stream.indirect_vreg.scatter [tilespmem:s23], [sflag:$0x4], $0x80, v3, vm0, $0xb8;
	[tilespmem:$0x18800] =	vst v63  }
0x343: {  	s25 =	simm.s32 $0x15000  }
0x344: {  	[hbm4b:s6+s3] =	stream.indirect_vreg.scatter [tilespmem:s25], [sflag:$0x4], $0x80, v3, vm0, $0xb8;
	[tilespmem:$0x18800] =	vst v63  }
0x345: {  	v3 =	vld [tilespmem:$0x4B0];
	_ =	sdelay $0x4  }
0x346: {  	v55 =	vshrl.u32 v3, $0x3  }
0x347: {  	v4 =	vmul.u32 $0x30, v55  }
0x348: {  	v3 =	vand.u32 $0x7, v3  }
0x349: {  	v3 =	vor.u32 v3, v4  }
0x34a: {  	v4 =	vperm.xlane v3, v0;
	_ =	sdelay $0x1  }
0x34b: {  	v4 =	vadd.s32 v1, v4;
	_ =	sdelay $0x3  }
0x34c: {  	s26 =	simm.s32 $0x15800;
	v3 =	vperm.xlane v3, v2  }
0x34d: {  	[hbm4b:s2+s3] =	stream.indirect_vreg.scatter [tilespmem:s26], [sflag:$0x4], $0x80, v4, vm0, $0xb8;
	[tilespmem:$0x18800] =	vst v63  }
0x34e: {  	s24 =	simm.s32 $0x16000;
	v3 =	vadd.s32 v1, v3  }
0x34f: {  	[hbm4b:s5+s3] =	stream.indirect_vreg.scatter [tilespmem:s24], [sflag:$0x4], $0x80, v4, vm0, $0xb8;
	[tilespmem:$0x18800] =	vst v63  }
0x350: {  	s24 =	simm.s32 $0x16800  }
0x351: {  	[hbm4b:s6+s3] =	stream.indirect_vreg.scatter [tilespmem:s24], [sflag:$0x4], $0x80, v4, vm0, $0xb8;
	[tilespmem:$0x18800] =	vst v63  }
0x352: {  	s25 =	simm.s32 $0x17000  }
0x353: {  	[hbm4b:s2+s3] =	stream.indirect_vreg.scatter [tilespmem:s25], [sflag:$0x4], $0x80, v3, vm0, $0xb8;
	[tilespmem:$0x18800] =	vst v63  }
0x354: {  	s26 =	simm.s32 $0x17800  }
0x355: {  	[hbm4b:s5+s3] =	stream.indirect_vreg.scatter [tilespmem:s26], [sflag:$0x4], $0x80, v3, vm0, $0xb8;
	[tilespmem:$0x18800] =	vst v63  }
0x356: {  	s17 =	simm.s32 $0x18000  }
0x357: {  	[hbm4b:s6+s3] =	stream.indirect_vreg.scatter [tilespmem:s17], [sflag:$0x4], $0x80, v3, vm0, $0xb8;
	[tilespmem:$0x18800] =	vst v63  }
0x358: {  	_ =	swait.ge [sflag:s10], $0xC000  }
0x359: {  	[sflag:s10] =	ssyncset.done $0x0  }
0x35a: {  	[sflag:s10] =	ssyncadd.s32 $0xFFFF4000  }
0x35b: {  	_ =	swait.ge [sflag:s16], $0xC000  }
0x35c: {  	[sflag:s16] =	ssyncset.done $0x0  }
0x35d: {  	s0 =	rddreg [dreg:$0xe];
	[sflag:s16] =	ssyncadd.s32 $0xFFFF4000  }
0x35e: {  	[tilespmem:s4], [sflag:$0x2] =	stream.linear.gather [hbm4b:s0+s3], $0xC000, $0x38;
	[tilespmem:$0x18800] =	vst v63  }
0x35f: {  	v3 =	vld [tilespmem:$0x500];
	_ =	sdelay $0x4  }
0x360: {  	v56 =	vshrl.u32 v3, $0x3  }
0x361: {  	v4 =	vmul.u32 $0x30, v56  }
0x362: {  	v3 =	vand.u32 $0x7, v3  }
0x363: {  	v3 =	vor.u32 v3, v4  }
0x364: {  	v4 =	vperm.xlane v3, v0;
	_ =	sdelay $0x1  }
0x365: {  	v4 =	vadd.s32 v1, v4;
	_ =	sdelay $0x3  }
0x366: {  	v3 =	vperm.xlane v3, v2  }
0x367: {  	[hbm4b:s2+s3] =	stream.indirect_vreg.scatter [tilespmem:s18], [sflag:$0x3], $0x80, v4, vm0, $0xb8;
	[tilespmem:$0x18800] =	vst v63  }
0x368: {  	v3 =	vadd.s32 v1, v3;
	s18 =	simm.s32 $0x1000  }
0x369: {  	[hbm4b:s5+s3] =	stream.indirect_vreg.scatter [tilespmem:s18], [sflag:$0x3], $0x80, v4, vm0, $0xb8;
	[tilespmem:$0x18800] =	vst v63  }
0x36a: {  	s17 =	simm.s32 $0x1800  }
0x36b: {  	[hbm4b:s6+s3] =	stream.indirect_vreg.scatter [tilespmem:s17], [sflag:$0x3], $0x80, v4, vm0, $0xb8;
	[tilespmem:$0x18800] =	vst v63  }
0x36c: {  	s18 =	simm.s32 $0x2000  }
0x36d: {  	[hbm4b:s2+s3] =	stream.indirect_vreg.scatter [tilespmem:s18], [sflag:$0x3], $0x80, v3, vm0, $0xb8;
	[tilespmem:$0x18800] =	vst v63  }
0x36e: {  	s18 =	simm.s32 $0x2800  }
0x36f: {  	[hbm4b:s5+s3] =	stream.indirect_vreg.scatter [tilespmem:s18], [sflag:$0x3], $0x80, v3, vm0, $0xb8;
	[tilespmem:$0x18800] =	vst v63  }
0x370: {  	s18 =	simm.s32 $0x3000  }
0x371: {  	[hbm4b:s6+s3] =	stream.indirect_vreg.scatter [tilespmem:s18], [sflag:$0x3], $0x80, v3, vm0, $0xb8;
	[tilespmem:$0x18800] =	vst v63  }
0x372: {  	v3 =	vld [tilespmem:$0x510];
	_ =	sdelay $0x4  }
0x373: {  	v57 =	vshrl.u32 v3, $0x3  }
0x374: {  	v4 =	vmul.u32 $0x30, v57  }
0x375: {  	v3 =	vand.u32 $0x7, v3  }
0x376: {  	v3 =	vor.u32 v3, v4  }
0x377: {  	v4 =	vperm.xlane v3, v0;
	_ =	sdelay $0x1  }
0x378: {  	v4 =	vadd.s32 v1, v4;
	_ =	sdelay $0x3  }
0x379: {  	s18 =	simm.s32 $0x3800;
	v3 =	vperm.xlane v3, v2  }
0x37a: {  	[hbm4b:s2+s3] =	stream.indirect_vreg.scatter [tilespmem:s18], [sflag:$0x3], $0x80, v4, vm0, $0xb8;
	[tilespmem:$0x18800] =	vst v63  }
0x37b: {  	v3 =	vadd.s32 v1, v3;
	s18 =	simm.s32 $0x4000  }
0x37c: {  	[hbm4b:s5+s3] =	stream.indirect_vreg.scatter [tilespmem:s18], [sflag:$0x3], $0x80, v4, vm0, $0xb8;
	[tilespmem:$0x18800] =	vst v63  }
0x37d: {  	s18 =	simm.s32 $0x4800  }
0x37e: {  	[hbm4b:s6+s3] =	stream.indirect_vreg.scatter [tilespmem:s18], [sflag:$0x3], $0x80, v4, vm0, $0xb8;
	[tilespmem:$0x18800] =	vst v63  }
0x37f: {  	s18 =	simm.s32 $0x5000  }
0x380: {  	[hbm4b:s2+s3] =	stream.indirect_vreg.scatter [tilespmem:s18], [sflag:$0x3], $0x80, v3, vm0, $0xb8;
	[tilespmem:$0x18800] =	vst v63  }
0x381: {  	s18 =	simm.s32 $0x5800  }
0x382: {  	[hbm4b:s5+s3] =	stream.indirect_vreg.scatter [tilespmem:s18], [sflag:$0x3], $0x80, v3, vm0, $0xb8;
	[tilespmem:$0x18800] =	vst v63  }
0x383: {  	s18 =	simm.s32 $0x6000  }
0x384: {  	[hbm4b:s6+s3] =	stream.indirect_vreg.scatter [tilespmem:s18], [sflag:$0x3], $0x80, v3, vm0, $0xb8;
	[tilespmem:$0x18800] =	vst v63  }
0x385: {  	v3 =	vld [tilespmem:$0x520];
	_ =	sdelay $0x4  }
0x386: {  	v58 =	vshrl.u32 v3, $0x3  }
0x387: {  	v4 =	vmul.u32 $0x30, v58  }
0x388: {  	v3 =	vand.u32 $0x7, v3  }
0x389: {  	v3 =	vor.u32 v3, v4  }
0x38a: {  	v4 =	vperm.xlane v3, v0;
	_ =	sdelay $0x1  }
0x38b: {  	v4 =	vadd.s32 v1, v4;
	_ =	sdelay $0x3  }
0x38c: {  	s18 =	simm.s32 $0x6800;
	v3 =	vperm.xlane v3, v2  }
0x38d: {  	[hbm4b:s2+s3] =	stream.indirect_vreg.scatter [tilespmem:s18], [sflag:$0x3], $0x80, v4, vm0, $0xb8;
	[tilespmem:$0x18800] =	vst v63  }
0x38e: {  	v3 =	vadd.s32 v1, v3;
	s18 =	simm.s32 $0x7000  }
0x38f: {  	[hbm4b:s5+s3] =	stream.indirect_vreg.scatter [tilespmem:s18], [sflag:$0x3], $0x80, v4, vm0, $0xb8;
	[tilespmem:$0x18800] =	vst v63  }
0x390: {  	s18 =	simm.s32 $0x7800  }
0x391: {  	[hbm4b:s6+s3] =	stream.indirect_vreg.scatter [tilespmem:s18], [sflag:$0x3], $0x80, v4, vm0, $0xb8;
	[tilespmem:$0x18800] =	vst v63  }
0x392: {  	s18 =	simm.s32 $0x8000  }
0x393: {  	[hbm4b:s2+s3] =	stream.indirect_vreg.scatter [tilespmem:s18], [sflag:$0x3], $0x80, v3, vm0, $0xb8;
	[tilespmem:$0x18800] =	vst v63  }
0x394: {  	s18 =	simm.s32 $0x8800  }
0x395: {  	[hbm4b:s5+s3] =	stream.indirect_vreg.scatter [tilespmem:s18], [sflag:$0x3], $0x80, v3, vm0, $0xb8;
	[tilespmem:$0x18800] =	vst v63  }
0x396: {  	s18 =	simm.s32 $0x9000  }
0x397: {  	[hbm4b:s6+s3] =	stream.indirect_vreg.scatter [tilespmem:s18], [sflag:$0x3], $0x80, v3, vm0, $0xb8;
	[tilespmem:$0x18800] =	vst v63  }
0x398: {  	v3 =	vld [tilespmem:$0x530];
	_ =	sdelay $0x4  }
0x399: {  	v59 =	vshrl.u32 v3, $0x3  }
0x39a: {  	v4 =	vmul.u32 $0x30, v59  }
0x39b: {  	v3 =	vand.u32 $0x7, v3  }
0x39c: {  	v3 =	vor.u32 v3, v4  }
0x39d: {  	v4 =	vperm.xlane v3, v0;
	_ =	sdelay $0x1  }
0x39e: {  	v4 =	vadd.s32 v1, v4;
	_ =	sdelay $0x3  }
0x39f: {  	s18 =	simm.s32 $0x9800;
	v3 =	vperm.xlane v3, v2  }
0x3a0: {  	[hbm4b:s2+s3] =	stream.indirect_vreg.scatter [tilespmem:s18], [sflag:$0x3], $0x80, v4, vm0, $0xb8;
	[tilespmem:$0x18800] =	vst v63  }
0x3a1: {  	v3 =	vadd.s32 v1, v3;
	s18 =	simm.s32 $0xA000  }
0x3a2: {  	[hbm4b:s5+s3] =	stream.indirect_vreg.scatter [tilespmem:s18], [sflag:$0x3], $0x80, v4, vm0, $0xb8;
	[tilespmem:$0x18800] =	vst v63  }
0x3a3: {  	s18 =	simm.s32 $0xA800  }
0x3a4: {  	[hbm4b:s6+s3] =	stream.indirect_vreg.scatter [tilespmem:s18], [sflag:$0x3], $0x80, v4, vm0, $0xb8;
	[tilespmem:$0x18800] =	vst v63  }
0x3a5: {  	s18 =	simm.s32 $0xB000  }
0x3a6: {  	[hbm4b:s2+s3] =	stream.indirect_vreg.scatter [tilespmem:s18], [sflag:$0x3], $0x80, v3, vm0, $0xb8;
	[tilespmem:$0x18800] =	vst v63  }
0x3a7: {  	s18 =	simm.s32 $0xB800  }
0x3a8: {  	[hbm4b:s5+s3] =	stream.indirect_vreg.scatter [tilespmem:s18], [sflag:$0x3], $0x80, v3, vm0, $0xb8;
	[tilespmem:$0x18800] =	vst v63  }
0x3a9: {  	s18 =	simm.s32 $0xC000  }
0x3aa: {  	[hbm4b:s6+s3] =	stream.indirect_vreg.scatter [tilespmem:s18], [sflag:$0x3], $0x80, v3, vm0, $0xb8;
	[tilespmem:$0x18800] =	vst v63  }
0x3ab: {  	s0 =	rddreg [dreg:$0x10];
	_ =	swait.ge [sflag:s12], $0xC000  }
0x3ac: {  	[sflag:s12] =	ssyncset.done $0x0  }
0x3ad: {  	[sflag:s12] =	ssyncadd.s32 $0xFFFF4000  }
0x3ae: {  	v3 =	vld [tilespmem:$0x580];
	_ =	sdelay $0x4  }
0x3af: {  	v60 =	vshrl.u32 v3, $0x3  }
0x3b0: {  	v4 =	vmul.u32 $0x30, v60  }
0x3b1: {  	v3 =	vand.u32 $0x7, v3  }
0x3b2: {  	v3 =	vor.u32 v3, v4  }
0x3b3: {  	v4 =	vperm.xlane v3, v0;
	_ =	sdelay $0x1  }
0x3b4: {  	v4 =	vadd.s32 v1, v4;
	_ =	sdelay $0x3  }
0x3b5: {  	v3 =	vperm.xlane v3, v2  }
0x3b6: {  	[hbm4b:s2+s3] =	stream.indirect_vreg.scatter [tilespmem:s4], [sflag:$0x4], $0x80, v4, vm0, $0xb8;
	[tilespmem:$0x18800] =	vst v63  }
0x3b7: {  	s15 =	simm.s32 $0xD000;
	v3 =	vadd.s32 v1, v3  }
0x3b8: {  	[hbm4b:s5+s3] =	stream.indirect_vreg.scatter [tilespmem:s15], [sflag:$0x4], $0x80, v4, vm0, $0xb8;
	[tilespmem:$0x18800] =	vst v63  }
0x3b9: {  	s1 =	simm.s32 $0xD800  }
0x3ba: {  	[hbm4b:s6+s3] =	stream.indirect_vreg.scatter [tilespmem:s1], [sflag:$0x4], $0x80, v4, vm0, $0xb8;
	[tilespmem:$0x18800] =	vst v63  }
0x3bb: {  	s7 =	simm.s32 $0xE000  }
0x3bc: {  	[hbm4b:s2+s3] =	stream.indirect_vreg.scatter [tilespmem:s7], [sflag:$0x4], $0x80, v3, vm0, $0xb8;
	[tilespmem:$0x18800] =	vst v63  }
0x3bd: {  	s8 =	simm.s32 $0xE800  }
0x3be: {  	[hbm4b:s5+s3] =	stream.indirect_vreg.scatter [tilespmem:s8], [sflag:$0x4], $0x80, v3, vm0, $0xb8;
	[tilespmem:$0x18800] =	vst v63  }
0x3bf: {  	s18 =	simm.s32 $0xF000  }
0x3c0: {  	[hbm4b:s6+s3] =	stream.indirect_vreg.scatter [tilespmem:s18], [sflag:$0x4], $0x80, v3, vm0, $0xb8;
	[tilespmem:$0x18800] =	vst v63  }
0x3c1: {  	v3 =	vld [tilespmem:$0x590];
	_ =	sdelay $0x4  }
0x3c2: {  	v61 =	vshrl.u32 v3, $0x3  }
0x3c3: {  	v4 =	vmul.u32 $0x30, v61  }
0x3c4: {  	v3 =	vand.u32 $0x7, v3  }
0x3c5: {  	v3 =	vor.u32 v3, v4  }
0x3c6: {  	v4 =	vperm.xlane v3, v0;
	_ =	sdelay $0x1  }
0x3c7: {  	v4 =	vadd.s32 v1, v4;
	_ =	sdelay $0x3  }
0x3c8: {  	s28 =	simm.s32 $0xF800;
	v3 =	vperm.xlane v3, v2  }
0x3c9: {  	[hbm4b:s2+s3] =	stream.indirect_vreg.scatter [tilespmem:s28], [sflag:$0x4], $0x80, v4, vm0, $0xb8;
	[tilespmem:$0x18800] =	vst v63  }
0x3ca: {  	s9 =	simm.s32 $0x10000;
	v3 =	vadd.s32 v1, v3  }
0x3cb: {  	[hbm4b:s5+s3] =	stream.indirect_vreg.scatter [tilespmem:s9], [sflag:$0x4], $0x80, v4, vm0, $0xb8;
	[tilespmem:$0x18800] =	vst v63  }
0x3cc: {  	s11 =	simm.s32 $0x10800  }
0x3cd: {  	[hbm4b:s6+s3] =	stream.indirect_vreg.scatter [tilespmem:s11], [sflag:$0x4], $0x80, v4, vm0, $0xb8;
	[tilespmem:$0x18800] =	vst v63  }
0x3ce: {  	s14 =	simm.s32 $0x11000  }
0x3cf: {  	[hbm4b:s2+s3] =	stream.indirect_vreg.scatter [tilespmem:s14], [sflag:$0x4], $0x80, v3, vm0, $0xb8;
	[tilespmem:$0x18800] =	vst v63  }
0x3d0: {  	s19 =	simm.s32 $0x11800  }
0x3d1: {  	[hbm4b:s5+s3] =	stream.indirect_vreg.scatter [tilespmem:s19], [sflag:$0x4], $0x80, v3, vm0, $0xb8;
	[tilespmem:$0x18800] =	vst v63  }
0x3d2: {  	s29 =	simm.s32 $0x12000  }
0x3d3: {  	[hbm4b:s6+s3] =	stream.indirect_vreg.scatter [tilespmem:s29], [sflag:$0x4], $0x80, v3, vm0, $0xb8;
	[tilespmem:$0x18800] =	vst v63  }
0x3d4: {  	v3 =	vld [tilespmem:$0x5A0];
	_ =	sdelay $0x4  }
0x3d5: {  	v62 =	vshrl.u32 v3, $0x3  }
0x3d6: {  	v4 =	vmul.u32 $0x30, v62  }
0x3d7: {  	v3 =	vand.u32 $0x7, v3  }
0x3d8: {  	v3 =	vor.u32 v3, v4  }
0x3d9: {  	v4 =	vperm.xlane v3, v0;
	_ =	sdelay $0x1  }
0x3da: {  	v4 =	vadd.s32 v1, v4;
	_ =	sdelay $0x3  }
0x3db: {  	s30 =	simm.s32 $0x12800;
	v3 =	vperm.xlane v3, v2  }
0x3dc: {  	[hbm4b:s2+s3] =	stream.indirect_vreg.scatter [tilespmem:s30], [sflag:$0x4], $0x80, v4, vm0, $0xb8;
	[tilespmem:$0x18800] =	vst v63  }
0x3dd: {  	s20 =	simm.s32 $0x13000;
	v3 =	vadd.s32 v1, v3  }
0x3de: {  	[hbm4b:s5+s3] =	stream.indirect_vreg.scatter [tilespmem:s20], [sflag:$0x4], $0x80, v4, vm0, $0xb8;
	[tilespmem:$0x18800] =	vst v63  }
0x3df: {  	s21 =	simm.s32 $0x13800  }
0x3e0: {  	[hbm4b:s6+s3] =	stream.indirect_vreg.scatter [tilespmem:s21], [sflag:$0x4], $0x80, v4, vm0, $0xb8;
	[tilespmem:$0x18800] =	vst v63  }
0x3e1: {  	s22 =	simm.s32 $0x14000  }
0x3e2: {  	[hbm4b:s2+s3] =	stream.indirect_vreg.scatter [tilespmem:s22], [sflag:$0x4], $0x80, v3, vm0, $0xb8;
	[tilespmem:$0x18800] =	vst v63  }
0x3e3: {  	s23 =	simm.s32 $0x14800  }
0x3e4: {  	[hbm4b:s5+s3] =	stream.indirect_vreg.scatter [tilespmem:s23], [sflag:$0x4], $0x80, v3, vm0, $0xb8;
	[tilespmem:$0x18800] =	vst v63  }
0x3e5: {  	s31 =	simm.s32 $0x15000  }
0x3e6: {  	[hbm4b:s6+s3] =	stream.indirect_vreg.scatter [tilespmem:s31], [sflag:$0x4], $0x80, v3, vm0, $0xb8;
	[tilespmem:$0x18800] =	vst v63  }
0x3e7: {  	v3 =	vld [tilespmem:$0x5B0];
	_ =	sdelay $0x4  }
0x3e8: {  	v63 =	vshrl.u32 v3, $0x3  }
0x3e9: {  	v4 =	vmul.u32 $0x30, v63  }
0x3ea: {  	v3 =	vand.u32 $0x7, v3  }
0x3eb: {  	v3 =	vor.u32 v3, v4  }
0x3ec: {  	v4 =	vperm.xlane v3, v0;
	_ =	sdelay $0x1  }
0x3ed: {  	v4 =	vadd.s32 v1, v4;
	_ =	sdelay $0x3  }
0x3ee: {  	s29 =	simm.s32 $0x15800;
	v3 =	vperm.xlane v3, v2  }
0x3ef: {  	[hbm4b:s2+s3] =	stream.indirect_vreg.scatter [tilespmem:s29], [sflag:$0x4], $0x80, v4, vm0, $0xb8;
	[tilespmem:$0x18800] =	vst v63  }
0x3f0: {  	s30 =	simm.s32 $0x16000;
	v3 =	vadd.s32 v1, v3  }
0x3f1: {  	[hbm4b:s5+s3] =	stream.indirect_vreg.scatter [tilespmem:s30], [sflag:$0x4], $0x80, v4, vm0, $0xb8;
	[tilespmem:$0x18800] =	vst v63  }
0x3f2: {  	s24 =	simm.s32 $0x16800  }
0x3f3: {  	[hbm4b:s6+s3] =	stream.indirect_vreg.scatter [tilespmem:s24], [sflag:$0x4], $0x80, v4, vm0, $0xb8;
	[tilespmem:$0x18800] =	vst v63  }
0x3f4: {  	s25 =	simm.s32 $0x17000  }
0x3f5: {  	[hbm4b:s2+s3] =	stream.indirect_vreg.scatter [tilespmem:s25], [sflag:$0x4], $0x80, v3, vm0, $0xb8;
	[tilespmem:$0x18800] =	vst v63  }
0x3f6: {  	s26 =	simm.s32 $0x17800  }
0x3f7: {  	[hbm4b:s5+s3] =	stream.indirect_vreg.scatter [tilespmem:s26], [sflag:$0x4], $0x80, v3, vm0, $0xb8;
	[tilespmem:$0x18800] =	vst v63  }
0x3f8: {  	s31 =	simm.s32 $0x18000  }
0x3f9: {  	[hbm4b:s6+s3] =	stream.indirect_vreg.scatter [tilespmem:s31], [sflag:$0x4], $0x80, v3, vm0, $0xb8;
	[tilespmem:$0x18800] =	vst v63  }
0x3fa: {  	p0 =	sne.s32 s0, $0x1;
	_ =	swait.ge [sflag:s13], $0xC000  }
.Ltmp0:
0x3fb: {  	[sflag:s13] =	ssyncset.done $0x0;
	(pc) =	sbr.rel @p0 .LBB2_1-.Ltmp0, $4  }
0x3fc: {  	[sflag:s13] =	ssyncadd.s32 $0xFFFF4000  }
0x3fd: {  	_ =	swait.ge [sflag:s16], $0xC000  }
0x3fe: {  	[sflag:s16] =	ssyncset.done $0x0  }
0x3ff: {  	s0 =	sadd.s32 $0xFFFFFFFF, s0;
	[sflag:s16] =	ssyncadd.s32 $0xFFFF4000  }
0x400: {  	_ =	sfence.sel $0x180000  }
0x401: {  	[bflag:$0x0] =	sbarrier.arrive $0xFFFF  }
0x402: {  	_ =	strace $0x90000047  }
0x403: {  	s0 =	stileid.u32;
	[bflag:$0x2] =	sbarrier.arrive $0xFFFF  }
0x404: {  	p0 =	sne.s32 s0, $0x0;
	s0 =	rddreg [dreg:$0x2]  }
0x405: {  	s0 =	sadd.s32 @!p0 $0x100000, s0  }
0x406: {  	[sflag:s0] =	ssyncadd.tile.s32 @!p0 $0x1;
	_ =	shalt  }
.Lfunc_end2:
_tile_overlayer_lowered:
.L_overlay_start_2:
0x407: {  	(tag) =	ssettag $0x2  }
0x408: {  	s0 =	rddreg [dreg:$0x0];
	s2 =	stileid.u32  }
0x409: {  	s1 =	rddreg [dreg:$0x1];
	p0 =	sne.s32 s2, $0x0  }
0x40a: {  	s3 =	rddreg [dreg:$0x2];
	[bflag:$0x3] =	sbarrier.arrive $0xFFFF;
	s2 =	simm.s32 @!p0 $0x1C05  }
0x40b: {  	[timem:s3], [sflag:s2] =	dma.local @!p0 [hbm:s0], s1  }
0x40c: {  	s0 =	simm.s32 @!p0 $0x5  }
0x40d: {  	_ =	swait.ge @!p0 [sflag:s0], s1  }
0x40e: {  	s1 =	ssub.s32 @!p0 $0x0, s1;
	[sflag:s0] =	ssyncset.done @!p0 $0x0  }
0x40f: {  	[sflag:s0] =	ssyncadd.s32 @!p0 s1  }
0x410: {  	[bflag:$0x3] =	sbarrier.arrive $0xFFFF  }
0x411: {  	_ =	shalt  }

// kernel: kernel.14.cloned.1.call-start
scs
__scs_entry_jumppad:
0x0: {  	(pc) =	sbr.rel $0x88, $3  }
0x1: {  	(tag) =	ssettag $0x0;
	lr =	simm.s32 $0x1  }
0x2: {  	[smem:$0x3F93] =	sst lr;
	_ =	strace $0xD0000000  }
0x3: {  	_ = 	snop  }
0x4: {  	_ = 	snop  }
0x5: {  	_ = 	snop  }
0x6: {  	_ = 	snop  }
0x7: {  	_ = 	snop  }
__scs_overlays_trampoline_lowered:
0x8: {  	[smem:$0x3FA2] =	sst s0  }
0x9: {  	[smem:$0x3FA3] =	sst s1  }
0xa: {  	[smem:$0x3FA4] =	sst s2  }
0xb: {  	[smem:$0x3FA5] =	sst s3  }
0xc: {  	[smem:$0x3FA6] =	sst s4  }
0xd: {  	[smem:$0x3FA7] =	sst s5  }
0xe: {  	[smem:$0x3FA8] =	sst s6  }
0xf: {  	[smem:$0x3FA9] =	sst s7  }
0x10: {  	[smem:$0x3FAA] =	sst s8  }
0x11: {  	[smem:$0x3FAB] =	sst s9;
	s0 =	simm.s32 @!p0 $0x0  }
0x12: {  	s1 =	sld [smem:$0x3F91];
	s0 =	simm.s32 @p0 $0x1  }
0x13: {  	[smem:$0x3FAC] =	sst s0;
	s0 =	simm.s32 @!p1 $0x0  }
0x14: {  	s2 =	sld [smem:$0x3F90];
	s0 =	simm.s32 @p1 $0x1  }
0x15: {  	[smem:$0x3FAD] =	sst s0;
	s0 =	simm.s32 @!p2 $0x0  }
0x16: {  	s3 =	sld [smem:$0x3FDB];
	s0 =	simm.s32 @p2 $0x1  }
0x17: {  	s4 =	simm.s32 $0x1BF5;
	[smem:$0x3FAF] =	sst s0  }
0x18: {  	s0 =	sld [smem:$0x3F92];
	_ =	swait.ge [sflag:s4], $0x0  }
0x19: {  	s7 =	sld [smem:$0x3F93]  }
0x1a: {  	s8 =	sadd.s32 $0xFFFFE003, lr  }
0x1b: {  	s9 =	sadd.s32 $0xFFFFFEF7, lr;
	s5 =	simm.s32 $0xFFFFFFFF;
	p2 =	slt.u32 s8, $0xFFFFF086  }
0x1c: {  	p1 =	slt.u32 s9, $0xF7A;
	s5 =	simm.s32 @!p2 $0x0  }
0x1d: {  	s5 =	simm.s32 @p1 $0x1;
	p0 =	seq.s32 s7, s2  }
0x1e: {  	s7 =	smul.u32 @!p0 $0xF7A, s2;
	p2 =	seq.s32 @!p0 s5, $0x0  }
0x1f: {  	s9 =	smul.u32 $0xF7A, s1;
	s8 =	simm.s32 @!p0 $0x1BF5;
	p2 =	por !p2, p0  }
0x20: {  	[sflag:s8] =	ssyncset.s32 @!p0 $0xFFFFF086;
	s6 =	sadd.s32 @!p0 s3, s7;
	s7 =	simm.s32 @!p0 $0x108  }
0x21: {  	s3 =	sadd.s32 s3, s9;
	s6 =	sadd.s32 @!p0 $0x88, s6;
	s7 =	simm.s32 @p2 $0x1082  }
0x22: {  	[simem:s7], [sflag:s8] =	dma.local @!p0 [hbm:s6], $0xF7A  }
0x23: {  	s9 =	sor.u32 $0xD0000000, s2;
	s6 =	simm.s32 $0x108;
	_ =	swait.ge @!p0 [sflag:s8], $0x0  }
0x24: {  	s3 =	sadd.s32 $0x88, s3;
	s6 =	simm.s32 @!p1 $0x1082;
	[sflag:s4] =	ssyncset.s32 $0xFFFFF086  }
0x25: {  	[simem:s6], [sflag:s4] =	dma.local [hbm:s3], $0xF7A  }
0x26: {  	[smem:$0x3F93] =	sst s1;
	(tag) =	ssettag s2;
	_ =	strace s9  }
0x27: {  	s1 =	sld [smem:$0x3FA3]  }
0x28: {  	s2 =	sld [smem:$0x3FA4]  }
0x29: {  	s4 =	sld [smem:$0x3FA6]  }
0x2a: {  	p0 =	seq.s32 s5, $0x0;
	s5 =	sld [smem:$0x3FA7]  }
0x2b: {  	s6 =	sld [smem:$0x3FA8]  }
0x2c: {  	s7 =	sld [smem:$0x3FA9]  }
0x2d: {  	s3 =	simm.s32 $0x108;
	s8 =	sld [smem:$0x3FAA]  }
0x2e: {  	s3 =	simm.s32 @!p0 $0x1082;
	s9 =	sld [smem:$0x3FAB]  }
0x2f: {  	lr =	sadd.s32 s0, s3;
	s0 =	sld [smem:$0x3FA2]  }
0x30: {  	s3 =	sld [smem:$0x3FA5]  }
0x31: {  	[smem:$0x3FAE] =	sst s10  }
0x32: {  	s10 =	sld [smem:$0x3FAC];
	_ =	sdelay $0x3  }
0x33: {  	p0 =	seq.s32 s10, $0x1;
	s10 =	sld [smem:$0x3FAE];
	_ =	sdelay $0x3  }
0x34: {  	[smem:$0x3FAE] =	sst s10  }
0x35: {  	s10 =	sld [smem:$0x3FAD];
	_ =	sdelay $0x3  }
0x36: {  	p1 =	seq.s32 s10, $0x1;
	s10 =	sld [smem:$0x3FAE];
	_ =	sdelay $0x3  }
0x37: {  	[smem:$0x3FAE] =	sst s10  }
0x38: {  	s10 =	sld [smem:$0x3FAF]  }
0x39: {  	_ = 	snop;
	(pc) =	sbr.ind lr, $3  }
0x3a: {  	_ = 	snop  }
0x3b: {  	_ = 	snop  }
0x3c: {  	p2 =	seq.s32 s10, $0x1;
	s10 =	sld [smem:$0x3FAE]  }
0x3d: {  	_ =	shalt  }
0x3e: {  	_ =	shalt  }
0x3f: {  	_ =	shalt  }
0x40: {  	_ =	shalt  }
0x41: {  	_ =	shalt  }
0x42: {  	_ =	shalt  }
0x43: {  	_ =	shalt  }
0x44: {  	_ =	shalt  }
0x45: {  	_ =	shalt  }
0x46: {  	_ =	shalt  }
0x47: {  	_ =	shalt  }
0x48: {  	_ =	shalt  }
0x49: {  	_ =	shalt  }
0x4a: {  	_ =	shalt  }
0x4b: {  	_ =	shalt  }
0x4c: {  	_ =	shalt  }
0x4d: {  	_ =	shalt  }
0x4e: {  	_ =	shalt  }
0x4f: {  	_ =	shalt  }
0x50: {  	_ =	shalt  }
0x51: {  	_ =	shalt  }
0x52: {  	_ =	shalt  }
0x53: {  	_ =	shalt  }
0x54: {  	_ =	shalt  }
0x55: {  	_ =	shalt  }
0x56: {  	_ =	shalt  }
0x57: {  	_ =	shalt  }
0x58: {  	_ =	shalt  }
0x59: {  	_ =	shalt  }
0x5a: {  	_ =	shalt  }
0x5b: {  	_ =	shalt  }
0x5c: {  	_ =	shalt  }
0x5d: {  	_ =	shalt  }
0x5e: {  	_ =	shalt  }
0x5f: {  	_ =	shalt  }
0x60: {  	_ =	shalt  }
0x61: {  	_ =	shalt  }
0x62: {  	_ =	shalt  }
0x63: {  	_ =	shalt  }
0x64: {  	_ =	shalt  }
0x65: {  	_ =	shalt  }
0x66: {  	_ =	shalt  }
0x67: {  	_ =	shalt  }
0x68: {  	_ =	shalt  }
0x69: {  	_ =	shalt  }
0x6a: {  	_ =	shalt  }
0x6b: {  	_ =	shalt  }
0x6c: {  	_ =	shalt  }
0x6d: {  	_ =	shalt  }
0x6e: {  	_ =	shalt  }
0x6f: {  	_ =	shalt  }
0x70: {  	_ =	shalt  }
0x71: {  	_ =	shalt  }
0x72: {  	_ =	shalt  }
0x73: {  	_ =	shalt  }
0x74: {  	_ =	shalt  }
0x75: {  	_ =	shalt  }
0x76: {  	_ =	shalt  }
0x77: {  	_ =	shalt  }
0x78: {  	_ =	shalt  }
0x79: {  	_ =	shalt  }
0x7a: {  	_ =	shalt  }
0x7b: {  	_ =	shalt  }
0x7c: {  	_ =	shalt  }
0x7d: {  	_ =	shalt  }
0x7e: {  	_ =	shalt  }
0x7f: {  	_ =	shalt  }
0x80: {  	_ =	shalt  }
0x81: {  	_ =	shalt  }
0x82: {  	_ =	shalt  }
0x83: {  	_ =	shalt  }
0x84: {  	_ =	shalt  }
0x85: {  	_ =	shalt  }
0x86: {  	_ =	shalt  }
0x87: {  	_ =	shalt  }
.Lfunc_end0:
.L_simem_size_0:
called_computation.1_lowered:
.L_overlay_start_0:
0x88: {  	s2 =	sld [smem:$0x3FD9]  }
0x89: {  	s3 =	sld [smem:$0x3FFE];
	_ =	sdelay $0x1  }
0x8a: {  	s1 =	srdreg.scid  }
0x8b: {  	s0 =	sand.u32 $0x1, s1  }
0x8c: {  	s16 =	sshll.u32 s0, $0xA;
	s2 =	sadd.s32 s3, s2  }
0x8d: {  	s2 =	sadd.s32 s2, s16  }
0x8e: {  	[smem:$0x3FBA] =	sst s2  }
0x8f: {  	_ = 	snop  }
0x90: {  	(tm) =	ssettm $0x1  }
0x91: {  	s17 =	sld [smem:$0x3FFB];
	_ =	sdelay $0x3  }
0x92: {  	_ =	strace s17  }
0x93: {  	s2 =	sld [smem:$0x3FFC];
	_ =	sdelay $0x3  }
0x94: {  	_ =	strace s2  }
0x95: {  	s2 =	sld [smem:$0x3FFD];
	_ =	sdelay $0x3  }
0x96: {  	_ =	strace s2  }
0x97: {  	_ =	strace $0x8FFFFFFF  }
0x98: {  	s18 =	sld [smem:$0x3FDB];
	_ =	sdelay $0x1  }
0x99: {  	s19 =	simm.s32 $_scs_section_size  }
0x9a: {  	s4 =	simm.s32 $_size__tile_overlayer_lowered;
	s5 =	simm.s32 $_tile_overlayer_lowered  }
0x9b: {  	s22 =	simm.s32 $0x1BFF;
	s21 =	sshll.u32 s5, $0x1;
	s2 =	sadd.s32 s19, s18  }
0x9c: {  	s6 =	simm.s32 $0x0;
	s20 =	sshll.u32 s4, $0x1;
	s4 =	sadd.s32 s21, s2  }
0x9d: {  	[timem:s6], [sflag:s22] =	dma.local [hbm:s4], s20  }
0x9e: {  	_ =	swait.ge [sflag:s22], s20  }
0x9f: {  	s3 =	ssub.s32 $0x0, s20;
	[sflag:s22] =	ssyncset.done $0x0  }
0xa0: {  	[sflag:s22] =	ssyncadd.s32 s3;
	_ =	sdelay $0x1  }
0xa1: {  	s23 =	simm.s32 $0x1B8B  }
0xa2: {  	_ =	swait.ge [sflag:s23], $0x1  }
0xa3: {  	[sflag:s23] =	ssyncset.done $0x0  }
0xa4: {  	s25 =	simm.s32 $0x1B8E;
	s24 =	sld [smem:$0x3FFE];
	[sflag:s23] =	ssyncadd.s32 $0xFFFFFFFF  }
0xa5: {  	s26 =	simm.s32 $execute0_lowered;
	[smem:$0x3FD2] =	sst s25  }
0xa6: {  	s4 =	sshll.u32 s26, $0x1;
	_ =	strace $0x80000049;
	[dreg:$0x1] =	wrdreg $0xFFFFFFFF  }
0xa7: {  	s28 =	simm.s32 $_size_execute0_lowered;
	s2 =	sadd.s32 s2, s4;
	[dreg:$0x0] =	wrdreg $0x0  }
0xa8: {  	s4 =	sshll.u32 s28, $0x1;
	[dreg:$0x2] =	wrdreg s2  }
0xa9: {  	[dreg:$0x3] =	wrdreg s4  }
0xaa: {  	[dreg:$0x4] =	wrdreg $0xC0  }
0xab: {  	_ =	task [dreg:s6], $0x5FFFF  }
0xac: {  	[dreg:$0x1] =	wrdreg $0xFFFFFFFF  }
0xad: {  	[dreg:$0x0] =	wrdreg $0x60  }
0xae: {  	[dreg:$0x2] =	wrdreg s24  }
0xaf: {  	[dreg:$0x3] =	wrdreg $0x9  }
0xb0: {  	_ =	task.clear_ibuf [dreg:s6], $0x4FFFF;
	_ =	strace $0x90000049  }
0xb1: {  	s29 =	simm.s32 $0x9;
	_ =	strace $0x8000004B  }
0xb2: {  	_ =	swait.ge [sflag:s29], $0x1  }
0xb3: {  	[sflag:s29] =	ssyncadd.s32 $0xFFFFFFFF  }
0xb4: {  	_ =	strace $0x9000004B  }
0xb5: {  	_ =	sfence  }
0xb6: {  	s30 =	sld [smem:$0x0];
	_ =	sdelay $0x2  }
0xb7: {  	s31 =	sshll.u32 s1, $0xD;
	s1 =	sshrl.u32 s1, $0x2  }
0xb8: {  	s3 =	sand.u32 $0x4000, s31;
	s1 =	sadd.s32 s1, s30  }
0xb9: {  	s0 =	sor.u32 s3, s0;
	s1 =	sshll.u32 s1, $0x11  }
0xba: {  	s0 =	sor.u32 s1, s0  }
0xbb: {  	s0 =	sadd.s32 $0x8F2B, s0  }
0xbc: {  	[sflag:s0] =	ssyncadd.remote.s32 $0x1  }
0xbd: {  	_ =	sfence.sel $0xFFFF  }
0xbe: {  	[dreg:$0x0] =	wrdreg $0xFFFFFFFF;
	(pc) =	sbr.abs _section_cstart, $3  }
0xbf: {  	[dreg:$0x1] =	wrdreg $0xFFFFFFFF  }
0xc0: {  	_ =	task.clear_ibuf [dreg:s6], $0x2FFFF;
	_ =	strace $0x9FFFFFFF  }
0xc1: {  	(tm) =	ssettm $0x7FFFFFFF  }
tec
execute0_lowered:
.L_overlay_start_1:
0x0: {  	(tag) =	ssettag $0x1  }
0x1: {  	s0 =	srdreg.scid;
	s1 =	stileid.u32  }
0x2: {  	s0 =	sand.u32 $0x1, s0;
	s1 =	sshll.u32 s1, $0x1  }
0x3: {  	s1 =	sor.u32 s0, s1  }
0x4: {  	s2 =	smul.u32 $0x300, s1  }
0x5: {  	s3 =	rddreg [dreg:$0x0]  }
0x6: {  	s10 =	simm.s32 $0x2;
	s1 =	sshll.u32 s1, $0x8;
	s4 =	sshrl.u32 s2, $0x3  }
0x7: {  	s1 =	sadd.s32 s1, s3;
	s2 =	simm.s32 $0x0;
	s5 =	smul.u32 $0x300, s4  }
0x8: {  	s6 =	sadd.s32 $0x3DFE00, s3;
	s1 =	sadd.s32 $0x3200, s1;
	[smem:$0x7FF] =	sst s2  }
0x9: {  	_ =	strace $0x8000004A;
	[dreg:$0x2] =	wrdreg s1;
	s7 =	sadd.s32 s6, s5  }
0xa: {  	s11 =	simm.s32 $0x3;
	s19 =	sadd.s32 $0x1800, s7;
	[dreg:$0xe] =	wrdreg s7  }
0xb: {  	s12 =	simm.s32 $0x4;
	s22 =	sadd.s32 $0x6000, s7;
	[dreg:$0x3] =	wrdreg s19  }
0xc: {  	s0 =	ssub.s32 $0x2, s0;
	s23 =	sadd.s32 $0x7800, s7;
	[dreg:$0x6] =	wrdreg s22  }
0xd: {  	s29 =	sshrl.u32 s0, $0x1;
	s24 =	sadd.s32 $0x9000, s7;
	[dreg:$0x7] =	wrdreg s23  }
0xe: {  	s0 =	ssub.s32 s0, s29;
	s25 =	sadd.s32 $0xA800, s7;
	[dreg:$0x8] =	wrdreg s24  }
0xf: {  	s4 =	smul.u32 $0x1800, s4;
	s26 =	sadd.s32 $0xC000, s7;
	[dreg:$0x9] =	wrdreg s25  }
0x10: {  	s0 =	smax.u32 s0, $0x1;
	s28 =	sadd.s32 $0xD800, s7;
	[dreg:$0xa] =	wrdreg s26  }
0x11: {  	s4 =	sshrl.u32 s4, $0x3;
	s30 =	sadd.s32 $0xF000, s7;
	[dreg:$0xb] =	wrdreg s28  }
0x12: {  	s4 =	sadd.s32 s6, s4;
	s31 =	sadd.s32 $0x10800, s7;
	[dreg:$0xc] =	wrdreg s30  }
0x13: {  	v2 =	vlaneseq.u32;
	s5 =	sadd.s32 $0x247F00, s3;
	s20 =	sadd.s32 $0x3000, s4;
	[dreg:$0xd] =	wrdreg s31  }
0x14: {  	vm0 =	vmmov $0xffff;
	v1 =	vshrl.u32 v2, $0x3;
	s6 =	sadd.s32 $0x248000, s3;
	s21 =	sadd.s32 $0x4800, s4;
	[dreg:$0x4] =	wrdreg s20  }
0x15: {  	v0 =	vand.u32 $0x7, v2;
	v2 =	vor.u32 $0x8, v2;
	v1 =	vmul.u32 $0x8, v1;
	s4 =	sadd.s32 $0x247E00, s3;
	s3 =	simm.s32 $0x1;
	[dreg:$0x5] =	wrdreg s21  }
.LBB2_1:
0x16: {  	[dreg:$0xf] =	wrdreg s0  }
0x17: {  	s13 =	rddreg [dreg:$0x2];
	s23 =	simm.s32 $0x5  }
0x18: {  	[tilespmem:s2], [sflag:$0x5] =	stream.linear.gather [hbm4b:s13+s2], $0x600, $0x38;
	[tilespmem:$0x18800] =	vst v63  }
0x19: {  	_ =	swait.ge [sflag:s23], $0x600  }
0x1a: {  	[sflag:s23] =	ssyncset.done $0x0  }
0x1b: {  	[sflag:s23] =	ssyncadd.s32 $0xFFFFFA00  }
0x1c: {  	v3 =	vld [tilespmem:$0x0];
	_ =	sdelay $0x4  }
0x1d: {  	v4 =	vshrl.u32 v3, $0x3  }
0x1e: {  	v4 =	vmul.u32 $0x30, v4  }
0x1f: {  	v3 =	vand.u32 $0x7, v3  }
0x20: {  	v3 =	vor.u32 v3, v4  }
0x21: {  	v4 =	vperm.xlane v3, v0;
	_ =	sdelay $0x1  }
0x22: {  	v4 =	vadd.s32 v1, v4;
	_ =	sdelay $0x3  }
0x23: {  	s24 =	simm.s32 $0x800;
	v3 =	vperm.xlane v3, v2  }
0x24: {  	[tilespmem:s24], [sflag:$0x1] =	stream.indirect_vreg.gather [hbm4b:s4+s2], $0x80, v4, vm0, $0xb8;
	[tilespmem:$0x18800] =	vst v63  }
0x25: {  	s25 =	simm.s32 $0x1000;
	v3 =	vadd.s32 v1, v3  }
0x26: {  	[tilespmem:s25], [sflag:$0x1] =	stream.indirect_vreg.gather [hbm4b:s5+s2], $0x80, v4, vm0, $0xb8;
	[tilespmem:$0x18800] =	vst v63  }
0x27: {  	s26 =	simm.s32 $0x1800  }
0x28: {  	[tilespmem:s26], [sflag:$0x1] =	stream.indirect_vreg.gather [hbm4b:s6+s2], $0x80, v4, vm0, $0xb8;
	[tilespmem:$0x18800] =	vst v63  }
0x29: {  	s28 =	simm.s32 $0x2000  }
0x2a: {  	[tilespmem:s28], [sflag:$0x1] =	stream.indirect_vreg.gather [hbm4b:s4+s2], $0x80, v3, vm0, $0xb8;
	[tilespmem:$0x18800] =	vst v63  }
0x2b: {  	s29 =	simm.s32 $0x2800  }
0x2c: {  	[tilespmem:s29], [sflag:$0x1] =	stream.indirect_vreg.gather [hbm4b:s5+s2], $0x80, v3, vm0, $0xb8;
	[tilespmem:$0x18800] =	vst v63  }
0x2d: {  	s30 =	simm.s32 $0x3000  }
0x2e: {  	[tilespmem:s30], [sflag:$0x1] =	stream.indirect_vreg.gather [hbm4b:s6+s2], $0x80, v3, vm0, $0xb8;
	[tilespmem:$0x18800] =	vst v63  }
0x2f: {  	v3 =	vld [tilespmem:$0x10];
	_ =	sdelay $0x4  }
0x30: {  	v17 =	vshrl.u32 v3, $0x3  }
0x31: {  	v4 =	vmul.u32 $0x30, v17  }
0x32: {  	v3 =	vand.u32 $0x7, v3  }
0x33: {  	v3 =	vor.u32 v3, v4  }
0x34: {  	v4 =	vperm.xlane v3, v0;
	_ =	sdelay $0x1  }
0x35: {  	v4 =	vadd.s32 v1, v4;
	_ =	sdelay $0x3  }
0x36: {  	s31 =	simm.s32 $0x3800;
	v3 =	vperm.xlane v3, v2  }
0x37: {  	[tilespmem:s31], [sflag:$0x1] =	stream.indirect_vreg.gather [hbm4b:s4+s2], $0x80, v4, vm0, $0xb8;
	[tilespmem:$0x18800] =	vst v63  }
0x38: {  	s1 =	simm.s32 $0x4000;
	v3 =	vadd.s32 v1, v3  }
0x39: {  	[tilespmem:s1], [sflag:$0x1] =	stream.indirect_vreg.gather [hbm4b:s5+s2], $0x80, v4, vm0, $0xb8;
	[tilespmem:$0x18800] =	vst v63  }
0x3a: {  	s7 =	simm.s32 $0x4800  }
0x3b: {  	[tilespmem:s7], [sflag:$0x1] =	stream.indirect_vreg.gather [hbm4b:s6+s2], $0x80, v4, vm0, $0xb8;
	[tilespmem:$0x18800] =	vst v63  }
0x3c: {  	s13 =	simm.s32 $0x5000  }
0x3d: {  	[tilespmem:s13], [sflag:$0x1] =	stream.indirect_vreg.gather [hbm4b:s4+s2], $0x80, v3, vm0, $0xb8;
	[tilespmem:$0x18800] =	vst v63  }
0x3e: {  	s16 =	simm.s32 $0x5800  }
0x3f: {  	[tilespmem:s16], [sflag:$0x1] =	stream.indirect_vreg.gather [hbm4b:s5+s2], $0x80, v3, vm0, $0xb8;
	[tilespmem:$0x18800] =	vst v63  }
0x40: {  	s17 =	simm.s32 $0x6000  }
0x41: {  	[tilespmem:s17], [sflag:$0x1] =	stream.indirect_vreg.gather [hbm4b:s6+s2], $0x80, v3, vm0, $0xb8;
	[tilespmem:$0x18800] =	vst v63  }
0x42: {  	v3 =	vld [tilespmem:$0x20];
	_ =	sdelay $0x4  }
0x43: {  	v18 =	vshrl.u32 v3, $0x3  }
0x44: {  	v4 =	vmul.u32 $0x30, v18  }
0x45: {  	v3 =	vand.u32 $0x7, v3  }
0x46: {  	v3 =	vor.u32 v3, v4  }
0x47: {  	v4 =	vperm.xlane v3, v0;
	_ =	sdelay $0x1  }
0x48: {  	v4 =	vadd.s32 v1, v4;
	_ =	sdelay $0x3  }
0x49: {  	s20 =	simm.s32 $0x6800;
	v3 =	vperm.xlane v3, v2  }
0x4a: {  	[tilespmem:s20], [sflag:$0x1] =	stream.indirect_vreg.gather [hbm4b:s4+s2], $0x80, v4, vm0, $0xb8;
	[tilespmem:$0x18800] =	vst v63  }
0x4b: {  	s21 =	simm.s32 $0x7000;
	v3 =	vadd.s32 v1, v3  }
0x4c: {  	[tilespmem:s21], [sflag:$0x1] =	stream.indirect_vreg.gather [hbm4b:s5+s2], $0x80, v4, vm0, $0xb8;
	[tilespmem:$0x18800] =	vst v63  }
0x4d: {  	s24 =	simm.s32 $0x7800  }
0x4e: {  	[tilespmem:s24], [sflag:$0x1] =	stream.indirect_vreg.gather [hbm4b:s6+s2], $0x80, v4, vm0, $0xb8;
	[tilespmem:$0x18800] =	vst v63  }
0x4f: {  	s25 =	simm.s32 $0x8000  }
0x50: {  	[tilespmem:s25], [sflag:$0x1] =	stream.indirect_vreg.gather [hbm4b:s4+s2], $0x80, v3, vm0, $0xb8;
	[tilespmem:$0x18800] =	vst v63  }
0x51: {  	s28 =	simm.s32 $0x8800  }
0x52: {  	[tilespmem:s28], [sflag:$0x1] =	stream.indirect_vreg.gather [hbm4b:s5+s2], $0x80, v3, vm0, $0xb8;
	[tilespmem:$0x18800] =	vst v63  }
0x53: {  	s31 =	simm.s32 $0x9000  }
0x54: {  	[tilespmem:s31], [sflag:$0x1] =	stream.indirect_vreg.gather [hbm4b:s6+s2], $0x80, v3, vm0, $0xb8;
	[tilespmem:$0x18800] =	vst v63  }
0x55: {  	v3 =	vld [tilespmem:$0x30];
	_ =	sdelay $0x4  }
0x56: {  	v19 =	vshrl.u32 v3, $0x3  }
0x57: {  	v4 =	vmul.u32 $0x30, v19  }
0x58: {  	v3 =	vand.u32 $0x7, v3  }
0x59: {  	v3 =	vor.u32 v3, v4  }
0x5a: {  	v4 =	vperm.xlane v3, v0;
	_ =	sdelay $0x1  }
0x5b: {  	v4 =	vadd.s32 v1, v4;
	_ =	sdelay $0x3  }
0x5c: {  	s1 =	simm.s32 $0x9800;
	v3 =	vperm.xlane v3, v2  }
0x5d: {  	[tilespmem:s1], [sflag:$0x1] =	stream.indirect_vreg.gather [hbm4b:s4+s2], $0x80, v4, vm0, $0xb8;
	[tilespmem:$0x18800] =	vst v63  }
0x5e: {  	s13 =	simm.s32 $0xA000;
	v3 =	vadd.s32 v1, v3  }
0x5f: {  	[tilespmem:s13], [sflag:$0x1] =	stream.indirect_vreg.gather [hbm4b:s5+s2], $0x80, v4, vm0, $0xb8;
	[tilespmem:$0x18800] =	vst v63  }
0x60: {  	s16 =	simm.s32 $0xA800  }
0x61: {  	[tilespmem:s16], [sflag:$0x1] =	stream.indirect_vreg.gather [hbm4b:s6+s2], $0x80, v4, vm0, $0xb8;
	[tilespmem:$0x18800] =	vst v63  }
0x62: {  	s20 =	simm.s32 $0xB000  }
0x63: {  	[tilespmem:s20], [sflag:$0x1] =	stream.indirect_vreg.gather [hbm4b:s4+s2], $0x80, v3, vm0, $0xb8;
	[tilespmem:$0x18800] =	vst v63  }
0x64: {  	s21 =	simm.s32 $0xB800  }
0x65: {  	[tilespmem:s21], [sflag:$0x1] =	stream.indirect_vreg.gather [hbm4b:s5+s2], $0x80, v3, vm0, $0xb8;
	[tilespmem:$0x18800] =	vst v63  }
0x66: {  	s24 =	simm.s32 $0xC000  }
0x67: {  	[tilespmem:s24], [sflag:$0x1] =	stream.indirect_vreg.gather [hbm4b:s6+s2], $0x80, v3, vm0, $0xb8;
	[tilespmem:$0x18800] =	vst v63  }
0x68: {  	_ =	swait.ge [sflag:s3], $0xC000  }
0x69: {  	[sflag:s3] =	ssyncset.done $0x0  }
0x6a: {  	[sflag:s3] =	ssyncadd.s32 $0xFFFF4000  }
0x6b: {  	v3 =	vld [tilespmem:$0x80];
	_ =	sdelay $0x4  }
0x6c: {  	v20 =	vshrl.u32 v3, $0x3  }
0x6d: {  	v4 =	vmul.u32 $0x30, v20  }
0x6e: {  	v3 =	vand.u32 $0x7, v3  }
0x6f: {  	v3 =	vor.u32 v3, v4  }
0x70: {  	v4 =	vperm.xlane v3, v0;
	_ =	sdelay $0x1  }
0x71: {  	v4 =	vadd.s32 v1, v4;
	_ =	sdelay $0x3  }
0x72: {  	s25 =	simm.s32 $0xC800;
	v3 =	vperm.xlane v3, v2  }
0x73: {  	[tilespmem:s25], [sflag:$0x2] =	stream.indirect_vreg.gather [hbm4b:s4+s2], $0x80, v4, vm0, $0xb8;
	[tilespmem:$0x18800] =	vst v63  }
0x74: {  	s28 =	simm.s32 $0xD000;
	v3 =	vadd.s32 v1, v3  }
0x75: {  	[tilespmem:s28], [sflag:$0x2] =	stream.indirect_vreg.gather [hbm4b:s5+s2], $0x80, v4, vm0, $0xb8;
	[tilespmem:$0x18800] =	vst v63  }
0x76: {  	s31 =	simm.s32 $0xD800  }
0x77: {  	[tilespmem:s31], [sflag:$0x2] =	stream.indirect_vreg.gather [hbm4b:s6+s2], $0x80, v4, vm0, $0xb8;
	[tilespmem:$0x18800] =	vst v63  }
0x78: {  	s13 =	simm.s32 $0xE000  }
0x79: {  	[tilespmem:s13], [sflag:$0x2] =	stream.indirect_vreg.gather [hbm4b:s4+s2], $0x80, v3, vm0, $0xb8;
	[tilespmem:$0x18800] =	vst v63  }
0x7a: {  	s21 =	simm.s32 $0xE800  }
0x7b: {  	[tilespmem:s21], [sflag:$0x2] =	stream.indirect_vreg.gather [hbm4b:s5+s2], $0x80, v3, vm0, $0xb8;
	[tilespmem:$0x18800] =	vst v63  }
0x7c: {  	s24 =	simm.s32 $0xF000  }
0x7d: {  	[tilespmem:s24], [sflag:$0x2] =	stream.indirect_vreg.gather [hbm4b:s6+s2], $0x80, v3, vm0, $0xb8;
	[tilespmem:$0x18800] =	vst v63  }
0x7e: {  	v3 =	vld [tilespmem:$0x90];
	_ =	sdelay $0x4  }
0x7f: {  	v21 =	vshrl.u32 v3, $0x3  }
0x80: {  	v4 =	vmul.u32 $0x30, v21  }
0x81: {  	v3 =	vand.u32 $0x7, v3  }
0x82: {  	v3 =	vor.u32 v3, v4  }
0x83: {  	v4 =	vperm.xlane v3, v0;
	_ =	sdelay $0x1  }
0x84: {  	v4 =	vadd.s32 v1, v4;
	_ =	sdelay $0x3  }
0x85: {  	s25 =	simm.s32 $0xF800;
	v3 =	vperm.xlane v3, v2  }
0x86: {  	[tilespmem:s25], [sflag:$0x2] =	stream.indirect_vreg.gather [hbm4b:s4+s2], $0x80, v4, vm0, $0xb8;
	[tilespmem:$0x18800] =	vst v63  }
0x87: {  	s28 =	simm.s32 $0x10000;
	v3 =	vadd.s32 v1, v3  }
0x88: {  	[tilespmem:s28], [sflag:$0x2] =	stream.indirect_vreg.gather [hbm4b:s5+s2], $0x80, v4, vm0, $0xb8;
	[tilespmem:$0x18800] =	vst v63  }
0x89: {  	s31 =	simm.s32 $0x10800  }
0x8a: {  	[tilespmem:s31], [sflag:$0x2] =	stream.indirect_vreg.gather [hbm4b:s6+s2], $0x80, v4, vm0, $0xb8;
	[tilespmem:$0x18800] =	vst v63  }
0x8b: {  	s13 =	simm.s32 $0x11000  }
0x8c: {  	[tilespmem:s13], [sflag:$0x2] =	stream.indirect_vreg.gather [hbm4b:s4+s2], $0x80, v3, vm0, $0xb8;
	[tilespmem:$0x18800] =	vst v63  }
0x8d: {  	s21 =	simm.s32 $0x11800  }
0x8e: {  	[tilespmem:s21], [sflag:$0x2] =	stream.indirect_vreg.gather [hbm4b:s5+s2], $0x80, v3, vm0, $0xb8;
	[tilespmem:$0x18800] =	vst v63  }
0x8f: {  	s24 =	simm.s32 $0x12000  }
0x90: {  	[tilespmem:s24], [sflag:$0x2] =	stream.indirect_vreg.gather [hbm4b:s6+s2], $0x80, v3, vm0, $0xb8;
	[tilespmem:$0x18800] =	vst v63  }
0x91: {  	v3 =	vld [tilespmem:$0xA0];
	_ =	sdelay $0x4  }
0x92: {  	v22 =	vshrl.u32 v3, $0x3  }
0x93: {  	v4 =	vmul.u32 $0x30, v22  }
0x94: {  	v3 =	vand.u32 $0x7, v3  }
0x95: {  	v3 =	vor.u32 v3, v4  }
0x96: {  	v4 =	vperm.xlane v3, v0;
	_ =	sdelay $0x1  }
0x97: {  	v4 =	vadd.s32 v1, v4;
	_ =	sdelay $0x3  }
0x98: {  	s25 =	simm.s32 $0x12800;
	v3 =	vperm.xlane v3, v2  }
0x99: {  	[tilespmem:s25], [sflag:$0x2] =	stream.indirect_vreg.gather [hbm4b:s4+s2], $0x80, v4, vm0, $0xb8;
	[tilespmem:$0x18800] =	vst v63  }
0x9a: {  	s28 =	simm.s32 $0x13000;
	v3 =	vadd.s32 v1, v3  }
0x9b: {  	[tilespmem:s28], [sflag:$0x2] =	stream.indirect_vreg.gather [hbm4b:s5+s2], $0x80, v4, vm0, $0xb8;
	[tilespmem:$0x18800] =	vst v63  }
0x9c: {  	s31 =	simm.s32 $0x13800  }
0x9d: {  	[tilespmem:s31], [sflag:$0x2] =	stream.indirect_vreg.gather [hbm4b:s6+s2], $0x80, v4, vm0, $0xb8;
	[tilespmem:$0x18800] =	vst v63  }
0x9e: {  	s13 =	simm.s32 $0x14000  }
0x9f: {  	[tilespmem:s13], [sflag:$0x2] =	stream.indirect_vreg.gather [hbm4b:s4+s2], $0x80, v3, vm0, $0xb8;
	[tilespmem:$0x18800] =	vst v63  }
0xa0: {  	s24 =	simm.s32 $0x14800  }
0xa1: {  	[tilespmem:s24], [sflag:$0x2] =	stream.indirect_vreg.gather [hbm4b:s5+s2], $0x80, v3, vm0, $0xb8;
	[tilespmem:$0x18800] =	vst v63  }
0xa2: {  	s25 =	simm.s32 $0x15000  }
0xa3: {  	[tilespmem:s25], [sflag:$0x2] =	stream.indirect_vreg.gather [hbm4b:s6+s2], $0x80, v3, vm0, $0xb8;
	[tilespmem:$0x18800] =	vst v63  }
0xa4: {  	v3 =	vld [tilespmem:$0xB0];
	_ =	sdelay $0x4  }
0xa5: {  	v23 =	vshrl.u32 v3, $0x3  }
0xa6: {  	v4 =	vmul.u32 $0x30, v23  }
0xa7: {  	v3 =	vand.u32 $0x7, v3  }
0xa8: {  	v3 =	vor.u32 v3, v4  }
0xa9: {  	v4 =	vperm.xlane v3, v0;
	_ =	sdelay $0x1  }
0xaa: {  	v4 =	vadd.s32 v1, v4;
	_ =	sdelay $0x3  }
0xab: {  	s28 =	simm.s32 $0x15800;
	v3 =	vperm.xlane v3, v2  }
0xac: {  	[tilespmem:s28], [sflag:$0x2] =	stream.indirect_vreg.gather [hbm4b:s4+s2], $0x80, v4, vm0, $0xb8;
	[tilespmem:$0x18800] =	vst v63  }
0xad: {  	s31 =	simm.s32 $0x16000;
	v3 =	vadd.s32 v1, v3  }
0xae: {  	[tilespmem:s31], [sflag:$0x2] =	stream.indirect_vreg.gather [hbm4b:s5+s2], $0x80, v4, vm0, $0xb8;
	[tilespmem:$0x18800] =	vst v63  }
0xaf: {  	s13 =	simm.s32 $0x16800  }
0xb0: {  	[tilespmem:s13], [sflag:$0x2] =	stream.indirect_vreg.gather [hbm4b:s6+s2], $0x80, v4, vm0, $0xb8;
	[tilespmem:$0x18800] =	vst v63  }
0xb1: {  	s28 =	simm.s32 $0x17000  }
0xb2: {  	[tilespmem:s28], [sflag:$0x2] =	stream.indirect_vreg.gather [hbm4b:s4+s2], $0x80, v3, vm0, $0xb8;
	[tilespmem:$0x18800] =	vst v63  }
0xb3: {  	s31 =	simm.s32 $0x17800  }
0xb4: {  	[tilespmem:s31], [sflag:$0x2] =	stream.indirect_vreg.gather [hbm4b:s5+s2], $0x80, v3, vm0, $0xb8;
	[tilespmem:$0x18800] =	vst v63  }
0xb5: {  	s0 =	simm.s32 $0x18000  }
0xb6: {  	[tilespmem:s0], [sflag:$0x2] =	stream.indirect_vreg.gather [hbm4b:s6+s2], $0x80, v3, vm0, $0xb8;
	[tilespmem:$0x18800] =	vst v63  }
0xb7: {  	s28 =	rddreg [dreg:$0xe];
	s31 =	simm.s32 $0x800  }
0xb8: {  	[hbm4b:s28+s2] =	stream.linear.scatter [tilespmem:s31], [sflag:$0x3], $0xC000, $0x38;
	[tilespmem:$0x18800] =	vst v63  }
0xb9: {  	_ =	swait.ge [sflag:s10], $0xC000  }
0xba: {  	[sflag:s10] =	ssyncset.done $0x0  }
0xbb: {  	[sflag:s10] =	ssyncadd.s32 $0xFFFF4000  }
0xbc: {  	_ =	swait.ge [sflag:s11], $0xC000  }
0xbd: {  	[sflag:s11] =	ssyncset.done $0x0  }
0xbe: {  	[sflag:s11] =	ssyncadd.s32 $0xFFFF4000  }
0xbf: {  	v3 =	vld [tilespmem:$0x100];
	_ =	sdelay $0x4  }
0xc0: {  	v24 =	vshrl.u32 v3, $0x3  }
0xc1: {  	v4 =	vmul.u32 $0x30, v24  }
0xc2: {  	v3 =	vand.u32 $0x7, v3  }
0xc3: {  	v3 =	vor.u32 v3, v4  }
0xc4: {  	v4 =	vperm.xlane v3, v0;
	_ =	sdelay $0x1  }
0xc5: {  	v4 =	vadd.s32 v1, v4;
	_ =	sdelay $0x3  }
0xc6: {  	v3 =	vperm.xlane v3, v2  }
0xc7: {  	[tilespmem:s31], [sflag:$0x1] =	stream.indirect_vreg.gather [hbm4b:s4+s2], $0x80, v4, vm0, $0xb8;
	[tilespmem:$0x18800] =	vst v63  }
0xc8: {  	s9 =	simm.s32 $0x1000;
	v3 =	vadd.s32 v1, v3  }
0xc9: {  	[tilespmem:s9], [sflag:$0x1] =	stream.indirect_vreg.gather [hbm4b:s5+s2], $0x80, v4, vm0, $0xb8;
	[tilespmem:$0x18800] =	vst v63  }
0xca: {  	s15 =	simm.s32 $0x1800  }
0xcb: {  	[tilespmem:s15], [sflag:$0x1] =	stream.indirect_vreg.gather [hbm4b:s6+s2], $0x80, v4, vm0, $0xb8;
	[tilespmem:$0x18800] =	vst v63  }
0xcc: {  	s18 =	simm.s32 $0x2000  }
0xcd: {  	[tilespmem:s18], [sflag:$0x1] =	stream.indirect_vreg.gather [hbm4b:s4+s2], $0x80, v3, vm0, $0xb8;
	[tilespmem:$0x18800] =	vst v63  }
0xce: {  	s19 =	simm.s32 $0x2800  }
0xcf: {  	[tilespmem:s19], [sflag:$0x1] =	stream.indirect_vreg.gather [hbm4b:s5+s2], $0x80, v3, vm0, $0xb8;
	[tilespmem:$0x18800] =	vst v63  }
0xd0: {  	s8 =	simm.s32 $0x3000  }
0xd1: {  	[tilespmem:s8], [sflag:$0x1] =	stream.indirect_vreg.gather [hbm4b:s6+s2], $0x80, v3, vm0, $0xb8;
	[tilespmem:$0x18800] =	vst v63  }
0xd2: {  	v3 =	vld [tilespmem:$0x110];
	_ =	sdelay $0x4  }
0xd3: {  	v25 =	vshrl.u32 v3, $0x3  }
0xd4: {  	v4 =	vmul.u32 $0x30, v25  }
0xd5: {  	v3 =	vand.u32 $0x7, v3  }
0xd6: {  	v3 =	vor.u32 v3, v4  }
0xd7: {  	v4 =	vperm.xlane v3, v0;
	_ =	sdelay $0x1  }
0xd8: {  	v4 =	vadd.s32 v1, v4;
	_ =	sdelay $0x3  }
0xd9: {  	s14 =	simm.s32 $0x3800;
	v3 =	vperm.xlane v3, v2  }
0xda: {  	[tilespmem:s14], [sflag:$0x1] =	stream.indirect_vreg.gather [hbm4b:s4+s2], $0x80, v4, vm0, $0xb8;
	[tilespmem:$0x18800] =	vst v63  }
0xdb: {  	s22 =	simm.s32 $0x4000;
	v3 =	vadd.s32 v1, v3  }
0xdc: {  	[tilespmem:s22], [sflag:$0x1] =	stream.indirect_vreg.gather [hbm4b:s5+s2], $0x80, v4, vm0, $0xb8;
	[tilespmem:$0x18800] =	vst v63  }
0xdd: {  	s23 =	simm.s32 $0x4800  }
0xde: {  	[tilespmem:s23], [sflag:$0x1] =	stream.indirect_vreg.gather [hbm4b:s6+s2], $0x80, v4, vm0, $0xb8;
	[tilespmem:$0x18800] =	vst v63  }
0xdf: {  	s26 =	simm.s32 $0x5000  }
0xe0: {  	[tilespmem:s26], [sflag:$0x1] =	stream.indirect_vreg.gather [hbm4b:s4+s2], $0x80, v3, vm0, $0xb8;
	[tilespmem:$0x18800] =	vst v63  }
0xe1: {  	s28 =	simm.s32 $0x5800  }
0xe2: {  	[tilespmem:s28], [sflag:$0x1] =	stream.indirect_vreg.gather [hbm4b:s5+s2], $0x80, v3, vm0, $0xb8;
	[tilespmem:$0x18800] =	vst v63  }
0xe3: {  	s29 =	simm.s32 $0x6000  }
0xe4: {  	[tilespmem:s29], [sflag:$0x1] =	stream.indirect_vreg.gather [hbm4b:s6+s2], $0x80, v3, vm0, $0xb8;
	[tilespmem:$0x18800] =	vst v63  }
0xe5: {  	v3 =	vld [tilespmem:$0x120];
	_ =	sdelay $0x4  }
0xe6: {  	v26 =	vshrl.u32 v3, $0x3  }
0xe7: {  	v4 =	vmul.u32 $0x30, v26  }
0xe8: {  	v3 =	vand.u32 $0x7, v3  }
0xe9: {  	v3 =	vor.u32 v3, v4  }
0xea: {  	v4 =	vperm.xlane v3, v0;
	_ =	sdelay $0x1  }
0xeb: {  	v4 =	vadd.s32 v1, v4;
	_ =	sdelay $0x3  }
0xec: {  	s30 =	simm.s32 $0x6800;
	v3 =	vperm.xlane v3, v2  }
0xed: {  	[tilespmem:s30], [sflag:$0x1] =	stream.indirect_vreg.gather [hbm4b:s4+s2], $0x80, v4, vm0, $0xb8;
	[tilespmem:$0x18800] =	vst v63  }
0xee: {  	v3 =	vadd.s32 v1, v3;
	s30 =	simm.s32 $0x7000  }
0xef: {  	[tilespmem:s30], [sflag:$0x1] =	stream.indirect_vreg.gather [hbm4b:s5+s2], $0x80, v4, vm0, $0xb8;
	[tilespmem:$0x18800] =	vst v63  }
0xf0: {  	s31 =	simm.s32 $0x7800  }
0xf1: {  	[tilespmem:s31], [sflag:$0x1] =	stream.indirect_vreg.gather [hbm4b:s6+s2], $0x80, v4, vm0, $0xb8;
	[tilespmem:$0x18800] =	vst v63  }
0xf2: {  	s29 =	simm.s32 $0x8000  }
0xf3: {  	[tilespmem:s29], [sflag:$0x1] =	stream.indirect_vreg.gather [hbm4b:s4+s2], $0x80, v3, vm0, $0xb8;
	[tilespmem:$0x18800] =	vst v63  }
0xf4: {  	s17 =	simm.s32 $0x8800  }
0xf5: {  	[tilespmem:s17], [sflag:$0x1] =	stream.indirect_vreg.gather [hbm4b:s5+s2], $0x80, v3, vm0, $0xb8;
	[tilespmem:$0x18800] =	vst v63  }
0xf6: {  	s7 =	simm.s32 $0x9000  }
0xf7: {  	[tilespmem:s7], [sflag:$0x1] =	stream.indirect_vreg.gather [hbm4b:s6+s2], $0x80, v3, vm0, $0xb8;
	[tilespmem:$0x18800] =	vst v63  }
0xf8: {  	v3 =	vld [tilespmem:$0x130];
	_ =	sdelay $0x4  }
0xf9: {  	v27 =	vshrl.u32 v3, $0x3  }
0xfa: {  	v4 =	vmul.u32 $0x30, v27  }
0xfb: {  	v3 =	vand.u32 $0x7, v3  }
0xfc: {  	v3 =	vor.u32 v3, v4  }
0xfd: {  	v4 =	vperm.xlane v3, v0;
	_ =	sdelay $0x1  }
0xfe: {  	v4 =	vadd.s32 v1, v4;
	_ =	sdelay $0x3  }
0xff: {  	s1 =	simm.s32 $0x9800;
	v3 =	vperm.xlane v3, v2  }
0x100: {  	[tilespmem:s1], [sflag:$0x1] =	stream.indirect_vreg.gather [hbm4b:s4+s2], $0x80, v4, vm0, $0xb8;
	[tilespmem:$0x18800] =	vst v63  }
0x101: {  	s14 =	simm.s32 $0xA000;
	v3 =	vadd.s32 v1, v3  }
0x102: {  	[tilespmem:s14], [sflag:$0x1] =	stream.indirect_vreg.gather [hbm4b:s5+s2], $0x80, v4, vm0, $0xb8;
	[tilespmem:$0x18800] =	vst v63  }
0x103: {  	s7 =	simm.s32 $0xA800  }
0x104: {  	[tilespmem:s7], [sflag:$0x1] =	stream.indirect_vreg.gather [hbm4b:s6+s2], $0x80, v4, vm0, $0xb8;
	[tilespmem:$0x18800] =	vst v63  }
0x105: {  	s8 =	simm.s32 $0xB000  }
0x106: {  	[tilespmem:s8], [sflag:$0x1] =	stream.indirect_vreg.gather [hbm4b:s4+s2], $0x80, v3, vm0, $0xb8;
	[tilespmem:$0x18800] =	vst v63  }
0x107: {  	s16 =	simm.s32 $0xB800  }
0x108: {  	[tilespmem:s16], [sflag:$0x1] =	stream.indirect_vreg.gather [hbm4b:s5+s2], $0x80, v3, vm0, $0xb8;
	[tilespmem:$0x18800] =	vst v63  }
0x109: {  	s20 =	simm.s32 $0xC000  }
0x10a: {  	[tilespmem:s20], [sflag:$0x1] =	stream.indirect_vreg.gather [hbm4b:s6+s2], $0x80, v3, vm0, $0xb8;
	[tilespmem:$0x18800] =	vst v63  }
0x10b: {  	s18 =	rddreg [dreg:$0x3];
	s19 =	simm.s32 $0xC800  }
0x10c: {  	[hbm4b:s18+s2] =	stream.linear.scatter [tilespmem:s19], [sflag:$0x4], $0xC000, $0x38;
	[tilespmem:$0x18800] =	vst v63  }
0x10d: {  	_ =	swait.ge [sflag:s3], $0xC000  }
0x10e: {  	[sflag:s3] =	ssyncset.done $0x0  }
0x10f: {  	[sflag:s3] =	ssyncadd.s32 $0xFFFF4000  }
0x110: {  	_ =	swait.ge [sflag:s12], $0xC000  }
0x111: {  	[sflag:s12] =	ssyncset.done $0x0  }
0x112: {  	[sflag:s12] =	ssyncadd.s32 $0xFFFF4000  }
0x113: {  	v3 =	vld [tilespmem:$0x180];
	_ =	sdelay $0x4  }
0x114: {  	v28 =	vshrl.u32 v3, $0x3  }
0x115: {  	v4 =	vmul.u32 $0x30, v28  }
0x116: {  	v3 =	vand.u32 $0x7, v3  }
0x117: {  	v3 =	vor.u32 v3, v4  }
0x118: {  	v4 =	vperm.xlane v3, v0;
	_ =	sdelay $0x1  }
0x119: {  	v4 =	vadd.s32 v1, v4;
	_ =	sdelay $0x3  }
0x11a: {  	v3 =	vperm.xlane v3, v2  }
0x11b: {  	[tilespmem:s19], [sflag:$0x2] =	stream.indirect_vreg.gather [hbm4b:s4+s2], $0x80, v4, vm0, $0xb8;
	[tilespmem:$0x18800] =	vst v63  }
0x11c: {  	s20 =	simm.s32 $0xD000;
	v3 =	vadd.s32 v1, v3  }
0x11d: {  	[tilespmem:s20], [sflag:$0x2] =	stream.indirect_vreg.gather [hbm4b:s5+s2], $0x80, v4, vm0, $0xb8;
	[tilespmem:$0x18800] =	vst v63  }
0x11e: {  	s1 =	simm.s32 $0xD800  }
0x11f: {  	[tilespmem:s1], [sflag:$0x2] =	stream.indirect_vreg.gather [hbm4b:s6+s2], $0x80, v4, vm0, $0xb8;
	[tilespmem:$0x18800] =	vst v63  }
0x120: {  	s9 =	simm.s32 $0xE000  }
0x121: {  	[tilespmem:s9], [sflag:$0x2] =	stream.indirect_vreg.gather [hbm4b:s4+s2], $0x80, v3, vm0, $0xb8;
	[tilespmem:$0x18800] =	vst v63  }
0x122: {  	s15 =	simm.s32 $0xE800  }
0x123: {  	[tilespmem:s15], [sflag:$0x2] =	stream.indirect_vreg.gather [hbm4b:s5+s2], $0x80, v3, vm0, $0xb8;
	[tilespmem:$0x18800] =	vst v63  }
0x124: {  	s22 =	simm.s32 $0xF000  }
0x125: {  	[tilespmem:s22], [sflag:$0x2] =	stream.indirect_vreg.gather [hbm4b:s6+s2], $0x80, v3, vm0, $0xb8;
	[tilespmem:$0x18800] =	vst v63  }
0x126: {  	v3 =	vld [tilespmem:$0x190];
	_ =	sdelay $0x4  }
0x127: {  	v29 =	vshrl.u32 v3, $0x3  }
0x128: {  	v4 =	vmul.u32 $0x30, v29  }
0x129: {  	v3 =	vand.u32 $0x7, v3  }
0x12a: {  	v3 =	vor.u32 v3, v4  }
0x12b: {  	v4 =	vperm.xlane v3, v0;
	_ =	sdelay $0x1  }
0x12c: {  	v4 =	vadd.s32 v1, v4;
	_ =	sdelay $0x3  }
0x12d: {  	s23 =	simm.s32 $0xF800;
	v3 =	vperm.xlane v3, v2  }
0x12e: {  	[tilespmem:s23], [sflag:$0x2] =	stream.indirect_vreg.gather [hbm4b:s4+s2], $0x80, v4, vm0, $0xb8;
	[tilespmem:$0x18800] =	vst v63  }
0x12f: {  	s16 =	simm.s32 $0x10000;
	v3 =	vadd.s32 v1, v3  }
0x130: {  	[tilespmem:s16], [sflag:$0x2] =	stream.indirect_vreg.gather [hbm4b:s5+s2], $0x80, v4, vm0, $0xb8;
	[tilespmem:$0x18800] =	vst v63  }
0x131: {  	s17 =	simm.s32 $0x10800  }
0x132: {  	[tilespmem:s17], [sflag:$0x2] =	stream.indirect_vreg.gather [hbm4b:s6+s2], $0x80, v4, vm0, $0xb8;
	[tilespmem:$0x18800] =	vst v63  }
0x133: {  	s18 =	simm.s32 $0x11000  }
0x134: {  	[tilespmem:s18], [sflag:$0x2] =	stream.indirect_vreg.gather [hbm4b:s4+s2], $0x80, v3, vm0, $0xb8;
	[tilespmem:$0x18800] =	vst v63  }
0x135: {  	s19 =	simm.s32 $0x11800  }
0x136: {  	[tilespmem:s19], [sflag:$0x2] =	stream.indirect_vreg.gather [hbm4b:s5+s2], $0x80, v3, vm0, $0xb8;
	[tilespmem:$0x18800] =	vst v63  }
0x137: {  	s26 =	simm.s32 $0x12000  }
0x138: {  	[tilespmem:s26], [sflag:$0x2] =	stream.indirect_vreg.gather [hbm4b:s6+s2], $0x80, v3, vm0, $0xb8;
	[tilespmem:$0x18800] =	vst v63  }
0x139: {  	v3 =	vld [tilespmem:$0x1A0];
	_ =	sdelay $0x4  }
0x13a: {  	v30 =	vshrl.u32 v3, $0x3  }
0x13b: {  	v4 =	vmul.u32 $0x30, v30  }
0x13c: {  	v3 =	vand.u32 $0x7, v3  }
0x13d: {  	v3 =	vor.u32 v3, v4  }
0x13e: {  	v4 =	vperm.xlane v3, v0;
	_ =	sdelay $0x1  }
0x13f: {  	v4 =	vadd.s32 v1, v4;
	_ =	sdelay $0x3  }
0x140: {  	s21 =	simm.s32 $0x12800;
	v3 =	vperm.xlane v3, v2  }
0x141: {  	[tilespmem:s21], [sflag:$0x2] =	stream.indirect_vreg.gather [hbm4b:s4+s2], $0x80, v4, vm0, $0xb8;
	[tilespmem:$0x18800] =	vst v63  }
0x142: {  	s20 =	simm.s32 $0x13000;
	v3 =	vadd.s32 v1, v3  }
0x143: {  	[tilespmem:s20], [sflag:$0x2] =	stream.indirect_vreg.gather [hbm4b:s5+s2], $0x80, v4, vm0, $0xb8;
	[tilespmem:$0x18800] =	vst v63  }
0x144: {  	s21 =	simm.s32 $0x13800  }
0x145: {  	[tilespmem:s21], [sflag:$0x2] =	stream.indirect_vreg.gather [hbm4b:s6+s2], $0x80, v4, vm0, $0xb8;
	[tilespmem:$0x18800] =	vst v63  }
0x146: {  	s22 =	simm.s32 $0x14000  }
0x147: {  	[tilespmem:s22], [sflag:$0x2] =	stream.indirect_vreg.gather [hbm4b:s4+s2], $0x80, v3, vm0, $0xb8;
	[tilespmem:$0x18800] =	vst v63  }
0x148: {  	s23 =	simm.s32 $0x14800  }
0x149: {  	[tilespmem:s23], [sflag:$0x2] =	stream.indirect_vreg.gather [hbm4b:s5+s2], $0x80, v3, vm0, $0xb8;
	[tilespmem:$0x18800] =	vst v63  }
0x14a: {  	s24 =	simm.s32 $0x15000  }
0x14b: {  	[tilespmem:s24], [sflag:$0x2] =	stream.indirect_vreg.gather [hbm4b:s6+s2], $0x80, v3, vm0, $0xb8;
	[tilespmem:$0x18800] =	vst v63  }
0x14c: {  	v3 =	vld [tilespmem:$0x1B0];
	_ =	sdelay $0x4  }
0x14d: {  	v31 =	vshrl.u32 v3, $0x3  }
0x14e: {  	v4 =	vmul.u32 $0x30, v31  }
0x14f: {  	v3 =	vand.u32 $0x7, v3  }
0x150: {  	v3 =	vor.u32 v3, v4  }
0x151: {  	v4 =	vperm.xlane v3, v0;
	_ =	sdelay $0x1  }
0x152: {  	v4 =	vadd.s32 v1, v4;
	_ =	sdelay $0x3  }
0x153: {  	s25 =	simm.s32 $0x15800;
	v3 =	vperm.xlane v3, v2  }
0x154: {  	[tilespmem:s25], [sflag:$0x2] =	stream.indirect_vreg.gather [hbm4b:s4+s2], $0x80, v4, vm0, $0xb8;
	[tilespmem:$0x18800] =	vst v63  }
0x155: {  	s24 =	simm.s32 $0x16000;
	v3 =	vadd.s32 v1, v3  }
0x156: {  	[tilespmem:s24], [sflag:$0x2] =	stream.indirect_vreg.gather [hbm4b:s5+s2], $0x80, v4, vm0, $0xb8;
	[tilespmem:$0x18800] =	vst v63  }
0x157: {  	s25 =	simm.s32 $0x16800  }
0x158: {  	[tilespmem:s25], [sflag:$0x2] =	stream.indirect_vreg.gather [hbm4b:s6+s2], $0x80, v4, vm0, $0xb8;
	[tilespmem:$0x18800] =	vst v63  }
0x159: {  	s26 =	simm.s32 $0x17000  }
0x15a: {  	[tilespmem:s26], [sflag:$0x2] =	stream.indirect_vreg.gather [hbm4b:s4+s2], $0x80, v3, vm0, $0xb8;
	[tilespmem:$0x18800] =	vst v63  }
0x15b: {  	s13 =	simm.s32 $0x17800  }
0x15c: {  	[tilespmem:s13], [sflag:$0x2] =	stream.indirect_vreg.gather [hbm4b:s5+s2], $0x80, v3, vm0, $0xb8;
	[tilespmem:$0x18800] =	vst v63  }
0x15d: {  	s0 =	simm.s32 $0x18000  }
0x15e: {  	[tilespmem:s0], [sflag:$0x2] =	stream.indirect_vreg.gather [hbm4b:s6+s2], $0x80, v3, vm0, $0xb8;
	[tilespmem:$0x18800] =	vst v63  }
0x15f: {  	s13 =	rddreg [dreg:$0x4];
	s0 =	simm.s32 $0x800  }
0x160: {  	[hbm4b:s13+s2] =	stream.linear.scatter [tilespmem:s0], [sflag:$0x3], $0xC000, $0x38;
	[tilespmem:$0x18800] =	vst v63  }
0x161: {  	_ =	swait.ge [sflag:s10], $0xC000  }
0x162: {  	[sflag:s10] =	ssyncset.done $0x0  }
0x163: {  	[sflag:s10] =	ssyncadd.s32 $0xFFFF4000  }
0x164: {  	_ =	swait.ge [sflag:s11], $0xC000  }
0x165: {  	[sflag:s11] =	ssyncset.done $0x0  }
0x166: {  	[sflag:s11] =	ssyncadd.s32 $0xFFFF4000  }
0x167: {  	v3 =	vld [tilespmem:$0x200];
	_ =	sdelay $0x4  }
0x168: {  	v32 =	vshrl.u32 v3, $0x3  }
0x169: {  	v4 =	vmul.u32 $0x30, v32  }
0x16a: {  	v3 =	vand.u32 $0x7, v3  }
0x16b: {  	v3 =	vor.u32 v3, v4  }
0x16c: {  	v4 =	vperm.xlane v3, v0;
	_ =	sdelay $0x1  }
0x16d: {  	v4 =	vadd.s32 v1, v4;
	_ =	sdelay $0x3  }
0x16e: {  	v3 =	vperm.xlane v3, v2  }
0x16f: {  	[tilespmem:s0], [sflag:$0x1] =	stream.indirect_vreg.gather [hbm4b:s4+s2], $0x80, v4, vm0, $0xb8;
	[tilespmem:$0x18800] =	vst v63  }
0x170: {  	s13 =	simm.s32 $0x1000;
	v3 =	vadd.s32 v1, v3  }
0x171: {  	[tilespmem:s13], [sflag:$0x1] =	stream.indirect_vreg.gather [hbm4b:s5+s2], $0x80, v4, vm0, $0xb8;
	[tilespmem:$0x18800] =	vst v63  }
0x172: {  	s13 =	simm.s32 $0x1800  }
0x173: {  	[tilespmem:s13], [sflag:$0x1] =	stream.indirect_vreg.gather [hbm4b:s6+s2], $0x80, v4, vm0, $0xb8;
	[tilespmem:$0x18800] =	vst v63  }
0x174: {  	s13 =	simm.s32 $0x2000  }
0x175: {  	[tilespmem:s13], [sflag:$0x1] =	stream.indirect_vreg.gather [hbm4b:s4+s2], $0x80, v3, vm0, $0xb8;
	[tilespmem:$0x18800] =	vst v63  }
0x176: {  	s13 =	simm.s32 $0x2800  }
0x177: {  	[tilespmem:s13], [sflag:$0x1] =	stream.indirect_vreg.gather [hbm4b:s5+s2], $0x80, v3, vm0, $0xb8;
	[tilespmem:$0x18800] =	vst v63  }
0x178: {  	s13 =	simm.s32 $0x3000  }
0x179: {  	[tilespmem:s13], [sflag:$0x1] =	stream.indirect_vreg.gather [hbm4b:s6+s2], $0x80, v3, vm0, $0xb8;
	[tilespmem:$0x18800] =	vst v63  }
0x17a: {  	v3 =	vld [tilespmem:$0x210];
	_ =	sdelay $0x4  }
0x17b: {  	v33 =	vshrl.u32 v3, $0x3  }
0x17c: {  	v4 =	vmul.u32 $0x30, v33  }
0x17d: {  	v3 =	vand.u32 $0x7, v3  }
0x17e: {  	v3 =	vor.u32 v3, v4  }
0x17f: {  	v4 =	vperm.xlane v3, v0;
	_ =	sdelay $0x1  }
0x180: {  	v4 =	vadd.s32 v1, v4;
	_ =	sdelay $0x3  }
0x181: {  	s13 =	simm.s32 $0x3800;
	v3 =	vperm.xlane v3, v2  }
0x182: {  	[tilespmem:s13], [sflag:$0x1] =	stream.indirect_vreg.gather [hbm4b:s4+s2], $0x80, v4, vm0, $0xb8;
	[tilespmem:$0x18800] =	vst v63  }
0x183: {  	v3 =	vadd.s32 v1, v3;
	s13 =	simm.s32 $0x4000  }
0x184: {  	[tilespmem:s13], [sflag:$0x1] =	stream.indirect_vreg.gather [hbm4b:s5+s2], $0x80, v4, vm0, $0xb8;
	[tilespmem:$0x18800] =	vst v63  }
0x185: {  	s13 =	simm.s32 $0x4800  }
0x186: {  	[tilespmem:s13], [sflag:$0x1] =	stream.indirect_vreg.gather [hbm4b:s6+s2], $0x80, v4, vm0, $0xb8;
	[tilespmem:$0x18800] =	vst v63  }
0x187: {  	s13 =	simm.s32 $0x5000  }
0x188: {  	[tilespmem:s13], [sflag:$0x1] =	stream.indirect_vreg.gather [hbm4b:s4+s2], $0x80, v3, vm0, $0xb8;
	[tilespmem:$0x18800] =	vst v63  }
0x189: {  	_ = 	snop  }
0x18a: {  	[tilespmem:s28], [sflag:$0x1] =	stream.indirect_vreg.gather [hbm4b:s5+s2], $0x80, v3, vm0, $0xb8;
	[tilespmem:$0x18800] =	vst v63  }
0x18b: {  	s13 =	simm.s32 $0x6000  }
0x18c: {  	[tilespmem:s13], [sflag:$0x1] =	stream.indirect_vreg.gather [hbm4b:s6+s2], $0x80, v3, vm0, $0xb8;
	[tilespmem:$0x18800] =	vst v63  }
0x18d: {  	v3 =	vld [tilespmem:$0x220];
	_ =	sdelay $0x4  }
0x18e: {  	v34 =	vshrl.u32 v3, $0x3  }
0x18f: {  	v4 =	vmul.u32 $0x30, v34  }
0x190: {  	v3 =	vand.u32 $0x7, v3  }
0x191: {  	v3 =	vor.u32 v3, v4  }
0x192: {  	v4 =	vperm.xlane v3, v0;
	_ =	sdelay $0x1  }
0x193: {  	v4 =	vadd.s32 v1, v4;
	_ =	sdelay $0x3  }
0x194: {  	s28 =	simm.s32 $0x6800;
	v3 =	vperm.xlane v3, v2  }
0x195: {  	[tilespmem:s28], [sflag:$0x1] =	stream.indirect_vreg.gather [hbm4b:s4+s2], $0x80, v4, vm0, $0xb8;
	[tilespmem:$0x18800] =	vst v63  }
0x196: {  	v3 =	vadd.s32 v1, v3  }
0x197: {  	[tilespmem:s30], [sflag:$0x1] =	stream.indirect_vreg.gather [hbm4b:s5+s2], $0x80, v4, vm0, $0xb8;
	[tilespmem:$0x18800] =	vst v63  }
0x198: {  	_ = 	snop  }
0x199: {  	[tilespmem:s31], [sflag:$0x1] =	stream.indirect_vreg.gather [hbm4b:s6+s2], $0x80, v4, vm0, $0xb8;
	[tilespmem:$0x18800] =	vst v63  }
0x19a: {  	_ = 	snop  }
0x19b: {  	[tilespmem:s29], [sflag:$0x1] =	stream.indirect_vreg.gather [hbm4b:s4+s2], $0x80, v3, vm0, $0xb8;
	[tilespmem:$0x18800] =	vst v63  }
0x19c: {  	s29 =	simm.s32 $0x8800  }
0x19d: {  	[tilespmem:s29], [sflag:$0x1] =	stream.indirect_vreg.gather [hbm4b:s5+s2], $0x80, v3, vm0, $0xb8;
	[tilespmem:$0x18800] =	vst v63  }
0x19e: {  	s29 =	simm.s32 $0x9000  }
0x19f: {  	[tilespmem:s29], [sflag:$0x1] =	stream.indirect_vreg.gather [hbm4b:s6+s2], $0x80, v3, vm0, $0xb8;
	[tilespmem:$0x18800] =	vst v63  }
0x1a0: {  	v3 =	vld [tilespmem:$0x230];
	_ =	sdelay $0x4  }
0x1a1: {  	v35 =	vshrl.u32 v3, $0x3  }
0x1a2: {  	v4 =	vmul.u32 $0x30, v35  }
0x1a3: {  	v3 =	vand.u32 $0x7, v3  }
0x1a4: {  	v3 =	vor.u32 v3, v4  }
0x1a5: {  	v4 =	vperm.xlane v3, v0;
	_ =	sdelay $0x1  }
0x1a6: {  	v4 =	vadd.s32 v1, v4;
	_ =	sdelay $0x3  }
0x1a7: {  	s28 =	simm.s32 $0x9800;
	v3 =	vperm.xlane v3, v2  }
0x1a8: {  	[tilespmem:s28], [sflag:$0x1] =	stream.indirect_vreg.gather [hbm4b:s4+s2], $0x80, v4, vm0, $0xb8;
	[tilespmem:$0x18800] =	vst v63  }
0x1a9: {  	v3 =	vadd.s32 v1, v3  }
0x1aa: {  	[tilespmem:s14], [sflag:$0x1] =	stream.indirect_vreg.gather [hbm4b:s5+s2], $0x80, v4, vm0, $0xb8;
	[tilespmem:$0x18800] =	vst v63  }
0x1ab: {  	_ = 	snop  }
0x1ac: {  	[tilespmem:s7], [sflag:$0x1] =	stream.indirect_vreg.gather [hbm4b:s6+s2], $0x80, v4, vm0, $0xb8;
	[tilespmem:$0x18800] =	vst v63  }
0x1ad: {  	_ = 	snop  }
0x1ae: {  	[tilespmem:s8], [sflag:$0x1] =	stream.indirect_vreg.gather [hbm4b:s4+s2], $0x80, v3, vm0, $0xb8;
	[tilespmem:$0x18800] =	vst v63  }
0x1af: {  	s8 =	simm.s32 $0xB800  }
0x1b0: {  	[tilespmem:s8], [sflag:$0x1] =	stream.indirect_vreg.gather [hbm4b:s5+s2], $0x80, v3, vm0, $0xb8;
	[tilespmem:$0x18800] =	vst v63  }
0x1b1: {  	s31 =	simm.s32 $0xC000  }
0x1b2: {  	[tilespmem:s31], [sflag:$0x1] =	stream.indirect_vreg.gather [hbm4b:s6+s2], $0x80, v3, vm0, $0xb8;
	[tilespmem:$0x18800] =	vst v63  }
0x1b3: {  	s30 =	rddreg [dreg:$0x5];
	s7 =	simm.s32 $0xC800  }
0x1b4: {  	[hbm4b:s30+s2] =	stream.linear.scatter [tilespmem:s7], [sflag:$0x4], $0xC000, $0x38;
	[tilespmem:$0x18800] =	vst v63  }
0x1b5: {  	_ =	swait.ge [sflag:s3], $0xC000  }
0x1b6: {  	[sflag:s3] =	ssyncset.done $0x0  }
0x1b7: {  	[sflag:s3] =	ssyncadd.s32 $0xFFFF4000  }
0x1b8: {  	_ =	swait.ge [sflag:s12], $0xC000  }
0x1b9: {  	[sflag:s12] =	ssyncset.done $0x0  }
0x1ba: {  	[sflag:s12] =	ssyncadd.s32 $0xFFFF4000  }
0x1bb: {  	v3 =	vld [tilespmem:$0x280];
	_ =	sdelay $0x4  }
0x1bc: {  	v36 =	vshrl.u32 v3, $0x3  }
0x1bd: {  	v4 =	vmul.u32 $0x30, v36  }
0x1be: {  	v3 =	vand.u32 $0x7, v3  }
0x1bf: {  	v3 =	vor.u32 v3, v4  }
0x1c0: {  	v4 =	vperm.xlane v3, v0;
	_ =	sdelay $0x1  }
0x1c1: {  	v4 =	vadd.s32 v1, v4;
	_ =	sdelay $0x3  }
0x1c2: {  	v3 =	vperm.xlane v3, v2  }
0x1c3: {  	[tilespmem:s7], [sflag:$0x2] =	stream.indirect_vreg.gather [hbm4b:s4+s2], $0x80, v4, vm0, $0xb8;
	[tilespmem:$0x18800] =	vst v63  }
0x1c4: {  	s14 =	simm.s32 $0xD000;
	v3 =	vadd.s32 v1, v3  }
0x1c5: {  	[tilespmem:s14], [sflag:$0x2] =	stream.indirect_vreg.gather [hbm4b:s5+s2], $0x80, v4, vm0, $0xb8;
	[tilespmem:$0x18800] =	vst v63  }
0x1c6: {  	_ = 	snop  }
0x1c7: {  	[tilespmem:s1], [sflag:$0x2] =	stream.indirect_vreg.gather [hbm4b:s6+s2], $0x80, v4, vm0, $0xb8;
	[tilespmem:$0x18800] =	vst v63  }
0x1c8: {  	_ = 	snop  }
0x1c9: {  	[tilespmem:s9], [sflag:$0x2] =	stream.indirect_vreg.gather [hbm4b:s4+s2], $0x80, v3, vm0, $0xb8;
	[tilespmem:$0x18800] =	vst v63  }
0x1ca: {  	_ = 	snop  }
0x1cb: {  	[tilespmem:s15], [sflag:$0x2] =	stream.indirect_vreg.gather [hbm4b:s5+s2], $0x80, v3, vm0, $0xb8;
	[tilespmem:$0x18800] =	vst v63  }
0x1cc: {  	s9 =	simm.s32 $0xF000  }
0x1cd: {  	[tilespmem:s9], [sflag:$0x2] =	stream.indirect_vreg.gather [hbm4b:s6+s2], $0x80, v3, vm0, $0xb8;
	[tilespmem:$0x18800] =	vst v63  }
0x1ce: {  	v3 =	vld [tilespmem:$0x290];
	_ =	sdelay $0x4  }
0x1cf: {  	v37 =	vshrl.u32 v3, $0x3  }
0x1d0: {  	v4 =	vmul.u32 $0x30, v37  }
0x1d1: {  	v3 =	vand.u32 $0x7, v3  }
0x1d2: {  	v3 =	vor.u32 v3, v4  }
0x1d3: {  	v4 =	vperm.xlane v3, v0;
	_ =	sdelay $0x1  }
0x1d4: {  	v4 =	vadd.s32 v1, v4;
	_ =	sdelay $0x3  }
0x1d5: {  	s15 =	simm.s32 $0xF800;
	v3 =	vperm.xlane v3, v2  }
0x1d6: {  	[tilespmem:s15], [sflag:$0x2] =	stream.indirect_vreg.gather [hbm4b:s4+s2], $0x80, v4, vm0, $0xb8;
	[tilespmem:$0x18800] =	vst v63  }
0x1d7: {  	v3 =	vadd.s32 v1, v3  }
0x1d8: {  	[tilespmem:s16], [sflag:$0x2] =	stream.indirect_vreg.gather [hbm4b:s5+s2], $0x80, v4, vm0, $0xb8;
	[tilespmem:$0x18800] =	vst v63  }
0x1d9: {  	_ = 	snop  }
0x1da: {  	[tilespmem:s17], [sflag:$0x2] =	stream.indirect_vreg.gather [hbm4b:s6+s2], $0x80, v4, vm0, $0xb8;
	[tilespmem:$0x18800] =	vst v63  }
0x1db: {  	_ = 	snop  }
0x1dc: {  	[tilespmem:s18], [sflag:$0x2] =	stream.indirect_vreg.gather [hbm4b:s4+s2], $0x80, v3, vm0, $0xb8;
	[tilespmem:$0x18800] =	vst v63  }
0x1dd: {  	_ = 	snop  }
0x1de: {  	[tilespmem:s19], [sflag:$0x2] =	stream.indirect_vreg.gather [hbm4b:s5+s2], $0x80, v3, vm0, $0xb8;
	[tilespmem:$0x18800] =	vst v63  }
0x1df: {  	s15 =	simm.s32 $0x12000  }
0x1e0: {  	[tilespmem:s15], [sflag:$0x2] =	stream.indirect_vreg.gather [hbm4b:s6+s2], $0x80, v3, vm0, $0xb8;
	[tilespmem:$0x18800] =	vst v63  }
0x1e1: {  	v3 =	vld [tilespmem:$0x2A0];
	_ =	sdelay $0x4  }
0x1e2: {  	v38 =	vshrl.u32 v3, $0x3  }
0x1e3: {  	v4 =	vmul.u32 $0x30, v38  }
0x1e4: {  	v3 =	vand.u32 $0x7, v3  }
0x1e5: {  	v3 =	vor.u32 v3, v4  }
0x1e6: {  	v4 =	vperm.xlane v3, v0;
	_ =	sdelay $0x1  }
0x1e7: {  	v4 =	vadd.s32 v1, v4;
	_ =	sdelay $0x3  }
0x1e8: {  	s16 =	simm.s32 $0x12800;
	v3 =	vperm.xlane v3, v2  }
0x1e9: {  	[tilespmem:s16], [sflag:$0x2] =	stream.indirect_vreg.gather [hbm4b:s4+s2], $0x80, v4, vm0, $0xb8;
	[tilespmem:$0x18800] =	vst v63  }
0x1ea: {  	v3 =	vadd.s32 v1, v3  }
0x1eb: {  	[tilespmem:s20], [sflag:$0x2] =	stream.indirect_vreg.gather [hbm4b:s5+s2], $0x80, v4, vm0, $0xb8;
	[tilespmem:$0x18800] =	vst v63  }
0x1ec: {  	_ = 	snop  }
0x1ed: {  	[tilespmem:s21], [sflag:$0x2] =	stream.indirect_vreg.gather [hbm4b:s6+s2], $0x80, v4, vm0, $0xb8;
	[tilespmem:$0x18800] =	vst v63  }
0x1ee: {  	_ = 	snop  }
0x1ef: {  	[tilespmem:s22], [sflag:$0x2] =	stream.indirect_vreg.gather [hbm4b:s4+s2], $0x80, v3, vm0, $0xb8;
	[tilespmem:$0x18800] =	vst v63  }
0x1f0: {  	_ = 	snop  }
0x1f1: {  	[tilespmem:s23], [sflag:$0x2] =	stream.indirect_vreg.gather [hbm4b:s5+s2], $0x80, v3, vm0, $0xb8;
	[tilespmem:$0x18800] =	vst v63  }
0x1f2: {  	s17 =	simm.s32 $0x15000  }
0x1f3: {  	[tilespmem:s17], [sflag:$0x2] =	stream.indirect_vreg.gather [hbm4b:s6+s2], $0x80, v3, vm0, $0xb8;
	[tilespmem:$0x18800] =	vst v63  }
0x1f4: {  	v3 =	vld [tilespmem:$0x2B0];
	_ =	sdelay $0x4  }
0x1f5: {  	v39 =	vshrl.u32 v3, $0x3  }
0x1f6: {  	v4 =	vmul.u32 $0x30, v39  }
0x1f7: {  	v3 =	vand.u32 $0x7, v3  }
0x1f8: {  	v3 =	vor.u32 v3, v4  }
0x1f9: {  	v4 =	vperm.xlane v3, v0;
	_ =	sdelay $0x1  }
0x1fa: {  	v4 =	vadd.s32 v1, v4;
	_ =	sdelay $0x3  }
0x1fb: {  	s18 =	simm.s32 $0x15800;
	v3 =	vperm.xlane v3, v2  }
0x1fc: {  	[tilespmem:s18], [sflag:$0x2] =	stream.indirect_vreg.gather [hbm4b:s4+s2], $0x80, v4, vm0, $0xb8;
	[tilespmem:$0x18800] =	vst v63  }
0x1fd: {  	v3 =	vadd.s32 v1, v3  }
0x1fe: {  	[tilespmem:s24], [sflag:$0x2] =	stream.indirect_vreg.gather [hbm4b:s5+s2], $0x80, v4, vm0, $0xb8;
	[tilespmem:$0x18800] =	vst v63  }
0x1ff: {  	_ = 	snop  }
0x200: {  	[tilespmem:s25], [sflag:$0x2] =	stream.indirect_vreg.gather [hbm4b:s6+s2], $0x80, v4, vm0, $0xb8;
	[tilespmem:$0x18800] =	vst v63  }
0x201: {  	_ = 	snop  }
0x202: {  	[tilespmem:s26], [sflag:$0x2] =	stream.indirect_vreg.gather [hbm4b:s4+s2], $0x80, v3, vm0, $0xb8;
	[tilespmem:$0x18800] =	vst v63  }
0x203: {  	s14 =	simm.s32 $0x17800  }
0x204: {  	[tilespmem:s14], [sflag:$0x2] =	stream.indirect_vreg.gather [hbm4b:s5+s2], $0x80, v3, vm0, $0xb8;
	[tilespmem:$0x18800] =	vst v63  }
0x205: {  	s31 =	simm.s32 $0x18000  }
0x206: {  	[tilespmem:s31], [sflag:$0x2] =	stream.indirect_vreg.gather [hbm4b:s6+s2], $0x80, v3, vm0, $0xb8;
	[tilespmem:$0x18800] =	vst v63  }
0x207: {  	s0 =	simm.s32 $0x800;
	s30 =	rddreg [dreg:$0x6]  }
0x208: {  	[hbm4b:s30+s2] =	stream.linear.scatter [tilespmem:s0], [sflag:$0x3], $0xC000, $0x38;
	[tilespmem:$0x18800] =	vst v63  }
0x209: {  	_ =	swait.ge [sflag:s10], $0xC000  }
0x20a: {  	[sflag:s10] =	ssyncset.done $0x0  }
0x20b: {  	[sflag:s10] =	ssyncadd.s32 $0xFFFF4000  }
0x20c: {  	_ =	swait.ge [sflag:s11], $0xC000  }
0x20d: {  	[sflag:s11] =	ssyncset.done $0x0  }
0x20e: {  	[sflag:s11] =	ssyncadd.s32 $0xFFFF4000  }
0x20f: {  	v3 =	vld [tilespmem:$0x300];
	_ =	sdelay $0x4  }
0x210: {  	v40 =	vshrl.u32 v3, $0x3  }
0x211: {  	v4 =	vmul.u32 $0x30, v40  }
0x212: {  	v3 =	vand.u32 $0x7, v3  }
0x213: {  	v3 =	vor.u32 v3, v4  }
0x214: {  	v4 =	vperm.xlane v3, v0;
	_ =	sdelay $0x1  }
0x215: {  	v4 =	vadd.s32 v1, v4;
	_ =	sdelay $0x3  }
0x216: {  	v3 =	vperm.xlane v3, v2  }
0x217: {  	[tilespmem:s0], [sflag:$0x1] =	stream.indirect_vreg.gather [hbm4b:s4+s2], $0x80, v4, vm0, $0xb8;
	[tilespmem:$0x18800] =	vst v63  }
0x218: {  	s19 =	simm.s32 $0x1000;
	v3 =	vadd.s32 v1, v3  }
0x219: {  	[tilespmem:s19], [sflag:$0x1] =	stream.indirect_vreg.gather [hbm4b:s5+s2], $0x80, v4, vm0, $0xb8;
	[tilespmem:$0x18800] =	vst v63  }
0x21a: {  	s20 =	simm.s32 $0x1800  }
0x21b: {  	[tilespmem:s20], [sflag:$0x1] =	stream.indirect_vreg.gather [hbm4b:s6+s2], $0x80, v4, vm0, $0xb8;
	[tilespmem:$0x18800] =	vst v63  }
0x21c: {  	s21 =	simm.s32 $0x2000  }
0x21d: {  	[tilespmem:s21], [sflag:$0x1] =	stream.indirect_vreg.gather [hbm4b:s4+s2], $0x80, v3, vm0, $0xb8;
	[tilespmem:$0x18800] =	vst v63  }
0x21e: {  	s22 =	simm.s32 $0x2800  }
0x21f: {  	[tilespmem:s22], [sflag:$0x1] =	stream.indirect_vreg.gather [hbm4b:s5+s2], $0x80, v3, vm0, $0xb8;
	[tilespmem:$0x18800] =	vst v63  }
0x220: {  	s30 =	simm.s32 $0x3000  }
0x221: {  	[tilespmem:s30], [sflag:$0x1] =	stream.indirect_vreg.gather [hbm4b:s6+s2], $0x80, v3, vm0, $0xb8;
	[tilespmem:$0x18800] =	vst v63  }
0x222: {  	v3 =	vld [tilespmem:$0x310];
	_ =	sdelay $0x4  }
0x223: {  	v41 =	vshrl.u32 v3, $0x3  }
0x224: {  	v4 =	vmul.u32 $0x30, v41  }
0x225: {  	v3 =	vand.u32 $0x7, v3  }
0x226: {  	v3 =	vor.u32 v3, v4  }
0x227: {  	v4 =	vperm.xlane v3, v0;
	_ =	sdelay $0x1  }
0x228: {  	v4 =	vadd.s32 v1, v4;
	_ =	sdelay $0x3  }
0x229: {  	s31 =	simm.s32 $0x3800;
	v3 =	vperm.xlane v3, v2  }
0x22a: {  	[tilespmem:s31], [sflag:$0x1] =	stream.indirect_vreg.gather [hbm4b:s4+s2], $0x80, v4, vm0, $0xb8;
	[tilespmem:$0x18800] =	vst v63  }
0x22b: {  	s23 =	simm.s32 $0x4000;
	v3 =	vadd.s32 v1, v3  }
0x22c: {  	[tilespmem:s23], [sflag:$0x1] =	stream.indirect_vreg.gather [hbm4b:s5+s2], $0x80, v4, vm0, $0xb8;
	[tilespmem:$0x18800] =	vst v63  }
0x22d: {  	s24 =	simm.s32 $0x4800  }
0x22e: {  	[tilespmem:s24], [sflag:$0x1] =	stream.indirect_vreg.gather [hbm4b:s6+s2], $0x80, v4, vm0, $0xb8;
	[tilespmem:$0x18800] =	vst v63  }
0x22f: {  	s25 =	simm.s32 $0x5000  }
0x230: {  	[tilespmem:s25], [sflag:$0x1] =	stream.indirect_vreg.gather [hbm4b:s4+s2], $0x80, v3, vm0, $0xb8;
	[tilespmem:$0x18800] =	vst v63  }
0x231: {  	s1 =	simm.s32 $0x5800  }
0x232: {  	[tilespmem:s1], [sflag:$0x1] =	stream.indirect_vreg.gather [hbm4b:s5+s2], $0x80, v3, vm0, $0xb8;
	[tilespmem:$0x18800] =	vst v63  }
0x233: {  	s13 =	simm.s32 $0x6000  }
0x234: {  	[tilespmem:s13], [sflag:$0x1] =	stream.indirect_vreg.gather [hbm4b:s6+s2], $0x80, v3, vm0, $0xb8;
	[tilespmem:$0x18800] =	vst v63  }
0x235: {  	v3 =	vld [tilespmem:$0x320];
	_ =	sdelay $0x4  }
0x236: {  	v42 =	vshrl.u32 v3, $0x3  }
0x237: {  	v4 =	vmul.u32 $0x30, v42  }
0x238: {  	v3 =	vand.u32 $0x7, v3  }
0x239: {  	v3 =	vor.u32 v3, v4  }
0x23a: {  	v4 =	vperm.xlane v3, v0;
	_ =	sdelay $0x1  }
0x23b: {  	v4 =	vadd.s32 v1, v4;
	_ =	sdelay $0x3  }
0x23c: {  	s26 =	simm.s32 $0x6800;
	v3 =	vperm.xlane v3, v2  }
0x23d: {  	[tilespmem:s26], [sflag:$0x1] =	stream.indirect_vreg.gather [hbm4b:s4+s2], $0x80, v4, vm0, $0xb8;
	[tilespmem:$0x18800] =	vst v63  }
0x23e: {  	s1 =	simm.s32 $0x7000;
	v3 =	vadd.s32 v1, v3  }
0x23f: {  	[tilespmem:s1], [sflag:$0x1] =	stream.indirect_vreg.gather [hbm4b:s5+s2], $0x80, v4, vm0, $0xb8;
	[tilespmem:$0x18800] =	vst v63  }
0x240: {  	s13 =	simm.s32 $0x7800  }
0x241: {  	[tilespmem:s13], [sflag:$0x1] =	stream.indirect_vreg.gather [hbm4b:s6+s2], $0x80, v4, vm0, $0xb8;
	[tilespmem:$0x18800] =	vst v63  }
0x242: {  	s26 =	simm.s32 $0x8000  }
0x243: {  	[tilespmem:s26], [sflag:$0x1] =	stream.indirect_vreg.gather [hbm4b:s4+s2], $0x80, v3, vm0, $0xb8;
	[tilespmem:$0x18800] =	vst v63  }
0x244: {  	s26 =	simm.s32 $0x8800  }
0x245: {  	[tilespmem:s26], [sflag:$0x1] =	stream.indirect_vreg.gather [hbm4b:s5+s2], $0x80, v3, vm0, $0xb8;
	[tilespmem:$0x18800] =	vst v63  }
0x246: {  	_ = 	snop  }
0x247: {  	[tilespmem:s29], [sflag:$0x1] =	stream.indirect_vreg.gather [hbm4b:s6+s2], $0x80, v3, vm0, $0xb8;
	[tilespmem:$0x18800] =	vst v63  }
0x248: {  	v3 =	vld [tilespmem:$0x330];
	_ =	sdelay $0x4  }
0x249: {  	v43 =	vshrl.u32 v3, $0x3  }
0x24a: {  	v4 =	vmul.u32 $0x30, v43  }
0x24b: {  	v3 =	vand.u32 $0x7, v3  }
0x24c: {  	v3 =	vor.u32 v3, v4  }
0x24d: {  	v4 =	vperm.xlane v3, v0;
	_ =	sdelay $0x1  }
0x24e: {  	v4 =	vadd.s32 v1, v4;
	_ =	sdelay $0x3  }
0x24f: {  	v3 =	vperm.xlane v3, v2  }
0x250: {  	[tilespmem:s28], [sflag:$0x1] =	stream.indirect_vreg.gather [hbm4b:s4+s2], $0x80, v4, vm0, $0xb8;
	[tilespmem:$0x18800] =	vst v63  }
0x251: {  	s1 =	simm.s32 $0xA000;
	v3 =	vadd.s32 v1, v3  }
0x252: {  	[tilespmem:s1], [sflag:$0x1] =	stream.indirect_vreg.gather [hbm4b:s5+s2], $0x80, v4, vm0, $0xb8;
	[tilespmem:$0x18800] =	vst v63  }
0x253: {  	s13 =	simm.s32 $0xA800  }
0x254: {  	[tilespmem:s13], [sflag:$0x1] =	stream.indirect_vreg.gather [hbm4b:s6+s2], $0x80, v4, vm0, $0xb8;
	[tilespmem:$0x18800] =	vst v63  }
0x255: {  	s28 =	simm.s32 $0xB000  }
0x256: {  	[tilespmem:s28], [sflag:$0x1] =	stream.indirect_vreg.gather [hbm4b:s4+s2], $0x80, v3, vm0, $0xb8;
	[tilespmem:$0x18800] =	vst v63  }
0x257: {  	_ = 	snop  }
0x258: {  	[tilespmem:s8], [sflag:$0x1] =	stream.indirect_vreg.gather [hbm4b:s5+s2], $0x80, v3, vm0, $0xb8;
	[tilespmem:$0x18800] =	vst v63  }
0x259: {  	s7 =	simm.s32 $0xC000  }
0x25a: {  	[tilespmem:s7], [sflag:$0x1] =	stream.indirect_vreg.gather [hbm4b:s6+s2], $0x80, v3, vm0, $0xb8;
	[tilespmem:$0x18800] =	vst v63  }
0x25b: {  	s29 =	rddreg [dreg:$0x7];
	s1 =	simm.s32 $0xC800  }
0x25c: {  	[hbm4b:s29+s2] =	stream.linear.scatter [tilespmem:s1], [sflag:$0x4], $0xC000, $0x38;
	[tilespmem:$0x18800] =	vst v63  }
0x25d: {  	_ =	swait.ge [sflag:s3], $0xC000  }
0x25e: {  	[sflag:s3] =	ssyncset.done $0x0  }
0x25f: {  	[sflag:s3] =	ssyncadd.s32 $0xFFFF4000  }
0x260: {  	_ =	swait.ge [sflag:s12], $0xC000  }
0x261: {  	[sflag:s12] =	ssyncset.done $0x0  }
0x262: {  	[sflag:s12] =	ssyncadd.s32 $0xFFFF4000  }
0x263: {  	v3 =	vld [tilespmem:$0x380];
	_ =	sdelay $0x4  }
0x264: {  	v44 =	vshrl.u32 v3, $0x3  }
0x265: {  	v4 =	vmul.u32 $0x30, v44  }
0x266: {  	v3 =	vand.u32 $0x7, v3  }
0x267: {  	v3 =	vor.u32 v3, v4  }
0x268: {  	v4 =	vperm.xlane v3, v0;
	_ =	sdelay $0x1  }
0x269: {  	v4 =	vadd.s32 v1, v4;
	_ =	sdelay $0x3  }
0x26a: {  	v3 =	vperm.xlane v3, v2  }
0x26b: {  	[tilespmem:s1], [sflag:$0x2] =	stream.indirect_vreg.gather [hbm4b:s4+s2], $0x80, v4, vm0, $0xb8;
	[tilespmem:$0x18800] =	vst v63  }
0x26c: {  	s8 =	simm.s32 $0xD000;
	v3 =	vadd.s32 v1, v3  }
0x26d: {  	[tilespmem:s8], [sflag:$0x2] =	stream.indirect_vreg.gather [hbm4b:s5+s2], $0x80, v4, vm0, $0xb8;
	[tilespmem:$0x18800] =	vst v63  }
0x26e: {  	s28 =	simm.s32 $0xD800  }
0x26f: {  	[tilespmem:s28], [sflag:$0x2] =	stream.indirect_vreg.gather [hbm4b:s6+s2], $0x80, v4, vm0, $0xb8;
	[tilespmem:$0x18800] =	vst v63  }
0x270: {  	s29 =	simm.s32 $0xE000  }
0x271: {  	[tilespmem:s29], [sflag:$0x2] =	stream.indirect_vreg.gather [hbm4b:s4+s2], $0x80, v3, vm0, $0xb8;
	[tilespmem:$0x18800] =	vst v63  }
0x272: {  	s13 =	simm.s32 $0xE800  }
0x273: {  	[tilespmem:s13], [sflag:$0x2] =	stream.indirect_vreg.gather [hbm4b:s5+s2], $0x80, v3, vm0, $0xb8;
	[tilespmem:$0x18800] =	vst v63  }
0x274: {  	_ = 	snop  }
0x275: {  	[tilespmem:s9], [sflag:$0x2] =	stream.indirect_vreg.gather [hbm4b:s6+s2], $0x80, v3, vm0, $0xb8;
	[tilespmem:$0x18800] =	vst v63  }
0x276: {  	v3 =	vld [tilespmem:$0x390];
	_ =	sdelay $0x4  }
0x277: {  	v45 =	vshrl.u32 v3, $0x3  }
0x278: {  	v4 =	vmul.u32 $0x30, v45  }
0x279: {  	v3 =	vand.u32 $0x7, v3  }
0x27a: {  	v3 =	vor.u32 v3, v4  }
0x27b: {  	v4 =	vperm.xlane v3, v0;
	_ =	sdelay $0x1  }
0x27c: {  	v4 =	vadd.s32 v1, v4;
	_ =	sdelay $0x3  }
0x27d: {  	s13 =	simm.s32 $0xF800;
	v3 =	vperm.xlane v3, v2  }
0x27e: {  	[tilespmem:s13], [sflag:$0x2] =	stream.indirect_vreg.gather [hbm4b:s4+s2], $0x80, v4, vm0, $0xb8;
	[tilespmem:$0x18800] =	vst v63  }
0x27f: {  	s9 =	simm.s32 $0x10000;
	v3 =	vadd.s32 v1, v3  }
0x280: {  	[tilespmem:s9], [sflag:$0x2] =	stream.indirect_vreg.gather [hbm4b:s5+s2], $0x80, v4, vm0, $0xb8;
	[tilespmem:$0x18800] =	vst v63  }
0x281: {  	s13 =	simm.s32 $0x10800  }
0x282: {  	[tilespmem:s13], [sflag:$0x2] =	stream.indirect_vreg.gather [hbm4b:s6+s2], $0x80, v4, vm0, $0xb8;
	[tilespmem:$0x18800] =	vst v63  }
0x283: {  	s13 =	simm.s32 $0x11000  }
0x284: {  	[tilespmem:s13], [sflag:$0x2] =	stream.indirect_vreg.gather [hbm4b:s4+s2], $0x80, v3, vm0, $0xb8;
	[tilespmem:$0x18800] =	vst v63  }
0x285: {  	s13 =	simm.s32 $0x11800  }
0x286: {  	[tilespmem:s13], [sflag:$0x2] =	stream.indirect_vreg.gather [hbm4b:s5+s2], $0x80, v3, vm0, $0xb8;
	[tilespmem:$0x18800] =	vst v63  }
0x287: {  	_ = 	snop  }
0x288: {  	[tilespmem:s15], [sflag:$0x2] =	stream.indirect_vreg.gather [hbm4b:s6+s2], $0x80, v3, vm0, $0xb8;
	[tilespmem:$0x18800] =	vst v63  }
0x289: {  	v3 =	vld [tilespmem:$0x3A0];
	_ =	sdelay $0x4  }
0x28a: {  	v46 =	vshrl.u32 v3, $0x3  }
0x28b: {  	v4 =	vmul.u32 $0x30, v46  }
0x28c: {  	v3 =	vand.u32 $0x7, v3  }
0x28d: {  	v3 =	vor.u32 v3, v4  }
0x28e: {  	v4 =	vperm.xlane v3, v0;
	_ =	sdelay $0x1  }
0x28f: {  	v4 =	vadd.s32 v1, v4;
	_ =	sdelay $0x3  }
0x290: {  	v3 =	vperm.xlane v3, v2  }
0x291: {  	[tilespmem:s16], [sflag:$0x2] =	stream.indirect_vreg.gather [hbm4b:s4+s2], $0x80, v4, vm0, $0xb8;
	[tilespmem:$0x18800] =	vst v63  }
0x292: {  	s15 =	simm.s32 $0x13000;
	v3 =	vadd.s32 v1, v3  }
0x293: {  	[tilespmem:s15], [sflag:$0x2] =	stream.indirect_vreg.gather [hbm4b:s5+s2], $0x80, v4, vm0, $0xb8;
	[tilespmem:$0x18800] =	vst v63  }
0x294: {  	s16 =	simm.s32 $0x13800  }
0x295: {  	[tilespmem:s16], [sflag:$0x2] =	stream.indirect_vreg.gather [hbm4b:s6+s2], $0x80, v4, vm0, $0xb8;
	[tilespmem:$0x18800] =	vst v63  }
0x296: {  	s13 =	simm.s32 $0x14000  }
0x297: {  	[tilespmem:s13], [sflag:$0x2] =	stream.indirect_vreg.gather [hbm4b:s4+s2], $0x80, v3, vm0, $0xb8;
	[tilespmem:$0x18800] =	vst v63  }
0x298: {  	s13 =	simm.s32 $0x14800  }
0x299: {  	[tilespmem:s13], [sflag:$0x2] =	stream.indirect_vreg.gather [hbm4b:s5+s2], $0x80, v3, vm0, $0xb8;
	[tilespmem:$0x18800] =	vst v63  }
0x29a: {  	_ = 	snop  }
0x29b: {  	[tilespmem:s17], [sflag:$0x2] =	stream.indirect_vreg.gather [hbm4b:s6+s2], $0x80, v3, vm0, $0xb8;
	[tilespmem:$0x18800] =	vst v63  }
0x29c: {  	v3 =	vld [tilespmem:$0x3B0];
	_ =	sdelay $0x4  }
0x29d: {  	v47 =	vshrl.u32 v3, $0x3  }
0x29e: {  	v4 =	vmul.u32 $0x30, v47  }
0x29f: {  	v3 =	vand.u32 $0x7, v3  }
0x2a0: {  	v3 =	vor.u32 v3, v4  }
0x2a1: {  	v4 =	vperm.xlane v3, v0;
	_ =	sdelay $0x1  }
0x2a2: {  	v4 =	vadd.s32 v1, v4;
	_ =	sdelay $0x3  }
0x2a3: {  	v3 =	vperm.xlane v3, v2  }
0x2a4: {  	[tilespmem:s18], [sflag:$0x2] =	stream.indirect_vreg.gather [hbm4b:s4+s2], $0x80, v4, vm0, $0xb8;
	[tilespmem:$0x18800] =	vst v63  }
0x2a5: {  	s17 =	simm.s32 $0x16000;
	v3 =	vadd.s32 v1, v3  }
0x2a6: {  	[tilespmem:s17], [sflag:$0x2] =	stream.indirect_vreg.gather [hbm4b:s5+s2], $0x80, v4, vm0, $0xb8;
	[tilespmem:$0x18800] =	vst v63  }
0x2a7: {  	s18 =	simm.s32 $0x16800  }
0x2a8: {  	[tilespmem:s18], [sflag:$0x2] =	stream.indirect_vreg.gather [hbm4b:s6+s2], $0x80, v4, vm0, $0xb8;
	[tilespmem:$0x18800] =	vst v63  }
0x2a9: {  	s13 =	simm.s32 $0x17000  }
0x2aa: {  	[tilespmem:s13], [sflag:$0x2] =	stream.indirect_vreg.gather [hbm4b:s4+s2], $0x80, v3, vm0, $0xb8;
	[tilespmem:$0x18800] =	vst v63  }
0x2ab: {  	_ = 	snop  }
0x2ac: {  	[tilespmem:s14], [sflag:$0x2] =	stream.indirect_vreg.gather [hbm4b:s5+s2], $0x80, v3, vm0, $0xb8;
	[tilespmem:$0x18800] =	vst v63  }
0x2ad: {  	s14 =	simm.s32 $0x18000  }
0x2ae: {  	[tilespmem:s14], [sflag:$0x2] =	stream.indirect_vreg.gather [hbm4b:s6+s2], $0x80, v3, vm0, $0xb8;
	[tilespmem:$0x18800] =	vst v63  }
0x2af: {  	s0 =	simm.s32 $0x800;
	s13 =	rddreg [dreg:$0x8]  }
0x2b0: {  	[hbm4b:s13+s2] =	stream.linear.scatter [tilespmem:s0], [sflag:$0x3], $0xC000, $0x38;
	[tilespmem:$0x18800] =	vst v63  }
0x2b1: {  	_ =	swait.ge [sflag:s10], $0xC000  }
0x2b2: {  	[sflag:s10] =	ssyncset.done $0x0  }
0x2b3: {  	[sflag:s10] =	ssyncadd.s32 $0xFFFF4000  }
0x2b4: {  	_ =	swait.ge [sflag:s11], $0xC000  }
0x2b5: {  	[sflag:s11] =	ssyncset.done $0x0  }
0x2b6: {  	[sflag:s11] =	ssyncadd.s32 $0xFFFF4000  }
0x2b7: {  	v3 =	vld [tilespmem:$0x400];
	_ =	sdelay $0x4  }
0x2b8: {  	v48 =	vshrl.u32 v3, $0x3  }
0x2b9: {  	v4 =	vmul.u32 $0x30, v48  }
0x2ba: {  	v3 =	vand.u32 $0x7, v3  }
0x2bb: {  	v3 =	vor.u32 v3, v4  }
0x2bc: {  	v4 =	vperm.xlane v3, v0;
	_ =	sdelay $0x1  }
0x2bd: {  	v4 =	vadd.s32 v1, v4;
	_ =	sdelay $0x3  }
0x2be: {  	v3 =	vperm.xlane v3, v2  }
0x2bf: {  	[tilespmem:s0], [sflag:$0x1] =	stream.indirect_vreg.gather [hbm4b:s4+s2], $0x80, v4, vm0, $0xb8;
	[tilespmem:$0x18800] =	vst v63  }
0x2c0: {  	v3 =	vadd.s32 v1, v3  }
0x2c1: {  	[tilespmem:s19], [sflag:$0x1] =	stream.indirect_vreg.gather [hbm4b:s5+s2], $0x80, v4, vm0, $0xb8;
	[tilespmem:$0x18800] =	vst v63  }
0x2c2: {  	_ = 	snop  }
0x2c3: {  	[tilespmem:s20], [sflag:$0x1] =	stream.indirect_vreg.gather [hbm4b:s6+s2], $0x80, v4, vm0, $0xb8;
	[tilespmem:$0x18800] =	vst v63  }
0x2c4: {  	_ = 	snop  }
0x2c5: {  	[tilespmem:s21], [sflag:$0x1] =	stream.indirect_vreg.gather [hbm4b:s4+s2], $0x80, v3, vm0, $0xb8;
	[tilespmem:$0x18800] =	vst v63  }
0x2c6: {  	_ = 	snop  }
0x2c7: {  	[tilespmem:s22], [sflag:$0x1] =	stream.indirect_vreg.gather [hbm4b:s5+s2], $0x80, v3, vm0, $0xb8;
	[tilespmem:$0x18800] =	vst v63  }
0x2c8: {  	_ = 	snop  }
0x2c9: {  	[tilespmem:s30], [sflag:$0x1] =	stream.indirect_vreg.gather [hbm4b:s6+s2], $0x80, v3, vm0, $0xb8;
	[tilespmem:$0x18800] =	vst v63  }
0x2ca: {  	v3 =	vld [tilespmem:$0x410];
	_ =	sdelay $0x4  }
0x2cb: {  	v49 =	vshrl.u32 v3, $0x3  }
0x2cc: {  	v4 =	vmul.u32 $0x30, v49  }
0x2cd: {  	v3 =	vand.u32 $0x7, v3  }
0x2ce: {  	v3 =	vor.u32 v3, v4  }
0x2cf: {  	v4 =	vperm.xlane v3, v0;
	_ =	sdelay $0x1  }
0x2d0: {  	v4 =	vadd.s32 v1, v4;
	_ =	sdelay $0x3  }
0x2d1: {  	v3 =	vperm.xlane v3, v2  }
0x2d2: {  	[tilespmem:s31], [sflag:$0x1] =	stream.indirect_vreg.gather [hbm4b:s4+s2], $0x80, v4, vm0, $0xb8;
	[tilespmem:$0x18800] =	vst v63  }
0x2d3: {  	v3 =	vadd.s32 v1, v3  }
0x2d4: {  	[tilespmem:s23], [sflag:$0x1] =	stream.indirect_vreg.gather [hbm4b:s5+s2], $0x80, v4, vm0, $0xb8;
	[tilespmem:$0x18800] =	vst v63  }
0x2d5: {  	_ = 	snop  }
0x2d6: {  	[tilespmem:s24], [sflag:$0x1] =	stream.indirect_vreg.gather [hbm4b:s6+s2], $0x80, v4, vm0, $0xb8;
	[tilespmem:$0x18800] =	vst v63  }
0x2d7: {  	_ = 	snop  }
0x2d8: {  	[tilespmem:s25], [sflag:$0x1] =	stream.indirect_vreg.gather [hbm4b:s4+s2], $0x80, v3, vm0, $0xb8;
	[tilespmem:$0x18800] =	vst v63  }
0x2d9: {  	s13 =	simm.s32 $0x5800  }
0x2da: {  	[tilespmem:s13], [sflag:$0x1] =	stream.indirect_vreg.gather [hbm4b:s5+s2], $0x80, v3, vm0, $0xb8;
	[tilespmem:$0x18800] =	vst v63  }
0x2db: {  	s14 =	simm.s32 $0x6000  }
0x2dc: {  	[tilespmem:s14], [sflag:$0x1] =	stream.indirect_vreg.gather [hbm4b:s6+s2], $0x80, v3, vm0, $0xb8;
	[tilespmem:$0x18800] =	vst v63  }
0x2dd: {  	v3 =	vld [tilespmem:$0x420];
	_ =	sdelay $0x4  }
0x2de: {  	v50 =	vshrl.u32 v3, $0x3  }
0x2df: {  	v4 =	vmul.u32 $0x30, v50  }
0x2e0: {  	v3 =	vand.u32 $0x7, v3  }
0x2e1: {  	v3 =	vor.u32 v3, v4  }
0x2e2: {  	v4 =	vperm.xlane v3, v0;
	_ =	sdelay $0x1  }
0x2e3: {  	v4 =	vadd.s32 v1, v4;
	_ =	sdelay $0x3  }
0x2e4: {  	s13 =	simm.s32 $0x6800;
	v3 =	vperm.xlane v3, v2  }
0x2e5: {  	[tilespmem:s13], [sflag:$0x1] =	stream.indirect_vreg.gather [hbm4b:s4+s2], $0x80, v4, vm0, $0xb8;
	[tilespmem:$0x18800] =	vst v63  }
0x2e6: {  	s14 =	simm.s32 $0x7000;
	v3 =	vadd.s32 v1, v3  }
0x2e7: {  	[tilespmem:s14], [sflag:$0x1] =	stream.indirect_vreg.gather [hbm4b:s5+s2], $0x80, v4, vm0, $0xb8;
	[tilespmem:$0x18800] =	vst v63  }
0x2e8: {  	s13 =	simm.s32 $0x7800  }
0x2e9: {  	[tilespmem:s13], [sflag:$0x1] =	stream.indirect_vreg.gather [hbm4b:s6+s2], $0x80, v4, vm0, $0xb8;
	[tilespmem:$0x18800] =	vst v63  }
0x2ea: {  	s14 =	simm.s32 $0x8000  }
0x2eb: {  	[tilespmem:s14], [sflag:$0x1] =	stream.indirect_vreg.gather [hbm4b:s4+s2], $0x80, v3, vm0, $0xb8;
	[tilespmem:$0x18800] =	vst v63  }
0x2ec: {  	_ = 	snop  }
0x2ed: {  	[tilespmem:s26], [sflag:$0x1] =	stream.indirect_vreg.gather [hbm4b:s5+s2], $0x80, v3, vm0, $0xb8;
	[tilespmem:$0x18800] =	vst v63  }
0x2ee: {  	s13 =	simm.s32 $0x9000  }
0x2ef: {  	[tilespmem:s13], [sflag:$0x1] =	stream.indirect_vreg.gather [hbm4b:s6+s2], $0x80, v3, vm0, $0xb8;
	[tilespmem:$0x18800] =	vst v63  }
0x2f0: {  	v3 =	vld [tilespmem:$0x430];
	_ =	sdelay $0x4  }
0x2f1: {  	v51 =	vshrl.u32 v3, $0x3  }
0x2f2: {  	v4 =	vmul.u32 $0x30, v51  }
0x2f3: {  	v3 =	vand.u32 $0x7, v3  }
0x2f4: {  	v3 =	vor.u32 v3, v4  }
0x2f5: {  	v4 =	vperm.xlane v3, v0;
	_ =	sdelay $0x1  }
0x2f6: {  	v4 =	vadd.s32 v1, v4;
	_ =	sdelay $0x3  }
0x2f7: {  	s14 =	simm.s32 $0x9800;
	v3 =	vperm.xlane v3, v2  }
0x2f8: {  	[tilespmem:s14], [sflag:$0x1] =	stream.indirect_vreg.gather [hbm4b:s4+s2], $0x80, v4, vm0, $0xb8;
	[tilespmem:$0x18800] =	vst v63  }
0x2f9: {  	s13 =	simm.s32 $0xA000;
	v3 =	vadd.s32 v1, v3  }
0x2fa: {  	[tilespmem:s13], [sflag:$0x1] =	stream.indirect_vreg.gather [hbm4b:s5+s2], $0x80, v4, vm0, $0xb8;
	[tilespmem:$0x18800] =	vst v63  }
0x2fb: {  	s14 =	simm.s32 $0xA800  }
0x2fc: {  	[tilespmem:s14], [sflag:$0x1] =	stream.indirect_vreg.gather [hbm4b:s6+s2], $0x80, v4, vm0, $0xb8;
	[tilespmem:$0x18800] =	vst v63  }
0x2fd: {  	s13 =	simm.s32 $0xB000  }
0x2fe: {  	[tilespmem:s13], [sflag:$0x1] =	stream.indirect_vreg.gather [hbm4b:s4+s2], $0x80, v3, vm0, $0xb8;
	[tilespmem:$0x18800] =	vst v63  }
0x2ff: {  	s0 =	simm.s32 $0xB800  }
0x300: {  	[tilespmem:s0], [sflag:$0x1] =	stream.indirect_vreg.gather [hbm4b:s5+s2], $0x80, v3, vm0, $0xb8;
	[tilespmem:$0x18800] =	vst v63  }
0x301: {  	_ = 	snop  }
0x302: {  	[tilespmem:s7], [sflag:$0x1] =	stream.indirect_vreg.gather [hbm4b:s6+s2], $0x80, v3, vm0, $0xb8;
	[tilespmem:$0x18800] =	vst v63  }
0x303: {  	s1 =	simm.s32 $0xC800;
	s14 =	rddreg [dreg:$0x9]  }
0x304: {  	[hbm4b:s14+s2] =	stream.linear.scatter [tilespmem:s1], [sflag:$0x4], $0xC000, $0x38;
	[tilespmem:$0x18800] =	vst v63  }
0x305: {  	_ =	swait.ge [sflag:s3], $0xC000  }
0x306: {  	[sflag:s3] =	ssyncset.done $0x0  }
0x307: {  	[sflag:s3] =	ssyncadd.s32 $0xFFFF4000  }
0x308: {  	_ =	swait.ge [sflag:s12], $0xC000  }
0x309: {  	[sflag:s12] =	ssyncset.done $0x0  }
0x30a: {  	[sflag:s12] =	ssyncadd.s32 $0xFFFF4000  }
0x30b: {  	v3 =	vld [tilespmem:$0x480];
	_ =	sdelay $0x4  }
0x30c: {  	v52 =	vshrl.u32 v3, $0x3  }
0x30d: {  	v4 =	vmul.u32 $0x30, v52  }
0x30e: {  	v3 =	vand.u32 $0x7, v3  }
0x30f: {  	v3 =	vor.u32 v3, v4  }
0x310: {  	v4 =	vperm.xlane v3, v0;
	_ =	sdelay $0x1  }
0x311: {  	v4 =	vadd.s32 v1, v4;
	_ =	sdelay $0x3  }
0x312: {  	v3 =	vperm.xlane v3, v2  }
0x313: {  	[tilespmem:s1], [sflag:$0x2] =	stream.indirect_vreg.gather [hbm4b:s4+s2], $0x80, v4, vm0, $0xb8;
	[tilespmem:$0x18800] =	vst v63  }
0x314: {  	v3 =	vadd.s32 v1, v3  }
0x315: {  	[tilespmem:s8], [sflag:$0x2] =	stream.indirect_vreg.gather [hbm4b:s5+s2], $0x80, v4, vm0, $0xb8;
	[tilespmem:$0x18800] =	vst v63  }
0x316: {  	_ = 	snop  }
0x317: {  	[tilespmem:s28], [sflag:$0x2] =	stream.indirect_vreg.gather [hbm4b:s6+s2], $0x80, v4, vm0, $0xb8;
	[tilespmem:$0x18800] =	vst v63  }
0x318: {  	_ = 	snop  }
0x319: {  	[tilespmem:s29], [sflag:$0x2] =	stream.indirect_vreg.gather [hbm4b:s4+s2], $0x80, v3, vm0, $0xb8;
	[tilespmem:$0x18800] =	vst v63  }
0x31a: {  	s1 =	simm.s32 $0xE800  }
0x31b: {  	[tilespmem:s1], [sflag:$0x2] =	stream.indirect_vreg.gather [hbm4b:s5+s2], $0x80, v3, vm0, $0xb8;
	[tilespmem:$0x18800] =	vst v63  }
0x31c: {  	s14 =	simm.s32 $0xF000  }
0x31d: {  	[tilespmem:s14], [sflag:$0x2] =	stream.indirect_vreg.gather [hbm4b:s6+s2], $0x80, v3, vm0, $0xb8;
	[tilespmem:$0x18800] =	vst v63  }
0x31e: {  	v3 =	vld [tilespmem:$0x490];
	_ =	sdelay $0x4  }
0x31f: {  	v53 =	vshrl.u32 v3, $0x3  }
0x320: {  	v4 =	vmul.u32 $0x30, v53  }
0x321: {  	v3 =	vand.u32 $0x7, v3  }
0x322: {  	v3 =	vor.u32 v3, v4  }
0x323: {  	v4 =	vperm.xlane v3, v0;
	_ =	sdelay $0x1  }
0x324: {  	v4 =	vadd.s32 v1, v4;
	_ =	sdelay $0x3  }
0x325: {  	s13 =	simm.s32 $0xF800;
	v3 =	vperm.xlane v3, v2  }
0x326: {  	[tilespmem:s13], [sflag:$0x2] =	stream.indirect_vreg.gather [hbm4b:s4+s2], $0x80, v4, vm0, $0xb8;
	[tilespmem:$0x18800] =	vst v63  }
0x327: {  	v3 =	vadd.s32 v1, v3  }
0x328: {  	[tilespmem:s9], [sflag:$0x2] =	stream.indirect_vreg.gather [hbm4b:s5+s2], $0x80, v4, vm0, $0xb8;
	[tilespmem:$0x18800] =	vst v63  }
0x329: {  	s14 =	simm.s32 $0x10800  }
0x32a: {  	[tilespmem:s14], [sflag:$0x2] =	stream.indirect_vreg.gather [hbm4b:s6+s2], $0x80, v4, vm0, $0xb8;
	[tilespmem:$0x18800] =	vst v63  }
0x32b: {  	s1 =	simm.s32 $0x11000  }
0x32c: {  	[tilespmem:s1], [sflag:$0x2] =	stream.indirect_vreg.gather [hbm4b:s4+s2], $0x80, v3, vm0, $0xb8;
	[tilespmem:$0x18800] =	vst v63  }
0x32d: {  	s1 =	simm.s32 $0x11800  }
0x32e: {  	[tilespmem:s1], [sflag:$0x2] =	stream.indirect_vreg.gather [hbm4b:s5+s2], $0x80, v3, vm0, $0xb8;
	[tilespmem:$0x18800] =	vst v63  }
0x32f: {  	s13 =	simm.s32 $0x12000  }
0x330: {  	[tilespmem:s13], [sflag:$0x2] =	stream.indirect_vreg.gather [hbm4b:s6+s2], $0x80, v3, vm0, $0xb8;
	[tilespmem:$0x18800] =	vst v63  }
0x331: {  	v3 =	vld [tilespmem:$0x4A0];
	_ =	sdelay $0x4  }
0x332: {  	v54 =	vshrl.u32 v3, $0x3  }
0x333: {  	v4 =	vmul.u32 $0x30, v54  }
0x334: {  	v3 =	vand.u32 $0x7, v3  }
0x335: {  	v3 =	vor.u32 v3, v4  }
0x336: {  	v4 =	vperm.xlane v3, v0;
	_ =	sdelay $0x1  }
0x337: {  	v4 =	vadd.s32 v1, v4;
	_ =	sdelay $0x3  }
0x338: {  	s13 =	simm.s32 $0x12800;
	v3 =	vperm.xlane v3, v2  }
0x339: {  	[tilespmem:s13], [sflag:$0x2] =	stream.indirect_vreg.gather [hbm4b:s4+s2], $0x80, v4, vm0, $0xb8;
	[tilespmem:$0x18800] =	vst v63  }
0x33a: {  	v3 =	vadd.s32 v1, v3  }
0x33b: {  	[tilespmem:s15], [sflag:$0x2] =	stream.indirect_vreg.gather [hbm4b:s5+s2], $0x80, v4, vm0, $0xb8;
	[tilespmem:$0x18800] =	vst v63  }
0x33c: {  	_ = 	snop  }
0x33d: {  	[tilespmem:s16], [sflag:$0x2] =	stream.indirect_vreg.gather [hbm4b:s6+s2], $0x80, v4, vm0, $0xb8;
	[tilespmem:$0x18800] =	vst v63  }
0x33e: {  	s1 =	simm.s32 $0x14000  }
0x33f: {  	[tilespmem:s1], [sflag:$0x2] =	stream.indirect_vreg.gather [hbm4b:s4+s2], $0x80, v3, vm0, $0xb8;
	[tilespmem:$0x18800] =	vst v63  }
0x340: {  	s1 =	simm.s32 $0x14800  }
0x341: {  	[tilespmem:s1], [sflag:$0x2] =	stream.indirect_vreg.gather [hbm4b:s5+s2], $0x80, v3, vm0, $0xb8;
	[tilespmem:$0x18800] =	vst v63  }
0x342: {  	s13 =	simm.s32 $0x15000  }
0x343: {  	[tilespmem:s13], [sflag:$0x2] =	stream.indirect_vreg.gather [hbm4b:s6+s2], $0x80, v3, vm0, $0xb8;
	[tilespmem:$0x18800] =	vst v63  }
0x344: {  	v3 =	vld [tilespmem:$0x4B0];
	_ =	sdelay $0x4  }
0x345: {  	v55 =	vshrl.u32 v3, $0x3  }
0x346: {  	v4 =	vmul.u32 $0x30, v55  }
0x347: {  	v3 =	vand.u32 $0x7, v3  }
0x348: {  	v3 =	vor.u32 v3, v4  }
0x349: {  	v4 =	vperm.xlane v3, v0;
	_ =	sdelay $0x1  }
0x34a: {  	v4 =	vadd.s32 v1, v4;
	_ =	sdelay $0x3  }
0x34b: {  	s13 =	simm.s32 $0x15800;
	v3 =	vperm.xlane v3, v2  }
0x34c: {  	[tilespmem:s13], [sflag:$0x2] =	stream.indirect_vreg.gather [hbm4b:s4+s2], $0x80, v4, vm0, $0xb8;
	[tilespmem:$0x18800] =	vst v63  }
0x34d: {  	v3 =	vadd.s32 v1, v3  }
0x34e: {  	[tilespmem:s17], [sflag:$0x2] =	stream.indirect_vreg.gather [hbm4b:s5+s2], $0x80, v4, vm0, $0xb8;
	[tilespmem:$0x18800] =	vst v63  }
0x34f: {  	_ = 	snop  }
0x350: {  	[tilespmem:s18], [sflag:$0x2] =	stream.indirect_vreg.gather [hbm4b:s6+s2], $0x80, v4, vm0, $0xb8;
	[tilespmem:$0x18800] =	vst v63  }
0x351: {  	s1 =	simm.s32 $0x17000  }
0x352: {  	[tilespmem:s1], [sflag:$0x2] =	stream.indirect_vreg.gather [hbm4b:s4+s2], $0x80, v3, vm0, $0xb8;
	[tilespmem:$0x18800] =	vst v63  }
0x353: {  	s13 =	simm.s32 $0x17800  }
0x354: {  	[tilespmem:s13], [sflag:$0x2] =	stream.indirect_vreg.gather [hbm4b:s5+s2], $0x80, v3, vm0, $0xb8;
	[tilespmem:$0x18800] =	vst v63  }
0x355: {  	s1 =	simm.s32 $0x18000  }
0x356: {  	[tilespmem:s1], [sflag:$0x2] =	stream.indirect_vreg.gather [hbm4b:s6+s2], $0x80, v3, vm0, $0xb8;
	[tilespmem:$0x18800] =	vst v63  }
0x357: {  	s13 =	rddreg [dreg:$0xa];
	s1 =	simm.s32 $0x800  }
0x358: {  	[hbm4b:s13+s2] =	stream.linear.scatter [tilespmem:s1], [sflag:$0x3], $0xC000, $0x38;
	[tilespmem:$0x18800] =	vst v63  }
0x359: {  	_ =	swait.ge [sflag:s10], $0xC000  }
0x35a: {  	[sflag:s10] =	ssyncset.done $0x0  }
0x35b: {  	[sflag:s10] =	ssyncadd.s32 $0xFFFF4000  }
0x35c: {  	_ =	swait.ge [sflag:s11], $0xC000  }
0x35d: {  	[sflag:s11] =	ssyncset.done $0x0  }
0x35e: {  	[sflag:s11] =	ssyncadd.s32 $0xFFFF4000  }
0x35f: {  	v3 =	vld [tilespmem:$0x500];
	_ =	sdelay $0x4  }
0x360: {  	v56 =	vshrl.u32 v3, $0x3  }
0x361: {  	v4 =	vmul.u32 $0x30, v56  }
0x362: {  	v3 =	vand.u32 $0x7, v3  }
0x363: {  	v3 =	vor.u32 v3, v4  }
0x364: {  	v4 =	vperm.xlane v3, v0;
	_ =	sdelay $0x1  }
0x365: {  	v4 =	vadd.s32 v1, v4;
	_ =	sdelay $0x3  }
0x366: {  	v3 =	vperm.xlane v3, v2  }
0x367: {  	[tilespmem:s1], [sflag:$0x1] =	stream.indirect_vreg.gather [hbm4b:s4+s2], $0x80, v4, vm0, $0xb8;
	[tilespmem:$0x18800] =	vst v63  }
0x368: {  	s19 =	simm.s32 $0x1000;
	v3 =	vadd.s32 v1, v3  }
0x369: {  	[tilespmem:s19], [sflag:$0x1] =	stream.indirect_vreg.gather [hbm4b:s5+s2], $0x80, v4, vm0, $0xb8;
	[tilespmem:$0x18800] =	vst v63  }
0x36a: {  	s20 =	simm.s32 $0x1800  }
0x36b: {  	[tilespmem:s20], [sflag:$0x1] =	stream.indirect_vreg.gather [hbm4b:s6+s2], $0x80, v4, vm0, $0xb8;
	[tilespmem:$0x18800] =	vst v63  }
0x36c: {  	s21 =	simm.s32 $0x2000  }
0x36d: {  	[tilespmem:s21], [sflag:$0x1] =	stream.indirect_vreg.gather [hbm4b:s4+s2], $0x80, v3, vm0, $0xb8;
	[tilespmem:$0x18800] =	vst v63  }
0x36e: {  	s22 =	simm.s32 $0x2800  }
0x36f: {  	[tilespmem:s22], [sflag:$0x1] =	stream.indirect_vreg.gather [hbm4b:s5+s2], $0x80, v3, vm0, $0xb8;
	[tilespmem:$0x18800] =	vst v63  }
0x370: {  	s30 =	simm.s32 $0x3000  }
0x371: {  	[tilespmem:s30], [sflag:$0x1] =	stream.indirect_vreg.gather [hbm4b:s6+s2], $0x80, v3, vm0, $0xb8;
	[tilespmem:$0x18800] =	vst v63  }
0x372: {  	v3 =	vld [tilespmem:$0x510];
	_ =	sdelay $0x4  }
0x373: {  	v57 =	vshrl.u32 v3, $0x3  }
0x374: {  	v4 =	vmul.u32 $0x30, v57  }
0x375: {  	v3 =	vand.u32 $0x7, v3  }
0x376: {  	v3 =	vor.u32 v3, v4  }
0x377: {  	v4 =	vperm.xlane v3, v0;
	_ =	sdelay $0x1  }
0x378: {  	v4 =	vadd.s32 v1, v4;
	_ =	sdelay $0x3  }
0x379: {  	s31 =	simm.s32 $0x3800;
	v3 =	vperm.xlane v3, v2  }
0x37a: {  	[tilespmem:s31], [sflag:$0x1] =	stream.indirect_vreg.gather [hbm4b:s4+s2], $0x80, v4, vm0, $0xb8;
	[tilespmem:$0x18800] =	vst v63  }
0x37b: {  	s23 =	simm.s32 $0x4000;
	v3 =	vadd.s32 v1, v3  }
0x37c: {  	[tilespmem:s23], [sflag:$0x1] =	stream.indirect_vreg.gather [hbm4b:s5+s2], $0x80, v4, vm0, $0xb8;
	[tilespmem:$0x18800] =	vst v63  }
0x37d: {  	s24 =	simm.s32 $0x4800  }
0x37e: {  	[tilespmem:s24], [sflag:$0x1] =	stream.indirect_vreg.gather [hbm4b:s6+s2], $0x80, v4, vm0, $0xb8;
	[tilespmem:$0x18800] =	vst v63  }
0x37f: {  	s25 =	simm.s32 $0x5000  }
0x380: {  	[tilespmem:s25], [sflag:$0x1] =	stream.indirect_vreg.gather [hbm4b:s4+s2], $0x80, v3, vm0, $0xb8;
	[tilespmem:$0x18800] =	vst v63  }
0x381: {  	s23 =	simm.s32 $0x5800  }
0x382: {  	[tilespmem:s23], [sflag:$0x1] =	stream.indirect_vreg.gather [hbm4b:s5+s2], $0x80, v3, vm0, $0xb8;
	[tilespmem:$0x18800] =	vst v63  }
0x383: {  	s24 =	simm.s32 $0x6000  }
0x384: {  	[tilespmem:s24], [sflag:$0x1] =	stream.indirect_vreg.gather [hbm4b:s6+s2], $0x80, v3, vm0, $0xb8;
	[tilespmem:$0x18800] =	vst v63  }
0x385: {  	v3 =	vld [tilespmem:$0x520];
	_ =	sdelay $0x4  }
0x386: {  	v58 =	vshrl.u32 v3, $0x3  }
0x387: {  	v4 =	vmul.u32 $0x30, v58  }
0x388: {  	v3 =	vand.u32 $0x7, v3  }
0x389: {  	v3 =	vor.u32 v3, v4  }
0x38a: {  	v4 =	vperm.xlane v3, v0;
	_ =	sdelay $0x1  }
0x38b: {  	v4 =	vadd.s32 v1, v4;
	_ =	sdelay $0x3  }
0x38c: {  	s25 =	simm.s32 $0x6800;
	v3 =	vperm.xlane v3, v2  }
0x38d: {  	[tilespmem:s25], [sflag:$0x1] =	stream.indirect_vreg.gather [hbm4b:s4+s2], $0x80, v4, vm0, $0xb8;
	[tilespmem:$0x18800] =	vst v63  }
0x38e: {  	s30 =	simm.s32 $0x7000;
	v3 =	vadd.s32 v1, v3  }
0x38f: {  	[tilespmem:s30], [sflag:$0x1] =	stream.indirect_vreg.gather [hbm4b:s5+s2], $0x80, v4, vm0, $0xb8;
	[tilespmem:$0x18800] =	vst v63  }
0x390: {  	s31 =	simm.s32 $0x7800  }
0x391: {  	[tilespmem:s31], [sflag:$0x1] =	stream.indirect_vreg.gather [hbm4b:s6+s2], $0x80, v4, vm0, $0xb8;
	[tilespmem:$0x18800] =	vst v63  }
0x392: {  	s19 =	simm.s32 $0x8000  }
0x393: {  	[tilespmem:s19], [sflag:$0x1] =	stream.indirect_vreg.gather [hbm4b:s4+s2], $0x80, v3, vm0, $0xb8;
	[tilespmem:$0x18800] =	vst v63  }
0x394: {  	s26 =	simm.s32 $0x8800  }
0x395: {  	[tilespmem:s26], [sflag:$0x1] =	stream.indirect_vreg.gather [hbm4b:s5+s2], $0x80, v3, vm0, $0xb8;
	[tilespmem:$0x18800] =	vst v63  }
0x396: {  	s20 =	simm.s32 $0x9000  }
0x397: {  	[tilespmem:s20], [sflag:$0x1] =	stream.indirect_vreg.gather [hbm4b:s6+s2], $0x80, v3, vm0, $0xb8;
	[tilespmem:$0x18800] =	vst v63  }
0x398: {  	v3 =	vld [tilespmem:$0x530];
	_ =	sdelay $0x4  }
0x399: {  	v59 =	vshrl.u32 v3, $0x3  }
0x39a: {  	v4 =	vmul.u32 $0x30, v59  }
0x39b: {  	v3 =	vand.u32 $0x7, v3  }
0x39c: {  	v3 =	vor.u32 v3, v4  }
0x39d: {  	v4 =	vperm.xlane v3, v0;
	_ =	sdelay $0x1  }
0x39e: {  	v4 =	vadd.s32 v1, v4;
	_ =	sdelay $0x3  }
0x39f: {  	s21 =	simm.s32 $0x9800;
	v3 =	vperm.xlane v3, v2  }
0x3a0: {  	[tilespmem:s21], [sflag:$0x1] =	stream.indirect_vreg.gather [hbm4b:s4+s2], $0x80, v4, vm0, $0xb8;
	[tilespmem:$0x18800] =	vst v63  }
0x3a1: {  	s22 =	simm.s32 $0xA000;
	v3 =	vadd.s32 v1, v3  }
0x3a2: {  	[tilespmem:s22], [sflag:$0x1] =	stream.indirect_vreg.gather [hbm4b:s5+s2], $0x80, v4, vm0, $0xb8;
	[tilespmem:$0x18800] =	vst v63  }
0x3a3: {  	s23 =	simm.s32 $0xA800  }
0x3a4: {  	[tilespmem:s23], [sflag:$0x1] =	stream.indirect_vreg.gather [hbm4b:s6+s2], $0x80, v4, vm0, $0xb8;
	[tilespmem:$0x18800] =	vst v63  }
0x3a5: {  	s24 =	simm.s32 $0xB000  }
0x3a6: {  	[tilespmem:s24], [sflag:$0x1] =	stream.indirect_vreg.gather [hbm4b:s4+s2], $0x80, v3, vm0, $0xb8;
	[tilespmem:$0x18800] =	vst v63  }
0x3a7: {  	_ = 	snop  }
0x3a8: {  	[tilespmem:s0], [sflag:$0x1] =	stream.indirect_vreg.gather [hbm4b:s5+s2], $0x80, v3, vm0, $0xb8;
	[tilespmem:$0x18800] =	vst v63  }
0x3a9: {  	s26 =	simm.s32 $0xC000  }
0x3aa: {  	[tilespmem:s26], [sflag:$0x1] =	stream.indirect_vreg.gather [hbm4b:s6+s2], $0x80, v3, vm0, $0xb8;
	[tilespmem:$0x18800] =	vst v63  }
0x3ab: {  	s25 =	rddreg [dreg:$0xb];
	s30 =	simm.s32 $0xC800  }
0x3ac: {  	[hbm4b:s25+s2] =	stream.linear.scatter [tilespmem:s30], [sflag:$0x4], $0xC000, $0x38;
	[tilespmem:$0x18800] =	vst v63  }
0x3ad: {  	_ =	swait.ge [sflag:s3], $0xC000  }
0x3ae: {  	[sflag:s3] =	ssyncset.done $0x0  }
0x3af: {  	[sflag:s3] =	ssyncadd.s32 $0xFFFF4000  }
0x3b0: {  	_ =	swait.ge [sflag:s12], $0xC000  }
0x3b1: {  	[sflag:s12] =	ssyncset.done $0x0  }
0x3b2: {  	[sflag:s12] =	ssyncadd.s32 $0xFFFF4000  }
0x3b3: {  	v3 =	vld [tilespmem:$0x580];
	_ =	sdelay $0x4  }
0x3b4: {  	v60 =	vshrl.u32 v3, $0x3  }
0x3b5: {  	v4 =	vmul.u32 $0x30, v60  }
0x3b6: {  	v3 =	vand.u32 $0x7, v3  }
0x3b7: {  	v3 =	vor.u32 v3, v4  }
0x3b8: {  	v4 =	vperm.xlane v3, v0;
	_ =	sdelay $0x1  }
0x3b9: {  	v4 =	vadd.s32 v1, v4;
	_ =	sdelay $0x3  }
0x3ba: {  	v3 =	vperm.xlane v3, v2  }
0x3bb: {  	[tilespmem:s30], [sflag:$0x2] =	stream.indirect_vreg.gather [hbm4b:s4+s2], $0x80, v4, vm0, $0xb8;
	[tilespmem:$0x18800] =	vst v63  }
0x3bc: {  	s7 =	simm.s32 $0xD000;
	v3 =	vadd.s32 v1, v3  }
0x3bd: {  	[tilespmem:s7], [sflag:$0x2] =	stream.indirect_vreg.gather [hbm4b:s5+s2], $0x80, v4, vm0, $0xb8;
	[tilespmem:$0x18800] =	vst v63  }
0x3be: {  	s8 =	simm.s32 $0xD800  }
0x3bf: {  	[tilespmem:s8], [sflag:$0x2] =	stream.indirect_vreg.gather [hbm4b:s6+s2], $0x80, v4, vm0, $0xb8;
	[tilespmem:$0x18800] =	vst v63  }
0x3c0: {  	s28 =	simm.s32 $0xE000  }
0x3c1: {  	[tilespmem:s28], [sflag:$0x2] =	stream.indirect_vreg.gather [hbm4b:s4+s2], $0x80, v3, vm0, $0xb8;
	[tilespmem:$0x18800] =	vst v63  }
0x3c2: {  	s29 =	simm.s32 $0xE800  }
0x3c3: {  	[tilespmem:s29], [sflag:$0x2] =	stream.indirect_vreg.gather [hbm4b:s5+s2], $0x80, v3, vm0, $0xb8;
	[tilespmem:$0x18800] =	vst v63  }
0x3c4: {  	s31 =	simm.s32 $0xF000  }
0x3c5: {  	[tilespmem:s31], [sflag:$0x2] =	stream.indirect_vreg.gather [hbm4b:s6+s2], $0x80, v3, vm0, $0xb8;
	[tilespmem:$0x18800] =	vst v63  }
0x3c6: {  	v3 =	vld [tilespmem:$0x590];
	_ =	sdelay $0x4  }
0x3c7: {  	v61 =	vshrl.u32 v3, $0x3  }
0x3c8: {  	v4 =	vmul.u32 $0x30, v61  }
0x3c9: {  	v3 =	vand.u32 $0x7, v3  }
0x3ca: {  	v3 =	vor.u32 v3, v4  }
0x3cb: {  	v4 =	vperm.xlane v3, v0;
	_ =	sdelay $0x1  }
0x3cc: {  	v4 =	vadd.s32 v1, v4;
	_ =	sdelay $0x3  }
0x3cd: {  	s8 =	simm.s32 $0xF800;
	v3 =	vperm.xlane v3, v2  }
0x3ce: {  	[tilespmem:s8], [sflag:$0x2] =	stream.indirect_vreg.gather [hbm4b:s4+s2], $0x80, v4, vm0, $0xb8;
	[tilespmem:$0x18800] =	vst v63  }
0x3cf: {  	s9 =	simm.s32 $0x10000;
	v3 =	vadd.s32 v1, v3  }
0x3d0: {  	[tilespmem:s9], [sflag:$0x2] =	stream.indirect_vreg.gather [hbm4b:s5+s2], $0x80, v4, vm0, $0xb8;
	[tilespmem:$0x18800] =	vst v63  }
0x3d1: {  	s14 =	simm.s32 $0x10800  }
0x3d2: {  	[tilespmem:s14], [sflag:$0x2] =	stream.indirect_vreg.gather [hbm4b:s6+s2], $0x80, v4, vm0, $0xb8;
	[tilespmem:$0x18800] =	vst v63  }
0x3d3: {  	s13 =	simm.s32 $0x11000  }
0x3d4: {  	[tilespmem:s13], [sflag:$0x2] =	stream.indirect_vreg.gather [hbm4b:s4+s2], $0x80, v3, vm0, $0xb8;
	[tilespmem:$0x18800] =	vst v63  }
0x3d5: {  	s14 =	simm.s32 $0x11800  }
0x3d6: {  	[tilespmem:s14], [sflag:$0x2] =	stream.indirect_vreg.gather [hbm4b:s5+s2], $0x80, v3, vm0, $0xb8;
	[tilespmem:$0x18800] =	vst v63  }
0x3d7: {  	s20 =	simm.s32 $0x12000  }
0x3d8: {  	[tilespmem:s20], [sflag:$0x2] =	stream.indirect_vreg.gather [hbm4b:s6+s2], $0x80, v3, vm0, $0xb8;
	[tilespmem:$0x18800] =	vst v63  }
0x3d9: {  	v3 =	vld [tilespmem:$0x5A0];
	_ =	sdelay $0x4  }
0x3da: {  	v62 =	vshrl.u32 v3, $0x3  }
0x3db: {  	v4 =	vmul.u32 $0x30, v62  }
0x3dc: {  	v3 =	vand.u32 $0x7, v3  }
0x3dd: {  	v3 =	vor.u32 v3, v4  }
0x3de: {  	v4 =	vperm.xlane v3, v0;
	_ =	sdelay $0x1  }
0x3df: {  	v4 =	vadd.s32 v1, v4;
	_ =	sdelay $0x3  }
0x3e0: {  	s21 =	simm.s32 $0x12800;
	v3 =	vperm.xlane v3, v2  }
0x3e1: {  	[tilespmem:s21], [sflag:$0x2] =	stream.indirect_vreg.gather [hbm4b:s4+s2], $0x80, v4, vm0, $0xb8;
	[tilespmem:$0x18800] =	vst v63  }
0x3e2: {  	s15 =	simm.s32 $0x13000;
	v3 =	vadd.s32 v1, v3  }
0x3e3: {  	[tilespmem:s15], [sflag:$0x2] =	stream.indirect_vreg.gather [hbm4b:s5+s2], $0x80, v4, vm0, $0xb8;
	[tilespmem:$0x18800] =	vst v63  }
0x3e4: {  	s16 =	simm.s32 $0x13800  }
0x3e5: {  	[tilespmem:s16], [sflag:$0x2] =	stream.indirect_vreg.gather [hbm4b:s6+s2], $0x80, v4, vm0, $0xb8;
	[tilespmem:$0x18800] =	vst v63  }
0x3e6: {  	s22 =	simm.s32 $0x14000  }
0x3e7: {  	[tilespmem:s22], [sflag:$0x2] =	stream.indirect_vreg.gather [hbm4b:s4+s2], $0x80, v3, vm0, $0xb8;
	[tilespmem:$0x18800] =	vst v63  }
0x3e8: {  	s23 =	simm.s32 $0x14800  }
0x3e9: {  	[tilespmem:s23], [sflag:$0x2] =	stream.indirect_vreg.gather [hbm4b:s5+s2], $0x80, v3, vm0, $0xb8;
	[tilespmem:$0x18800] =	vst v63  }
0x3ea: {  	s24 =	simm.s32 $0x15000  }
0x3eb: {  	[tilespmem:s24], [sflag:$0x2] =	stream.indirect_vreg.gather [hbm4b:s6+s2], $0x80, v3, vm0, $0xb8;
	[tilespmem:$0x18800] =	vst v63  }
0x3ec: {  	v3 =	vld [tilespmem:$0x5B0];
	_ =	sdelay $0x4  }
0x3ed: {  	v63 =	vshrl.u32 v3, $0x3  }
0x3ee: {  	v4 =	vmul.u32 $0x30, v63  }
0x3ef: {  	v3 =	vand.u32 $0x7, v3  }
0x3f0: {  	v3 =	vor.u32 v3, v4  }
0x3f1: {  	v4 =	vperm.xlane v3, v0;
	_ =	sdelay $0x1  }
0x3f2: {  	v4 =	vadd.s32 v1, v4;
	_ =	sdelay $0x3  }
0x3f3: {  	s25 =	simm.s32 $0x15800;
	v3 =	vperm.xlane v3, v2  }
0x3f4: {  	[tilespmem:s25], [sflag:$0x2] =	stream.indirect_vreg.gather [hbm4b:s4+s2], $0x80, v4, vm0, $0xb8;
	[tilespmem:$0x18800] =	vst v63  }
0x3f5: {  	s17 =	simm.s32 $0x16000;
	v3 =	vadd.s32 v1, v3  }
0x3f6: {  	[tilespmem:s17], [sflag:$0x2] =	stream.indirect_vreg.gather [hbm4b:s5+s2], $0x80, v4, vm0, $0xb8;
	[tilespmem:$0x18800] =	vst v63  }
0x3f7: {  	s18 =	simm.s32 $0x16800  }
0x3f8: {  	[tilespmem:s18], [sflag:$0x2] =	stream.indirect_vreg.gather [hbm4b:s6+s2], $0x80, v4, vm0, $0xb8;
	[tilespmem:$0x18800] =	vst v63  }
0x3f9: {  	s26 =	simm.s32 $0x17000  }
0x3fa: {  	[tilespmem:s26], [sflag:$0x2] =	stream.indirect_vreg.gather [hbm4b:s4+s2], $0x80, v3, vm0, $0xb8;
	[tilespmem:$0x18800] =	vst v63  }
0x3fb: {  	s28 =	simm.s32 $0x17800  }
0x3fc: {  	[tilespmem:s28], [sflag:$0x2] =	stream.indirect_vreg.gather [hbm4b:s5+s2], $0x80, v3, vm0, $0xb8;
	[tilespmem:$0x18800] =	vst v63  }
0x3fd: {  	s30 =	simm.s32 $0x18000  }
0x3fe: {  	[tilespmem:s30], [sflag:$0x2] =	stream.indirect_vreg.gather [hbm4b:s6+s2], $0x80, v3, vm0, $0xb8;
	[tilespmem:$0x18800] =	vst v63  }
0x3ff: {  	s1 =	simm.s32 $0x800;
	s29 =	rddreg [dreg:$0xc]  }
0x400: {  	[hbm4b:s29+s2] =	stream.linear.scatter [tilespmem:s1], [sflag:$0x3], $0xC000, $0x38;
	[tilespmem:$0x18800] =	vst v63  }
0x401: {  	s0 =	rddreg [dreg:$0xf];
	_ =	swait.ge [sflag:s10], $0xC000  }
0x402: {  	[sflag:s10] =	ssyncset.done $0x0  }
0x403: {  	s19 =	simm.s32 $0xC800;
	s31 =	rddreg [dreg:$0xd];
	[sflag:s10] =	ssyncadd.s32 $0xFFFF4000  }
0x404: {  	[hbm4b:s31+s2] =	stream.linear.scatter [tilespmem:s19], [sflag:$0x4], $0xC000, $0x38;
	[tilespmem:$0x18800] =	vst v63  }
0x405: {  	p0 =	sne.s32 s0, $0x1;
	_ =	swait.ge [sflag:s11], $0xC000  }
.Ltmp0:
0x406: {  	[sflag:s11] =	ssyncset.done $0x0;
	(pc) =	sbr.rel @p0 .LBB2_1-.Ltmp0, $4  }
0x407: {  	[sflag:s11] =	ssyncadd.s32 $0xFFFF4000  }
0x408: {  	_ =	swait.ge [sflag:s12], $0xC000  }
0x409: {  	[sflag:s12] =	ssyncset.done $0x0  }
0x40a: {  	s0 =	sadd.s32 $0xFFFFFFFF, s0;
	[sflag:s12] =	ssyncadd.s32 $0xFFFF4000  }
0x40b: {  	_ =	sfence.sel $0x180000  }
0x40c: {  	[bflag:$0x0] =	sbarrier.arrive $0xFFFF  }
0x40d: {  	_ =	strace $0x9000004A  }
0x40e: {  	s0 =	stileid.u32;
	[bflag:$0x2] =	sbarrier.arrive $0xFFFF  }
0x40f: {  	p0 =	sne.s32 s0, $0x0;
	s0 =	rddreg [dreg:$0x1]  }
0x410: {  	s0 =	sadd.s32 @!p0 $0x100000, s0  }
0x411: {  	[sflag:s0] =	ssyncadd.tile.s32 @!p0 $0x1;
	_ =	shalt  }
.Lfunc_end2:
_tile_overlayer_lowered:
.L_overlay_start_2:
0x412: {  	(tag) =	ssettag $0x2  }
0x413: {  	s0 =	rddreg [dreg:$0x0];
	s2 =	stileid.u32  }
0x414: {  	s1 =	rddreg [dreg:$0x1];
	p0 =	sne.s32 s2, $0x0  }
0x415: {  	s3 =	rddreg [dreg:$0x2];
	[bflag:$0x3] =	sbarrier.arrive $0xFFFF;
	s2 =	simm.s32 @!p0 $0x1C05  }
0x416: {  	[timem:s3], [sflag:s2] =	dma.local @!p0 [hbm:s0], s1  }
0x417: {  	s0 =	simm.s32 @!p0 $0x5  }
0x418: {  	_ =	swait.ge @!p0 [sflag:s0], s1  }
0x419: {  	s1 =	ssub.s32 @!p0 $0x0, s1;
	[sflag:s0] =	ssyncset.done @!p0 $0x0  }
0x41a: {  	[sflag:s0] =	ssyncadd.s32 @!p0 s1  }
0x41b: {  	[bflag:$0x3] =	sbarrier.arrive $0xFFFF  }
0x41c: {  	_ =	shalt  }

</sc_bundles>
